<compile_context>
chip_gen: v7x
topology: tpu7x:2x2x1
jax: 0.10.2.dev20260603
libtpu: 0.0.44.dev20260713+nightly
codegen_flags: <defaults>
</compile_context>

<pallas_src>
import jax
import jax.numpy as jnp
from jax import lax
from jax.experimental import pallas as pl
from jax.experimental.pallas import tpu as pltpu
from jax.experimental.pallas import tpu_sc as plsc

_ROWS, _COLS = 77000, 512
_GROUPS = _ROWS // 8
_NC, _NS = 2, 16
_NW = _NC * _NS
_WGROUPS = 301
_NBUF = 4
_NCHUNK = 43
_CROWS = _WGROUPS * 8 // _NCHUNK


def _copy_body(src, out, buf, sems):
    sid = lax.axis_index("s")
    wid = sid * _NC + lax.axis_index("c")
    base_g = jnp.minimum(wid * _GROUPS // _NW, _GROUPS - _WGROUPS)
    base = pl.multiple_of(base_g * 8, 8)

    def load(g):
        return pltpu.make_async_copy(
            src.at[pl.ds(base + g * _CROWS, _CROWS)],
            buf.at[sid, g % _NBUF],
            sems.at[g % _NBUF],
        )

    def store(g):
        return pltpu.make_async_copy(
            buf.at[sid, g % _NBUF],
            out.at[pl.ds(base + g * _CROWS, _CROWS)],
            sems.at[_NBUF + g % _NBUF],
        )

    for g in range(_NBUF):
        load(g).start()
    for g in range(_NCHUNK):
        load(g).wait()
        store(g).start()
        if g + _NBUF < _NCHUNK:
            store(g).wait()
            load(g + _NBUF).start()
    for g in range(_NCHUNK - _NBUF, _NCHUNK):
        store(g).wait()


@jax.jit
def _sc_copy(flat):
    mesh = plsc.VectorSubcoreMesh(core_axis_name="c", subcore_axis_name="s")
    return pl.kernel(
        _copy_body,
        out_type=jax.ShapeDtypeStruct((_ROWS, _COLS), jnp.float32),
        mesh=mesh,
        scratch_types=[
            pltpu.VMEM_SHARED((_NS, _NBUF, _CROWS, _COLS), jnp.float32),
            pltpu.SemaphoreType.DMA((2 * _NBUF,)),
        ],
        compiler_params=pltpu.CompilerParams(use_tc_tiling_on_sc=True),
    )(flat)


def kernel(embedding):
    flat = jnp.transpose(embedding, (1, 0, 2)).reshape(_ROWS, _COLS)
    out = _sc_copy(flat)
    return jnp.transpose(out.reshape(77, 1000, 512), (1, 0, 2))

# --- scband reference (transcript-rebuilt; emitter-appended) ---
"""Pipeline reference for scband-prompt-learner-91276644975132 (READ-ONLY COPY).

The authoritative reference and input builder live on the scoring server;
editing this copy changes nothing except your own understanding.
"""

import jax, jax.numpy as jnp
import numpy as np


def setup_inputs(seed: int = 0) -> dict:
    key = jax.random.key(seed)
    # PromptLearner stores a frozen token embedding of shape [n_cls, ctx_len, d_model].
    # CLIP: ctx_len=77, transformer width d_model=512; n_cls=1000 (ImageNet-scale classnames).
    embedding = jax.random.normal(key, (1000, 77, 512), dtype=jnp.float32) * 0.02
    return {"embedding": embedding}


def reference(embedding):
    # forward(self): prompts = self.embedding; return prompts
    # Pure parameter read / identity on the stored embedding.
    prompts = embedding
    return prompts

if __name__ == "__main__":
    import jax
    _d = setup_inputs()
    print(jax.jit(kernel)(*tuple(_d.values())))

</pallas_src>

<mosaic_0001>
#map = affine_map<(d0, d1) -> (0, 0)>
module attributes {stable_mosaic.version = 14 : i64} {
  func.func @_copy_body(%arg0: i32, %arg1: i32, %arg2: memref<77000x512xf32, #tpu.memory_space<hbm>>, %arg3: memref<77000x512xf32, #tpu.memory_space<hbm>>, %arg4: memref<16x4x56x512xf32, #tpu.memory_space<vmem_shared>>, %arg5: memref<8x!tpu.dma_semaphore, #tpu.memory_space<semaphore_mem>>) attributes {dimension_semantics = [#tpu.dimension_semantics<core_parallel>, #tpu.dimension_semantics<subcore_parallel>], iteration_bounds = array<i64: 2, 16>, scalar_prefetch = 0 : i64, scratch_operands = 2 : i64, tpu.core_type = #tpu.core_type<sc_vector_subcore>, window_params = [{transform_indices = #map}, {transform_indices = #map}]} {
    %mul3A = arith.constant 2 : i32
    %mul3A_0 = arith.muli %arg1, %mul3A : i32
    %add3A = arith.addi %mul3A_0, %arg0 : i32
    %mul3A_1 = arith.constant 9625 : i32
    %mul3A_2 = arith.muli %add3A, %mul3A_1 : i32
    %jit3A = arith.constant 32 : i32
    %div3A = arith.divsi %mul3A_2, %jit3A : i32
    %sign3A = arith.constant 0 : i32
    %sign3A_3 = arith.cmpi sgt, %mul3A_2, %sign3A : i32
    %sign3A_4 = arith.extui %sign3A_3 : i1 to i32
    %sign3A_5 = arith.constant 0 : i32
    %sign3A_6 = arith.cmpi slt, %mul3A_2, %sign3A_5 : i32
    %sign3A_7 = arith.extui %sign3A_6 : i1 to i32
    %sign3A_8 = arith.subi %sign3A_4, %sign3A_7 : i32
    %sign3A_9 = arith.constant 0 : i32
    %sign3A_10 = arith.cmpi sgt, %jit3A, %sign3A_9 : i32
    %sign3A_11 = arith.extui %sign3A_10 : i1 to i32
    %sign3A_12 = arith.constant 0 : i32
    %sign3A_13 = arith.cmpi slt, %jit3A, %sign3A_12 : i32
    %sign3A_14 = arith.extui %sign3A_13 : i1 to i32
    %sign3A_15 = arith.subi %sign3A_11, %sign3A_14 : i32
    %ne3A = arith.cmpi ne, %sign3A_8, %sign3A_15 : i32
    %rem3A = arith.remsi %mul3A_2, %jit3A : i32
    %ne3A_16 = arith.constant 0 : i32
    %ne3A_17 = arith.cmpi ne, %rem3A, %ne3A_16 : i32
    %and3A = arith.andi %ne3A, %ne3A_17 : i1
    %sub3A = arith.constant 1 : i32
    %sub3A_18 = arith.subi %div3A, %sub3A : i32
    %select_n3A = arith.select %and3A, %sub3A_18, %div3A : i32
    %min3A = arith.constant 9324 : i32
    %min3A_19 = arith.minsi %select_n3A, %min3A : i32
    %mul3A_20 = arith.constant 8 : i32
    %mul3A_21 = arith.muli %min3A_19, %mul3A_20 : i32
    %multiple_of3A = tpu.assume_multiple %mul3A_21, 8 : i32
    %add3A_22 = arith.constant 0 : i32
    %add3A_23 = arith.addi %multiple_of3A, %add3A_22 : i32
    %dma_start3A = arith.constant 0 : i32
    %dma_start3A_24 = arith.constant 0 : i32
    %dma_start3A_25 = tpu.memref_slice %arg5[%dma_start3A_24] : memref<8x!tpu.dma_semaphore, #tpu.memory_space<semaphore_mem>> -> memref<1x!tpu.dma_semaphore, #tpu.memory_space<semaphore_mem>>
    %dma_start3A_26 = tpu.memref_squeeze %dma_start3A_25 : memref<1x!tpu.dma_semaphore, #tpu.memory_space<semaphore_mem>> -> memref<!tpu.dma_semaphore, #tpu.memory_space<semaphore_mem>>
    %dma_start3A_27 = arith.constant 0 : i32
    %dma_start3A_28 = arith.constant 0 : i32
    %dma_start3A_29 = tpu.memref_slice %arg4[%arg1, %dma_start3A, %dma_start3A_27, %dma_start3A_28] : memref<16x4x56x512xf32, #tpu.memory_space<vmem_shared>> -> memref<1x1x56x512xf32, #tpu.memory_space<vmem_shared>>
    %dma_start3A_30 = tpu.memref_squeeze %dma_start3A_29 : memref<1x1x56x512xf32, #tpu.memory_space<vmem_shared>> -> memref<56x512xf32, #tpu.memory_space<vmem_shared>>
    %dma_start3A_31 = arith.constant 0 : i32
    %dma_start3A_32 = tpu.memref_slice %arg2[%add3A_23, %dma_start3A_31] : memref<77000x512xf32, #tpu.memory_space<hbm>> -> memref<56x512xf32, #tpu.memory_space<hbm>>
    tpu.enqueue_dma source(%dma_start3A_32 : memref<56x512xf32, #tpu.memory_space<hbm>>) target(%dma_start3A_30 : memref<56x512xf32, #tpu.memory_space<vmem_shared>>) target_semaphore(%dma_start3A_26 : memref<!tpu.dma_semaphore, #tpu.memory_space<semaphore_mem>>)
    %add3A_33 = arith.constant 56 : i32
    %add3A_34 = arith.addi %multiple_of3A, %add3A_33 : i32
    %dma_start3A_35 = arith.constant 1 : i32
    %dma_start3A_36 = arith.constant 1 : i32
    %dma_start3A_37 = tpu.memref_slice %arg5[%dma_start3A_36] : memref<8x!tpu.dma_semaphore, #tpu.memory_space<semaphore_mem>> -> memref<1x!tpu.dma_semaphore, #tpu.memory_space<semaphore_mem>>
    %dma_start3A_38 = tpu.memref_squeeze %dma_start3A_37 : memref<1x!tpu.dma_semaphore, #tpu.memory_space<semaphore_mem>> -> memref<!tpu.dma_semaphore, #tpu.memory_space<semaphore_mem>>
    %dma_start3A_39 = arith.constant 0 : i32
    %dma_start3A_40 = arith.constant 0 : i32
    %dma_start3A_41 = tpu.memref_slice %arg4[%arg1, %dma_start3A_35, %dma_start3A_39, %dma_start3A_40] : memref<16x4x56x512xf32, #tpu.memory_space<vmem_shared>> -> memref<1x1x56x512xf32, #tpu.memory_space<vmem_shared>>
    %dma_start3A_42 = tpu.memref_squeeze %dma_start3A_41 : memref<1x1x56x512xf32, #tpu.memory_space<vmem_shared>> -> memref<56x512xf32, #tpu.memory_space<vmem_shared>>
    %dma_start3A_43 = arith.constant 0 : i32
    %dma_start3A_44 = tpu.memref_slice %arg2[%add3A_34, %dma_start3A_43] : memref<77000x512xf32, #tpu.memory_space<hbm>> -> memref<56x512xf32, #tpu.memory_space<hbm>>
    tpu.enqueue_dma source(%dma_start3A_44 : memref<56x512xf32, #tpu.memory_space<hbm>>) target(%dma_start3A_42 : memref<56x512xf32, #tpu.memory_space<vmem_shared>>) target_semaphore(%dma_start3A_38 : memref<!tpu.dma_semaphore, #tpu.memory_space<semaphore_mem>>)
    %add3A_45 = arith.constant 112 : i32
    %add3A_46 = arith.addi %multiple_of3A, %add3A_45 : i32
    %dma_start3A_47 = arith.constant 2 : i32
    %dma_start3A_48 = arith.constant 2 : i32
    %dma_start3A_49 = tpu.memref_slice %arg5[%dma_start3A_48] : memref<8x!tpu.dma_semaphore, #tpu.memory_space<semaphore_mem>> -> memref<1x!tpu.dma_semaphore, #tpu.memory_space<semaphore_mem>>
    %dma_start3A_50 = tpu.memref_squeeze %dma_start3A_49 : memref<1x!tpu.dma_semaphore, #tpu.memory_space<semaphore_mem>> -> memref<!tpu.dma_semaphore, #tpu.memory_space<semaphore_mem>>
    %dma_start3A_51 = arith.constant 0 : i32
    %dma_start3A_52 = arith.constant 0 : i32
    %dma_start3A_53 = tpu.memref_slice %arg4[%arg1, %dma_start3A_47, %dma_start3A_51, %dma_start3A_52] : memref<16x4x56x512xf32, #tpu.memory_space<vmem_shared>> -> memref<1x1x56x512xf32, #tpu.memory_space<vmem_shared>>
    %dma_start3A_54 = tpu.memref_squeeze %dma_start3A_53 : memref<1x1x56x512xf32, #tpu.memory_space<vmem_shared>> -> memref<56x512xf32, #tpu.memory_space<vmem_shared>>
    %dma_start3A_55 = arith.constant 0 : i32
    %dma_start3A_56 = tpu.memref_slice %arg2[%add3A_46, %dma_start3A_55] : memref<77000x512xf32, #tpu.memory_space<hbm>> -> memref<56x512xf32, #tpu.memory_space<hbm>>
    tpu.enqueue_dma source(%dma_start3A_56 : memref<56x512xf32, #tpu.memory_space<hbm>>) target(%dma_start3A_54 : memref<56x512xf32, #tpu.memory_space<vmem_shared>>) target_semaphore(%dma_start3A_50 : memref<!tpu.dma_semaphore, #tpu.memory_space<semaphore_mem>>)
    %add3A_57 = arith.constant 168 : i32
    %add3A_58 = arith.addi %multiple_of3A, %add3A_57 : i32
    %dma_start3A_59 = arith.constant 3 : i32
    %dma_start3A_60 = arith.constant 3 : i32
    %dma_start3A_61 = tpu.memref_slice %arg5[%dma_start3A_60] : memref<8x!tpu.dma_semaphore, #tpu.memory_space<semaphore_mem>> -> memref<1x!tpu.dma_semaphore, #tpu.memory_space<semaphore_mem>>
    %dma_start3A_62 = tpu.memref_squeeze %dma_start3A_61 : memref<1x!tpu.dma_semaphore, #tpu.memory_space<semaphore_mem>> -> memref<!tpu.dma_semaphore, #tpu.memory_space<semaphore_mem>>
    %dma_start3A_63 = arith.constant 0 : i32
    %dma_start3A_64 = arith.constant 0 : i32
    %dma_start3A_65 = tpu.memref_slice %arg4[%arg1, %dma_start3A_59, %dma_start3A_63, %dma_start3A_64] : memref<16x4x56x512xf32, #tpu.memory_space<vmem_shared>> -> memref<1x1x56x512xf32, #tpu.memory_space<vmem_shared>>
    %dma_start3A_66 = tpu.memref_squeeze %dma_start3A_65 : memref<1x1x56x512xf32, #tpu.memory_space<vmem_shared>> -> memref<56x512xf32, #tpu.memory_space<vmem_shared>>
    %dma_start3A_67 = arith.constant 0 : i32
    %dma_start3A_68 = tpu.memref_slice %arg2[%add3A_58, %dma_start3A_67] : memref<77000x512xf32, #tpu.memory_space<hbm>> -> memref<56x512xf32, #tpu.memory_space<hbm>>
    tpu.enqueue_dma source(%dma_start3A_68 : memref<56x512xf32, #tpu.memory_space<hbm>>) target(%dma_start3A_66 : memref<56x512xf32, #tpu.memory_space<vmem_shared>>) target_semaphore(%dma_start3A_62 : memref<!tpu.dma_semaphore, #tpu.memory_space<semaphore_mem>>)
    %add3A_69 = arith.constant 0 : i32
    %add3A_70 = arith.addi %multiple_of3A, %add3A_69 : i32
    %dma_wait3A = arith.constant 0 : i32
    %dma_wait3A_71 = arith.constant 0 : i32
    %dma_wait3A_72 = tpu.memref_slice %arg5[%dma_wait3A_71] : memref<8x!tpu.dma_semaphore, #tpu.memory_space<semaphore_mem>> -> memref<1x!tpu.dma_semaphore, #tpu.memory_space<semaphore_mem>>
    %dma_wait3A_73 = tpu.memref_squeeze %dma_wait3A_72 : memref<1x!tpu.dma_semaphore, #tpu.memory_space<semaphore_mem>> -> memref<!tpu.dma_semaphore, #tpu.memory_space<semaphore_mem>>
    %dma_wait3A_74 = arith.constant 0 : i32
    %dma_wait3A_75 = arith.constant 0 : i32
    %dma_wait3A_76 = tpu.memref_slice %arg4[%arg1, %dma_wait3A, %dma_wait3A_74, %dma_wait3A_75] : memref<16x4x56x512xf32, #tpu.memory_space<vmem_shared>> -> memref<1x1x56x512xf32, #tpu.memory_space<vmem_shared>>
    %dma_wait3A_77 = tpu.memref_squeeze %dma_wait3A_76 : memref<1x1x56x512xf32, #tpu.memory_space<vmem_shared>> -> memref<56x512xf32, #tpu.memory_space<vmem_shared>>
    %dma_wait3A_78 = arith.constant 0 : i32
    %dma_wait3A_79 = tpu.memref_slice %arg2[%add3A_70, %dma_wait3A_78] : memref<77000x512xf32, #tpu.memory_space<hbm>> -> memref<56x512xf32, #tpu.memory_space<hbm>>
    tpu.wait_dma2 semaphore(%dma_wait3A_73 : memref<!tpu.dma_semaphore, #tpu.memory_space<semaphore_mem>>) src(%dma_wait3A_79 : memref<56x512xf32, #tpu.memory_space<hbm>>) dst(%dma_wait3A_77 : memref<56x512xf32, #tpu.memory_space<vmem_shared>>)
    %add3A_80 = arith.constant 0 : i32
    %add3A_81 = arith.addi %multiple_of3A, %add3A_80 : i32
    %dma_start3A_82 = arith.constant 0 : i32
    %dma_start3A_83 = arith.constant 4 : i32
    %dma_start3A_84 = tpu.memref_slice %arg5[%dma_start3A_83] : memref<8x!tpu.dma_semaphore, #tpu.memory_space<semaphore_mem>> -> memref<1x!tpu.dma_semaphore, #tpu.memory_space<semaphore_mem>>
    %dma_start3A_85 = tpu.memref_squeeze %dma_start3A_84 : memref<1x!tpu.dma_semaphore, #tpu.memory_space<semaphore_mem>> -> memref<!tpu.dma_semaphore, #tpu.memory_space<semaphore_mem>>
    %dma_start3A_86 = arith.constant 0 : i32
    %dma_start3A_87 = tpu.memref_slice %arg3[%add3A_81, %dma_start3A_86] : memref<77000x512xf32, #tpu.memory_space<hbm>> -> memref<56x512xf32, #tpu.memory_space<hbm>>
    %dma_start3A_88 = arith.constant 0 : i32
    %dma_start3A_89 = arith.constant 0 : i32
    %dma_start3A_90 = tpu.memref_slice %arg4[%arg1, %dma_start3A_82, %dma_start3A_88, %dma_start3A_89] : memref<16x4x56x512xf32, #tpu.memory_space<vmem_shared>> -> memref<1x1x56x512xf32, #tpu.memory_space<vmem_shared>>
    %dma_start3A_91 = tpu.memref_squeeze %dma_start3A_90 : memref<1x1x56x512xf32, #tpu.memory_space<vmem_shared>> -> memref<56x512xf32, #tpu.memory_space<vmem_shared>>
    tpu.enqueue_dma source(%dma_start3A_91 : memref<56x512xf32, #tpu.memory_space<vmem_shared>>) target(%dma_start3A_87 : memref<56x512xf32, #tpu.memory_space<hbm>>) target_semaphore(%dma_start3A_85 : memref<!tpu.dma_semaphore, #tpu.memory_space<semaphore_mem>>)
    %add3A_92 = arith.constant 0 : i32
    %add3A_93 = arith.addi %multiple_of3A, %add3A_92 : i32
    %dma_wait3A_94 = arith.constant 0 : i32
    %dma_wait3A_95 = arith.constant 4 : i32
    %dma_wait3A_96 = tpu.memref_slice %arg5[%dma_wait3A_95] : memref<8x!tpu.dma_semaphore, #tpu.memory_space<semaphore_mem>> -> memref<1x!tpu.dma_semaphore, #tpu.memory_space<semaphore_mem>>
    %dma_wait3A_97 = tpu.memref_squeeze %dma_wait3A_96 : memref<1x!tpu.dma_semaphore, #tpu.memory_space<semaphore_mem>> -> memref<!tpu.dma_semaphore, #tpu.memory_space<semaphore_mem>>
    %dma_wait3A_98 = arith.constant 0 : i32
    %dma_wait3A_99 = tpu.memref_slice %arg3[%add3A_93, %dma_wait3A_98] : memref<77000x512xf32, #tpu.memory_space<hbm>> -> memref<56x512xf32, #tpu.memory_space<hbm>>
    %dma_wait3A_100 = arith.constant 0 : i32
    %dma_wait3A_101 = arith.constant 0 : i32
    %dma_wait3A_102 = tpu.memref_slice %arg4[%arg1, %dma_wait3A_94, %dma_wait3A_100, %dma_wait3A_101] : memref<16x4x56x512xf32, #tpu.memory_space<vmem_shared>> -> memref<1x1x56x512xf32, #tpu.memory_space<vmem_shared>>
    %dma_wait3A_103 = tpu.memref_squeeze %dma_wait3A_102 : memref<1x1x56x512xf32, #tpu.memory_space<vmem_shared>> -> memref<56x512xf32, #tpu.memory_space<vmem_shared>>
    tpu.wait_dma2 semaphore(%dma_wait3A_97 : memref<!tpu.dma_semaphore, #tpu.memory_space<semaphore_mem>>) src(%dma_wait3A_103 : memref<56x512xf32, #tpu.memory_space<vmem_shared>>) dst(%dma_wait3A_99 : memref<56x512xf32, #tpu.memory_space<hbm>>)
    %add3A_104 = arith.constant 224 : i32
    %add3A_105 = arith.addi %multiple_of3A, %add3A_104 : i32
    %dma_start3A_106 = arith.constant 0 : i32
    %dma_start3A_107 = arith.constant 0 : i32
    %dma_start3A_108 = tpu.memref_slice %arg5[%dma_start3A_107] : memref<8x!tpu.dma_semaphore, #tpu.memory_space<semaphore_mem>> -> memref<1x!tpu.dma_semaphore, #tpu.memory_space<semaphore_mem>>
    %dma_start3A_109 = tpu.memref_squeeze %dma_start3A_108 : memref<1x!tpu.dma_semaphore, #tpu.memory_space<semaphore_mem>> -> memref<!tpu.dma_semaphore, #tpu.memory_space<semaphore_mem>>
    %dma_start3A_110 = arith.constant 0 : i32
    %dma_start3A_111 = arith.constant 0 : i32
    %dma_start3A_112 = tpu.memref_slice %arg4[%arg1, %dma_start3A_106, %dma_start3A_110, %dma_start3A_111] : memref<16x4x56x512xf32, #tpu.memory_space<vmem_shared>> -> memref<1x1x56x512xf32, #tpu.memory_space<vmem_shared>>
    %dma_start3A_113 = tpu.memref_squeeze %dma_start3A_112 : memref<1x1x56x512xf32, #tpu.memory_space<vmem_shared>> -> memref<56x512xf32, #tpu.memory_space<vmem_shared>>
    %dma_start3A_114 = arith.constant 0 : i32
    %dma_start3A_115 = tpu.memref_slice %arg2[%add3A_105, %dma_start3A_114] : memref<77000x512xf32, #tpu.memory_space<hbm>> -> memref<56x512xf32, #tpu.memory_space<hbm>>
    tpu.enqueue_dma source(%dma_start3A_115 : memref<56x512xf32, #tpu.memory_space<hbm>>) target(%dma_start3A_113 : memref<56x512xf32, #tpu.memory_space<vmem_shared>>) target_semaphore(%dma_start3A_109 : memref<!tpu.dma_semaphore, #tpu.memory_space<semaphore_mem>>)
    %add3A_116 = arith.constant 56 : i32
    %add3A_117 = arith.addi %multiple_of3A, %add3A_116 : i32
    %dma_wait3A_118 = arith.constant 1 : i32
    %dma_wait3A_119 = arith.constant 1 : i32
    %dma_wait3A_120 = tpu.memref_slice %arg5[%dma_wait3A_119] : memref<8x!tpu.dma_semaphore, #tpu.memory_space<semaphore_mem>> -> memref<1x!tpu.dma_semaphore, #tpu.memory_space<semaphore_mem>>
    %dma_wait3A_121 = tpu.memref_squeeze %dma_wait3A_120 : memref<1x!tpu.dma_semaphore, #tpu.memory_space<semaphore_mem>> -> memref<!tpu.dma_semaphore, #tpu.memory_space<semaphore_mem>>
    %dma_wait3A_122 = arith.constant 0 : i32
    %dma_wait3A_123 = arith.constant 0 : i32
    %dma_wait3A_124 = tpu.memref_slice %arg4[%arg1, %dma_wait3A_118, %dma_wait3A_122, %dma_wait3A_123] : memref<16x4x56x512xf32, #tpu.memory_space<vmem_shared>> -> memref<1x1x56x512xf32, #tpu.memory_space<vmem_shared>>
    %dma_wait3A_125 = tpu.memref_squeeze %dma_wait3A_124 : memref<1x1x56x512xf32, #tpu.memory_space<vmem_shared>> -> memref<56x512xf32, #tpu.memory_space<vmem_shared>>
    %dma_wait3A_126 = arith.constant 0 : i32
    %dma_wait3A_127 = tpu.memref_slice %arg2[%add3A_117, %dma_wait3A_126] : memref<77000x512xf32, #tpu.memory_space<hbm>> -> memref<56x512xf32, #tpu.memory_space<hbm>>
    tpu.wait_dma2 semaphore(%dma_wait3A_121 : memref<!tpu.dma_semaphore, #tpu.memory_space<semaphore_mem>>) src(%dma_wait3A_127 : memref<56x512xf32, #tpu.memory_space<hbm>>) dst(%dma_wait3A_125 : memref<56x512xf32, #tpu.memory_space<vmem_shared>>)
    %add3A_128 = arith.constant 56 : i32
    %add3A_129 = arith.addi %multiple_of3A, %add3A_128 : i32
    %dma_start3A_130 = arith.constant 1 : i32
    %dma_start3A_131 = arith.constant 5 : i32
    %dma_start3A_132 = tpu.memref_slice %arg5[%dma_start3A_131] : memref<8x!tpu.dma_semaphore, #tpu.memory_space<semaphore_mem>> -> memref<1x!tpu.dma_semaphore, #tpu.memory_space<semaphore_mem>>
    %dma_start3A_133 = tpu.memref_squeeze %dma_start3A_132 : memref<1x!tpu.dma_semaphore, #tpu.memory_space<semaphore_mem>> -> memref<!tpu.dma_semaphore, #tpu.memory_space<semaphore_mem>>
    %dma_start3A_134 = arith.constant 0 : i32
    %dma_start3A_135 = tpu.memref_slice %arg3[%add3A_129, %dma_start3A_134] : memref<77000x512xf32, #tpu.memory_space<hbm>> -> memref<56x512xf32, #tpu.memory_space<hbm>>
    %dma_start3A_136 = arith.constant 0 : i32
    %dma_start3A_137 = arith.constant 0 : i32
    %dma_start3A_138 = tpu.memref_slice %arg4[%arg1, %dma_start3A_130, %dma_start3A_136, %dma_start3A_137] : memref<16x4x56x512xf32, #tpu.memory_space<vmem_shared>> -> memref<1x1x56x512xf32, #tpu.memory_space<vmem_shared>>
    %dma_start3A_139 = tpu.memref_squeeze %dma_start3A_138 : memref<1x1x56x512xf32, #tpu.memory_space<vmem_shared>> -> memref<56x512xf32, #tpu.memory_space<vmem_shared>>
    tpu.enqueue_dma source(%dma_start3A_139 : memref<56x512xf32, #tpu.memory_space<vmem_shared>>) target(%dma_start3A_135 : memref<56x512xf32, #tpu.memory_space<hbm>>) target_semaphore(%dma_start3A_133 : memref<!tpu.dma_semaphore, #tpu.memory_space<semaphore_mem>>)
    %add3A_140 = arith.constant 56 : i32
    %add3A_141 = arith.addi %multiple_of3A, %add3A_140 : i32
    %dma_wait3A_142 = arith.constant 1 : i32
    %dma_wait3A_143 = arith.constant 5 : i32
    %dma_wait3A_144 = tpu.memref_slice %arg5[%dma_wait3A_143] : memref<8x!tpu.dma_semaphore, #tpu.memory_space<semaphore_mem>> -> memref<1x!tpu.dma_semaphore, #tpu.memory_space<semaphore_mem>>
    %dma_wait3A_145 = tpu.memref_squeeze %dma_wait3A_144 : memref<1x!tpu.dma_semaphore, #tpu.memory_space<semaphore_mem>> -> memref<!tpu.dma_semaphore, #tpu.memory_space<semaphore_mem>>
    %dma_wait3A_146 = arith.constant 0 : i32
    %dma_wait3A_147 = tpu.memref_slice %arg3[%add3A_141, %dma_wait3A_146] : memref<77000x512xf32, #tpu.memory_space<hbm>> -> memref<56x512xf32, #tpu.memory_space<hbm>>
    %dma_wait3A_148 = arith.constant 0 : i32
    %dma_wait3A_149 = arith.constant 0 : i32
    %dma_wait3A_150 = tpu.memref_slice %arg4[%arg1, %dma_wait3A_142, %dma_wait3A_148, %dma_wait3A_149] : memref<16x4x56x512xf32, #tpu.memory_space<vmem_shared>> -> memref<1x1x56x512xf32, #tpu.memory_space<vmem_shared>>
    %dma_wait3A_151 = tpu.memref_squeeze %dma_wait3A_150 : memref<1x1x56x512xf32, #tpu.memory_space<vmem_shared>> -> memref<56x512xf32, #tpu.memory_space<vmem_shared>>
    tpu.wait_dma2 semaphore(%dma_wait3A_145 : memref<!tpu.dma_semaphore, #tpu.memory_space<semaphore_mem>>) src(%dma_wait3A_151 : memref<56x512xf32, #tpu.memory_space<vmem_shared>>) dst(%dma_wait3A_147 : memref<56x512xf32, #tpu.memory_space<hbm>>)
    %add3A_152 = arith.constant 280 : i32
    %add3A_153 = arith.addi %multiple_of3A, %add3A_152 : i32
    %dma_start3A_154 = arith.constant 1 : i32
    %dma_start3A_155 = arith.constant 1 : i32
    %dma_start3A_156 = tpu.memref_slice %arg5[%dma_start3A_155] : memref<8x!tpu.dma_semaphore, #tpu.memory_space<semaphore_mem>> -> memref<1x!tpu.dma_semaphore, #tpu.memory_space<semaphore_mem>>
    %dma_start3A_157 = tpu.memref_squeeze %dma_start3A_156 : memref<1x!tpu.dma_semaphore, #tpu.memory_space<semaphore_mem>> -> memref<!tpu.dma_semaphore, #tpu.memory_space<semaphore_mem>>
    %dma_start3A_158 = arith.constant 0 : i32
    %dma_start3A_159 = arith.constant 0 : i32
    %dma_start3A_160 = tpu.memref_slice %arg4[%arg1, %dma_start3A_154, %dma_start3A_158, %dma_start3A_159] : memref<16x4x56x512xf32, #tpu.memory_space<vmem_shared>> -> memref<1x1x56x512xf32, #tpu.memory_space<vmem_shared>>
    %dma_start3A_161 = tpu.memref_squeeze %dma_start3A_160 : memref<1x1x56x512xf32, #tpu.memory_space<vmem_shared>> -> memref<56x512xf32, #tpu.memory_space<vmem_shared>>
    %dma_start3A_162 = arith.constant 0 : i32
    %dma_start3A_163 = tpu.memref_slice %arg2[%add3A_153, %dma_start3A_162] : memref<77000x512xf32, #tpu.memory_space<hbm>> -> memref<56x512xf32, #tpu.memory_space<hbm>>
    tpu.enqueue_dma source(%dma_start3A_163 : memref<56x512xf32, #tpu.memory_space<hbm>>) target(%dma_start3A_161 : memref<56x512xf32, #tpu.memory_space<vmem_shared>>) target_semaphore(%dma_start3A_157 : memref<!tpu.dma_semaphore, #tpu.memory_space<semaphore_mem>>)
    %add3A_164 = arith.constant 112 : i32
    %add3A_165 = arith.addi %multiple_of3A, %add3A_164 : i32
    %dma_wait3A_166 = arith.constant 2 : i32
    %dma_wait3A_167 = arith.constant 2 : i32
    %dma_wait3A_168 = tpu.memref_slice %arg5[%dma_wait3A_167] : memref<8x!tpu.dma_semaphore, #tpu.memory_space<semaphore_mem>> -> memref<1x!tpu.dma_semaphore, #tpu.memory_space<semaphore_mem>>
    %dma_wait3A_169 = tpu.memref_squeeze %dma_wait3A_168 : memref<1x!tpu.dma_semaphore, #tpu.memory_space<semaphore_mem>> -> memref<!tpu.dma_semaphore, #tpu.memory_space<semaphore_mem>>
    %dma_wait3A_170 = arith.constant 0 : i32
    %dma_wait3A_171 = arith.constant 0 : i32
    %dma_wait3A_172 = tpu.memref_slice %arg4[%arg1, %dma_wait3A_166, %dma_wait3A_170, %dma_wait3A_171] : memref<16x4x56x512xf32, #tpu.memory_space<vmem_shared>> -> memref<1x1x56x512xf32, #tpu.memory_space<vmem_shared>>
    %dma_wait3A_173 = tpu.memref_squeeze %dma_wait3A_172 : memref<1x1x56x512xf32, #tpu.memory_space<vmem_shared>> -> memref<56x512xf32, #tpu.memory_space<vmem_shared>>
    %dma_wait3A_174 = arith.constant 0 : i32
    %dma_wait3A_175 = tpu.memref_slice %arg2[%add3A_165, %dma_wait3A_174] : memref<77000x512xf32, #tpu.memory_space<hbm>> -> memref<56x512xf32, #tpu.memory_space<hbm>>
    tpu.wait_dma2 semaphore(%dma_wait3A_169 : memref<!tpu.dma_semaphore, #tpu.memory_space<semaphore_mem>>) src(%dma_wait3A_175 : memref<56x512xf32, #tpu.memory_space<hbm>>) dst(%dma_wait3A_173 : memref<56x512xf32, #tpu.memory_space<vmem_shared>>)
    %add3A_176 = arith.constant 112 : i32
    %add3A_177 = arith.addi %multiple_of3A, %add3A_176 : i32
    %dma_start3A_178 = arith.constant 2 : i32
    %dma_start3A_179 = arith.constant 6 : i32
    %dma_start3A_180 = tpu.memref_slice %arg5[%dma_start3A_179] : memref<8x!tpu.dma_semaphore, #tpu.memory_space<semaphore_mem>> -> memref<1x!tpu.dma_semaphore, #tpu.memory_space<semaphore_mem>>
    %dma_start3A_181 = tpu.memref_squeeze %dma_start3A_180 : memref<1x!tpu.dma_semaphore, #tpu.memory_space<semaphore_mem>> -> memref<!tpu.dma_semaphore, #tpu.memory_space<semaphore_mem>>
    %dma_start3A_182 = arith.constant 0 : i32
    %dma_start3A_183 = tpu.memref_slice %arg3[%add3A_177, %dma_start3A_182] : memref<77000x512xf32, #tpu.memory_space<hbm>> -> memref<56x512xf32, #tpu.memory_space<hbm>>
    %dma_start3A_184 = arith.constant 0 : i32
    %dma_start3A_185 = arith.constant 0 : i32
    %dma_start3A_186 = tpu.memref_slice %arg4[%arg1, %dma_start3A_178, %dma_start3A_184, %dma_start3A_185] : memref<16x4x56x512xf32, #tpu.memory_space<vmem_shared>> -> memref<1x1x56x512xf32, #tpu.memory_space<vmem_shared>>
    %dma_start3A_187 = tpu.memref_squeeze %dma_start3A_186 : memref<1x1x56x512xf32, #tpu.memory_space<vmem_shared>> -> memref<56x512xf32, #tpu.memory_space<vmem_shared>>
    tpu.enqueue_dma source(%dma_start3A_187 : memref<56x512xf32, #tpu.memory_space<vmem_shared>>) target(%dma_start3A_183 : memref<56x512xf32, #tpu.memory_space<hbm>>) target_semaphore(%dma_start3A_181 : memref<!tpu.dma_semaphore, #tpu.memory_space<semaphore_mem>>)
    %add3A_188 = arith.constant 112 : i32
    %add3A_189 = arith.addi %multiple_of3A, %add3A_188 : i32
    %dma_wait3A_190 = arith.constant 2 : i32
    %dma_wait3A_191 = arith.constant 6 : i32
    %dma_wait3A_192 = tpu.memref_slice %arg5[%dma_wait3A_191] : memref<8x!tpu.dma_semaphore, #tpu.memory_space<semaphore_mem>> -> memref<1x!tpu.dma_semaphore, #tpu.memory_space<semaphore_mem>>
    %dma_wait3A_193 = tpu.memref_squeeze %dma_wait3A_192 : memref<1x!tpu.dma_semaphore, #tpu.memory_space<semaphore_mem>> -> memref<!tpu.dma_semaphore, #tpu.memory_space<semaphore_mem>>
    %dma_wait3A_194 = arith.constant 0 : i32
    %dma_wait3A_195 = tpu.memref_slice %arg3[%add3A_189, %dma_wait3A_194] : memref<77000x512xf32, #tpu.memory_space<hbm>> -> memref<56x512xf32, #tpu.memory_space<hbm>>
    %dma_wait3A_196 = arith.constant 0 : i32
    %dma_wait3A_197 = arith.constant 0 : i32
    %dma_wait3A_198 = tpu.memref_slice %arg4[%arg1, %dma_wait3A_190, %dma_wait3A_196, %dma_wait3A_197] : memref<16x4x56x512xf32, #tpu.memory_space<vmem_shared>> -> memref<1x1x56x512xf32, #tpu.memory_space<vmem_shared>>
    %dma_wait3A_199 = tpu.memref_squeeze %dma_wait3A_198 : memref<1x1x56x512xf32, #tpu.memory_space<vmem_shared>> -> memref<56x512xf32, #tpu.memory_space<vmem_shared>>
    tpu.wait_dma2 semaphore(%dma_wait3A_193 : memref<!tpu.dma_semaphore, #tpu.memory_space<semaphore_mem>>) src(%dma_wait3A_199 : memref<56x512xf32, #tpu.memory_space<vmem_shared>>) dst(%dma_wait3A_195 : memref<56x512xf32, #tpu.memory_space<hbm>>)
    %add3A_200 = arith.constant 336 : i32
    %add3A_201 = arith.addi %multiple_of3A, %add3A_200 : i32
    %dma_start3A_202 = arith.constant 2 : i32
    %dma_start3A_203 = arith.constant 2 : i32
    %dma_start3A_204 = tpu.memref_slice %arg5[%dma_start3A_203] : memref<8x!tpu.dma_semaphore, #tpu.memory_space<semaphore_mem>> -> memref<1x!tpu.dma_semaphore, #tpu.memory_space<semaphore_mem>>
    %dma_start3A_205 = tpu.memref_squeeze %dma_start3A_204 : memref<1x!tpu.dma_semaphore, #tpu.memory_space<semaphore_mem>> -> memref<!tpu.dma_semaphore, #tpu.memory_space<semaphore_mem>>
    %dma_start3A_206 = arith.constant 0 : i32
    %dma_start3A_207 = arith.constant 0 : i32
    %dma_start3A_208 = tpu.memref_slice %arg4[%arg1, %dma_start3A_202, %dma_start3A_206, %dma_start3A_207] : memref<16x4x56x512xf32, #tpu.memory_space<vmem_shared>> -> memref<1x1x56x512xf32, #tpu.memory_space<vmem_shared>>
    %dma_start3A_209 = tpu.memref_squeeze %dma_start3A_208 : memref<1x1x56x512xf32, #tpu.memory_space<vmem_shared>> -> memref<56x512xf32, #tpu.memory_space<vmem_shared>>
    %dma_start3A_210 = arith.constant 0 : i32
    %dma_start3A_211 = tpu.memref_slice %arg2[%add3A_201, %dma_start3A_210] : memref<77000x512xf32, #tpu.memory_space<hbm>> -> memref<56x512xf32, #tpu.memory_space<hbm>>
    tpu.enqueue_dma source(%dma_start3A_211 : memref<56x512xf32, #tpu.memory_space<hbm>>) target(%dma_start3A_209 : memref<56x512xf32, #tpu.memory_space<vmem_shared>>) target_semaphore(%dma_start3A_205 : memref<!tpu.dma_semaphore, #tpu.memory_space<semaphore_mem>>)
    %add3A_212 = arith.constant 168 : i32
    %add3A_213 = arith.addi %multiple_of3A, %add3A_212 : i32
    %dma_wait3A_214 = arith.constant 3 : i32
    %dma_wait3A_215 = arith.constant 3 : i32
    %dma_wait3A_216 = tpu.memref_slice %arg5[%dma_wait3A_215] : memref<8x!tpu.dma_semaphore, #tpu.memory_space<semaphore_mem>> -> memref<1x!tpu.dma_semaphore, #tpu.memory_space<semaphore_mem>>
    %dma_wait3A_217 = tpu.memref_squeeze %dma_wait3A_216 : memref<1x!tpu.dma_semaphore, #tpu.memory_space<semaphore_mem>> -> memref<!tpu.dma_semaphore, #tpu.memory_space<semaphore_mem>>
    %dma_wait3A_218 = arith.constant 0 : i32
    %dma_wait3A_219 = arith.constant 0 : i32
    %dma_wait3A_220 = tpu.memref_slice %arg4[%arg1, %dma_wait3A_214, %dma_wait3A_218, %dma_wait3A_219] : memref<16x4x56x512xf32, #tpu.memory_space<vmem_shared>> -> memref<1x1x56x512xf32, #tpu.memory_space<vmem_shared>>
    %dma_wait3A_221 = tpu.memref_squeeze %dma_wait3A_220 : memref<1x1x56x512xf32, #tpu.memory_space<vmem_shared>> -> memref<56x512xf32, #tpu.memory_space<vmem_shared>>
    %dma_wait3A_222 = arith.constant 0 : i32
    %dma_wait3A_223 = tpu.memref_slice %arg2[%add3A_213, %dma_wait3A_222] : memref<77000x512xf32, #tpu.memory_space<hbm>> -> memref<56x512xf32, #tpu.memory_space<hbm>>
    tpu.wait_dma2 semaphore(%dma_wait3A_217 : memref<!tpu.dma_semaphore, #tpu.memory_space<semaphore_mem>>) src(%dma_wait3A_223 : memref<56x512xf32, #tpu.memory_space<hbm>>) dst(%dma_wait3A_221 : memref<56x512xf32, #tpu.memory_space<vmem_shared>>)
    %add3A_224 = arith.constant 168 : i32
    %add3A_225 = arith.addi %multiple_of3A, %add3A_224 : i32
    %dma_start3A_226 = arith.constant 3 : i32
    %dma_start3A_227 = arith.constant 7 : i32
    %dma_start3A_228 = tpu.memref_slice %arg5[%dma_start3A_227] : memref<8x!tpu.dma_semaphore, #tpu.memory_space<semaphore_mem>> -> memref<1x!tpu.dma_semaphore, #tpu.memory_space<semaphore_mem>>
    %dma_start3A_229 = tpu.memref_squeeze %dma_start3A_228 : memref<1x!tpu.dma_semaphore, #tpu.memory_space<semaphore_mem>> -> memref<!tpu.dma_semaphore, #tpu.memory_space<semaphore_mem>>
    %dma_start3A_230 = arith.constant 0 : i32
    %dma_start3A_231 = tpu.memref_slice %arg3[%add3A_225, %dma_start3A_230] : memref<77000x512xf32, #tpu.memory_space<hbm>> -> memref<56x512xf32, #tpu.memory_space<hbm>>
    %dma_start3A_232 = arith.constant 0 : i32
    %dma_start3A_233 = arith.constant 0 : i32
    %dma_start3A_234 = tpu.memref_slice %arg4[%arg1, %dma_start3A_226, %dma_start3A_232, %dma_start3A_233] : memref<16x4x56x512xf32, #tpu.memory_space<vmem_shared>> -> memref<1x1x56x512xf32, #tpu.memory_space<vmem_shared>>
    %dma_start3A_235 = tpu.memref_squeeze %dma_start3A_234 : memref<1x1x56x512xf32, #tpu.memory_space<vmem_shared>> -> memref<56x512xf32, #tpu.memory_space<vmem_shared>>
    tpu.enqueue_dma source(%dma_start3A_235 : memref<56x512xf32, #tpu.memory_space<vmem_shared>>) target(%dma_start3A_231 : memref<56x512xf32, #tpu.memory_space<hbm>>) target_semaphore(%dma_start3A_229 : memref<!tpu.dma_semaphore, #tpu.memory_space<semaphore_mem>>)
    %add3A_236 = arith.constant 168 : i32
    %add3A_237 = arith.addi %multiple_of3A, %add3A_236 : i32
    %dma_wait3A_238 = arith.constant 3 : i32
    %dma_wait3A_239 = arith.constant 7 : i32
    %dma_wait3A_240 = tpu.memref_slice %arg5[%dma_wait3A_239] : memref<8x!tpu.dma_semaphore, #tpu.memory_space<semaphore_mem>> -> memref<1x!tpu.dma_semaphore, #tpu.memory_space<semaphore_mem>>
    %dma_wait3A_241 = tpu.memref_squeeze %dma_wait3A_240 : memref<1x!tpu.dma_semaphore, #tpu.memory_space<semaphore_mem>> -> memref<!tpu.dma_semaphore, #tpu.memory_space<semaphore_mem>>
    %dma_wait3A_242 = arith.constant 0 : i32
    %dma_wait3A_243 = tpu.memref_slice %arg3[%add3A_237, %dma_wait3A_242] : memref<77000x512xf32, #tpu.memory_space<hbm>> -> memref<56x512xf32, #tpu.memory_space<hbm>>
    %dma_wait3A_244 = arith.constant 0 : i32
    %dma_wait3A_245 = arith.constant 0 : i32
    %dma_wait3A_246 = tpu.memref_slice %arg4[%arg1, %dma_wait3A_238, %dma_wait3A_244, %dma_wait3A_245] : memref<16x4x56x512xf32, #tpu.memory_space<vmem_shared>> -> memref<1x1x56x512xf32, #tpu.memory_space<vmem_shared>>
    %dma_wait3A_247 = tpu.memref_squeeze %dma_wait3A_246 : memref<1x1x56x512xf32, #tpu.memory_space<vmem_shared>> -> memref<56x512xf32, #tpu.memory_space<vmem_shared>>
    tpu.wait_dma2 semaphore(%dma_wait3A_241 : memref<!tpu.dma_semaphore, #tpu.memory_space<semaphore_mem>>) src(%dma_wait3A_247 : memref<56x512xf32, #tpu.memory_space<vmem_shared>>) dst(%dma_wait3A_243 : memref<56x512xf32, #tpu.memory_space<hbm>>)
    %add3A_248 = arith.constant 392 : i32
    %add3A_249 = arith.addi %multiple_of3A, %add3A_248 : i32
    %dma_start3A_250 = arith.constant 3 : i32
    %dma_start3A_251 = arith.constant 3 : i32
    %dma_start3A_252 = tpu.memref_slice %arg5[%dma_start3A_251] : memref<8x!tpu.dma_semaphore, #tpu.memory_space<semaphore_mem>> -> memref<1x!tpu.dma_semaphore, #tpu.memory_space<semaphore_mem>>
    %dma_start3A_253 = tpu.memref_squeeze %dma_start3A_252 : memref<1x!tpu.dma_semaphore, #tpu.memory_space<semaphore_mem>> -> memref<!tpu.dma_semaphore, #tpu.memory_space<semaphore_mem>>
    %dma_start3A_254 = arith.constant 0 : i32
    %dma_start3A_255 = arith.constant 0 : i32
    %dma_start3A_256 = tpu.memref_slice %arg4[%arg1, %dma_start3A_250, %dma_start3A_254, %dma_start3A_255] : memref<16x4x56x512xf32, #tpu.memory_space<vmem_shared>> -> memref<1x1x56x512xf32, #tpu.memory_space<vmem_shared>>
    %dma_start3A_257 = tpu.memref_squeeze %dma_start3A_256 : memref<1x1x56x512xf32, #tpu.memory_space<vmem_shared>> -> memref<56x512xf32, #tpu.memory_space<vmem_shared>>
    %dma_start3A_258 = arith.constant 0 : i32
    %dma_start3A_259 = tpu.memref_slice %arg2[%add3A_249, %dma_start3A_258] : memref<77000x512xf32, #tpu.memory_space<hbm>> -> memref<56x512xf32, #tpu.memory_space<hbm>>
    tpu.enqueue_dma source(%dma_start3A_259 : memref<56x512xf32, #tpu.memory_space<hbm>>) target(%dma_start3A_257 : memref<56x512xf32, #tpu.memory_space<vmem_shared>>) target_semaphore(%dma_start3A_253 : memref<!tpu.dma_semaphore, #tpu.memory_space<semaphore_mem>>)
    %add3A_260 = arith.constant 224 : i32
    %add3A_261 = arith.addi %multiple_of3A, %add3A_260 : i32
    %dma_wait3A_262 = arith.constant 0 : i32
    %dma_wait3A_263 = arith.constant 0 : i32
    %dma_wait3A_264 = tpu.memref_slice %arg5[%dma_wait3A_263] : memref<8x!tpu.dma_semaphore, #tpu.memory_space<semaphore_mem>> -> memref<1x!tpu.dma_semaphore, #tpu.memory_space<semaphore_mem>>
    %dma_wait3A_265 = tpu.memref_squeeze %dma_wait3A_264 : memref<1x!tpu.dma_semaphore, #tpu.memory_space<semaphore_mem>> -> memref<!tpu.dma_semaphore, #tpu.memory_space<semaphore_mem>>
    %dma_wait3A_266 = arith.constant 0 : i32
    %dma_wait3A_267 = arith.constant 0 : i32
    %dma_wait3A_268 = tpu.memref_slice %arg4[%arg1, %dma_wait3A_262, %dma_wait3A_266, %dma_wait3A_267] : memref<16x4x56x512xf32, #tpu.memory_space<vmem_shared>> -> memref<1x1x56x512xf32, #tpu.memory_space<vmem_shared>>
    %dma_wait3A_269 = tpu.memref_squeeze %dma_wait3A_268 : memref<1x1x56x512xf32, #tpu.memory_space<vmem_shared>> -> memref<56x512xf32, #tpu.memory_space<vmem_shared>>
    %dma_wait3A_270 = arith.constant 0 : i32
    %dma_wait3A_271 = tpu.memref_slice %arg2[%add3A_261, %dma_wait3A_270] : memref<77000x512xf32, #tpu.memory_space<hbm>> -> memref<56x512xf32, #tpu.memory_space<hbm>>
    tpu.wait_dma2 semaphore(%dma_wait3A_265 : memref<!tpu.dma_semaphore, #tpu.memory_space<semaphore_mem>>) src(%dma_wait3A_271 : memref<56x512xf32, #tpu.memory_space<hbm>>) dst(%dma_wait3A_269 : memref<56x512xf32, #tpu.memory_space<vmem_shared>>)
    %add3A_272 = arith.constant 224 : i32
    %add3A_273 = arith.addi %multiple_of3A, %add3A_272 : i32
    %dma_start3A_274 = arith.constant 0 : i32
    %dma_start3A_275 = arith.constant 4 : i32
    %dma_start3A_276 = tpu.memref_slice %arg5[%dma_start3A_275] : memref<8x!tpu.dma_semaphore, #tpu.memory_space<semaphore_mem>> -> memref<1x!tpu.dma_semaphore, #tpu.memory_space<semaphore_mem>>
    %dma_start3A_277 = tpu.memref_squeeze %dma_start3A_276 : memref<1x!tpu.dma_semaphore, #tpu.memory_space<semaphore_mem>> -> memref<!tpu.dma_semaphore, #tpu.memory_space<semaphore_mem>>
    %dma_start3A_278 = arith.constant 0 : i32
    %dma_start3A_279 = tpu.memref_slice %arg3[%add3A_273, %dma_start3A_278] : memref<77000x512xf32, #tpu.memory_space<hbm>> -> memref<56x512xf32, #tpu.memory_space<hbm>>
    %dma_start3A_280 = arith.constant 0 : i32
    %dma_start3A_281 = arith.constant 0 : i32
    %dma_start3A_282 = tpu.memref_slice %arg4[%arg1, %dma_start3A_274, %dma_start3A_280, %dma_start3A_281] : memref<16x4x56x512xf32, #tpu.memory_space<vmem_shared>> -> memref<1x1x56x512xf32, #tpu.memory_space<vmem_shared>>
    %dma_start3A_283 = tpu.memref_squeeze %dma_start3A_282 : memref<1x1x56x512xf32, #tpu.memory_space<vmem_shared>> -> memref<56x512xf32, #tpu.memory_space<vmem_shared>>
    tpu.enqueue_dma source(%dma_start3A_283 : memref<56x512xf32, #tpu.memory_space<vmem_shared>>) target(%dma_start3A_279 : memref<56x512xf32, #tpu.memory_space<hbm>>) target_semaphore(%dma_start3A_277 : memref<!tpu.dma_semaphore, #tpu.memory_space<semaphore_mem>>)
    %add3A_284 = arith.constant 224 : i32
    %add3A_285 = arith.addi %multiple_of3A, %add3A_284 : i32
    %dma_wait3A_286 = arith.constant 0 : i32
    %dma_wait3A_287 = arith.constant 4 : i32
    %dma_wait3A_288 = tpu.memref_slice %arg5[%dma_wait3A_287] : memref<8x!tpu.dma_semaphore, #tpu.memory_space<semaphore_mem>> -> memref<1x!tpu.dma_semaphore, #tpu.memory_space<semaphore_mem>>
    %dma_wait3A_289 = tpu.memref_squeeze %dma_wait3A_288 : memref<1x!tpu.dma_semaphore, #tpu.memory_space<semaphore_mem>> -> memref<!tpu.dma_semaphore, #tpu.memory_space<semaphore_mem>>
    %dma_wait3A_290 = arith.constant 0 : i32
    %dma_wait3A_291 = tpu.memref_slice %arg3[%add3A_285, %dma_wait3A_290] : memref<77000x512xf32, #tpu.memory_space<hbm>> -> memref<56x512xf32, #tpu.memory_space<hbm>>
    %dma_wait3A_292 = arith.constant 0 : i32
    %dma_wait3A_293 = arith.constant 0 : i32
    %dma_wait3A_294 = tpu.memref_slice %arg4[%arg1, %dma_wait3A_286, %dma_wait3A_292, %dma_wait3A_293] : memref<16x4x56x512xf32, #tpu.memory_space<vmem_shared>> -> memref<1x1x56x512xf32, #tpu.memory_space<vmem_shared>>
    %dma_wait3A_295 = tpu.memref_squeeze %dma_wait3A_294 : memref<1x1x56x512xf32, #tpu.memory_space<vmem_shared>> -> memref<56x512xf32, #tpu.memory_space<vmem_shared>>
    tpu.wait_dma2 semaphore(%dma_wait3A_289 : memref<!tpu.dma_semaphore, #tpu.memory_space<semaphore_mem>>) src(%dma_wait3A_295 : memref<56x512xf32, #tpu.memory_space<vmem_shared>>) dst(%dma_wait3A_291 : memref<56x512xf32, #tpu.memory_space<hbm>>)
    %add3A_296 = arith.constant 448 : i32
    %add3A_297 = arith.addi %multiple_of3A, %add3A_296 : i32
    %dma_start3A_298 = arith.constant 0 : i32
    %dma_start3A_299 = arith.constant 0 : i32
    %dma_start3A_300 = tpu.memref_slice %arg5[%dma_start3A_299] : memref<8x!tpu.dma_semaphore, #tpu.memory_space<semaphore_mem>> -> memref<1x!tpu.dma_semaphore, #tpu.memory_space<semaphore_mem>>
    %dma_start3A_301 = tpu.memref_squeeze %dma_start3A_300 : memref<1x!tpu.dma_semaphore, #tpu.memory_space<semaphore_mem>> -> memref<!tpu.dma_semaphore, #tpu.memory_space<semaphore_mem>>
    %dma_start3A_302 = arith.constant 0 : i32
    %dma_start3A_303 = arith.constant 0 : i32
    %dma_start3A_304 = tpu.memref_slice %arg4[%arg1, %dma_start3A_298, %dma_start3A_302, %dma_start3A_303] : memref<16x4x56x512xf32, #tpu.memory_space<vmem_shared>> -> memref<1x1x56x512xf32, #tpu.memory_space<vmem_shared>>
    %dma_start3A_305 = tpu.memref_squeeze %dma_start3A_304 : memref<1x1x56x512xf32, #tpu.memory_space<vmem_shared>> -> memref<56x512xf32, #tpu.memory_space<vmem_shared>>
    %dma_start3A_306 = arith.constant 0 : i32
    %dma_start3A_307 = tpu.memref_slice %arg2[%add3A_297, %dma_start3A_306] : memref<77000x512xf32, #tpu.memory_space<hbm>> -> memref<56x512xf32, #tpu.memory_space<hbm>>
    tpu.enqueue_dma source(%dma_start3A_307 : memref<56x512xf32, #tpu.memory_space<hbm>>) target(%dma_start3A_305 : memref<56x512xf32, #tpu.memory_space<vmem_shared>>) target_semaphore(%dma_start3A_301 : memref<!tpu.dma_semaphore, #tpu.memory_space<semaphore_mem>>)
    %add3A_308 = arith.constant 280 : i32
    %add3A_309 = arith.addi %multiple_of3A, %add3A_308 : i32
    %dma_wait3A_310 = arith.constant 1 : i32
    %dma_wait3A_311 = arith.constant 1 : i32
    %dma_wait3A_312 = tpu.memref_slice %arg5[%dma_wait3A_311] : memref<8x!tpu.dma_semaphore, #tpu.memory_space<semaphore_mem>> -> memref<1x!tpu.dma_semaphore, #tpu.memory_space<semaphore_mem>>
    %dma_wait3A_313 = tpu.memref_squeeze %dma_wait3A_312 : memref<1x!tpu.dma_semaphore, #tpu.memory_space<semaphore_mem>> -> memref<!tpu.dma_semaphore, #tpu.memory_space<semaphore_mem>>
    %dma_wait3A_314 = arith.constant 0 : i32
    %dma_wait3A_315 = arith.constant 0 : i32
    %dma_wait3A_316 = tpu.memref_slice %arg4[%arg1, %dma_wait3A_310, %dma_wait3A_314, %dma_wait3A_315] : memref<16x4x56x512xf32, #tpu.memory_space<vmem_shared>> -> memref<1x1x56x512xf32, #tpu.memory_space<vmem_shared>>
    %dma_wait3A_317 = tpu.memref_squeeze %dma_wait3A_316 : memref<1x1x56x512xf32, #tpu.memory_space<vmem_shared>> -> memref<56x512xf32, #tpu.memory_space<vmem_shared>>
    %dma_wait3A_318 = arith.constant 0 : i32
    %dma_wait3A_319 = tpu.memref_slice %arg2[%add3A_309, %dma_wait3A_318] : memref<77000x512xf32, #tpu.memory_space<hbm>> -> memref<56x512xf32, #tpu.memory_space<hbm>>
    tpu.wait_dma2 semaphore(%dma_wait3A_313 : memref<!tpu.dma_semaphore, #tpu.memory_space<semaphore_mem>>) src(%dma_wait3A_319 : memref<56x512xf32, #tpu.memory_space<hbm>>) dst(%dma_wait3A_317 : memref<56x512xf32, #tpu.memory_space<vmem_shared>>)
    %add3A_320 = arith.constant 280 : i32
    %add3A_321 = arith.addi %multiple_of3A, %add3A_320 : i32
    %dma_start3A_322 = arith.constant 1 : i32
    %dma_start3A_323 = arith.constant 5 : i32
    %dma_start3A_324 = tpu.memref_slice %arg5[%dma_start3A_323] : memref<8x!tpu.dma_semaphore, #tpu.memory_space<semaphore_mem>> -> memref<1x!tpu.dma_semaphore, #tpu.memory_space<semaphore_mem>>
    %dma_start3A_325 = tpu.memref_squeeze %dma_start3A_324 : memref<1x!tpu.dma_semaphore, #tpu.memory_space<semaphore_mem>> -> memref<!tpu.dma_semaphore, #tpu.memory_space<semaphore_mem>>
    %dma_start3A_326 = arith.constant 0 : i32
    %dma_start3A_327 = tpu.memref_slice %arg3[%add3A_321, %dma_start3A_326] : memref<77000x512xf32, #tpu.memory_space<hbm>> -> memref<56x512xf32, #tpu.memory_space<hbm>>
    %dma_start3A_328 = arith.constant 0 : i32
    %dma_start3A_329 = arith.constant 0 : i32
    %dma_start3A_330 = tpu.memref_slice %arg4[%arg1, %dma_start3A_322, %dma_start3A_328, %dma_start3A_329] : memref<16x4x56x512xf32, #tpu.memory_space<vmem_shared>> -> memref<1x1x56x512xf32, #tpu.memory_space<vmem_shared>>
    %dma_start3A_331 = tpu.memref_squeeze %dma_start3A_330 : memref<1x1x56x512xf32, #tpu.memory_space<vmem_shared>> -> memref<56x512xf32, #tpu.memory_space<vmem_shared>>
    tpu.enqueue_dma source(%dma_start3A_331 : memref<56x512xf32, #tpu.memory_space<vmem_shared>>) target(%dma_start3A_327 : memref<56x512xf32, #tpu.memory_space<hbm>>) target_semaphore(%dma_start3A_325 : memref<!tpu.dma_semaphore, #tpu.memory_space<semaphore_mem>>)
    %add3A_332 = arith.constant 280 : i32
    %add3A_333 = arith.addi %multiple_of3A, %add3A_332 : i32
    %dma_wait3A_334 = arith.constant 1 : i32
    %dma_wait3A_335 = arith.constant 5 : i32
    %dma_wait3A_336 = tpu.memref_slice %arg5[%dma_wait3A_335] : memref<8x!tpu.dma_semaphore, #tpu.memory_space<semaphore_mem>> -> memref<1x!tpu.dma_semaphore, #tpu.memory_space<semaphore_mem>>
    %dma_wait3A_337 = tpu.memref_squeeze %dma_wait3A_336 : memref<1x!tpu.dma_semaphore, #tpu.memory_space<semaphore_mem>> -> memref<!tpu.dma_semaphore, #tpu.memory_space<semaphore_mem>>
    %dma_wait3A_338 = arith.constant 0 : i32
    %dma_wait3A_339 = tpu.memref_slice %arg3[%add3A_333, %dma_wait3A_338] : memref<77000x512xf32, #tpu.memory_space<hbm>> -> memref<56x512xf32, #tpu.memory_space<hbm>>
    %dma_wait3A_340 = arith.constant 0 : i32
    %dma_wait3A_341 = arith.constant 0 : i32
    %dma_wait3A_342 = tpu.memref_slice %arg4[%arg1, %dma_wait3A_334, %dma_wait3A_340, %dma_wait3A_341] : memref<16x4x56x512xf32, #tpu.memory_space<vmem_shared>> -> memref<1x1x56x512xf32, #tpu.memory_space<vmem_shared>>
    %dma_wait3A_343 = tpu.memref_squeeze %dma_wait3A_342 : memref<1x1x56x512xf32, #tpu.memory_space<vmem_shared>> -> memref<56x512xf32, #tpu.memory_space<vmem_shared>>
    tpu.wait_dma2 semaphore(%dma_wait3A_337 : memref<!tpu.dma_semaphore, #tpu.memory_space<semaphore_mem>>) src(%dma_wait3A_343 : memref<56x512xf32, #tpu.memory_space<vmem_shared>>) dst(%dma_wait3A_339 : memref<56x512xf32, #tpu.memory_space<hbm>>)
    %add3A_344 = arith.constant 504 : i32
    %add3A_345 = arith.addi %multiple_of3A, %add3A_344 : i32
    %dma_start3A_346 = arith.constant 1 : i32
    %dma_start3A_347 = arith.constant 1 : i32
    %dma_start3A_348 = tpu.memref_slice %arg5[%dma_start3A_347] : memref<8x!tpu.dma_semaphore, #tpu.memory_space<semaphore_mem>> -> memref<1x!tpu.dma_semaphore, #tpu.memory_space<semaphore_mem>>
    %dma_start3A_349 = tpu.memref_squeeze %dma_start3A_348 : memref<1x!tpu.dma_semaphore, #tpu.memory_space<semaphore_mem>> -> memref<!tpu.dma_semaphore, #tpu.memory_space<semaphore_mem>>
    %dma_start3A_350 = arith.constant 0 : i32
    %dma_start3A_351 = arith.constant 0 : i32
    %dma_start3A_352 = tpu.memref_slice %arg4[%arg1, %dma_start3A_346, %dma_start3A_350, %dma_start3A_351] : memref<16x4x56x512xf32, #tpu.memory_space<vmem_shared>> -> memref<1x1x56x512xf32, #tpu.memory_space<vmem_shared>>
    %dma_start3A_353 = tpu.memref_squeeze %dma_start3A_352 : memref<1x1x56x512xf32, #tpu.memory_space<vmem_shared>> -> memref<56x512xf32, #tpu.memory_space<vmem_shared>>
    %dma_start3A_354 = arith.constant 0 : i32
    %dma_start3A_355 = tpu.memref_slice %arg2[%add3A_345, %dma_start3A_354] : memref<77000x512xf32, #tpu.memory_space<hbm>> -> memref<56x512xf32, #tpu.memory_space<hbm>>
    tpu.enqueue_dma source(%dma_start3A_355 : memref<56x512xf32, #tpu.memory_space<hbm>>) target(%dma_start3A_353 : memref<56x512xf32, #tpu.memory_space<vmem_shared>>) target_semaphore(%dma_start3A_349 : memref<!tpu.dma_semaphore, #tpu.memory_space<semaphore_mem>>)
    %add3A_356 = arith.constant 336 : i32
    %add3A_357 = arith.addi %multiple_of3A, %add3A_356 : i32
    %dma_wait3A_358 = arith.constant 2 : i32
    %dma_wait3A_359 = arith.constant 2 : i32
    %dma_wait3A_360 = tpu.memref_slice %arg5[%dma_wait3A_359] : memref<8x!tpu.dma_semaphore, #tpu.memory_space<semaphore_mem>> -> memref<1x!tpu.dma_semaphore, #tpu.memory_space<semaphore_mem>>
    %dma_wait3A_361 = tpu.memref_squeeze %dma_wait3A_360 : memref<1x!tpu.dma_semaphore, #tpu.memory_space<semaphore_mem>> -> memref<!tpu.dma_semaphore, #tpu.memory_space<semaphore_mem>>
    %dma_wait3A_362 = arith.constant 0 : i32
    %dma_wait3A_363 = arith.constant 0 : i32
    %dma_wait3A_364 = tpu.memref_slice %arg4[%arg1, %dma_wait3A_358, %dma_wait3A_362, %dma_wait3A_363] : memref<16x4x56x512xf32, #tpu.memory_space<vmem_shared>> -> memref<1x1x56x512xf32, #tpu.memory_space<vmem_shared>>
    %dma_wait3A_365 = tpu.memref_squeeze %dma_wait3A_364 : memref<1x1x56x512xf32, #tpu.memory_space<vmem_shared>> -> memref<56x512xf32, #tpu.memory_space<vmem_shared>>
    %dma_wait3A_366 = arith.constant 0 : i32
    %dma_wait3A_367 = tpu.memref_slice %arg2[%add3A_357, %dma_wait3A_366] : memref<77000x512xf32, #tpu.memory_space<hbm>> -> memref<56x512xf32, #tpu.memory_space<hbm>>
    tpu.wait_dma2 semaphore(%dma_wait3A_361 : memref<!tpu.dma_semaphore, #tpu.memory_space<semaphore_mem>>) src(%dma_wait3A_367 : memref<56x512xf32, #tpu.memory_space<hbm>>) dst(%dma_wait3A_365 : memref<56x512xf32, #tpu.memory_space<vmem_shared>>)
    %add3A_368 = arith.constant 336 : i32
    %add3A_369 = arith.addi %multiple_of3A, %add3A_368 : i32
    %dma_start3A_370 = arith.constant 2 : i32
    %dma_start3A_371 = arith.constant 6 : i32
    %dma_start3A_372 = tpu.memref_slice %arg5[%dma_start3A_371] : memref<8x!tpu.dma_semaphore, #tpu.memory_space<semaphore_mem>> -> memref<1x!tpu.dma_semaphore, #tpu.memory_space<semaphore_mem>>
    %dma_start3A_373 = tpu.memref_squeeze %dma_start3A_372 : memref<1x!tpu.dma_semaphore, #tpu.memory_space<semaphore_mem>> -> memref<!tpu.dma_semaphore, #tpu.memory_space<semaphore_mem>>
    %dma_start3A_374 = arith.constant 0 : i32
    %dma_start3A_375 = tpu.memref_slice %arg3[%add3A_369, %dma_start3A_374] : memref<77000x512xf32, #tpu.memory_space<hbm>> -> memref<56x512xf32, #tpu.memory_space<hbm>>
    %dma_start3A_376 = arith.constant 0 : i32
    %dma_start3A_377 = arith.constant 0 : i32
    %dma_start3A_378 = tpu.memref_slice %arg4[%arg1, %dma_start3A_370, %dma_start3A_376, %dma_start3A_377] : memref<16x4x56x512xf32, #tpu.memory_space<vmem_shared>> -> memref<1x1x56x512xf32, #tpu.memory_space<vmem_shared>>
    %dma_start3A_379 = tpu.memref_squeeze %dma_start3A_378 : memref<1x1x56x512xf32, #tpu.memory_space<vmem_shared>> -> memref<56x512xf32, #tpu.memory_space<vmem_shared>>
    tpu.enqueue_dma source(%dma_start3A_379 : memref<56x512xf32, #tpu.memory_space<vmem_shared>>) target(%dma_start3A_375 : memref<56x512xf32, #tpu.memory_space<hbm>>) target_semaphore(%dma_start3A_373 : memref<!tpu.dma_semaphore, #tpu.memory_space<semaphore_mem>>)
    %add3A_380 = arith.constant 336 : i32
    %add3A_381 = arith.addi %multiple_of3A, %add3A_380 : i32
    %dma_wait3A_382 = arith.constant 2 : i32
    %dma_wait3A_383 = arith.constant 6 : i32
    %dma_wait3A_384 = tpu.memref_slice %arg5[%dma_wait3A_383] : memref<8x!tpu.dma_semaphore, #tpu.memory_space<semaphore_mem>> -> memref<1x!tpu.dma_semaphore, #tpu.memory_space<semaphore_mem>>
    %dma_wait3A_385 = tpu.memref_squeeze %dma_wait3A_384 : memref<1x!tpu.dma_semaphore, #tpu.memory_space<semaphore_mem>> -> memref<!tpu.dma_semaphore, #tpu.memory_space<semaphore_mem>>
    %dma_wait3A_386 = arith.constant 0 : i32
    %dma_wait3A_387 = tpu.memref_slice %arg3[%add3A_381, %dma_wait3A_386] : memref<77000x512xf32, #tpu.memory_space<hbm>> -> memref<56x512xf32, #tpu.memory_space<hbm>>
    %dma_wait3A_388 = arith.constant 0 : i32
    %dma_wait3A_389 = arith.constant 0 : i32
    %dma_wait3A_390 = tpu.memref_slice %arg4[%arg1, %dma_wait3A_382, %dma_wait3A_388, %dma_wait3A_389] : memref<16x4x56x512xf32, #tpu.memory_space<vmem_shared>> -> memref<1x1x56x512xf32, #tpu.memory_space<vmem_shared>>
    %dma_wait3A_391 = tpu.memref_squeeze %dma_wait3A_390 : memref<1x1x56x512xf32, #tpu.memory_space<vmem_shared>> -> memref<56x512xf32, #tpu.memory_space<vmem_shared>>
    tpu.wait_dma2 semaphore(%dma_wait3A_385 : memref<!tpu.dma_semaphore, #tpu.memory_space<semaphore_mem>>) src(%dma_wait3A_391 : memref<56x512xf32, #tpu.memory_space<vmem_shared>>) dst(%dma_wait3A_387 : memref<56x512xf32, #tpu.memory_space<hbm>>)
    %add3A_392 = arith.constant 560 : i32
    %add3A_393 = arith.addi %multiple_of3A, %add3A_392 : i32
    %dma_start3A_394 = arith.constant 2 : i32
    %dma_start3A_395 = arith.constant 2 : i32
    %dma_start3A_396 = tpu.memref_slice %arg5[%dma_start3A_395] : memref<8x!tpu.dma_semaphore, #tpu.memory_space<semaphore_mem>> -> memref<1x!tpu.dma_semaphore, #tpu.memory_space<semaphore_mem>>
    %dma_start3A_397 = tpu.memref_squeeze %dma_start3A_396 : memref<1x!tpu.dma_semaphore, #tpu.memory_space<semaphore_mem>> -> memref<!tpu.dma_semaphore, #tpu.memory_space<semaphore_mem>>
    %dma_start3A_398 = arith.constant 0 : i32
    %dma_start3A_399 = arith.constant 0 : i32
    %dma_start3A_400 = tpu.memref_slice %arg4[%arg1, %dma_start3A_394, %dma_start3A_398, %dma_start3A_399] : memref<16x4x56x512xf32, #tpu.memory_space<vmem_shared>> -> memref<1x1x56x512xf32, #tpu.memory_space<vmem_shared>>
    %dma_start3A_401 = tpu.memref_squeeze %dma_start3A_400 : memref<1x1x56x512xf32, #tpu.memory_space<vmem_shared>> -> memref<56x512xf32, #tpu.memory_space<vmem_shared>>
    %dma_start3A_402 = arith.constant 0 : i32
    %dma_start3A_403 = tpu.memref_slice %arg2[%add3A_393, %dma_start3A_402] : memref<77000x512xf32, #tpu.memory_space<hbm>> -> memref<56x512xf32, #tpu.memory_space<hbm>>
    tpu.enqueue_dma source(%dma_start3A_403 : memref<56x512xf32, #tpu.memory_space<hbm>>) target(%dma_start3A_401 : memref<56x512xf32, #tpu.memory_space<vmem_shared>>) target_semaphore(%dma_start3A_397 : memref<!tpu.dma_semaphore, #tpu.memory_space<semaphore_mem>>)
    %add3A_404 = arith.constant 392 : i32
    %add3A_405 = arith.addi %multiple_of3A, %add3A_404 : i32
    %dma_wait3A_406 = arith.constant 3 : i32
    %dma_wait3A_407 = arith.constant 3 : i32
    %dma_wait3A_408 = tpu.memref_slice %arg5[%dma_wait3A_407] : memref<8x!tpu.dma_semaphore, #tpu.memory_space<semaphore_mem>> -> memref<1x!tpu.dma_semaphore, #tpu.memory_space<semaphore_mem>>
    %dma_wait3A_409 = tpu.memref_squeeze %dma_wait3A_408 : memref<1x!tpu.dma_semaphore, #tpu.memory_space<semaphore_mem>> -> memref<!tpu.dma_semaphore, #tpu.memory_space<semaphore_mem>>
    %dma_wait3A_410 = arith.constant 0 : i32
    %dma_wait3A_411 = arith.constant 0 : i32
    %dma_wait3A_412 = tpu.memref_slice %arg4[%arg1, %dma_wait3A_406, %dma_wait3A_410, %dma_wait3A_411] : memref<16x4x56x512xf32, #tpu.memory_space<vmem_shared>> -> memref<1x1x56x512xf32, #tpu.memory_space<vmem_shared>>
    %dma_wait3A_413 = tpu.memref_squeeze %dma_wait3A_412 : memref<1x1x56x512xf32, #tpu.memory_space<vmem_shared>> -> memref<56x512xf32, #tpu.memory_space<vmem_shared>>
    %dma_wait3A_414 = arith.constant 0 : i32
    %dma_wait3A_415 = tpu.memref_slice %arg2[%add3A_405, %dma_wait3A_414] : memref<77000x512xf32, #tpu.memory_space<hbm>> -> memref<56x512xf32, #tpu.memory_space<hbm>>
    tpu.wait_dma2 semaphore(%dma_wait3A_409 : memref<!tpu.dma_semaphore, #tpu.memory_space<semaphore_mem>>) src(%dma_wait3A_415 : memref<56x512xf32, #tpu.memory_space<hbm>>) dst(%dma_wait3A_413 : memref<56x512xf32, #tpu.memory_space<vmem_shared>>)
    %add3A_416 = arith.constant 392 : i32
    %add3A_417 = arith.addi %multiple_of3A, %add3A_416 : i32
    %dma_start3A_418 = arith.constant 3 : i32
    %dma_start3A_419 = arith.constant 7 : i32
    %dma_start3A_420 = tpu.memref_slice %arg5[%dma_start3A_419] : memref<8x!tpu.dma_semaphore, #tpu.memory_space<semaphore_mem>> -> memref<1x!tpu.dma_semaphore, #tpu.memory_space<semaphore_mem>>
    %dma_start3A_421 = tpu.memref_squeeze %dma_start3A_420 : memref<1x!tpu.dma_semaphore, #tpu.memory_space<semaphore_mem>> -> memref<!tpu.dma_semaphore, #tpu.memory_space<semaphore_mem>>
    %dma_start3A_422 = arith.constant 0 : i32
    %dma_start3A_423 = tpu.memref_slice %arg3[%add3A_417, %dma_start3A_422] : memref<77000x512xf32, #tpu.memory_space<hbm>> -> memref<56x512xf32, #tpu.memory_space<hbm>>
    %dma_start3A_424 = arith.constant 0 : i32
    %dma_start3A_425 = arith.constant 0 : i32
    %dma_start3A_426 = tpu.memref_slice %arg4[%arg1, %dma_start3A_418, %dma_start3A_424, %dma_start3A_425] : memref<16x4x56x512xf32, #tpu.memory_space<vmem_shared>> -> memref<1x1x56x512xf32, #tpu.memory_space<vmem_shared>>
    %dma_start3A_427 = tpu.memref_squeeze %dma_start3A_426 : memref<1x1x56x512xf32, #tpu.memory_space<vmem_shared>> -> memref<56x512xf32, #tpu.memory_space<vmem_shared>>
    tpu.enqueue_dma source(%dma_start3A_427 : memref<56x512xf32, #tpu.memory_space<vmem_shared>>) target(%dma_start3A_423 : memref<56x512xf32, #tpu.memory_space<hbm>>) target_semaphore(%dma_start3A_421 : memref<!tpu.dma_semaphore, #tpu.memory_space<semaphore_mem>>)
    %add3A_428 = arith.constant 392 : i32
    %add3A_429 = arith.addi %multiple_of3A, %add3A_428 : i32
    %dma_wait3A_430 = arith.constant 3 : i32
    %dma_wait3A_431 = arith.constant 7 : i32
    %dma_wait3A_432 = tpu.memref_slice %arg5[%dma_wait3A_431] : memref<8x!tpu.dma_semaphore, #tpu.memory_space<semaphore_mem>> -> memref<1x!tpu.dma_semaphore, #tpu.memory_space<semaphore_mem>>
    %dma_wait3A_433 = tpu.memref_squeeze %dma_wait3A_432 : memref<1x!tpu.dma_semaphore, #tpu.memory_space<semaphore_mem>> -> memref<!tpu.dma_semaphore, #tpu.memory_space<semaphore_mem>>
    %dma_wait3A_434 = arith.constant 0 : i32
    %dma_wait3A_435 = tpu.memref_slice %arg3[%add3A_429, %dma_wait3A_434] : memref<77000x512xf32, #tpu.memory_space<hbm>> -> memref<56x512xf32, #tpu.memory_space<hbm>>
    %dma_wait3A_436 = arith.constant 0 : i32
    %dma_wait3A_437 = arith.constant 0 : i32
    %dma_wait3A_438 = tpu.memref_slice %arg4[%arg1, %dma_wait3A_430, %dma_wait3A_436, %dma_wait3A_437] : memref<16x4x56x512xf32, #tpu.memory_space<vmem_shared>> -> memref<1x1x56x512xf32, #tpu.memory_space<vmem_shared>>
    %dma_wait3A_439 = tpu.memref_squeeze %dma_wait3A_438 : memref<1x1x56x512xf32, #tpu.memory_space<vmem_shared>> -> memref<56x512xf32, #tpu.memory_space<vmem_shared>>
    tpu.wait_dma2 semaphore(%dma_wait3A_433 : memref<!tpu.dma_semaphore, #tpu.memory_space<semaphore_mem>>) src(%dma_wait3A_439 : memref<56x512xf32, #tpu.memory_space<vmem_shared>>) dst(%dma_wait3A_435 : memref<56x512xf32, #tpu.memory_space<hbm>>)
    %add3A_440 = arith.constant 616 : i32
    %add3A_441 = arith.addi %multiple_of3A, %add3A_440 : i32
    %dma_start3A_442 = arith.constant 3 : i32
    %dma_start3A_443 = arith.constant 3 : i32
    %dma_start3A_444 = tpu.memref_slice %arg5[%dma_start3A_443] : memref<8x!tpu.dma_semaphore, #tpu.memory_space<semaphore_mem>> -> memref<1x!tpu.dma_semaphore, #tpu.memory_space<semaphore_mem>>
    %dma_start3A_445 = tpu.memref_squeeze %dma_start3A_444 : memref<1x!tpu.dma_semaphore, #tpu.memory_space<semaphore_mem>> -> memref<!tpu.dma_semaphore, #tpu.memory_space<semaphore_mem>>
    %dma_start3A_446 = arith.constant 0 : i32
    %dma_start3A_447 = arith.constant 0 : i32
    %dma_start3A_448 = tpu.memref_slice %arg4[%arg1, %dma_start3A_442, %dma_start3A_446, %dma_start3A_447] : memref<16x4x56x512xf32, #tpu.memory_space<vmem_shared>> -> memref<1x1x56x512xf32, #tpu.memory_space<vmem_shared>>
    %dma_start3A_449 = tpu.memref_squeeze %dma_start3A_448 : memref<1x1x56x512xf32, #tpu.memory_space<vmem_shared>> -> memref<56x512xf32, #tpu.memory_space<vmem_shared>>
    %dma_start3A_450 = arith.constant 0 : i32
    %dma_start3A_451 = tpu.memref_slice %arg2[%add3A_441, %dma_start3A_450] : memref<77000x512xf32, #tpu.memory_space<hbm>> -> memref<56x512xf32, #tpu.memory_space<hbm>>
    tpu.enqueue_dma source(%dma_start3A_451 : memref<56x512xf32, #tpu.memory_space<hbm>>) target(%dma_start3A_449 : memref<56x512xf32, #tpu.memory_space<vmem_shared>>) target_semaphore(%dma_start3A_445 : memref<!tpu.dma_semaphore, #tpu.memory_space<semaphore_mem>>)
    %add3A_452 = arith.constant 448 : i32
    %add3A_453 = arith.addi %multiple_of3A, %add3A_452 : i32
    %dma_wait3A_454 = arith.constant 0 : i32
    %dma_wait3A_455 = arith.constant 0 : i32
    %dma_wait3A_456 = tpu.memref_slice %arg5[%dma_wait3A_455] : memref<8x!tpu.dma_semaphore, #tpu.memory_space<semaphore_mem>> -> memref<1x!tpu.dma_semaphore, #tpu.memory_space<semaphore_mem>>
    %dma_wait3A_457 = tpu.memref_squeeze %dma_wait3A_456 : memref<1x!tpu.dma_semaphore, #tpu.memory_space<semaphore_mem>> -> memref<!tpu.dma_semaphore, #tpu.memory_space<semaphore_mem>>
    %dma_wait3A_458 = arith.constant 0 : i32
    %dma_wait3A_459 = arith.constant 0 : i32
    %dma_wait3A_460 = tpu.memref_slice %arg4[%arg1, %dma_wait3A_454, %dma_wait3A_458, %dma_wait3A_459] : memref<16x4x56x512xf32, #tpu.memory_space<vmem_shared>> -> memref<1x1x56x512xf32, #tpu.memory_space<vmem_shared>>
    %dma_wait3A_461 = tpu.memref_squeeze %dma_wait3A_460 : memref<1x1x56x512xf32, #tpu.memory_space<vmem_shared>> -> memref<56x512xf32, #tpu.memory_space<vmem_shared>>
    %dma_wait3A_462 = arith.constant 0 : i32
    %dma_wait3A_463 = tpu.memref_slice %arg2[%add3A_453, %dma_wait3A_462] : memref<77000x512xf32, #tpu.memory_space<hbm>> -> memref<56x512xf32, #tpu.memory_space<hbm>>
    tpu.wait_dma2 semaphore(%dma_wait3A_457 : memref<!tpu.dma_semaphore, #tpu.memory_space<semaphore_mem>>) src(%dma_wait3A_463 : memref<56x512xf32, #tpu.memory_space<hbm>>) dst(%dma_wait3A_461 : memref<56x512xf32, #tpu.memory_space<vmem_shared>>)
    %add3A_464 = arith.constant 448 : i32
    %add3A_465 = arith.addi %multiple_of3A, %add3A_464 : i32
    %dma_start3A_466 = arith.constant 0 : i32
    %dma_start3A_467 = arith.constant 4 : i32
    %dma_start3A_468 = tpu.memref_slice %arg5[%dma_start3A_467] : memref<8x!tpu.dma_semaphore, #tpu.memory_space<semaphore_mem>> -> memref<1x!tpu.dma_semaphore, #tpu.memory_space<semaphore_mem>>
    %dma_start3A_469 = tpu.memref_squeeze %dma_start3A_468 : memref<1x!tpu.dma_semaphore, #tpu.memory_space<semaphore_mem>> -> memref<!tpu.dma_semaphore, #tpu.memory_space<semaphore_mem>>
    %dma_start3A_470 = arith.constant 0 : i32
    %dma_start3A_471 = tpu.memref_slice %arg3[%add3A_465, %dma_start3A_470] : memref<77000x512xf32, #tpu.memory_space<hbm>> -> memref<56x512xf32, #tpu.memory_space<hbm>>
    %dma_start3A_472 = arith.constant 0 : i32
    %dma_start3A_473 = arith.constant 0 : i32
    %dma_start3A_474 = tpu.memref_slice %arg4[%arg1, %dma_start3A_466, %dma_start3A_472, %dma_start3A_473] : memref<16x4x56x512xf32, #tpu.memory_space<vmem_shared>> -> memref<1x1x56x512xf32, #tpu.memory_space<vmem_shared>>
    %dma_start3A_475 = tpu.memref_squeeze %dma_start3A_474 : memref<1x1x56x512xf32, #tpu.memory_space<vmem_shared>> -> memref<56x512xf32, #tpu.memory_space<vmem_shared>>
    tpu.enqueue_dma source(%dma_start3A_475 : memref<56x512xf32, #tpu.memory_space<vmem_shared>>) target(%dma_start3A_471 : memref<56x512xf32, #tpu.memory_space<hbm>>) target_semaphore(%dma_start3A_469 : memref<!tpu.dma_semaphore, #tpu.memory_space<semaphore_mem>>)
    %add3A_476 = arith.constant 448 : i32
    %add3A_477 = arith.addi %multiple_of3A, %add3A_476 : i32
    %dma_wait3A_478 = arith.constant 0 : i32
    %dma_wait3A_479 = arith.constant 4 : i32
    %dma_wait3A_480 = tpu.memref_slice %arg5[%dma_wait3A_479] : memref<8x!tpu.dma_semaphore, #tpu.memory_space<semaphore_mem>> -> memref<1x!tpu.dma_semaphore, #tpu.memory_space<semaphore_mem>>
    %dma_wait3A_481 = tpu.memref_squeeze %dma_wait3A_480 : memref<1x!tpu.dma_semaphore, #tpu.memory_space<semaphore_mem>> -> memref<!tpu.dma_semaphore, #tpu.memory_space<semaphore_mem>>
    %dma_wait3A_482 = arith.constant 0 : i32
    %dma_wait3A_483 = tpu.memref_slice %arg3[%add3A_477, %dma_wait3A_482] : memref<77000x512xf32, #tpu.memory_space<hbm>> -> memref<56x512xf32, #tpu.memory_space<hbm>>
    %dma_wait3A_484 = arith.constant 0 : i32
    %dma_wait3A_485 = arith.constant 0 : i32
    %dma_wait3A_486 = tpu.memref_slice %arg4[%arg1, %dma_wait3A_478, %dma_wait3A_484, %dma_wait3A_485] : memref<16x4x56x512xf32, #tpu.memory_space<vmem_shared>> -> memref<1x1x56x512xf32, #tpu.memory_space<vmem_shared>>
    %dma_wait3A_487 = tpu.memref_squeeze %dma_wait3A_486 : memref<1x1x56x512xf32, #tpu.memory_space<vmem_shared>> -> memref<56x512xf32, #tpu.memory_space<vmem_shared>>
    tpu.wait_dma2 semaphore(%dma_wait3A_481 : memref<!tpu.dma_semaphore, #tpu.memory_space<semaphore_mem>>) src(%dma_wait3A_487 : memref<56x512xf32, #tpu.memory_space<vmem_shared>>) dst(%dma_wait3A_483 : memref<56x512xf32, #tpu.memory_space<hbm>>)
    %add3A_488 = arith.constant 672 : i32
    %add3A_489 = arith.addi %multiple_of3A, %add3A_488 : i32
    %dma_start3A_490 = arith.constant 0 : i32
    %dma_start3A_491 = arith.constant 0 : i32
    %dma_start3A_492 = tpu.memref_slice %arg5[%dma_start3A_491] : memref<8x!tpu.dma_semaphore, #tpu.memory_space<semaphore_mem>> -> memref<1x!tpu.dma_semaphore, #tpu.memory_space<semaphore_mem>>
    %dma_start3A_493 = tpu.memref_squeeze %dma_start3A_492 : memref<1x!tpu.dma_semaphore, #tpu.memory_space<semaphore_mem>> -> memref<!tpu.dma_semaphore, #tpu.memory_space<semaphore_mem>>
    %dma_start3A_494 = arith.constant 0 : i32
    %dma_start3A_495 = arith.constant 0 : i32
    %dma_start3A_496 = tpu.memref_slice %arg4[%arg1, %dma_start3A_490, %dma_start3A_494, %dma_start3A_495] : memref<16x4x56x512xf32, #tpu.memory_space<vmem_shared>> -> memref<1x1x56x512xf32, #tpu.memory_space<vmem_shared>>
    %dma_start3A_497 = tpu.memref_squeeze %dma_start3A_496 : memref<1x1x56x512xf32, #tpu.memory_space<vmem_shared>> -> memref<56x512xf32, #tpu.memory_space<vmem_shared>>
    %dma_start3A_498 = arith.constant 0 : i32
    %dma_start3A_499 = tpu.memref_slice %arg2[%add3A_489, %dma_start3A_498] : memref<77000x512xf32, #tpu.memory_space<hbm>> -> memref<56x512xf32, #tpu.memory_space<hbm>>
    tpu.enqueue_dma source(%dma_start3A_499 : memref<56x512xf32, #tpu.memory_space<hbm>>) target(%dma_start3A_497 : memref<56x512xf32, #tpu.memory_space<vmem_shared>>) target_semaphore(%dma_start3A_493 : memref<!tpu.dma_semaphore, #tpu.memory_space<semaphore_mem>>)
    %add3A_500 = arith.constant 504 : i32
    %add3A_501 = arith.addi %multiple_of3A, %add3A_500 : i32
    %dma_wait3A_502 = arith.constant 1 : i32
    %dma_wait3A_503 = arith.constant 1 : i32
    %dma_wait3A_504 = tpu.memref_slice %arg5[%dma_wait3A_503] : memref<8x!tpu.dma_semaphore, #tpu.memory_space<semaphore_mem>> -> memref<1x!tpu.dma_semaphore, #tpu.memory_space<semaphore_mem>>
    %dma_wait3A_505 = tpu.memref_squeeze %dma_wait3A_504 : memref<1x!tpu.dma_semaphore, #tpu.memory_space<semaphore_mem>> -> memref<!tpu.dma_semaphore, #tpu.memory_space<semaphore_mem>>
    %dma_wait3A_506 = arith.constant 0 : i32
    %dma_wait3A_507 = arith.constant 0 : i32
    %dma_wait3A_508 = tpu.memref_slice %arg4[%arg1, %dma_wait3A_502, %dma_wait3A_506, %dma_wait3A_507] : memref<16x4x56x512xf32, #tpu.memory_space<vmem_shared>> -> memref<1x1x56x512xf32, #tpu.memory_space<vmem_shared>>
    %dma_wait3A_509 = tpu.memref_squeeze %dma_wait3A_508 : memref<1x1x56x512xf32, #tpu.memory_space<vmem_shared>> -> memref<56x512xf32, #tpu.memory_space<vmem_shared>>
    %dma_wait3A_510 = arith.constant 0 : i32
    %dma_wait3A_511 = tpu.memref_slice %arg2[%add3A_501, %dma_wait3A_510] : memref<77000x512xf32, #tpu.memory_space<hbm>> -> memref<56x512xf32, #tpu.memory_space<hbm>>
    tpu.wait_dma2 semaphore(%dma_wait3A_505 : memref<!tpu.dma_semaphore, #tpu.memory_space<semaphore_mem>>) src(%dma_wait3A_511 : memref<56x512xf32, #tpu.memory_space<hbm>>) dst(%dma_wait3A_509 : memref<56x512xf32, #tpu.memory_space<vmem_shared>>)
    %add3A_512 = arith.constant 504 : i32
    %add3A_513 = arith.addi %multiple_of3A, %add3A_512 : i32
    %dma_start3A_514 = arith.constant 1 : i32
    %dma_start3A_515 = arith.constant 5 : i32
    %dma_start3A_516 = tpu.memref_slice %arg5[%dma_start3A_515] : memref<8x!tpu.dma_semaphore, #tpu.memory_space<semaphore_mem>> -> memref<1x!tpu.dma_semaphore, #tpu.memory_space<semaphore_mem>>
    %dma_start3A_517 = tpu.memref_squeeze %dma_start3A_516 : memref<1x!tpu.dma_semaphore, #tpu.memory_space<semaphore_mem>> -> memref<!tpu.dma_semaphore, #tpu.memory_space<semaphore_mem>>
    %dma_start3A_518 = arith.constant 0 : i32
    %dma_start3A_519 = tpu.memref_slice %arg3[%add3A_513, %dma_start3A_518] : memref<77000x512xf32, #tpu.memory_space<hbm>> -> memref<56x512xf32, #tpu.memory_space<hbm>>
    %dma_start3A_520 = arith.constant 0 : i32
    %dma_start3A_521 = arith.constant 0 : i32
    %dma_start3A_522 = tpu.memref_slice %arg4[%arg1, %dma_start3A_514, %dma_start3A_520, %dma_start3A_521] : memref<16x4x56x512xf32, #tpu.memory_space<vmem_shared>> -> memref<1x1x56x512xf32, #tpu.memory_space<vmem_shared>>
    %dma_start3A_523 = tpu.memref_squeeze %dma_start3A_522 : memref<1x1x56x512xf32, #tpu.memory_space<vmem_shared>> -> memref<56x512xf32, #tpu.memory_space<vmem_shared>>
    tpu.enqueue_dma source(%dma_start3A_523 : memref<56x512xf32, #tpu.memory_space<vmem_shared>>) target(%dma_start3A_519 : memref<56x512xf32, #tpu.memory_space<hbm>>) target_semaphore(%dma_start3A_517 : memref<!tpu.dma_semaphore, #tpu.memory_space<semaphore_mem>>)
    %add3A_524 = arith.constant 504 : i32
    %add3A_525 = arith.addi %multiple_of3A, %add3A_524 : i32
    %dma_wait3A_526 = arith.constant 1 : i32
    %dma_wait3A_527 = arith.constant 5 : i32
    %dma_wait3A_528 = tpu.memref_slice %arg5[%dma_wait3A_527] : memref<8x!tpu.dma_semaphore, #tpu.memory_space<semaphore_mem>> -> memref<1x!tpu.dma_semaphore, #tpu.memory_space<semaphore_mem>>
    %dma_wait3A_529 = tpu.memref_squeeze %dma_wait3A_528 : memref<1x!tpu.dma_semaphore, #tpu.memory_space<semaphore_mem>> -> memref<!tpu.dma_semaphore, #tpu.memory_space<semaphore_mem>>
    %dma_wait3A_530 = arith.constant 0 : i32
    %dma_wait3A_531 = tpu.memref_slice %arg3[%add3A_525, %dma_wait3A_530] : memref<77000x512xf32, #tpu.memory_space<hbm>> -> memref<56x512xf32, #tpu.memory_space<hbm>>
    %dma_wait3A_532 = arith.constant 0 : i32
    %dma_wait3A_533 = arith.constant 0 : i32
    %dma_wait3A_534 = tpu.memref_slice %arg4[%arg1, %dma_wait3A_526, %dma_wait3A_532, %dma_wait3A_533] : memref<16x4x56x512xf32, #tpu.memory_space<vmem_shared>> -> memref<1x1x56x512xf32, #tpu.memory_space<vmem_shared>>
    %dma_wait3A_535 = tpu.memref_squeeze %dma_wait3A_534 : memref<1x1x56x512xf32, #tpu.memory_space<vmem_shared>> -> memref<56x512xf32, #tpu.memory_space<vmem_shared>>
    tpu.wait_dma2 semaphore(%dma_wait3A_529 : memref<!tpu.dma_semaphore, #tpu.memory_space<semaphore_mem>>) src(%dma_wait3A_535 : memref<56x512xf32, #tpu.memory_space<vmem_shared>>) dst(%dma_wait3A_531 : memref<56x512xf32, #tpu.memory_space<hbm>>)
    %add3A_536 = arith.constant 728 : i32
    %add3A_537 = arith.addi %multiple_of3A, %add3A_536 : i32
    %dma_start3A_538 = arith.constant 1 : i32
    %dma_start3A_539 = arith.constant 1 : i32
    %dma_start3A_540 = tpu.memref_slice %arg5[%dma_start3A_539] : memref<8x!tpu.dma_semaphore, #tpu.memory_space<semaphore_mem>> -> memref<1x!tpu.dma_semaphore, #tpu.memory_space<semaphore_mem>>
    %dma_start3A_541 = tpu.memref_squeeze %dma_start3A_540 : memref<1x!tpu.dma_semaphore, #tpu.memory_space<semaphore_mem>> -> memref<!tpu.dma_semaphore, #tpu.memory_space<semaphore_mem>>
    %dma_start3A_542 = arith.constant 0 : i32
    %dma_start3A_543 = arith.constant 0 : i32
    %dma_start3A_544 = tpu.memref_slice %arg4[%arg1, %dma_start3A_538, %dma_start3A_542, %dma_start3A_543] : memref<16x4x56x512xf32, #tpu.memory_space<vmem_shared>> -> memref<1x1x56x512xf32, #tpu.memory_space<vmem_shared>>
    %dma_start3A_545 = tpu.memref_squeeze %dma_start3A_544 : memref<1x1x56x512xf32, #tpu.memory_space<vmem_shared>> -> memref<56x512xf32, #tpu.memory_space<vmem_shared>>
    %dma_start3A_546 = arith.constant 0 : i32
    %dma_start3A_547 = tpu.memref_slice %arg2[%add3A_537, %dma_start3A_546] : memref<77000x512xf32, #tpu.memory_space<hbm>> -> memref<56x512xf32, #tpu.memory_space<hbm>>
    tpu.enqueue_dma source(%dma_start3A_547 : memref<56x512xf32, #tpu.memory_space<hbm>>) target(%dma_start3A_545 : memref<56x512xf32, #tpu.memory_space<vmem_shared>>) target_semaphore(%dma_start3A_541 : memref<!tpu.dma_semaphore, #tpu.memory_space<semaphore_mem>>)
    %add3A_548 = arith.constant 560 : i32
    %add3A_549 = arith.addi %multiple_of3A, %add3A_548 : i32
    %dma_wait3A_550 = arith.constant 2 : i32
    %dma_wait3A_551 = arith.constant 2 : i32
    %dma_wait3A_552 = tpu.memref_slice %arg5[%dma_wait3A_551] : memref<8x!tpu.dma_semaphore, #tpu.memory_space<semaphore_mem>> -> memref<1x!tpu.dma_semaphore, #tpu.memory_space<semaphore_mem>>
    %dma_wait3A_553 = tpu.memref_squeeze %dma_wait3A_552 : memref<1x!tpu.dma_semaphore, #tpu.memory_space<semaphore_mem>> -> memref<!tpu.dma_semaphore, #tpu.memory_space<semaphore_mem>>
    %dma_wait3A_554 = arith.constant 0 : i32
    %dma_wait3A_555 = arith.constant 0 : i32
    %dma_wait3A_556 = tpu.memref_slice %arg4[%arg1, %dma_wait3A_550, %dma_wait3A_554, %dma_wait3A_555] : memref<16x4x56x512xf32, #tpu.memory_space<vmem_shared>> -> memref<1x1x56x512xf32, #tpu.memory_space<vmem_shared>>
    %dma_wait3A_557 = tpu.memref_squeeze %dma_wait3A_556 : memref<1x1x56x512xf32, #tpu.memory_space<vmem_shared>> -> memref<56x512xf32, #tpu.memory_space<vmem_shared>>
    %dma_wait3A_558 = arith.constant 0 : i32
    %dma_wait3A_559 = tpu.memref_slice %arg2[%add3A_549, %dma_wait3A_558] : memref<77000x512xf32, #tpu.memory_space<hbm>> -> memref<56x512xf32, #tpu.memory_space<hbm>>
    tpu.wait_dma2 semaphore(%dma_wait3A_553 : memref<!tpu.dma_semaphore, #tpu.memory_space<semaphore_mem>>) src(%dma_wait3A_559 : memref<56x512xf32, #tpu.memory_space<hbm>>) dst(%dma_wait3A_557 : memref<56x512xf32, #tpu.memory_space<vmem_shared>>)
    %add3A_560 = arith.constant 560 : i32
    %add3A_561 = arith.addi %multiple_of3A, %add3A_560 : i32
    %dma_start3A_562 = arith.constant 2 : i32
    %dma_start3A_563 = arith.constant 6 : i32
    %dma_start3A_564 = tpu.memref_slice %arg5[%dma_start3A_563] : memref<8x!tpu.dma_semaphore, #tpu.memory_space<semaphore_mem>> -> memref<1x!tpu.dma_semaphore, #tpu.memory_space<semaphore_mem>>
    %dma_start3A_565 = tpu.memref_squeeze %dma_start3A_564 : memref<1x!tpu.dma_semaphore, #tpu.memory_space<semaphore_mem>> -> memref<!tpu.dma_semaphore, #tpu.memory_space<semaphore_mem>>
    %dma_start3A_566 = arith.constant 0 : i32
    %dma_start3A_567 = tpu.memref_slice %arg3[%add3A_561, %dma_start3A_566] : memref<77000x512xf32, #tpu.memory_space<hbm>> -> memref<56x512xf32, #tpu.memory_space<hbm>>
    %dma_start3A_568 = arith.constant 0 : i32
    %dma_start3A_569 = arith.constant 0 : i32
    %dma_start3A_570 = tpu.memref_slice %arg4[%arg1, %dma_start3A_562, %dma_start3A_568, %dma_start3A_569] : memref<16x4x56x512xf32, #tpu.memory_space<vmem_shared>> -> memref<1x1x56x512xf32, #tpu.memory_space<vmem_shared>>
    %dma_start3A_571 = tpu.memref_squeeze %dma_start3A_570 : memref<1x1x56x512xf32, #tpu.memory_space<vmem_shared>> -> memref<56x512xf32, #tpu.memory_space<vmem_shared>>
    tpu.enqueue_dma source(%dma_start3A_571 : memref<56x512xf32, #tpu.memory_space<vmem_shared>>) target(%dma_start3A_567 : memref<56x512xf32, #tpu.memory_space<hbm>>) target_semaphore(%dma_start3A_565 : memref<!tpu.dma_semaphore, #tpu.memory_space<semaphore_mem>>)
    %add3A_572 = arith.constant 560 : i32
    %add3A_573 = arith.addi %multiple_of3A, %add3A_572 : i32
    %dma_wait3A_574 = arith.constant 2 : i32
    %dma_wait3A_575 = arith.constant 6 : i32
    %dma_wait3A_576 = tpu.memref_slice %arg5[%dma_wait3A_575] : memref<8x!tpu.dma_semaphore, #tpu.memory_space<semaphore_mem>> -> memref<1x!tpu.dma_semaphore, #tpu.memory_space<semaphore_mem>>
    %dma_wait3A_577 = tpu.memref_squeeze %dma_wait3A_576 : memref<1x!tpu.dma_semaphore, #tpu.memory_space<semaphore_mem>> -> memref<!tpu.dma_semaphore, #tpu.memory_space<semaphore_mem>>
    %dma_wait3A_578 = arith.constant 0 : i32
    %dma_wait3A_579 = tpu.memref_slice %arg3[%add3A_573, %dma_wait3A_578] : memref<77000x512xf32, #tpu.memory_space<hbm>> -> memref<56x512xf32, #tpu.memory_space<hbm>>
    %dma_wait3A_580 = arith.constant 0 : i32
    %dma_wait3A_581 = arith.constant 0 : i32
    %dma_wait3A_582 = tpu.memref_slice %arg4[%arg1, %dma_wait3A_574, %dma_wait3A_580, %dma_wait3A_581] : memref<16x4x56x512xf32, #tpu.memory_space<vmem_shared>> -> memref<1x1x56x512xf32, #tpu.memory_space<vmem_shared>>
    %dma_wait3A_583 = tpu.memref_squeeze %dma_wait3A_582 : memref<1x1x56x512xf32, #tpu.memory_space<vmem_shared>> -> memref<56x512xf32, #tpu.memory_space<vmem_shared>>
    tpu.wait_dma2 semaphore(%dma_wait3A_577 : memref<!tpu.dma_semaphore, #tpu.memory_space<semaphore_mem>>) src(%dma_wait3A_583 : memref<56x512xf32, #tpu.memory_space<vmem_shared>>) dst(%dma_wait3A_579 : memref<56x512xf32, #tpu.memory_space<hbm>>)
    %add3A_584 = arith.constant 784 : i32
    %add3A_585 = arith.addi %multiple_of3A, %add3A_584 : i32
    %dma_start3A_586 = arith.constant 2 : i32
    %dma_start3A_587 = arith.constant 2 : i32
    %dma_start3A_588 = tpu.memref_slice %arg5[%dma_start3A_587] : memref<8x!tpu.dma_semaphore, #tpu.memory_space<semaphore_mem>> -> memref<1x!tpu.dma_semaphore, #tpu.memory_space<semaphore_mem>>
    %dma_start3A_589 = tpu.memref_squeeze %dma_start3A_588 : memref<1x!tpu.dma_semaphore, #tpu.memory_space<semaphore_mem>> -> memref<!tpu.dma_semaphore, #tpu.memory_space<semaphore_mem>>
    %dma_start3A_590 = arith.constant 0 : i32
    %dma_start3A_591 = arith.constant 0 : i32
    %dma_start3A_592 = tpu.memref_slice %arg4[%arg1, %dma_start3A_586, %dma_start3A_590, %dma_start3A_591] : memref<16x4x56x512xf32, #tpu.memory_space<vmem_shared>> -> memref<1x1x56x512xf32, #tpu.memory_space<vmem_shared>>
    %dma_start3A_593 = tpu.memref_squeeze %dma_start3A_592 : memref<1x1x56x512xf32, #tpu.memory_space<vmem_shared>> -> memref<56x512xf32, #tpu.memory_space<vmem_shared>>
    %dma_start3A_594 = arith.constant 0 : i32
    %dma_start3A_595 = tpu.memref_slice %arg2[%add3A_585, %dma_start3A_594] : memref<77000x512xf32, #tpu.memory_space<hbm>> -> memref<56x512xf32, #tpu.memory_space<hbm>>
    tpu.enqueue_dma source(%dma_start3A_595 : memref<56x512xf32, #tpu.memory_space<hbm>>) target(%dma_start3A_593 : memref<56x512xf32, #tpu.memory_space<vmem_shared>>) target_semaphore(%dma_start3A_589 : memref<!tpu.dma_semaphore, #tpu.memory_space<semaphore_mem>>)
    %add3A_596 = arith.constant 616 : i32
    %add3A_597 = arith.addi %multiple_of3A, %add3A_596 : i32
    %dma_wait3A_598 = arith.constant 3 : i32
    %dma_wait3A_599 = arith.constant 3 : i32
    %dma_wait3A_600 = tpu.memref_slice %arg5[%dma_wait3A_599] : memref<8x!tpu.dma_semaphore, #tpu.memory_space<semaphore_mem>> -> memref<1x!tpu.dma_semaphore, #tpu.memory_space<semaphore_mem>>
    %dma_wait3A_601 = tpu.memref_squeeze %dma_wait3A_600 : memref<1x!tpu.dma_semaphore, #tpu.memory_space<semaphore_mem>> -> memref<!tpu.dma_semaphore, #tpu.memory_space<semaphore_mem>>
    %dma_wait3A_602 = arith.constant 0 : i32
    %dma_wait3A_603 = arith.constant 0 : i32
    %dma_wait3A_604 = tpu.memref_slice %arg4[%arg1, %dma_wait3A_598, %dma_wait3A_602, %dma_wait3A_603] : memref<16x4x56x512xf32, #tpu.memory_space<vmem_shared>> -> memref<1x1x56x512xf32, #tpu.memory_space<vmem_shared>>
    %dma_wait3A_605 = tpu.memref_squeeze %dma_wait3A_604 : memref<1x1x56x512xf32, #tpu.memory_space<vmem_shared>> -> memref<56x512xf32, #tpu.memory_space<vmem_shared>>
    %dma_wait3A_606 = arith.constant 0 : i32
    %dma_wait3A_607 = tpu.memref_slice %arg2[%add3A_597, %dma_wait3A_606] : memref<77000x512xf32, #tpu.memory_space<hbm>> -> memref<56x512xf32, #tpu.memory_space<hbm>>
    tpu.wait_dma2 semaphore(%dma_wait3A_601 : memref<!tpu.dma_semaphore, #tpu.memory_space<semaphore_mem>>) src(%dma_wait3A_607 : memref<56x512xf32, #tpu.memory_space<hbm>>) dst(%dma_wait3A_605 : memref<56x512xf32, #tpu.memory_space<vmem_shared>>)
    %add3A_608 = arith.constant 616 : i32
    %add3A_609 = arith.addi %multiple_of3A, %add3A_608 : i32
    %dma_start3A_610 = arith.constant 3 : i32
    %dma_start3A_611 = arith.constant 7 : i32
    %dma_start3A_612 = tpu.memref_slice %arg5[%dma_start3A_611] : memref<8x!tpu.dma_semaphore, #tpu.memory_space<semaphore_mem>> -> memref<1x!tpu.dma_semaphore, #tpu.memory_space<semaphore_mem>>
    %dma_start3A_613 = tpu.memref_squeeze %dma_start3A_612 : memref<1x!tpu.dma_semaphore, #tpu.memory_space<semaphore_mem>> -> memref<!tpu.dma_semaphore, #tpu.memory_space<semaphore_mem>>
    %dma_start3A_614 = arith.constant 0 : i32
    %dma_start3A_615 = tpu.memref_slice %arg3[%add3A_609, %dma_start3A_614] : memref<77000x512xf32, #tpu.memory_space<hbm>> -> memref<56x512xf32, #tpu.memory_space<hbm>>
    %dma_start3A_616 = arith.constant 0 : i32
    %dma_start3A_617 = arith.constant 0 : i32
    %dma_start3A_618 = tpu.memref_slice %arg4[%arg1, %dma_start3A_610, %dma_start3A_616, %dma_start3A_617] : memref<16x4x56x512xf32, #tpu.memory_space<vmem_shared>> -> memref<1x1x56x512xf32, #tpu.memory_space<vmem_shared>>
    %dma_start3A_619 = tpu.memref_squeeze %dma_start3A_618 : memref<1x1x56x512xf32, #tpu.memory_space<vmem_shared>> -> memref<56x512xf32, #tpu.memory_space<vmem_shared>>
    tpu.enqueue_dma source(%dma_start3A_619 : memref<56x512xf32, #tpu.memory_space<vmem_shared>>) target(%dma_start3A_615 : memref<56x512xf32, #tpu.memory_space<hbm>>) target_semaphore(%dma_start3A_613 : memref<!tpu.dma_semaphore, #tpu.memory_space<semaphore_mem>>)
    %add3A_620 = arith.constant 616 : i32
    %add3A_621 = arith.addi %multiple_of3A, %add3A_620 : i32
    %dma_wait3A_622 = arith.constant 3 : i32
    %dma_wait3A_623 = arith.constant 7 : i32
    %dma_wait3A_624 = tpu.memref_slice %arg5[%dma_wait3A_623] : memref<8x!tpu.dma_semaphore, #tpu.memory_space<semaphore_mem>> -> memref<1x!tpu.dma_semaphore, #tpu.memory_space<semaphore_mem>>
    %dma_wait3A_625 = tpu.memref_squeeze %dma_wait3A_624 : memref<1x!tpu.dma_semaphore, #tpu.memory_space<semaphore_mem>> -> memref<!tpu.dma_semaphore, #tpu.memory_space<semaphore_mem>>
    %dma_wait3A_626 = arith.constant 0 : i32
    %dma_wait3A_627 = tpu.memref_slice %arg3[%add3A_621, %dma_wait3A_626] : memref<77000x512xf32, #tpu.memory_space<hbm>> -> memref<56x512xf32, #tpu.memory_space<hbm>>
    %dma_wait3A_628 = arith.constant 0 : i32
    %dma_wait3A_629 = arith.constant 0 : i32
    %dma_wait3A_630 = tpu.memref_slice %arg4[%arg1, %dma_wait3A_622, %dma_wait3A_628, %dma_wait3A_629] : memref<16x4x56x512xf32, #tpu.memory_space<vmem_shared>> -> memref<1x1x56x512xf32, #tpu.memory_space<vmem_shared>>
    %dma_wait3A_631 = tpu.memref_squeeze %dma_wait3A_630 : memref<1x1x56x512xf32, #tpu.memory_space<vmem_shared>> -> memref<56x512xf32, #tpu.memory_space<vmem_shared>>
    tpu.wait_dma2 semaphore(%dma_wait3A_625 : memref<!tpu.dma_semaphore, #tpu.memory_space<semaphore_mem>>) src(%dma_wait3A_631 : memref<56x512xf32, #tpu.memory_space<vmem_shared>>) dst(%dma_wait3A_627 : memref<56x512xf32, #tpu.memory_space<hbm>>)
    %add3A_632 = arith.constant 840 : i32
    %add3A_633 = arith.addi %multiple_of3A, %add3A_632 : i32
    %dma_start3A_634 = arith.constant 3 : i32
    %dma_start3A_635 = arith.constant 3 : i32
    %dma_start3A_636 = tpu.memref_slice %arg5[%dma_start3A_635] : memref<8x!tpu.dma_semaphore, #tpu.memory_space<semaphore_mem>> -> memref<1x!tpu.dma_semaphore, #tpu.memory_space<semaphore_mem>>
    %dma_start3A_637 = tpu.memref_squeeze %dma_start3A_636 : memref<1x!tpu.dma_semaphore, #tpu.memory_space<semaphore_mem>> -> memref<!tpu.dma_semaphore, #tpu.memory_space<semaphore_mem>>
    %dma_start3A_638 = arith.constant 0 : i32
    %dma_start3A_639 = arith.constant 0 : i32
    %dma_start3A_640 = tpu.memref_slice %arg4[%arg1, %dma_start3A_634, %dma_start3A_638, %dma_start3A_639] : memref<16x4x56x512xf32, #tpu.memory_space<vmem_shared>> -> memref<1x1x56x512xf32, #tpu.memory_space<vmem_shared>>
    %dma_start3A_641 = tpu.memref_squeeze %dma_start3A_640 : memref<1x1x56x512xf32, #tpu.memory_space<vmem_shared>> -> memref<56x512xf32, #tpu.memory_space<vmem_shared>>
    %dma_start3A_642 = arith.constant 0 : i32
    %dma_start3A_643 = tpu.memref_slice %arg2[%add3A_633, %dma_start3A_642] : memref<77000x512xf32, #tpu.memory_space<hbm>> -> memref<56x512xf32, #tpu.memory_space<hbm>>
    tpu.enqueue_dma source(%dma_start3A_643 : memref<56x512xf32, #tpu.memory_space<hbm>>) target(%dma_start3A_641 : memref<56x512xf32, #tpu.memory_space<vmem_shared>>) target_semaphore(%dma_start3A_637 : memref<!tpu.dma_semaphore, #tpu.memory_space<semaphore_mem>>)
    %add3A_644 = arith.constant 672 : i32
    %add3A_645 = arith.addi %multiple_of3A, %add3A_644 : i32
    %dma_wait3A_646 = arith.constant 0 : i32
    %dma_wait3A_647 = arith.constant 0 : i32
    %dma_wait3A_648 = tpu.memref_slice %arg5[%dma_wait3A_647] : memref<8x!tpu.dma_semaphore, #tpu.memory_space<semaphore_mem>> -> memref<1x!tpu.dma_semaphore, #tpu.memory_space<semaphore_mem>>
    %dma_wait3A_649 = tpu.memref_squeeze %dma_wait3A_648 : memref<1x!tpu.dma_semaphore, #tpu.memory_space<semaphore_mem>> -> memref<!tpu.dma_semaphore, #tpu.memory_space<semaphore_mem>>
    %dma_wait3A_650 = arith.constant 0 : i32
    %dma_wait3A_651 = arith.constant 0 : i32
    %dma_wait3A_652 = tpu.memref_slice %arg4[%arg1, %dma_wait3A_646, %dma_wait3A_650, %dma_wait3A_651] : memref<16x4x56x512xf32, #tpu.memory_space<vmem_shared>> -> memref<1x1x56x512xf32, #tpu.memory_space<vmem_shared>>
    %dma_wait3A_653 = tpu.memref_squeeze %dma_wait3A_652 : memref<1x1x56x512xf32, #tpu.memory_space<vmem_shared>> -> memref<56x512xf32, #tpu.memory_space<vmem_shared>>
    %dma_wait3A_654 = arith.constant 0 : i32
    %dma_wait3A_655 = tpu.memref_slice %arg2[%add3A_645, %dma_wait3A_654] : memref<77000x512xf32, #tpu.memory_space<hbm>> -> memref<56x512xf32, #tpu.memory_space<hbm>>
    tpu.wait_dma2 semaphore(%dma_wait3A_649 : memref<!tpu.dma_semaphore, #tpu.memory_space<semaphore_mem>>) src(%dma_wait3A_655 : memref<56x512xf32, #tpu.memory_space<hbm>>) dst(%dma_wait3A_653 : memref<56x512xf32, #tpu.memory_space<vmem_shared>>)
    %add3A_656 = arith.constant 672 : i32
    %add3A_657 = arith.addi %multiple_of3A, %add3A_656 : i32
    %dma_start3A_658 = arith.constant 0 : i32
    %dma_start3A_659 = arith.constant 4 : i32
    %dma_start3A_660 = tpu.memref_slice %arg5[%dma_start3A_659] : memref<8x!tpu.dma_semaphore, #tpu.memory_space<semaphore_mem>> -> memref<1x!tpu.dma_semaphore, #tpu.memory_space<semaphore_mem>>
    %dma_start3A_661 = tpu.memref_squeeze %dma_start3A_660 : memref<1x!tpu.dma_semaphore, #tpu.memory_space<semaphore_mem>> -> memref<!tpu.dma_semaphore, #tpu.memory_space<semaphore_mem>>
    %dma_start3A_662 = arith.constant 0 : i32
    %dma_start3A_663 = tpu.memref_slice %arg3[%add3A_657, %dma_start3A_662] : memref<77000x512xf32, #tpu.memory_space<hbm>> -> memref<56x512xf32, #tpu.memory_space<hbm>>
    %dma_start3A_664 = arith.constant 0 : i32
    %dma_start3A_665 = arith.constant 0 : i32
    %dma_start3A_666 = tpu.memref_slice %arg4[%arg1, %dma_start3A_658, %dma_start3A_664, %dma_start3A_665] : memref<16x4x56x512xf32, #tpu.memory_space<vmem_shared>> -> memref<1x1x56x512xf32, #tpu.memory_space<vmem_shared>>
    %dma_start3A_667 = tpu.memref_squeeze %dma_start3A_666 : memref<1x1x56x512xf32, #tpu.memory_space<vmem_shared>> -> memref<56x512xf32, #tpu.memory_space<vmem_shared>>
    tpu.enqueue_dma source(%dma_start3A_667 : memref<56x512xf32, #tpu.memory_space<vmem_shared>>) target(%dma_start3A_663 : memref<56x512xf32, #tpu.memory_space<hbm>>) target_semaphore(%dma_start3A_661 : memref<!tpu.dma_semaphore, #tpu.memory_space<semaphore_mem>>)
    %add3A_668 = arith.constant 672 : i32
    %add3A_669 = arith.addi %multiple_of3A, %add3A_668 : i32
    %dma_wait3A_670 = arith.constant 0 : i32
    %dma_wait3A_671 = arith.constant 4 : i32
    %dma_wait3A_672 = tpu.memref_slice %arg5[%dma_wait3A_671] : memref<8x!tpu.dma_semaphore, #tpu.memory_space<semaphore_mem>> -> memref<1x!tpu.dma_semaphore, #tpu.memory_space<semaphore_mem>>
    %dma_wait3A_673 = tpu.memref_squeeze %dma_wait3A_672 : memref<1x!tpu.dma_semaphore, #tpu.memory_space<semaphore_mem>> -> memref<!tpu.dma_semaphore, #tpu.memory_space<semaphore_mem>>
    %dma_wait3A_674 = arith.constant 0 : i32
    %dma_wait3A_675 = tpu.memref_slice %arg3[%add3A_669, %dma_wait3A_674] : memref<77000x512xf32, #tpu.memory_space<hbm>> -> memref<56x512xf32, #tpu.memory_space<hbm>>
    %dma_wait3A_676 = arith.constant 0 : i32
    %dma_wait3A_677 = arith.constant 0 : i32
    %dma_wait3A_678 = tpu.memref_slice %arg4[%arg1, %dma_wait3A_670, %dma_wait3A_676, %dma_wait3A_677] : memref<16x4x56x512xf32, #tpu.memory_space<vmem_shared>> -> memref<1x1x56x512xf32, #tpu.memory_space<vmem_shared>>
    %dma_wait3A_679 = tpu.memref_squeeze %dma_wait3A_678 : memref<1x1x56x512xf32, #tpu.memory_space<vmem_shared>> -> memref<56x512xf32, #tpu.memory_space<vmem_shared>>
    tpu.wait_dma2 semaphore(%dma_wait3A_673 : memref<!tpu.dma_semaphore, #tpu.memory_space<semaphore_mem>>) src(%dma_wait3A_679 : memref<56x512xf32, #tpu.memory_space<vmem_shared>>) dst(%dma_wait3A_675 : memref<56x512xf32, #tpu.memory_space<hbm>>)
    %add3A_680 = arith.constant 896 : i32
    %add3A_681 = arith.addi %multiple_of3A, %add3A_680 : i32
    %dma_start3A_682 = arith.constant 0 : i32
    %dma_start3A_683 = arith.constant 0 : i32
    %dma_start3A_684 = tpu.memref_slice %arg5[%dma_start3A_683] : memref<8x!tpu.dma_semaphore, #tpu.memory_space<semaphore_mem>> -> memref<1x!tpu.dma_semaphore, #tpu.memory_space<semaphore_mem>>
    %dma_start3A_685 = tpu.memref_squeeze %dma_start3A_684 : memref<1x!tpu.dma_semaphore, #tpu.memory_space<semaphore_mem>> -> memref<!tpu.dma_semaphore, #tpu.memory_space<semaphore_mem>>
    %dma_start3A_686 = arith.constant 0 : i32
    %dma_start3A_687 = arith.constant 0 : i32
    %dma_start3A_688 = tpu.memref_slice %arg4[%arg1, %dma_start3A_682, %dma_start3A_686, %dma_start3A_687] : memref<16x4x56x512xf32, #tpu.memory_space<vmem_shared>> -> memref<1x1x56x512xf32, #tpu.memory_space<vmem_shared>>
    %dma_start3A_689 = tpu.memref_squeeze %dma_start3A_688 : memref<1x1x56x512xf32, #tpu.memory_space<vmem_shared>> -> memref<56x512xf32, #tpu.memory_space<vmem_shared>>
    %dma_start3A_690 = arith.constant 0 : i32
    %dma_start3A_691 = tpu.memref_slice %arg2[%add3A_681, %dma_start3A_690] : memref<77000x512xf32, #tpu.memory_space<hbm>> -> memref<56x512xf32, #tpu.memory_space<hbm>>
    tpu.enqueue_dma source(%dma_start3A_691 : memref<56x512xf32, #tpu.memory_space<hbm>>) target(%dma_start3A_689 : memref<56x512xf32, #tpu.memory_space<vmem_shared>>) target_semaphore(%dma_start3A_685 : memref<!tpu.dma_semaphore, #tpu.memory_space<semaphore_mem>>)
    %add3A_692 = arith.constant 728 : i32
    %add3A_693 = arith.addi %multiple_of3A, %add3A_692 : i32
    %dma_wait3A_694 = arith.constant 1 : i32
    %dma_wait3A_695 = arith.constant 1 : i32
    %dma_wait3A_696 = tpu.memref_slice %arg5[%dma_wait3A_695] : memref<8x!tpu.dma_semaphore, #tpu.memory_space<semaphore_mem>> -> memref<1x!tpu.dma_semaphore, #tpu.memory_space<semaphore_mem>>
    %dma_wait3A_697 = tpu.memref_squeeze %dma_wait3A_696 : memref<1x!tpu.dma_semaphore, #tpu.memory_space<semaphore_mem>> -> memref<!tpu.dma_semaphore, #tpu.memory_space<semaphore_mem>>
    %dma_wait3A_698 = arith.constant 0 : i32
    %dma_wait3A_699 = arith.constant 0 : i32
    %dma_wait3A_700 = tpu.memref_slice %arg4[%arg1, %dma_wait3A_694, %dma_wait3A_698, %dma_wait3A_699] : memref<16x4x56x512xf32, #tpu.memory_space<vmem_shared>> -> memref<1x1x56x512xf32, #tpu.memory_space<vmem_shared>>
    %dma_wait3A_701 = tpu.memref_squeeze %dma_wait3A_700 : memref<1x1x56x512xf32, #tpu.memory_space<vmem_shared>> -> memref<56x512xf32, #tpu.memory_space<vmem_shared>>
    %dma_wait3A_702 = arith.constant 0 : i32
    %dma_wait3A_703 = tpu.memref_slice %arg2[%add3A_693, %dma_wait3A_702] : memref<77000x512xf32, #tpu.memory_space<hbm>> -> memref<56x512xf32, #tpu.memory_space<hbm>>
    tpu.wait_dma2 semaphore(%dma_wait3A_697 : memref<!tpu.dma_semaphore, #tpu.memory_space<semaphore_mem>>) src(%dma_wait3A_703 : memref<56x512xf32, #tpu.memory_space<hbm>>) dst(%dma_wait3A_701 : memref<56x512xf32, #tpu.memory_space<vmem_shared>>)
    %add3A_704 = arith.constant 728 : i32
    %add3A_705 = arith.addi %multiple_of3A, %add3A_704 : i32
    %dma_start3A_706 = arith.constant 1 : i32
    %dma_start3A_707 = arith.constant 5 : i32
    %dma_start3A_708 = tpu.memref_slice %arg5[%dma_start3A_707] : memref<8x!tpu.dma_semaphore, #tpu.memory_space<semaphore_mem>> -> memref<1x!tpu.dma_semaphore, #tpu.memory_space<semaphore_mem>>
    %dma_start3A_709 = tpu.memref_squeeze %dma_start3A_708 : memref<1x!tpu.dma_semaphore, #tpu.memory_space<semaphore_mem>> -> memref<!tpu.dma_semaphore, #tpu.memory_space<semaphore_mem>>
    %dma_start3A_710 = arith.constant 0 : i32
    %dma_start3A_711 = tpu.memref_slice %arg3[%add3A_705, %dma_start3A_710] : memref<77000x512xf32, #tpu.memory_space<hbm>> -> memref<56x512xf32, #tpu.memory_space<hbm>>
    %dma_start3A_712 = arith.constant 0 : i32
    %dma_start3A_713 = arith.constant 0 : i32
    %dma_start3A_714 = tpu.memref_slice %arg4[%arg1, %dma_start3A_706, %dma_start3A_712, %dma_start3A_713] : memref<16x4x56x512xf32, #tpu.memory_space<vmem_shared>> -> memref<1x1x56x512xf32, #tpu.memory_space<vmem_shared>>
    %dma_start3A_715 = tpu.memref_squeeze %dma_start3A_714 : memref<1x1x56x512xf32, #tpu.memory_space<vmem_shared>> -> memref<56x512xf32, #tpu.memory_space<vmem_shared>>
    tpu.enqueue_dma source(%dma_start3A_715 : memref<56x512xf32, #tpu.memory_space<vmem_shared>>) target(%dma_start3A_711 : memref<56x512xf32, #tpu.memory_space<hbm>>) target_semaphore(%dma_start3A_709 : memref<!tpu.dma_semaphore, #tpu.memory_space<semaphore_mem>>)
    %add3A_716 = arith.constant 728 : i32
    %add3A_717 = arith.addi %multiple_of3A, %add3A_716 : i32
    %dma_wait3A_718 = arith.constant 1 : i32
    %dma_wait3A_719 = arith.constant 5 : i32
    %dma_wait3A_720 = tpu.memref_slice %arg5[%dma_wait3A_719] : memref<8x!tpu.dma_semaphore, #tpu.memory_space<semaphore_mem>> -> memref<1x!tpu.dma_semaphore, #tpu.memory_space<semaphore_mem>>
    %dma_wait3A_721 = tpu.memref_squeeze %dma_wait3A_720 : memref<1x!tpu.dma_semaphore, #tpu.memory_space<semaphore_mem>> -> memref<!tpu.dma_semaphore, #tpu.memory_space<semaphore_mem>>
    %dma_wait3A_722 = arith.constant 0 : i32
    %dma_wait3A_723 = tpu.memref_slice %arg3[%add3A_717, %dma_wait3A_722] : memref<77000x512xf32, #tpu.memory_space<hbm>> -> memref<56x512xf32, #tpu.memory_space<hbm>>
    %dma_wait3A_724 = arith.constant 0 : i32
    %dma_wait3A_725 = arith.constant 0 : i32
    %dma_wait3A_726 = tpu.memref_slice %arg4[%arg1, %dma_wait3A_718, %dma_wait3A_724, %dma_wait3A_725] : memref<16x4x56x512xf32, #tpu.memory_space<vmem_shared>> -> memref<1x1x56x512xf32, #tpu.memory_space<vmem_shared>>
    %dma_wait3A_727 = tpu.memref_squeeze %dma_wait3A_726 : memref<1x1x56x512xf32, #tpu.memory_space<vmem_shared>> -> memref<56x512xf32, #tpu.memory_space<vmem_shared>>
    tpu.wait_dma2 semaphore(%dma_wait3A_721 : memref<!tpu.dma_semaphore, #tpu.memory_space<semaphore_mem>>) src(%dma_wait3A_727 : memref<56x512xf32, #tpu.memory_space<vmem_shared>>) dst(%dma_wait3A_723 : memref<56x512xf32, #tpu.memory_space<hbm>>)
    %add3A_728 = arith.constant 952 : i32
    %add3A_729 = arith.addi %multiple_of3A, %add3A_728 : i32
    %dma_start3A_730 = arith.constant 1 : i32
    %dma_start3A_731 = arith.constant 1 : i32
    %dma_start3A_732 = tpu.memref_slice %arg5[%dma_start3A_731] : memref<8x!tpu.dma_semaphore, #tpu.memory_space<semaphore_mem>> -> memref<1x!tpu.dma_semaphore, #tpu.memory_space<semaphore_mem>>
    %dma_start3A_733 = tpu.memref_squeeze %dma_start3A_732 : memref<1x!tpu.dma_semaphore, #tpu.memory_space<semaphore_mem>> -> memref<!tpu.dma_semaphore, #tpu.memory_space<semaphore_mem>>
    %dma_start3A_734 = arith.constant 0 : i32
    %dma_start3A_735 = arith.constant 0 : i32
    %dma_start3A_736 = tpu.memref_slice %arg4[%arg1, %dma_start3A_730, %dma_start3A_734, %dma_start3A_735] : memref<16x4x56x512xf32, #tpu.memory_space<vmem_shared>> -> memref<1x1x56x512xf32, #tpu.memory_space<vmem_shared>>
    %dma_start3A_737 = tpu.memref_squeeze %dma_start3A_736 : memref<1x1x56x512xf32, #tpu.memory_space<vmem_shared>> -> memref<56x512xf32, #tpu.memory_space<vmem_shared>>
    %dma_start3A_738 = arith.constant 0 : i32
    %dma_start3A_739 = tpu.memref_slice %arg2[%add3A_729, %dma_start3A_738] : memref<77000x512xf32, #tpu.memory_space<hbm>> -> memref<56x512xf32, #tpu.memory_space<hbm>>
    tpu.enqueue_dma source(%dma_start3A_739 : memref<56x512xf32, #tpu.memory_space<hbm>>) target(%dma_start3A_737 : memref<56x512xf32, #tpu.memory_space<vmem_shared>>) target_semaphore(%dma_start3A_733 : memref<!tpu.dma_semaphore, #tpu.memory_space<semaphore_mem>>)
    %add3A_740 = arith.constant 784 : i32
    %add3A_741 = arith.addi %multiple_of3A, %add3A_740 : i32
    %dma_wait3A_742 = arith.constant 2 : i32
    %dma_wait3A_743 = arith.constant 2 : i32
    %dma_wait3A_744 = tpu.memref_slice %arg5[%dma_wait3A_743] : memref<8x!tpu.dma_semaphore, #tpu.memory_space<semaphore_mem>> -> memref<1x!tpu.dma_semaphore, #tpu.memory_space<semaphore_mem>>
    %dma_wait3A_745 = tpu.memref_squeeze %dma_wait3A_744 : memref<1x!tpu.dma_semaphore, #tpu.memory_space<semaphore_mem>> -> memref<!tpu.dma_semaphore, #tpu.memory_space<semaphore_mem>>
    %dma_wait3A_746 = arith.constant 0 : i32
    %dma_wait3A_747 = arith.constant 0 : i32
    %dma_wait3A_748 = tpu.memref_slice %arg4[%arg1, %dma_wait3A_742, %dma_wait3A_746, %dma_wait3A_747] : memref<16x4x56x512xf32, #tpu.memory_space<vmem_shared>> -> memref<1x1x56x512xf32, #tpu.memory_space<vmem_shared>>
    %dma_wait3A_749 = tpu.memref_squeeze %dma_wait3A_748 : memref<1x1x56x512xf32, #tpu.memory_space<vmem_shared>> -> memref<56x512xf32, #tpu.memory_space<vmem_shared>>
    %dma_wait3A_750 = arith.constant 0 : i32
    %dma_wait3A_751 = tpu.memref_slice %arg2[%add3A_741, %dma_wait3A_750] : memref<77000x512xf32, #tpu.memory_space<hbm>> -> memref<56x512xf32, #tpu.memory_space<hbm>>
    tpu.wait_dma2 semaphore(%dma_wait3A_745 : memref<!tpu.dma_semaphore, #tpu.memory_space<semaphore_mem>>) src(%dma_wait3A_751 : memref<56x512xf32, #tpu.memory_space<hbm>>) dst(%dma_wait3A_749 : memref<56x512xf32, #tpu.memory_space<vmem_shared>>)
    %add3A_752 = arith.constant 784 : i32
    %add3A_753 = arith.addi %multiple_of3A, %add3A_752 : i32
    %dma_start3A_754 = arith.constant 2 : i32
    %dma_start3A_755 = arith.constant 6 : i32
    %dma_start3A_756 = tpu.memref_slice %arg5[%dma_start3A_755] : memref<8x!tpu.dma_semaphore, #tpu.memory_space<semaphore_mem>> -> memref<1x!tpu.dma_semaphore, #tpu.memory_space<semaphore_mem>>
    %dma_start3A_757 = tpu.memref_squeeze %dma_start3A_756 : memref<1x!tpu.dma_semaphore, #tpu.memory_space<semaphore_mem>> -> memref<!tpu.dma_semaphore, #tpu.memory_space<semaphore_mem>>
    %dma_start3A_758 = arith.constant 0 : i32
    %dma_start3A_759 = tpu.memref_slice %arg3[%add3A_753, %dma_start3A_758] : memref<77000x512xf32, #tpu.memory_space<hbm>> -> memref<56x512xf32, #tpu.memory_space<hbm>>
    %dma_start3A_760 = arith.constant 0 : i32
    %dma_start3A_761 = arith.constant 0 : i32
    %dma_start3A_762 = tpu.memref_slice %arg4[%arg1, %dma_start3A_754, %dma_start3A_760, %dma_start3A_761] : memref<16x4x56x512xf32, #tpu.memory_space<vmem_shared>> -> memref<1x1x56x512xf32, #tpu.memory_space<vmem_shared>>
    %dma_start3A_763 = tpu.memref_squeeze %dma_start3A_762 : memref<1x1x56x512xf32, #tpu.memory_space<vmem_shared>> -> memref<56x512xf32, #tpu.memory_space<vmem_shared>>
    tpu.enqueue_dma source(%dma_start3A_763 : memref<56x512xf32, #tpu.memory_space<vmem_shared>>) target(%dma_start3A_759 : memref<56x512xf32, #tpu.memory_space<hbm>>) target_semaphore(%dma_start3A_757 : memref<!tpu.dma_semaphore, #tpu.memory_space<semaphore_mem>>)
    %add3A_764 = arith.constant 784 : i32
    %add3A_765 = arith.addi %multiple_of3A, %add3A_764 : i32
    %dma_wait3A_766 = arith.constant 2 : i32
    %dma_wait3A_767 = arith.constant 6 : i32
    %dma_wait3A_768 = tpu.memref_slice %arg5[%dma_wait3A_767] : memref<8x!tpu.dma_semaphore, #tpu.memory_space<semaphore_mem>> -> memref<1x!tpu.dma_semaphore, #tpu.memory_space<semaphore_mem>>
    %dma_wait3A_769 = tpu.memref_squeeze %dma_wait3A_768 : memref<1x!tpu.dma_semaphore, #tpu.memory_space<semaphore_mem>> -> memref<!tpu.dma_semaphore, #tpu.memory_space<semaphore_mem>>
    %dma_wait3A_770 = arith.constant 0 : i32
    %dma_wait3A_771 = tpu.memref_slice %arg3[%add3A_765, %dma_wait3A_770] : memref<77000x512xf32, #tpu.memory_space<hbm>> -> memref<56x512xf32, #tpu.memory_space<hbm>>
    %dma_wait3A_772 = arith.constant 0 : i32
    %dma_wait3A_773 = arith.constant 0 : i32
    %dma_wait3A_774 = tpu.memref_slice %arg4[%arg1, %dma_wait3A_766, %dma_wait3A_772, %dma_wait3A_773] : memref<16x4x56x512xf32, #tpu.memory_space<vmem_shared>> -> memref<1x1x56x512xf32, #tpu.memory_space<vmem_shared>>
    %dma_wait3A_775 = tpu.memref_squeeze %dma_wait3A_774 : memref<1x1x56x512xf32, #tpu.memory_space<vmem_shared>> -> memref<56x512xf32, #tpu.memory_space<vmem_shared>>
    tpu.wait_dma2 semaphore(%dma_wait3A_769 : memref<!tpu.dma_semaphore, #tpu.memory_space<semaphore_mem>>) src(%dma_wait3A_775 : memref<56x512xf32, #tpu.memory_space<vmem_shared>>) dst(%dma_wait3A_771 : memref<56x512xf32, #tpu.memory_space<hbm>>)
    %add3A_776 = arith.constant 1008 : i32
    %add3A_777 = arith.addi %multiple_of3A, %add3A_776 : i32
    %dma_start3A_778 = arith.constant 2 : i32
    %dma_start3A_779 = arith.constant 2 : i32
    %dma_start3A_780 = tpu.memref_slice %arg5[%dma_start3A_779] : memref<8x!tpu.dma_semaphore, #tpu.memory_space<semaphore_mem>> -> memref<1x!tpu.dma_semaphore, #tpu.memory_space<semaphore_mem>>
    %dma_start3A_781 = tpu.memref_squeeze %dma_start3A_780 : memref<1x!tpu.dma_semaphore, #tpu.memory_space<semaphore_mem>> -> memref<!tpu.dma_semaphore, #tpu.memory_space<semaphore_mem>>
    %dma_start3A_782 = arith.constant 0 : i32
    %dma_start3A_783 = arith.constant 0 : i32
    %dma_start3A_784 = tpu.memref_slice %arg4[%arg1, %dma_start3A_778, %dma_start3A_782, %dma_start3A_783] : memref<16x4x56x512xf32, #tpu.memory_space<vmem_shared>> -> memref<1x1x56x512xf32, #tpu.memory_space<vmem_shared>>
    %dma_start3A_785 = tpu.memref_squeeze %dma_start3A_784 : memref<1x1x56x512xf32, #tpu.memory_space<vmem_shared>> -> memref<56x512xf32, #tpu.memory_space<vmem_shared>>
    %dma_start3A_786 = arith.constant 0 : i32
    %dma_start3A_787 = tpu.memref_slice %arg2[%add3A_777, %dma_start3A_786] : memref<77000x512xf32, #tpu.memory_space<hbm>> -> memref<56x512xf32, #tpu.memory_space<hbm>>
    tpu.enqueue_dma source(%dma_start3A_787 : memref<56x512xf32, #tpu.memory_space<hbm>>) target(%dma_start3A_785 : memref<56x512xf32, #tpu.memory_space<vmem_shared>>) target_semaphore(%dma_start3A_781 : memref<!tpu.dma_semaphore, #tpu.memory_space<semaphore_mem>>)
    %add3A_788 = arith.constant 840 : i32
    %add3A_789 = arith.addi %multiple_of3A, %add3A_788 : i32
    %dma_wait3A_790 = arith.constant 3 : i32
    %dma_wait3A_791 = arith.constant 3 : i32
    %dma_wait3A_792 = tpu.memref_slice %arg5[%dma_wait3A_791] : memref<8x!tpu.dma_semaphore, #tpu.memory_space<semaphore_mem>> -> memref<1x!tpu.dma_semaphore, #tpu.memory_space<semaphore_mem>>
    %dma_wait3A_793 = tpu.memref_squeeze %dma_wait3A_792 : memref<1x!tpu.dma_semaphore, #tpu.memory_space<semaphore_mem>> -> memref<!tpu.dma_semaphore, #tpu.memory_space<semaphore_mem>>
    %dma_wait3A_794 = arith.constant 0 : i32
    %dma_wait3A_795 = arith.constant 0 : i32
    %dma_wait3A_796 = tpu.memref_slice %arg4[%arg1, %dma_wait3A_790, %dma_wait3A_794, %dma_wait3A_795] : memref<16x4x56x512xf32, #tpu.memory_space<vmem_shared>> -> memref<1x1x56x512xf32, #tpu.memory_space<vmem_shared>>
    %dma_wait3A_797 = tpu.memref_squeeze %dma_wait3A_796 : memref<1x1x56x512xf32, #tpu.memory_space<vmem_shared>> -> memref<56x512xf32, #tpu.memory_space<vmem_shared>>
    %dma_wait3A_798 = arith.constant 0 : i32
    %dma_wait3A_799 = tpu.memref_slice %arg2[%add3A_789, %dma_wait3A_798] : memref<77000x512xf32, #tpu.memory_space<hbm>> -> memref<56x512xf32, #tpu.memory_space<hbm>>
    tpu.wait_dma2 semaphore(%dma_wait3A_793 : memref<!tpu.dma_semaphore, #tpu.memory_space<semaphore_mem>>) src(%dma_wait3A_799 : memref<56x512xf32, #tpu.memory_space<hbm>>) dst(%dma_wait3A_797 : memref<56x512xf32, #tpu.memory_space<vmem_shared>>)
    %add3A_800 = arith.constant 840 : i32
    %add3A_801 = arith.addi %multiple_of3A, %add3A_800 : i32
    %dma_start3A_802 = arith.constant 3 : i32
    %dma_start3A_803 = arith.constant 7 : i32
    %dma_start3A_804 = tpu.memref_slice %arg5[%dma_start3A_803] : memref<8x!tpu.dma_semaphore, #tpu.memory_space<semaphore_mem>> -> memref<1x!tpu.dma_semaphore, #tpu.memory_space<semaphore_mem>>
    %dma_start3A_805 = tpu.memref_squeeze %dma_start3A_804 : memref<1x!tpu.dma_semaphore, #tpu.memory_space<semaphore_mem>> -> memref<!tpu.dma_semaphore, #tpu.memory_space<semaphore_mem>>
    %dma_start3A_806 = arith.constant 0 : i32
    %dma_start3A_807 = tpu.memref_slice %arg3[%add3A_801, %dma_start3A_806] : memref<77000x512xf32, #tpu.memory_space<hbm>> -> memref<56x512xf32, #tpu.memory_space<hbm>>
    %dma_start3A_808 = arith.constant 0 : i32
    %dma_start3A_809 = arith.constant 0 : i32
    %dma_start3A_810 = tpu.memref_slice %arg4[%arg1, %dma_start3A_802, %dma_start3A_808, %dma_start3A_809] : memref<16x4x56x512xf32, #tpu.memory_space<vmem_shared>> -> memref<1x1x56x512xf32, #tpu.memory_space<vmem_shared>>
    %dma_start3A_811 = tpu.memref_squeeze %dma_start3A_810 : memref<1x1x56x512xf32, #tpu.memory_space<vmem_shared>> -> memref<56x512xf32, #tpu.memory_space<vmem_shared>>
    tpu.enqueue_dma source(%dma_start3A_811 : memref<56x512xf32, #tpu.memory_space<vmem_shared>>) target(%dma_start3A_807 : memref<56x512xf32, #tpu.memory_space<hbm>>) target_semaphore(%dma_start3A_805 : memref<!tpu.dma_semaphore, #tpu.memory_space<semaphore_mem>>)
    %add3A_812 = arith.constant 840 : i32
    %add3A_813 = arith.addi %multiple_of3A, %add3A_812 : i32
    %dma_wait3A_814 = arith.constant 3 : i32
    %dma_wait3A_815 = arith.constant 7 : i32
    %dma_wait3A_816 = tpu.memref_slice %arg5[%dma_wait3A_815] : memref<8x!tpu.dma_semaphore, #tpu.memory_space<semaphore_mem>> -> memref<1x!tpu.dma_semaphore, #tpu.memory_space<semaphore_mem>>
    %dma_wait3A_817 = tpu.memref_squeeze %dma_wait3A_816 : memref<1x!tpu.dma_semaphore, #tpu.memory_space<semaphore_mem>> -> memref<!tpu.dma_semaphore, #tpu.memory_space<semaphore_mem>>
    %dma_wait3A_818 = arith.constant 0 : i32
    %dma_wait3A_819 = tpu.memref_slice %arg3[%add3A_813, %dma_wait3A_818] : memref<77000x512xf32, #tpu.memory_space<hbm>> -> memref<56x512xf32, #tpu.memory_space<hbm>>
    %dma_wait3A_820 = arith.constant 0 : i32
    %dma_wait3A_821 = arith.constant 0 : i32
    %dma_wait3A_822 = tpu.memref_slice %arg4[%arg1, %dma_wait3A_814, %dma_wait3A_820, %dma_wait3A_821] : memref<16x4x56x512xf32, #tpu.memory_space<vmem_shared>> -> memref<1x1x56x512xf32, #tpu.memory_space<vmem_shared>>
    %dma_wait3A_823 = tpu.memref_squeeze %dma_wait3A_822 : memref<1x1x56x512xf32, #tpu.memory_space<vmem_shared>> -> memref<56x512xf32, #tpu.memory_space<vmem_shared>>
    tpu.wait_dma2 semaphore(%dma_wait3A_817 : memref<!tpu.dma_semaphore, #tpu.memory_space<semaphore_mem>>) src(%dma_wait3A_823 : memref<56x512xf32, #tpu.memory_space<vmem_shared>>) dst(%dma_wait3A_819 : memref<56x512xf32, #tpu.memory_space<hbm>>)
    %add3A_824 = arith.constant 1064 : i32
    %add3A_825 = arith.addi %multiple_of3A, %add3A_824 : i32
    %dma_start3A_826 = arith.constant 3 : i32
    %dma_start3A_827 = arith.constant 3 : i32
    %dma_start3A_828 = tpu.memref_slice %arg5[%dma_start3A_827] : memref<8x!tpu.dma_semaphore, #tpu.memory_space<semaphore_mem>> -> memref<1x!tpu.dma_semaphore, #tpu.memory_space<semaphore_mem>>
    %dma_start3A_829 = tpu.memref_squeeze %dma_start3A_828 : memref<1x!tpu.dma_semaphore, #tpu.memory_space<semaphore_mem>> -> memref<!tpu.dma_semaphore, #tpu.memory_space<semaphore_mem>>
    %dma_start3A_830 = arith.constant 0 : i32
    %dma_start3A_831 = arith.constant 0 : i32
    %dma_start3A_832 = tpu.memref_slice %arg4[%arg1, %dma_start3A_826, %dma_start3A_830, %dma_start3A_831] : memref<16x4x56x512xf32, #tpu.memory_space<vmem_shared>> -> memref<1x1x56x512xf32, #tpu.memory_space<vmem_shared>>
    %dma_start3A_833 = tpu.memref_squeeze %dma_start3A_832 : memref<1x1x56x512xf32, #tpu.memory_space<vmem_shared>> -> memref<56x512xf32, #tpu.memory_space<vmem_shared>>
    %dma_start3A_834 = arith.constant 0 : i32
    %dma_start3A_835 = tpu.memref_slice %arg2[%add3A_825, %dma_start3A_834] : memref<77000x512xf32, #tpu.memory_space<hbm>> -> memref<56x512xf32, #tpu.memory_space<hbm>>
    tpu.enqueue_dma source(%dma_start3A_835 : memref<56x512xf32, #tpu.memory_space<hbm>>) target(%dma_start3A_833 : memref<56x512xf32, #tpu.memory_space<vmem_shared>>) target_semaphore(%dma_start3A_829 : memref<!tpu.dma_semaphore, #tpu.memory_space<semaphore_mem>>)
    %add3A_836 = arith.constant 896 : i32
    %add3A_837 = arith.addi %multiple_of3A, %add3A_836 : i32
    %dma_wait3A_838 = arith.constant 0 : i32
    %dma_wait3A_839 = arith.constant 0 : i32
    %dma_wait3A_840 = tpu.memref_slice %arg5[%dma_wait3A_839] : memref<8x!tpu.dma_semaphore, #tpu.memory_space<semaphore_mem>> -> memref<1x!tpu.dma_semaphore, #tpu.memory_space<semaphore_mem>>
    %dma_wait3A_841 = tpu.memref_squeeze %dma_wait3A_840 : memref<1x!tpu.dma_semaphore, #tpu.memory_space<semaphore_mem>> -> memref<!tpu.dma_semaphore, #tpu.memory_space<semaphore_mem>>
    %dma_wait3A_842 = arith.constant 0 : i32
    %dma_wait3A_843 = arith.constant 0 : i32
    %dma_wait3A_844 = tpu.memref_slice %arg4[%arg1, %dma_wait3A_838, %dma_wait3A_842, %dma_wait3A_843] : memref<16x4x56x512xf32, #tpu.memory_space<vmem_shared>> -> memref<1x1x56x512xf32, #tpu.memory_space<vmem_shared>>
    %dma_wait3A_845 = tpu.memref_squeeze %dma_wait3A_844 : memref<1x1x56x512xf32, #tpu.memory_space<vmem_shared>> -> memref<56x512xf32, #tpu.memory_space<vmem_shared>>
    %dma_wait3A_846 = arith.constant 0 : i32
    %dma_wait3A_847 = tpu.memref_slice %arg2[%add3A_837, %dma_wait3A_846] : memref<77000x512xf32, #tpu.memory_space<hbm>> -> memref<56x512xf32, #tpu.memory_space<hbm>>
    tpu.wait_dma2 semaphore(%dma_wait3A_841 : memref<!tpu.dma_semaphore, #tpu.memory_space<semaphore_mem>>) src(%dma_wait3A_847 : memref<56x512xf32, #tpu.memory_space<hbm>>) dst(%dma_wait3A_845 : memref<56x512xf32, #tpu.memory_space<vmem_shared>>)
    %add3A_848 = arith.constant 896 : i32
    %add3A_849 = arith.addi %multiple_of3A, %add3A_848 : i32
    %dma_start3A_850 = arith.constant 0 : i32
    %dma_start3A_851 = arith.constant 4 : i32
    %dma_start3A_852 = tpu.memref_slice %arg5[%dma_start3A_851] : memref<8x!tpu.dma_semaphore, #tpu.memory_space<semaphore_mem>> -> memref<1x!tpu.dma_semaphore, #tpu.memory_space<semaphore_mem>>
    %dma_start3A_853 = tpu.memref_squeeze %dma_start3A_852 : memref<1x!tpu.dma_semaphore, #tpu.memory_space<semaphore_mem>> -> memref<!tpu.dma_semaphore, #tpu.memory_space<semaphore_mem>>
    %dma_start3A_854 = arith.constant 0 : i32
    %dma_start3A_855 = tpu.memref_slice %arg3[%add3A_849, %dma_start3A_854] : memref<77000x512xf32, #tpu.memory_space<hbm>> -> memref<56x512xf32, #tpu.memory_space<hbm>>
    %dma_start3A_856 = arith.constant 0 : i32
    %dma_start3A_857 = arith.constant 0 : i32
    %dma_start3A_858 = tpu.memref_slice %arg4[%arg1, %dma_start3A_850, %dma_start3A_856, %dma_start3A_857] : memref<16x4x56x512xf32, #tpu.memory_space<vmem_shared>> -> memref<1x1x56x512xf32, #tpu.memory_space<vmem_shared>>
    %dma_start3A_859 = tpu.memref_squeeze %dma_start3A_858 : memref<1x1x56x512xf32, #tpu.memory_space<vmem_shared>> -> memref<56x512xf32, #tpu.memory_space<vmem_shared>>
    tpu.enqueue_dma source(%dma_start3A_859 : memref<56x512xf32, #tpu.memory_space<vmem_shared>>) target(%dma_start3A_855 : memref<56x512xf32, #tpu.memory_space<hbm>>) target_semaphore(%dma_start3A_853 : memref<!tpu.dma_semaphore, #tpu.memory_space<semaphore_mem>>)
    %add3A_860 = arith.constant 896 : i32
    %add3A_861 = arith.addi %multiple_of3A, %add3A_860 : i32
    %dma_wait3A_862 = arith.constant 0 : i32
    %dma_wait3A_863 = arith.constant 4 : i32
    %dma_wait3A_864 = tpu.memref_slice %arg5[%dma_wait3A_863] : memref<8x!tpu.dma_semaphore, #tpu.memory_space<semaphore_mem>> -> memref<1x!tpu.dma_semaphore, #tpu.memory_space<semaphore_mem>>
    %dma_wait3A_865 = tpu.memref_squeeze %dma_wait3A_864 : memref<1x!tpu.dma_semaphore, #tpu.memory_space<semaphore_mem>> -> memref<!tpu.dma_semaphore, #tpu.memory_space<semaphore_mem>>
    %dma_wait3A_866 = arith.constant 0 : i32
    %dma_wait3A_867 = tpu.memref_slice %arg3[%add3A_861, %dma_wait3A_866] : memref<77000x512xf32, #tpu.memory_space<hbm>> -> memref<56x512xf32, #tpu.memory_space<hbm>>
    %dma_wait3A_868 = arith.constant 0 : i32
    %dma_wait3A_869 = arith.constant 0 : i32
    %dma_wait3A_870 = tpu.memref_slice %arg4[%arg1, %dma_wait3A_862, %dma_wait3A_868, %dma_wait3A_869] : memref<16x4x56x512xf32, #tpu.memory_space<vmem_shared>> -> memref<1x1x56x512xf32, #tpu.memory_space<vmem_shared>>
    %dma_wait3A_871 = tpu.memref_squeeze %dma_wait3A_870 : memref<1x1x56x512xf32, #tpu.memory_space<vmem_shared>> -> memref<56x512xf32, #tpu.memory_space<vmem_shared>>
    tpu.wait_dma2 semaphore(%dma_wait3A_865 : memref<!tpu.dma_semaphore, #tpu.memory_space<semaphore_mem>>) src(%dma_wait3A_871 : memref<56x512xf32, #tpu.memory_space<vmem_shared>>) dst(%dma_wait3A_867 : memref<56x512xf32, #tpu.memory_space<hbm>>)
    %add3A_872 = arith.constant 1120 : i32
    %add3A_873 = arith.addi %multiple_of3A, %add3A_872 : i32
    %dma_start3A_874 = arith.constant 0 : i32
    %dma_start3A_875 = arith.constant 0 : i32
    %dma_start3A_876 = tpu.memref_slice %arg5[%dma_start3A_875] : memref<8x!tpu.dma_semaphore, #tpu.memory_space<semaphore_mem>> -> memref<1x!tpu.dma_semaphore, #tpu.memory_space<semaphore_mem>>
    %dma_start3A_877 = tpu.memref_squeeze %dma_start3A_876 : memref<1x!tpu.dma_semaphore, #tpu.memory_space<semaphore_mem>> -> memref<!tpu.dma_semaphore, #tpu.memory_space<semaphore_mem>>
    %dma_start3A_878 = arith.constant 0 : i32
    %dma_start3A_879 = arith.constant 0 : i32
    %dma_start3A_880 = tpu.memref_slice %arg4[%arg1, %dma_start3A_874, %dma_start3A_878, %dma_start3A_879] : memref<16x4x56x512xf32, #tpu.memory_space<vmem_shared>> -> memref<1x1x56x512xf32, #tpu.memory_space<vmem_shared>>
    %dma_start3A_881 = tpu.memref_squeeze %dma_start3A_880 : memref<1x1x56x512xf32, #tpu.memory_space<vmem_shared>> -> memref<56x512xf32, #tpu.memory_space<vmem_shared>>
    %dma_start3A_882 = arith.constant 0 : i32
    %dma_start3A_883 = tpu.memref_slice %arg2[%add3A_873, %dma_start3A_882] : memref<77000x512xf32, #tpu.memory_space<hbm>> -> memref<56x512xf32, #tpu.memory_space<hbm>>
    tpu.enqueue_dma source(%dma_start3A_883 : memref<56x512xf32, #tpu.memory_space<hbm>>) target(%dma_start3A_881 : memref<56x512xf32, #tpu.memory_space<vmem_shared>>) target_semaphore(%dma_start3A_877 : memref<!tpu.dma_semaphore, #tpu.memory_space<semaphore_mem>>)
    %add3A_884 = arith.constant 952 : i32
    %add3A_885 = arith.addi %multiple_of3A, %add3A_884 : i32
    %dma_wait3A_886 = arith.constant 1 : i32
    %dma_wait3A_887 = arith.constant 1 : i32
    %dma_wait3A_888 = tpu.memref_slice %arg5[%dma_wait3A_887] : memref<8x!tpu.dma_semaphore, #tpu.memory_space<semaphore_mem>> -> memref<1x!tpu.dma_semaphore, #tpu.memory_space<semaphore_mem>>
    %dma_wait3A_889 = tpu.memref_squeeze %dma_wait3A_888 : memref<1x!tpu.dma_semaphore, #tpu.memory_space<semaphore_mem>> -> memref<!tpu.dma_semaphore, #tpu.memory_space<semaphore_mem>>
    %dma_wait3A_890 = arith.constant 0 : i32
    %dma_wait3A_891 = arith.constant 0 : i32
    %dma_wait3A_892 = tpu.memref_slice %arg4[%arg1, %dma_wait3A_886, %dma_wait3A_890, %dma_wait3A_891] : memref<16x4x56x512xf32, #tpu.memory_space<vmem_shared>> -> memref<1x1x56x512xf32, #tpu.memory_space<vmem_shared>>
    %dma_wait3A_893 = tpu.memref_squeeze %dma_wait3A_892 : memref<1x1x56x512xf32, #tpu.memory_space<vmem_shared>> -> memref<56x512xf32, #tpu.memory_space<vmem_shared>>
    %dma_wait3A_894 = arith.constant 0 : i32
    %dma_wait3A_895 = tpu.memref_slice %arg2[%add3A_885, %dma_wait3A_894] : memref<77000x512xf32, #tpu.memory_space<hbm>> -> memref<56x512xf32, #tpu.memory_space<hbm>>
    tpu.wait_dma2 semaphore(%dma_wait3A_889 : memref<!tpu.dma_semaphore, #tpu.memory_space<semaphore_mem>>) src(%dma_wait3A_895 : memref<56x512xf32, #tpu.memory_space<hbm>>) dst(%dma_wait3A_893 : memref<56x512xf32, #tpu.memory_space<vmem_shared>>)
    %add3A_896 = arith.constant 952 : i32
    %add3A_897 = arith.addi %multiple_of3A, %add3A_896 : i32
    %dma_start3A_898 = arith.constant 1 : i32
    %dma_start3A_899 = arith.constant 5 : i32
    %dma_start3A_900 = tpu.memref_slice %arg5[%dma_start3A_899] : memref<8x!tpu.dma_semaphore, #tpu.memory_space<semaphore_mem>> -> memref<1x!tpu.dma_semaphore, #tpu.memory_space<semaphore_mem>>
    %dma_start3A_901 = tpu.memref_squeeze %dma_start3A_900 : memref<1x!tpu.dma_semaphore, #tpu.memory_space<semaphore_mem>> -> memref<!tpu.dma_semaphore, #tpu.memory_space<semaphore_mem>>
    %dma_start3A_902 = arith.constant 0 : i32
    %dma_start3A_903 = tpu.memref_slice %arg3[%add3A_897, %dma_start3A_902] : memref<77000x512xf32, #tpu.memory_space<hbm>> -> memref<56x512xf32, #tpu.memory_space<hbm>>
    %dma_start3A_904 = arith.constant 0 : i32
    %dma_start3A_905 = arith.constant 0 : i32
    %dma_start3A_906 = tpu.memref_slice %arg4[%arg1, %dma_start3A_898, %dma_start3A_904, %dma_start3A_905] : memref<16x4x56x512xf32, #tpu.memory_space<vmem_shared>> -> memref<1x1x56x512xf32, #tpu.memory_space<vmem_shared>>
    %dma_start3A_907 = tpu.memref_squeeze %dma_start3A_906 : memref<1x1x56x512xf32, #tpu.memory_space<vmem_shared>> -> memref<56x512xf32, #tpu.memory_space<vmem_shared>>
    tpu.enqueue_dma source(%dma_start3A_907 : memref<56x512xf32, #tpu.memory_space<vmem_shared>>) target(%dma_start3A_903 : memref<56x512xf32, #tpu.memory_space<hbm>>) target_semaphore(%dma_start3A_901 : memref<!tpu.dma_semaphore, #tpu.memory_space<semaphore_mem>>)
    %add3A_908 = arith.constant 952 : i32
    %add3A_909 = arith.addi %multiple_of3A, %add3A_908 : i32
    %dma_wait3A_910 = arith.constant 1 : i32
    %dma_wait3A_911 = arith.constant 5 : i32
    %dma_wait3A_912 = tpu.memref_slice %arg5[%dma_wait3A_911] : memref<8x!tpu.dma_semaphore, #tpu.memory_space<semaphore_mem>> -> memref<1x!tpu.dma_semaphore, #tpu.memory_space<semaphore_mem>>
    %dma_wait3A_913 = tpu.memref_squeeze %dma_wait3A_912 : memref<1x!tpu.dma_semaphore, #tpu.memory_space<semaphore_mem>> -> memref<!tpu.dma_semaphore, #tpu.memory_space<semaphore_mem>>
    %dma_wait3A_914 = arith.constant 0 : i32
    %dma_wait3A_915 = tpu.memref_slice %arg3[%add3A_909, %dma_wait3A_914] : memref<77000x512xf32, #tpu.memory_space<hbm>> -> memref<56x512xf32, #tpu.memory_space<hbm>>
    %dma_wait3A_916 = arith.constant 0 : i32
    %dma_wait3A_917 = arith.constant 0 : i32
    %dma_wait3A_918 = tpu.memref_slice %arg4[%arg1, %dma_wait3A_910, %dma_wait3A_916, %dma_wait3A_917] : memref<16x4x56x512xf32, #tpu.memory_space<vmem_shared>> -> memref<1x1x56x512xf32, #tpu.memory_space<vmem_shared>>
    %dma_wait3A_919 = tpu.memref_squeeze %dma_wait3A_918 : memref<1x1x56x512xf32, #tpu.memory_space<vmem_shared>> -> memref<56x512xf32, #tpu.memory_space<vmem_shared>>
    tpu.wait_dma2 semaphore(%dma_wait3A_913 : memref<!tpu.dma_semaphore, #tpu.memory_space<semaphore_mem>>) src(%dma_wait3A_919 : memref<56x512xf32, #tpu.memory_space<vmem_shared>>) dst(%dma_wait3A_915 : memref<56x512xf32, #tpu.memory_space<hbm>>)
    %add3A_920 = arith.constant 1176 : i32
    %add3A_921 = arith.addi %multiple_of3A, %add3A_920 : i32
    %dma_start3A_922 = arith.constant 1 : i32
    %dma_start3A_923 = arith.constant 1 : i32
    %dma_start3A_924 = tpu.memref_slice %arg5[%dma_start3A_923] : memref<8x!tpu.dma_semaphore, #tpu.memory_space<semaphore_mem>> -> memref<1x!tpu.dma_semaphore, #tpu.memory_space<semaphore_mem>>
    %dma_start3A_925 = tpu.memref_squeeze %dma_start3A_924 : memref<1x!tpu.dma_semaphore, #tpu.memory_space<semaphore_mem>> -> memref<!tpu.dma_semaphore, #tpu.memory_space<semaphore_mem>>
    %dma_start3A_926 = arith.constant 0 : i32
    %dma_start3A_927 = arith.constant 0 : i32
    %dma_start3A_928 = tpu.memref_slice %arg4[%arg1, %dma_start3A_922, %dma_start3A_926, %dma_start3A_927] : memref<16x4x56x512xf32, #tpu.memory_space<vmem_shared>> -> memref<1x1x56x512xf32, #tpu.memory_space<vmem_shared>>
    %dma_start3A_929 = tpu.memref_squeeze %dma_start3A_928 : memref<1x1x56x512xf32, #tpu.memory_space<vmem_shared>> -> memref<56x512xf32, #tpu.memory_space<vmem_shared>>
    %dma_start3A_930 = arith.constant 0 : i32
    %dma_start3A_931 = tpu.memref_slice %arg2[%add3A_921, %dma_start3A_930] : memref<77000x512xf32, #tpu.memory_space<hbm>> -> memref<56x512xf32, #tpu.memory_space<hbm>>
    tpu.enqueue_dma source(%dma_start3A_931 : memref<56x512xf32, #tpu.memory_space<hbm>>) target(%dma_start3A_929 : memref<56x512xf32, #tpu.memory_space<vmem_shared>>) target_semaphore(%dma_start3A_925 : memref<!tpu.dma_semaphore, #tpu.memory_space<semaphore_mem>>)
    %add3A_932 = arith.constant 1008 : i32
    %add3A_933 = arith.addi %multiple_of3A, %add3A_932 : i32
    %dma_wait3A_934 = arith.constant 2 : i32
    %dma_wait3A_935 = arith.constant 2 : i32
    %dma_wait3A_936 = tpu.memref_slice %arg5[%dma_wait3A_935] : memref<8x!tpu.dma_semaphore, #tpu.memory_space<semaphore_mem>> -> memref<1x!tpu.dma_semaphore, #tpu.memory_space<semaphore_mem>>
    %dma_wait3A_937 = tpu.memref_squeeze %dma_wait3A_936 : memref<1x!tpu.dma_semaphore, #tpu.memory_space<semaphore_mem>> -> memref<!tpu.dma_semaphore, #tpu.memory_space<semaphore_mem>>
    %dma_wait3A_938 = arith.constant 0 : i32
    %dma_wait3A_939 = arith.constant 0 : i32
    %dma_wait3A_940 = tpu.memref_slice %arg4[%arg1, %dma_wait3A_934, %dma_wait3A_938, %dma_wait3A_939] : memref<16x4x56x512xf32, #tpu.memory_space<vmem_shared>> -> memref<1x1x56x512xf32, #tpu.memory_space<vmem_shared>>
    %dma_wait3A_941 = tpu.memref_squeeze %dma_wait3A_940 : memref<1x1x56x512xf32, #tpu.memory_space<vmem_shared>> -> memref<56x512xf32, #tpu.memory_space<vmem_shared>>
    %dma_wait3A_942 = arith.constant 0 : i32
    %dma_wait3A_943 = tpu.memref_slice %arg2[%add3A_933, %dma_wait3A_942] : memref<77000x512xf32, #tpu.memory_space<hbm>> -> memref<56x512xf32, #tpu.memory_space<hbm>>
    tpu.wait_dma2 semaphore(%dma_wait3A_937 : memref<!tpu.dma_semaphore, #tpu.memory_space<semaphore_mem>>) src(%dma_wait3A_943 : memref<56x512xf32, #tpu.memory_space<hbm>>) dst(%dma_wait3A_941 : memref<56x512xf32, #tpu.memory_space<vmem_shared>>)
    %add3A_944 = arith.constant 1008 : i32
    %add3A_945 = arith.addi %multiple_of3A, %add3A_944 : i32
    %dma_start3A_946 = arith.constant 2 : i32
    %dma_start3A_947 = arith.constant 6 : i32
    %dma_start3A_948 = tpu.memref_slice %arg5[%dma_start3A_947] : memref<8x!tpu.dma_semaphore, #tpu.memory_space<semaphore_mem>> -> memref<1x!tpu.dma_semaphore, #tpu.memory_space<semaphore_mem>>
    %dma_start3A_949 = tpu.memref_squeeze %dma_start3A_948 : memref<1x!tpu.dma_semaphore, #tpu.memory_space<semaphore_mem>> -> memref<!tpu.dma_semaphore, #tpu.memory_space<semaphore_mem>>
    %dma_start3A_950 = arith.constant 0 : i32
    %dma_start3A_951 = tpu.memref_slice %arg3[%add3A_945, %dma_start3A_950] : memref<77000x512xf32, #tpu.memory_space<hbm>> -> memref<56x512xf32, #tpu.memory_space<hbm>>
    %dma_start3A_952 = arith.constant 0 : i32
    %dma_start3A_953 = arith.constant 0 : i32
    %dma_start3A_954 = tpu.memref_slice %arg4[%arg1, %dma_start3A_946, %dma_start3A_952, %dma_start3A_953] : memref<16x4x56x512xf32, #tpu.memory_space<vmem_shared>> -> memref<1x1x56x512xf32, #tpu.memory_space<vmem_shared>>
    %dma_start3A_955 = tpu.memref_squeeze %dma_start3A_954 : memref<1x1x56x512xf32, #tpu.memory_space<vmem_shared>> -> memref<56x512xf32, #tpu.memory_space<vmem_shared>>
    tpu.enqueue_dma source(%dma_start3A_955 : memref<56x512xf32, #tpu.memory_space<vmem_shared>>) target(%dma_start3A_951 : memref<56x512xf32, #tpu.memory_space<hbm>>) target_semaphore(%dma_start3A_949 : memref<!tpu.dma_semaphore, #tpu.memory_space<semaphore_mem>>)
    %add3A_956 = arith.constant 1008 : i32
    %add3A_957 = arith.addi %multiple_of3A, %add3A_956 : i32
    %dma_wait3A_958 = arith.constant 2 : i32
    %dma_wait3A_959 = arith.constant 6 : i32
    %dma_wait3A_960 = tpu.memref_slice %arg5[%dma_wait3A_959] : memref<8x!tpu.dma_semaphore, #tpu.memory_space<semaphore_mem>> -> memref<1x!tpu.dma_semaphore, #tpu.memory_space<semaphore_mem>>
    %dma_wait3A_961 = tpu.memref_squeeze %dma_wait3A_960 : memref<1x!tpu.dma_semaphore, #tpu.memory_space<semaphore_mem>> -> memref<!tpu.dma_semaphore, #tpu.memory_space<semaphore_mem>>
    %dma_wait3A_962 = arith.constant 0 : i32
    %dma_wait3A_963 = tpu.memref_slice %arg3[%add3A_957, %dma_wait3A_962] : memref<77000x512xf32, #tpu.memory_space<hbm>> -> memref<56x512xf32, #tpu.memory_space<hbm>>
    %dma_wait3A_964 = arith.constant 0 : i32
    %dma_wait3A_965 = arith.constant 0 : i32
    %dma_wait3A_966 = tpu.memref_slice %arg4[%arg1, %dma_wait3A_958, %dma_wait3A_964, %dma_wait3A_965] : memref<16x4x56x512xf32, #tpu.memory_space<vmem_shared>> -> memref<1x1x56x512xf32, #tpu.memory_space<vmem_shared>>
    %dma_wait3A_967 = tpu.memref_squeeze %dma_wait3A_966 : memref<1x1x56x512xf32, #tpu.memory_space<vmem_shared>> -> memref<56x512xf32, #tpu.memory_space<vmem_shared>>
    tpu.wait_dma2 semaphore(%dma_wait3A_961 : memref<!tpu.dma_semaphore, #tpu.memory_space<semaphore_mem>>) src(%dma_wait3A_967 : memref<56x512xf32, #tpu.memory_space<vmem_shared>>) dst(%dma_wait3A_963 : memref<56x512xf32, #tpu.memory_space<hbm>>)
    %add3A_968 = arith.constant 1232 : i32
    %add3A_969 = arith.addi %multiple_of3A, %add3A_968 : i32
    %dma_start3A_970 = arith.constant 2 : i32
    %dma_start3A_971 = arith.constant 2 : i32
    %dma_start3A_972 = tpu.memref_slice %arg5[%dma_start3A_971] : memref<8x!tpu.dma_semaphore, #tpu.memory_space<semaphore_mem>> -> memref<1x!tpu.dma_semaphore, #tpu.memory_space<semaphore_mem>>
    %dma_start3A_973 = tpu.memref_squeeze %dma_start3A_972 : memref<1x!tpu.dma_semaphore, #tpu.memory_space<semaphore_mem>> -> memref<!tpu.dma_semaphore, #tpu.memory_space<semaphore_mem>>
    %dma_start3A_974 = arith.constant 0 : i32
    %dma_start3A_975 = arith.constant 0 : i32
    %dma_start3A_976 = tpu.memref_slice %arg4[%arg1, %dma_start3A_970, %dma_start3A_974, %dma_start3A_975] : memref<16x4x56x512xf32, #tpu.memory_space<vmem_shared>> -> memref<1x1x56x512xf32, #tpu.memory_space<vmem_shared>>
    %dma_start3A_977 = tpu.memref_squeeze %dma_start3A_976 : memref<1x1x56x512xf32, #tpu.memory_space<vmem_shared>> -> memref<56x512xf32, #tpu.memory_space<vmem_shared>>
    %dma_start3A_978 = arith.constant 0 : i32
    %dma_start3A_979 = tpu.memref_slice %arg2[%add3A_969, %dma_start3A_978] : memref<77000x512xf32, #tpu.memory_space<hbm>> -> memref<56x512xf32, #tpu.memory_space<hbm>>
    tpu.enqueue_dma source(%dma_start3A_979 : memref<56x512xf32, #tpu.memory_space<hbm>>) target(%dma_start3A_977 : memref<56x512xf32, #tpu.memory_space<vmem_shared>>) target_semaphore(%dma_start3A_973 : memref<!tpu.dma_semaphore, #tpu.memory_space<semaphore_mem>>)
    %add3A_980 = arith.constant 1064 : i32
    %add3A_981 = arith.addi %multiple_of3A, %add3A_980 : i32
    %dma_wait3A_982 = arith.constant 3 : i32
    %dma_wait3A_983 = arith.constant 3 : i32
    %dma_wait3A_984 = tpu.memref_slice %arg5[%dma_wait3A_983] : memref<8x!tpu.dma_semaphore, #tpu.memory_space<semaphore_mem>> -> memref<1x!tpu.dma_semaphore, #tpu.memory_space<semaphore_mem>>
    %dma_wait3A_985 = tpu.memref_squeeze %dma_wait3A_984 : memref<1x!tpu.dma_semaphore, #tpu.memory_space<semaphore_mem>> -> memref<!tpu.dma_semaphore, #tpu.memory_space<semaphore_mem>>
    %dma_wait3A_986 = arith.constant 0 : i32
    %dma_wait3A_987 = arith.constant 0 : i32
    %dma_wait3A_988 = tpu.memref_slice %arg4[%arg1, %dma_wait3A_982, %dma_wait3A_986, %dma_wait3A_987] : memref<16x4x56x512xf32, #tpu.memory_space<vmem_shared>> -> memref<1x1x56x512xf32, #tpu.memory_space<vmem_shared>>
    %dma_wait3A_989 = tpu.memref_squeeze %dma_wait3A_988 : memref<1x1x56x512xf32, #tpu.memory_space<vmem_shared>> -> memref<56x512xf32, #tpu.memory_space<vmem_shared>>
    %dma_wait3A_990 = arith.constant 0 : i32
    %dma_wait3A_991 = tpu.memref_slice %arg2[%add3A_981, %dma_wait3A_990] : memref<77000x512xf32, #tpu.memory_space<hbm>> -> memref<56x512xf32, #tpu.memory_space<hbm>>
    tpu.wait_dma2 semaphore(%dma_wait3A_985 : memref<!tpu.dma_semaphore, #tpu.memory_space<semaphore_mem>>) src(%dma_wait3A_991 : memref<56x512xf32, #tpu.memory_space<hbm>>) dst(%dma_wait3A_989 : memref<56x512xf32, #tpu.memory_space<vmem_shared>>)
    %add3A_992 = arith.constant 1064 : i32
    %add3A_993 = arith.addi %multiple_of3A, %add3A_992 : i32
    %dma_start3A_994 = arith.constant 3 : i32
    %dma_start3A_995 = arith.constant 7 : i32
    %dma_start3A_996 = tpu.memref_slice %arg5[%dma_start3A_995] : memref<8x!tpu.dma_semaphore, #tpu.memory_space<semaphore_mem>> -> memref<1x!tpu.dma_semaphore, #tpu.memory_space<semaphore_mem>>
    %dma_start3A_997 = tpu.memref_squeeze %dma_start3A_996 : memref<1x!tpu.dma_semaphore, #tpu.memory_space<semaphore_mem>> -> memref<!tpu.dma_semaphore, #tpu.memory_space<semaphore_mem>>
    %dma_start3A_998 = arith.constant 0 : i32
    %dma_start3A_999 = tpu.memref_slice %arg3[%add3A_993, %dma_start3A_998] : memref<77000x512xf32, #tpu.memory_space<hbm>> -> memref<56x512xf32, #tpu.memory_space<hbm>>
    %dma_start3A_1000 = arith.constant 0 : i32
    %dma_start3A_1001 = arith.constant 0 : i32
    %dma_start3A_1002 = tpu.memref_slice %arg4[%arg1, %dma_start3A_994, %dma_start3A_1000, %dma_start3A_1001] : memref<16x4x56x512xf32, #tpu.memory_space<vmem_shared>> -> memref<1x1x56x512xf32, #tpu.memory_space<vmem_shared>>
    %dma_start3A_1003 = tpu.memref_squeeze %dma_start3A_1002 : memref<1x1x56x512xf32, #tpu.memory_space<vmem_shared>> -> memref<56x512xf32, #tpu.memory_space<vmem_shared>>
    tpu.enqueue_dma source(%dma_start3A_1003 : memref<56x512xf32, #tpu.memory_space<vmem_shared>>) target(%dma_start3A_999 : memref<56x512xf32, #tpu.memory_space<hbm>>) target_semaphore(%dma_start3A_997 : memref<!tpu.dma_semaphore, #tpu.memory_space<semaphore_mem>>)
    %add3A_1004 = arith.constant 1064 : i32
    %add3A_1005 = arith.addi %multiple_of3A, %add3A_1004 : i32
    %dma_wait3A_1006 = arith.constant 3 : i32
    %dma_wait3A_1007 = arith.constant 7 : i32
    %dma_wait3A_1008 = tpu.memref_slice %arg5[%dma_wait3A_1007] : memref<8x!tpu.dma_semaphore, #tpu.memory_space<semaphore_mem>> -> memref<1x!tpu.dma_semaphore, #tpu.memory_space<semaphore_mem>>
    %dma_wait3A_1009 = tpu.memref_squeeze %dma_wait3A_1008 : memref<1x!tpu.dma_semaphore, #tpu.memory_space<semaphore_mem>> -> memref<!tpu.dma_semaphore, #tpu.memory_space<semaphore_mem>>
    %dma_wait3A_1010 = arith.constant 0 : i32
    %dma_wait3A_1011 = tpu.memref_slice %arg3[%add3A_1005, %dma_wait3A_1010] : memref<77000x512xf32, #tpu.memory_space<hbm>> -> memref<56x512xf32, #tpu.memory_space<hbm>>
    %dma_wait3A_1012 = arith.constant 0 : i32
    %dma_wait3A_1013 = arith.constant 0 : i32
    %dma_wait3A_1014 = tpu.memref_slice %arg4[%arg1, %dma_wait3A_1006, %dma_wait3A_1012, %dma_wait3A_1013] : memref<16x4x56x512xf32, #tpu.memory_space<vmem_shared>> -> memref<1x1x56x512xf32, #tpu.memory_space<vmem_shared>>
    %dma_wait3A_1015 = tpu.memref_squeeze %dma_wait3A_1014 : memref<1x1x56x512xf32, #tpu.memory_space<vmem_shared>> -> memref<56x512xf32, #tpu.memory_space<vmem_shared>>
    tpu.wait_dma2 semaphore(%dma_wait3A_1009 : memref<!tpu.dma_semaphore, #tpu.memory_space<semaphore_mem>>) src(%dma_wait3A_1015 : memref<56x512xf32, #tpu.memory_space<vmem_shared>>) dst(%dma_wait3A_1011 : memref<56x512xf32, #tpu.memory_space<hbm>>)
    %add3A_1016 = arith.constant 1288 : i32
    %add3A_1017 = arith.addi %multiple_of3A, %add3A_1016 : i32
    %dma_start3A_1018 = arith.constant 3 : i32
    %dma_start3A_1019 = arith.constant 3 : i32
    %dma_start3A_1020 = tpu.memref_slice %arg5[%dma_start3A_1019] : memref<8x!tpu.dma_semaphore, #tpu.memory_space<semaphore_mem>> -> memref<1x!tpu.dma_semaphore, #tpu.memory_space<semaphore_mem>>
    %dma_start3A_1021 = tpu.memref_squeeze %dma_start3A_1020 : memref<1x!tpu.dma_semaphore, #tpu.memory_space<semaphore_mem>> -> memref<!tpu.dma_semaphore, #tpu.memory_space<semaphore_mem>>
    %dma_start3A_1022 = arith.constant 0 : i32
    %dma_start3A_1023 = arith.constant 0 : i32
    %dma_start3A_1024 = tpu.memref_slice %arg4[%arg1, %dma_start3A_1018, %dma_start3A_1022, %dma_start3A_1023] : memref<16x4x56x512xf32, #tpu.memory_space<vmem_shared>> -> memref<1x1x56x512xf32, #tpu.memory_space<vmem_shared>>
    %dma_start3A_1025 = tpu.memref_squeeze %dma_start3A_1024 : memref<1x1x56x512xf32, #tpu.memory_space<vmem_shared>> -> memref<56x512xf32, #tpu.memory_space<vmem_shared>>
    %dma_start3A_1026 = arith.constant 0 : i32
    %dma_start3A_1027 = tpu.memref_slice %arg2[%add3A_1017, %dma_start3A_1026] : memref<77000x512xf32, #tpu.memory_space<hbm>> -> memref<56x512xf32, #tpu.memory_space<hbm>>
    tpu.enqueue_dma source(%dma_start3A_1027 : memref<56x512xf32, #tpu.memory_space<hbm>>) target(%dma_start3A_1025 : memref<56x512xf32, #tpu.memory_space<vmem_shared>>) target_semaphore(%dma_start3A_1021 : memref<!tpu.dma_semaphore, #tpu.memory_space<semaphore_mem>>)
    %add3A_1028 = arith.constant 1120 : i32
    %add3A_1029 = arith.addi %multiple_of3A, %add3A_1028 : i32
    %dma_wait3A_1030 = arith.constant 0 : i32
    %dma_wait3A_1031 = arith.constant 0 : i32
    %dma_wait3A_1032 = tpu.memref_slice %arg5[%dma_wait3A_1031] : memref<8x!tpu.dma_semaphore, #tpu.memory_space<semaphore_mem>> -> memref<1x!tpu.dma_semaphore, #tpu.memory_space<semaphore_mem>>
    %dma_wait3A_1033 = tpu.memref_squeeze %dma_wait3A_1032 : memref<1x!tpu.dma_semaphore, #tpu.memory_space<semaphore_mem>> -> memref<!tpu.dma_semaphore, #tpu.memory_space<semaphore_mem>>
    %dma_wait3A_1034 = arith.constant 0 : i32
    %dma_wait3A_1035 = arith.constant 0 : i32
    %dma_wait3A_1036 = tpu.memref_slice %arg4[%arg1, %dma_wait3A_1030, %dma_wait3A_1034, %dma_wait3A_1035] : memref<16x4x56x512xf32, #tpu.memory_space<vmem_shared>> -> memref<1x1x56x512xf32, #tpu.memory_space<vmem_shared>>
    %dma_wait3A_1037 = tpu.memref_squeeze %dma_wait3A_1036 : memref<1x1x56x512xf32, #tpu.memory_space<vmem_shared>> -> memref<56x512xf32, #tpu.memory_space<vmem_shared>>
    %dma_wait3A_1038 = arith.constant 0 : i32
    %dma_wait3A_1039 = tpu.memref_slice %arg2[%add3A_1029, %dma_wait3A_1038] : memref<77000x512xf32, #tpu.memory_space<hbm>> -> memref<56x512xf32, #tpu.memory_space<hbm>>
    tpu.wait_dma2 semaphore(%dma_wait3A_1033 : memref<!tpu.dma_semaphore, #tpu.memory_space<semaphore_mem>>) src(%dma_wait3A_1039 : memref<56x512xf32, #tpu.memory_space<hbm>>) dst(%dma_wait3A_1037 : memref<56x512xf32, #tpu.memory_space<vmem_shared>>)
    %add3A_1040 = arith.constant 1120 : i32
    %add3A_1041 = arith.addi %multiple_of3A, %add3A_1040 : i32
    %dma_start3A_1042 = arith.constant 0 : i32
    %dma_start3A_1043 = arith.constant 4 : i32
    %dma_start3A_1044 = tpu.memref_slice %arg5[%dma_start3A_1043] : memref<8x!tpu.dma_semaphore, #tpu.memory_space<semaphore_mem>> -> memref<1x!tpu.dma_semaphore, #tpu.memory_space<semaphore_mem>>
    %dma_start3A_1045 = tpu.memref_squeeze %dma_start3A_1044 : memref<1x!tpu.dma_semaphore, #tpu.memory_space<semaphore_mem>> -> memref<!tpu.dma_semaphore, #tpu.memory_space<semaphore_mem>>
    %dma_start3A_1046 = arith.constant 0 : i32
    %dma_start3A_1047 = tpu.memref_slice %arg3[%add3A_1041, %dma_start3A_1046] : memref<77000x512xf32, #tpu.memory_space<hbm>> -> memref<56x512xf32, #tpu.memory_space<hbm>>
    %dma_start3A_1048 = arith.constant 0 : i32
    %dma_start3A_1049 = arith.constant 0 : i32
    %dma_start3A_1050 = tpu.memref_slice %arg4[%arg1, %dma_start3A_1042, %dma_start3A_1048, %dma_start3A_1049] : memref<16x4x56x512xf32, #tpu.memory_space<vmem_shared>> -> memref<1x1x56x512xf32, #tpu.memory_space<vmem_shared>>
    %dma_start3A_1051 = tpu.memref_squeeze %dma_start3A_1050 : memref<1x1x56x512xf32, #tpu.memory_space<vmem_shared>> -> memref<56x512xf32, #tpu.memory_space<vmem_shared>>
    tpu.enqueue_dma source(%dma_start3A_1051 : memref<56x512xf32, #tpu.memory_space<vmem_shared>>) target(%dma_start3A_1047 : memref<56x512xf32, #tpu.memory_space<hbm>>) target_semaphore(%dma_start3A_1045 : memref<!tpu.dma_semaphore, #tpu.memory_space<semaphore_mem>>)
    %add3A_1052 = arith.constant 1120 : i32
    %add3A_1053 = arith.addi %multiple_of3A, %add3A_1052 : i32
    %dma_wait3A_1054 = arith.constant 0 : i32
    %dma_wait3A_1055 = arith.constant 4 : i32
    %dma_wait3A_1056 = tpu.memref_slice %arg5[%dma_wait3A_1055] : memref<8x!tpu.dma_semaphore, #tpu.memory_space<semaphore_mem>> -> memref<1x!tpu.dma_semaphore, #tpu.memory_space<semaphore_mem>>
    %dma_wait3A_1057 = tpu.memref_squeeze %dma_wait3A_1056 : memref<1x!tpu.dma_semaphore, #tpu.memory_space<semaphore_mem>> -> memref<!tpu.dma_semaphore, #tpu.memory_space<semaphore_mem>>
    %dma_wait3A_1058 = arith.constant 0 : i32
    %dma_wait3A_1059 = tpu.memref_slice %arg3[%add3A_1053, %dma_wait3A_1058] : memref<77000x512xf32, #tpu.memory_space<hbm>> -> memref<56x512xf32, #tpu.memory_space<hbm>>
    %dma_wait3A_1060 = arith.constant 0 : i32
    %dma_wait3A_1061 = arith.constant 0 : i32
    %dma_wait3A_1062 = tpu.memref_slice %arg4[%arg1, %dma_wait3A_1054, %dma_wait3A_1060, %dma_wait3A_1061] : memref<16x4x56x512xf32, #tpu.memory_space<vmem_shared>> -> memref<1x1x56x512xf32, #tpu.memory_space<vmem_shared>>
    %dma_wait3A_1063 = tpu.memref_squeeze %dma_wait3A_1062 : memref<1x1x56x512xf32, #tpu.memory_space<vmem_shared>> -> memref<56x512xf32, #tpu.memory_space<vmem_shared>>
    tpu.wait_dma2 semaphore(%dma_wait3A_1057 : memref<!tpu.dma_semaphore, #tpu.memory_space<semaphore_mem>>) src(%dma_wait3A_1063 : memref<56x512xf32, #tpu.memory_space<vmem_shared>>) dst(%dma_wait3A_1059 : memref<56x512xf32, #tpu.memory_space<hbm>>)
    %add3A_1064 = arith.constant 1344 : i32
    %add3A_1065 = arith.addi %multiple_of3A, %add3A_1064 : i32
    %dma_start3A_1066 = arith.constant 0 : i32
    %dma_start3A_1067 = arith.constant 0 : i32
    %dma_start3A_1068 = tpu.memref_slice %arg5[%dma_start3A_1067] : memref<8x!tpu.dma_semaphore, #tpu.memory_space<semaphore_mem>> -> memref<1x!tpu.dma_semaphore, #tpu.memory_space<semaphore_mem>>
    %dma_start3A_1069 = tpu.memref_squeeze %dma_start3A_1068 : memref<1x!tpu.dma_semaphore, #tpu.memory_space<semaphore_mem>> -> memref<!tpu.dma_semaphore, #tpu.memory_space<semaphore_mem>>
    %dma_start3A_1070 = arith.constant 0 : i32
    %dma_start3A_1071 = arith.constant 0 : i32
    %dma_start3A_1072 = tpu.memref_slice %arg4[%arg1, %dma_start3A_1066, %dma_start3A_1070, %dma_start3A_1071] : memref<16x4x56x512xf32, #tpu.memory_space<vmem_shared>> -> memref<1x1x56x512xf32, #tpu.memory_space<vmem_shared>>
    %dma_start3A_1073 = tpu.memref_squeeze %dma_start3A_1072 : memref<1x1x56x512xf32, #tpu.memory_space<vmem_shared>> -> memref<56x512xf32, #tpu.memory_space<vmem_shared>>
    %dma_start3A_1074 = arith.constant 0 : i32
    %dma_start3A_1075 = tpu.memref_slice %arg2[%add3A_1065, %dma_start3A_1074] : memref<77000x512xf32, #tpu.memory_space<hbm>> -> memref<56x512xf32, #tpu.memory_space<hbm>>
    tpu.enqueue_dma source(%dma_start3A_1075 : memref<56x512xf32, #tpu.memory_space<hbm>>) target(%dma_start3A_1073 : memref<56x512xf32, #tpu.memory_space<vmem_shared>>) target_semaphore(%dma_start3A_1069 : memref<!tpu.dma_semaphore, #tpu.memory_space<semaphore_mem>>)
    %add3A_1076 = arith.constant 1176 : i32
    %add3A_1077 = arith.addi %multiple_of3A, %add3A_1076 : i32
    %dma_wait3A_1078 = arith.constant 1 : i32
    %dma_wait3A_1079 = arith.constant 1 : i32
    %dma_wait3A_1080 = tpu.memref_slice %arg5[%dma_wait3A_1079] : memref<8x!tpu.dma_semaphore, #tpu.memory_space<semaphore_mem>> -> memref<1x!tpu.dma_semaphore, #tpu.memory_space<semaphore_mem>>
    %dma_wait3A_1081 = tpu.memref_squeeze %dma_wait3A_1080 : memref<1x!tpu.dma_semaphore, #tpu.memory_space<semaphore_mem>> -> memref<!tpu.dma_semaphore, #tpu.memory_space<semaphore_mem>>
    %dma_wait3A_1082 = arith.constant 0 : i32
    %dma_wait3A_1083 = arith.constant 0 : i32
    %dma_wait3A_1084 = tpu.memref_slice %arg4[%arg1, %dma_wait3A_1078, %dma_wait3A_1082, %dma_wait3A_1083] : memref<16x4x56x512xf32, #tpu.memory_space<vmem_shared>> -> memref<1x1x56x512xf32, #tpu.memory_space<vmem_shared>>
    %dma_wait3A_1085 = tpu.memref_squeeze %dma_wait3A_1084 : memref<1x1x56x512xf32, #tpu.memory_space<vmem_shared>> -> memref<56x512xf32, #tpu.memory_space<vmem_shared>>
    %dma_wait3A_1086 = arith.constant 0 : i32
    %dma_wait3A_1087 = tpu.memref_slice %arg2[%add3A_1077, %dma_wait3A_1086] : memref<77000x512xf32, #tpu.memory_space<hbm>> -> memref<56x512xf32, #tpu.memory_space<hbm>>
    tpu.wait_dma2 semaphore(%dma_wait3A_1081 : memref<!tpu.dma_semaphore, #tpu.memory_space<semaphore_mem>>) src(%dma_wait3A_1087 : memref<56x512xf32, #tpu.memory_space<hbm>>) dst(%dma_wait3A_1085 : memref<56x512xf32, #tpu.memory_space<vmem_shared>>)
    %add3A_1088 = arith.constant 1176 : i32
    %add3A_1089 = arith.addi %multiple_of3A, %add3A_1088 : i32
    %dma_start3A_1090 = arith.constant 1 : i32
    %dma_start3A_1091 = arith.constant 5 : i32
    %dma_start3A_1092 = tpu.memref_slice %arg5[%dma_start3A_1091] : memref<8x!tpu.dma_semaphore, #tpu.memory_space<semaphore_mem>> -> memref<1x!tpu.dma_semaphore, #tpu.memory_space<semaphore_mem>>
    %dma_start3A_1093 = tpu.memref_squeeze %dma_start3A_1092 : memref<1x!tpu.dma_semaphore, #tpu.memory_space<semaphore_mem>> -> memref<!tpu.dma_semaphore, #tpu.memory_space<semaphore_mem>>
    %dma_start3A_1094 = arith.constant 0 : i32
    %dma_start3A_1095 = tpu.memref_slice %arg3[%add3A_1089, %dma_start3A_1094] : memref<77000x512xf32, #tpu.memory_space<hbm>> -> memref<56x512xf32, #tpu.memory_space<hbm>>
    %dma_start3A_1096 = arith.constant 0 : i32
    %dma_start3A_1097 = arith.constant 0 : i32
    %dma_start3A_1098 = tpu.memref_slice %arg4[%arg1, %dma_start3A_1090, %dma_start3A_1096, %dma_start3A_1097] : memref<16x4x56x512xf32, #tpu.memory_space<vmem_shared>> -> memref<1x1x56x512xf32, #tpu.memory_space<vmem_shared>>
    %dma_start3A_1099 = tpu.memref_squeeze %dma_start3A_1098 : memref<1x1x56x512xf32, #tpu.memory_space<vmem_shared>> -> memref<56x512xf32, #tpu.memory_space<vmem_shared>>
    tpu.enqueue_dma source(%dma_start3A_1099 : memref<56x512xf32, #tpu.memory_space<vmem_shared>>) target(%dma_start3A_1095 : memref<56x512xf32, #tpu.memory_space<hbm>>) target_semaphore(%dma_start3A_1093 : memref<!tpu.dma_semaphore, #tpu.memory_space<semaphore_mem>>)
    %add3A_1100 = arith.constant 1176 : i32
    %add3A_1101 = arith.addi %multiple_of3A, %add3A_1100 : i32
    %dma_wait3A_1102 = arith.constant 1 : i32
    %dma_wait3A_1103 = arith.constant 5 : i32
    %dma_wait3A_1104 = tpu.memref_slice %arg5[%dma_wait3A_1103] : memref<8x!tpu.dma_semaphore, #tpu.memory_space<semaphore_mem>> -> memref<1x!tpu.dma_semaphore, #tpu.memory_space<semaphore_mem>>
    %dma_wait3A_1105 = tpu.memref_squeeze %dma_wait3A_1104 : memref<1x!tpu.dma_semaphore, #tpu.memory_space<semaphore_mem>> -> memref<!tpu.dma_semaphore, #tpu.memory_space<semaphore_mem>>
    %dma_wait3A_1106 = arith.constant 0 : i32
    %dma_wait3A_1107 = tpu.memref_slice %arg3[%add3A_1101, %dma_wait3A_1106] : memref<77000x512xf32, #tpu.memory_space<hbm>> -> memref<56x512xf32, #tpu.memory_space<hbm>>
    %dma_wait3A_1108 = arith.constant 0 : i32
    %dma_wait3A_1109 = arith.constant 0 : i32
    %dma_wait3A_1110 = tpu.memref_slice %arg4[%arg1, %dma_wait3A_1102, %dma_wait3A_1108, %dma_wait3A_1109] : memref<16x4x56x512xf32, #tpu.memory_space<vmem_shared>> -> memref<1x1x56x512xf32, #tpu.memory_space<vmem_shared>>
    %dma_wait3A_1111 = tpu.memref_squeeze %dma_wait3A_1110 : memref<1x1x56x512xf32, #tpu.memory_space<vmem_shared>> -> memref<56x512xf32, #tpu.memory_space<vmem_shared>>
    tpu.wait_dma2 semaphore(%dma_wait3A_1105 : memref<!tpu.dma_semaphore, #tpu.memory_space<semaphore_mem>>) src(%dma_wait3A_1111 : memref<56x512xf32, #tpu.memory_space<vmem_shared>>) dst(%dma_wait3A_1107 : memref<56x512xf32, #tpu.memory_space<hbm>>)
    %add3A_1112 = arith.constant 1400 : i32
    %add3A_1113 = arith.addi %multiple_of3A, %add3A_1112 : i32
    %dma_start3A_1114 = arith.constant 1 : i32
    %dma_start3A_1115 = arith.constant 1 : i32
    %dma_start3A_1116 = tpu.memref_slice %arg5[%dma_start3A_1115] : memref<8x!tpu.dma_semaphore, #tpu.memory_space<semaphore_mem>> -> memref<1x!tpu.dma_semaphore, #tpu.memory_space<semaphore_mem>>
    %dma_start3A_1117 = tpu.memref_squeeze %dma_start3A_1116 : memref<1x!tpu.dma_semaphore, #tpu.memory_space<semaphore_mem>> -> memref<!tpu.dma_semaphore, #tpu.memory_space<semaphore_mem>>
    %dma_start3A_1118 = arith.constant 0 : i32
    %dma_start3A_1119 = arith.constant 0 : i32
    %dma_start3A_1120 = tpu.memref_slice %arg4[%arg1, %dma_start3A_1114, %dma_start3A_1118, %dma_start3A_1119] : memref<16x4x56x512xf32, #tpu.memory_space<vmem_shared>> -> memref<1x1x56x512xf32, #tpu.memory_space<vmem_shared>>
    %dma_start3A_1121 = tpu.memref_squeeze %dma_start3A_1120 : memref<1x1x56x512xf32, #tpu.memory_space<vmem_shared>> -> memref<56x512xf32, #tpu.memory_space<vmem_shared>>
    %dma_start3A_1122 = arith.constant 0 : i32
    %dma_start3A_1123 = tpu.memref_slice %arg2[%add3A_1113, %dma_start3A_1122] : memref<77000x512xf32, #tpu.memory_space<hbm>> -> memref<56x512xf32, #tpu.memory_space<hbm>>
    tpu.enqueue_dma source(%dma_start3A_1123 : memref<56x512xf32, #tpu.memory_space<hbm>>) target(%dma_start3A_1121 : memref<56x512xf32, #tpu.memory_space<vmem_shared>>) target_semaphore(%dma_start3A_1117 : memref<!tpu.dma_semaphore, #tpu.memory_space<semaphore_mem>>)
    %add3A_1124 = arith.constant 1232 : i32
    %add3A_1125 = arith.addi %multiple_of3A, %add3A_1124 : i32
    %dma_wait3A_1126 = arith.constant 2 : i32
    %dma_wait3A_1127 = arith.constant 2 : i32
    %dma_wait3A_1128 = tpu.memref_slice %arg5[%dma_wait3A_1127] : memref<8x!tpu.dma_semaphore, #tpu.memory_space<semaphore_mem>> -> memref<1x!tpu.dma_semaphore, #tpu.memory_space<semaphore_mem>>
    %dma_wait3A_1129 = tpu.memref_squeeze %dma_wait3A_1128 : memref<1x!tpu.dma_semaphore, #tpu.memory_space<semaphore_mem>> -> memref<!tpu.dma_semaphore, #tpu.memory_space<semaphore_mem>>
    %dma_wait3A_1130 = arith.constant 0 : i32
    %dma_wait3A_1131 = arith.constant 0 : i32
    %dma_wait3A_1132 = tpu.memref_slice %arg4[%arg1, %dma_wait3A_1126, %dma_wait3A_1130, %dma_wait3A_1131] : memref<16x4x56x512xf32, #tpu.memory_space<vmem_shared>> -> memref<1x1x56x512xf32, #tpu.memory_space<vmem_shared>>
    %dma_wait3A_1133 = tpu.memref_squeeze %dma_wait3A_1132 : memref<1x1x56x512xf32, #tpu.memory_space<vmem_shared>> -> memref<56x512xf32, #tpu.memory_space<vmem_shared>>
    %dma_wait3A_1134 = arith.constant 0 : i32
    %dma_wait3A_1135 = tpu.memref_slice %arg2[%add3A_1125, %dma_wait3A_1134] : memref<77000x512xf32, #tpu.memory_space<hbm>> -> memref<56x512xf32, #tpu.memory_space<hbm>>
    tpu.wait_dma2 semaphore(%dma_wait3A_1129 : memref<!tpu.dma_semaphore, #tpu.memory_space<semaphore_mem>>) src(%dma_wait3A_1135 : memref<56x512xf32, #tpu.memory_space<hbm>>) dst(%dma_wait3A_1133 : memref<56x512xf32, #tpu.memory_space<vmem_shared>>)
    %add3A_1136 = arith.constant 1232 : i32
    %add3A_1137 = arith.addi %multiple_of3A, %add3A_1136 : i32
    %dma_start3A_1138 = arith.constant 2 : i32
    %dma_start3A_1139 = arith.constant 6 : i32
    %dma_start3A_1140 = tpu.memref_slice %arg5[%dma_start3A_1139] : memref<8x!tpu.dma_semaphore, #tpu.memory_space<semaphore_mem>> -> memref<1x!tpu.dma_semaphore, #tpu.memory_space<semaphore_mem>>
    %dma_start3A_1141 = tpu.memref_squeeze %dma_start3A_1140 : memref<1x!tpu.dma_semaphore, #tpu.memory_space<semaphore_mem>> -> memref<!tpu.dma_semaphore, #tpu.memory_space<semaphore_mem>>
    %dma_start3A_1142 = arith.constant 0 : i32
    %dma_start3A_1143 = tpu.memref_slice %arg3[%add3A_1137, %dma_start3A_1142] : memref<77000x512xf32, #tpu.memory_space<hbm>> -> memref<56x512xf32, #tpu.memory_space<hbm>>
    %dma_start3A_1144 = arith.constant 0 : i32
    %dma_start3A_1145 = arith.constant 0 : i32
    %dma_start3A_1146 = tpu.memref_slice %arg4[%arg1, %dma_start3A_1138, %dma_start3A_1144, %dma_start3A_1145] : memref<16x4x56x512xf32, #tpu.memory_space<vmem_shared>> -> memref<1x1x56x512xf32, #tpu.memory_space<vmem_shared>>
    %dma_start3A_1147 = tpu.memref_squeeze %dma_start3A_1146 : memref<1x1x56x512xf32, #tpu.memory_space<vmem_shared>> -> memref<56x512xf32, #tpu.memory_space<vmem_shared>>
    tpu.enqueue_dma source(%dma_start3A_1147 : memref<56x512xf32, #tpu.memory_space<vmem_shared>>) target(%dma_start3A_1143 : memref<56x512xf32, #tpu.memory_space<hbm>>) target_semaphore(%dma_start3A_1141 : memref<!tpu.dma_semaphore, #tpu.memory_space<semaphore_mem>>)
    %add3A_1148 = arith.constant 1232 : i32
    %add3A_1149 = arith.addi %multiple_of3A, %add3A_1148 : i32
    %dma_wait3A_1150 = arith.constant 2 : i32
    %dma_wait3A_1151 = arith.constant 6 : i32
    %dma_wait3A_1152 = tpu.memref_slice %arg5[%dma_wait3A_1151] : memref<8x!tpu.dma_semaphore, #tpu.memory_space<semaphore_mem>> -> memref<1x!tpu.dma_semaphore, #tpu.memory_space<semaphore_mem>>
    %dma_wait3A_1153 = tpu.memref_squeeze %dma_wait3A_1152 : memref<1x!tpu.dma_semaphore, #tpu.memory_space<semaphore_mem>> -> memref<!tpu.dma_semaphore, #tpu.memory_space<semaphore_mem>>
    %dma_wait3A_1154 = arith.constant 0 : i32
    %dma_wait3A_1155 = tpu.memref_slice %arg3[%add3A_1149, %dma_wait3A_1154] : memref<77000x512xf32, #tpu.memory_space<hbm>> -> memref<56x512xf32, #tpu.memory_space<hbm>>
    %dma_wait3A_1156 = arith.constant 0 : i32
    %dma_wait3A_1157 = arith.constant 0 : i32
    %dma_wait3A_1158 = tpu.memref_slice %arg4[%arg1, %dma_wait3A_1150, %dma_wait3A_1156, %dma_wait3A_1157] : memref<16x4x56x512xf32, #tpu.memory_space<vmem_shared>> -> memref<1x1x56x512xf32, #tpu.memory_space<vmem_shared>>
    %dma_wait3A_1159 = tpu.memref_squeeze %dma_wait3A_1158 : memref<1x1x56x512xf32, #tpu.memory_space<vmem_shared>> -> memref<56x512xf32, #tpu.memory_space<vmem_shared>>
    tpu.wait_dma2 semaphore(%dma_wait3A_1153 : memref<!tpu.dma_semaphore, #tpu.memory_space<semaphore_mem>>) src(%dma_wait3A_1159 : memref<56x512xf32, #tpu.memory_space<vmem_shared>>) dst(%dma_wait3A_1155 : memref<56x512xf32, #tpu.memory_space<hbm>>)
    %add3A_1160 = arith.constant 1456 : i32
    %add3A_1161 = arith.addi %multiple_of3A, %add3A_1160 : i32
    %dma_start3A_1162 = arith.constant 2 : i32
    %dma_start3A_1163 = arith.constant 2 : i32
    %dma_start3A_1164 = tpu.memref_slice %arg5[%dma_start3A_1163] : memref<8x!tpu.dma_semaphore, #tpu.memory_space<semaphore_mem>> -> memref<1x!tpu.dma_semaphore, #tpu.memory_space<semaphore_mem>>
    %dma_start3A_1165 = tpu.memref_squeeze %dma_start3A_1164 : memref<1x!tpu.dma_semaphore, #tpu.memory_space<semaphore_mem>> -> memref<!tpu.dma_semaphore, #tpu.memory_space<semaphore_mem>>
    %dma_start3A_1166 = arith.constant 0 : i32
    %dma_start3A_1167 = arith.constant 0 : i32
    %dma_start3A_1168 = tpu.memref_slice %arg4[%arg1, %dma_start3A_1162, %dma_start3A_1166, %dma_start3A_1167] : memref<16x4x56x512xf32, #tpu.memory_space<vmem_shared>> -> memref<1x1x56x512xf32, #tpu.memory_space<vmem_shared>>
    %dma_start3A_1169 = tpu.memref_squeeze %dma_start3A_1168 : memref<1x1x56x512xf32, #tpu.memory_space<vmem_shared>> -> memref<56x512xf32, #tpu.memory_space<vmem_shared>>
    %dma_start3A_1170 = arith.constant 0 : i32
    %dma_start3A_1171 = tpu.memref_slice %arg2[%add3A_1161, %dma_start3A_1170] : memref<77000x512xf32, #tpu.memory_space<hbm>> -> memref<56x512xf32, #tpu.memory_space<hbm>>
    tpu.enqueue_dma source(%dma_start3A_1171 : memref<56x512xf32, #tpu.memory_space<hbm>>) target(%dma_start3A_1169 : memref<56x512xf32, #tpu.memory_space<vmem_shared>>) target_semaphore(%dma_start3A_1165 : memref<!tpu.dma_semaphore, #tpu.memory_space<semaphore_mem>>)
    %add3A_1172 = arith.constant 1288 : i32
    %add3A_1173 = arith.addi %multiple_of3A, %add3A_1172 : i32
    %dma_wait3A_1174 = arith.constant 3 : i32
    %dma_wait3A_1175 = arith.constant 3 : i32
    %dma_wait3A_1176 = tpu.memref_slice %arg5[%dma_wait3A_1175] : memref<8x!tpu.dma_semaphore, #tpu.memory_space<semaphore_mem>> -> memref<1x!tpu.dma_semaphore, #tpu.memory_space<semaphore_mem>>
    %dma_wait3A_1177 = tpu.memref_squeeze %dma_wait3A_1176 : memref<1x!tpu.dma_semaphore, #tpu.memory_space<semaphore_mem>> -> memref<!tpu.dma_semaphore, #tpu.memory_space<semaphore_mem>>
    %dma_wait3A_1178 = arith.constant 0 : i32
    %dma_wait3A_1179 = arith.constant 0 : i32
    %dma_wait3A_1180 = tpu.memref_slice %arg4[%arg1, %dma_wait3A_1174, %dma_wait3A_1178, %dma_wait3A_1179] : memref<16x4x56x512xf32, #tpu.memory_space<vmem_shared>> -> memref<1x1x56x512xf32, #tpu.memory_space<vmem_shared>>
    %dma_wait3A_1181 = tpu.memref_squeeze %dma_wait3A_1180 : memref<1x1x56x512xf32, #tpu.memory_space<vmem_shared>> -> memref<56x512xf32, #tpu.memory_space<vmem_shared>>
    %dma_wait3A_1182 = arith.constant 0 : i32
    %dma_wait3A_1183 = tpu.memref_slice %arg2[%add3A_1173, %dma_wait3A_1182] : memref<77000x512xf32, #tpu.memory_space<hbm>> -> memref<56x512xf32, #tpu.memory_space<hbm>>
    tpu.wait_dma2 semaphore(%dma_wait3A_1177 : memref<!tpu.dma_semaphore, #tpu.memory_space<semaphore_mem>>) src(%dma_wait3A_1183 : memref<56x512xf32, #tpu.memory_space<hbm>>) dst(%dma_wait3A_1181 : memref<56x512xf32, #tpu.memory_space<vmem_shared>>)
    %add3A_1184 = arith.constant 1288 : i32
    %add3A_1185 = arith.addi %multiple_of3A, %add3A_1184 : i32
    %dma_start3A_1186 = arith.constant 3 : i32
    %dma_start3A_1187 = arith.constant 7 : i32
    %dma_start3A_1188 = tpu.memref_slice %arg5[%dma_start3A_1187] : memref<8x!tpu.dma_semaphore, #tpu.memory_space<semaphore_mem>> -> memref<1x!tpu.dma_semaphore, #tpu.memory_space<semaphore_mem>>
    %dma_start3A_1189 = tpu.memref_squeeze %dma_start3A_1188 : memref<1x!tpu.dma_semaphore, #tpu.memory_space<semaphore_mem>> -> memref<!tpu.dma_semaphore, #tpu.memory_space<semaphore_mem>>
    %dma_start3A_1190 = arith.constant 0 : i32
    %dma_start3A_1191 = tpu.memref_slice %arg3[%add3A_1185, %dma_start3A_1190] : memref<77000x512xf32, #tpu.memory_space<hbm>> -> memref<56x512xf32, #tpu.memory_space<hbm>>
    %dma_start3A_1192 = arith.constant 0 : i32
    %dma_start3A_1193 = arith.constant 0 : i32
    %dma_start3A_1194 = tpu.memref_slice %arg4[%arg1, %dma_start3A_1186, %dma_start3A_1192, %dma_start3A_1193] : memref<16x4x56x512xf32, #tpu.memory_space<vmem_shared>> -> memref<1x1x56x512xf32, #tpu.memory_space<vmem_shared>>
    %dma_start3A_1195 = tpu.memref_squeeze %dma_start3A_1194 : memref<1x1x56x512xf32, #tpu.memory_space<vmem_shared>> -> memref<56x512xf32, #tpu.memory_space<vmem_shared>>
    tpu.enqueue_dma source(%dma_start3A_1195 : memref<56x512xf32, #tpu.memory_space<vmem_shared>>) target(%dma_start3A_1191 : memref<56x512xf32, #tpu.memory_space<hbm>>) target_semaphore(%dma_start3A_1189 : memref<!tpu.dma_semaphore, #tpu.memory_space<semaphore_mem>>)
    %add3A_1196 = arith.constant 1288 : i32
    %add3A_1197 = arith.addi %multiple_of3A, %add3A_1196 : i32
    %dma_wait3A_1198 = arith.constant 3 : i32
    %dma_wait3A_1199 = arith.constant 7 : i32
    %dma_wait3A_1200 = tpu.memref_slice %arg5[%dma_wait3A_1199] : memref<8x!tpu.dma_semaphore, #tpu.memory_space<semaphore_mem>> -> memref<1x!tpu.dma_semaphore, #tpu.memory_space<semaphore_mem>>
    %dma_wait3A_1201 = tpu.memref_squeeze %dma_wait3A_1200 : memref<1x!tpu.dma_semaphore, #tpu.memory_space<semaphore_mem>> -> memref<!tpu.dma_semaphore, #tpu.memory_space<semaphore_mem>>
    %dma_wait3A_1202 = arith.constant 0 : i32
    %dma_wait3A_1203 = tpu.memref_slice %arg3[%add3A_1197, %dma_wait3A_1202] : memref<77000x512xf32, #tpu.memory_space<hbm>> -> memref<56x512xf32, #tpu.memory_space<hbm>>
    %dma_wait3A_1204 = arith.constant 0 : i32
    %dma_wait3A_1205 = arith.constant 0 : i32
    %dma_wait3A_1206 = tpu.memref_slice %arg4[%arg1, %dma_wait3A_1198, %dma_wait3A_1204, %dma_wait3A_1205] : memref<16x4x56x512xf32, #tpu.memory_space<vmem_shared>> -> memref<1x1x56x512xf32, #tpu.memory_space<vmem_shared>>
    %dma_wait3A_1207 = tpu.memref_squeeze %dma_wait3A_1206 : memref<1x1x56x512xf32, #tpu.memory_space<vmem_shared>> -> memref<56x512xf32, #tpu.memory_space<vmem_shared>>
    tpu.wait_dma2 semaphore(%dma_wait3A_1201 : memref<!tpu.dma_semaphore, #tpu.memory_space<semaphore_mem>>) src(%dma_wait3A_1207 : memref<56x512xf32, #tpu.memory_space<vmem_shared>>) dst(%dma_wait3A_1203 : memref<56x512xf32, #tpu.memory_space<hbm>>)
    %add3A_1208 = arith.constant 1512 : i32
    %add3A_1209 = arith.addi %multiple_of3A, %add3A_1208 : i32
    %dma_start3A_1210 = arith.constant 3 : i32
    %dma_start3A_1211 = arith.constant 3 : i32
    %dma_start3A_1212 = tpu.memref_slice %arg5[%dma_start3A_1211] : memref<8x!tpu.dma_semaphore, #tpu.memory_space<semaphore_mem>> -> memref<1x!tpu.dma_semaphore, #tpu.memory_space<semaphore_mem>>
    %dma_start3A_1213 = tpu.memref_squeeze %dma_start3A_1212 : memref<1x!tpu.dma_semaphore, #tpu.memory_space<semaphore_mem>> -> memref<!tpu.dma_semaphore, #tpu.memory_space<semaphore_mem>>
    %dma_start3A_1214 = arith.constant 0 : i32
    %dma_start3A_1215 = arith.constant 0 : i32
    %dma_start3A_1216 = tpu.memref_slice %arg4[%arg1, %dma_start3A_1210, %dma_start3A_1214, %dma_start3A_1215] : memref<16x4x56x512xf32, #tpu.memory_space<vmem_shared>> -> memref<1x1x56x512xf32, #tpu.memory_space<vmem_shared>>
    %dma_start3A_1217 = tpu.memref_squeeze %dma_start3A_1216 : memref<1x1x56x512xf32, #tpu.memory_space<vmem_shared>> -> memref<56x512xf32, #tpu.memory_space<vmem_shared>>
    %dma_start3A_1218 = arith.constant 0 : i32
    %dma_start3A_1219 = tpu.memref_slice %arg2[%add3A_1209, %dma_start3A_1218] : memref<77000x512xf32, #tpu.memory_space<hbm>> -> memref<56x512xf32, #tpu.memory_space<hbm>>
    tpu.enqueue_dma source(%dma_start3A_1219 : memref<56x512xf32, #tpu.memory_space<hbm>>) target(%dma_start3A_1217 : memref<56x512xf32, #tpu.memory_space<vmem_shared>>) target_semaphore(%dma_start3A_1213 : memref<!tpu.dma_semaphore, #tpu.memory_space<semaphore_mem>>)
    %add3A_1220 = arith.constant 1344 : i32
    %add3A_1221 = arith.addi %multiple_of3A, %add3A_1220 : i32
    %dma_wait3A_1222 = arith.constant 0 : i32
    %dma_wait3A_1223 = arith.constant 0 : i32
    %dma_wait3A_1224 = tpu.memref_slice %arg5[%dma_wait3A_1223] : memref<8x!tpu.dma_semaphore, #tpu.memory_space<semaphore_mem>> -> memref<1x!tpu.dma_semaphore, #tpu.memory_space<semaphore_mem>>
    %dma_wait3A_1225 = tpu.memref_squeeze %dma_wait3A_1224 : memref<1x!tpu.dma_semaphore, #tpu.memory_space<semaphore_mem>> -> memref<!tpu.dma_semaphore, #tpu.memory_space<semaphore_mem>>
    %dma_wait3A_1226 = arith.constant 0 : i32
    %dma_wait3A_1227 = arith.constant 0 : i32
    %dma_wait3A_1228 = tpu.memref_slice %arg4[%arg1, %dma_wait3A_1222, %dma_wait3A_1226, %dma_wait3A_1227] : memref<16x4x56x512xf32, #tpu.memory_space<vmem_shared>> -> memref<1x1x56x512xf32, #tpu.memory_space<vmem_shared>>
    %dma_wait3A_1229 = tpu.memref_squeeze %dma_wait3A_1228 : memref<1x1x56x512xf32, #tpu.memory_space<vmem_shared>> -> memref<56x512xf32, #tpu.memory_space<vmem_shared>>
    %dma_wait3A_1230 = arith.constant 0 : i32
    %dma_wait3A_1231 = tpu.memref_slice %arg2[%add3A_1221, %dma_wait3A_1230] : memref<77000x512xf32, #tpu.memory_space<hbm>> -> memref<56x512xf32, #tpu.memory_space<hbm>>
    tpu.wait_dma2 semaphore(%dma_wait3A_1225 : memref<!tpu.dma_semaphore, #tpu.memory_space<semaphore_mem>>) src(%dma_wait3A_1231 : memref<56x512xf32, #tpu.memory_space<hbm>>) dst(%dma_wait3A_1229 : memref<56x512xf32, #tpu.memory_space<vmem_shared>>)
    %add3A_1232 = arith.constant 1344 : i32
    %add3A_1233 = arith.addi %multiple_of3A, %add3A_1232 : i32
    %dma_start3A_1234 = arith.constant 0 : i32
    %dma_start3A_1235 = arith.constant 4 : i32
    %dma_start3A_1236 = tpu.memref_slice %arg5[%dma_start3A_1235] : memref<8x!tpu.dma_semaphore, #tpu.memory_space<semaphore_mem>> -> memref<1x!tpu.dma_semaphore, #tpu.memory_space<semaphore_mem>>
    %dma_start3A_1237 = tpu.memref_squeeze %dma_start3A_1236 : memref<1x!tpu.dma_semaphore, #tpu.memory_space<semaphore_mem>> -> memref<!tpu.dma_semaphore, #tpu.memory_space<semaphore_mem>>
    %dma_start3A_1238 = arith.constant 0 : i32
    %dma_start3A_1239 = tpu.memref_slice %arg3[%add3A_1233, %dma_start3A_1238] : memref<77000x512xf32, #tpu.memory_space<hbm>> -> memref<56x512xf32, #tpu.memory_space<hbm>>
    %dma_start3A_1240 = arith.constant 0 : i32
    %dma_start3A_1241 = arith.constant 0 : i32
    %dma_start3A_1242 = tpu.memref_slice %arg4[%arg1, %dma_start3A_1234, %dma_start3A_1240, %dma_start3A_1241] : memref<16x4x56x512xf32, #tpu.memory_space<vmem_shared>> -> memref<1x1x56x512xf32, #tpu.memory_space<vmem_shared>>
    %dma_start3A_1243 = tpu.memref_squeeze %dma_start3A_1242 : memref<1x1x56x512xf32, #tpu.memory_space<vmem_shared>> -> memref<56x512xf32, #tpu.memory_space<vmem_shared>>
    tpu.enqueue_dma source(%dma_start3A_1243 : memref<56x512xf32, #tpu.memory_space<vmem_shared>>) target(%dma_start3A_1239 : memref<56x512xf32, #tpu.memory_space<hbm>>) target_semaphore(%dma_start3A_1237 : memref<!tpu.dma_semaphore, #tpu.memory_space<semaphore_mem>>)
    %add3A_1244 = arith.constant 1344 : i32
    %add3A_1245 = arith.addi %multiple_of3A, %add3A_1244 : i32
    %dma_wait3A_1246 = arith.constant 0 : i32
    %dma_wait3A_1247 = arith.constant 4 : i32
    %dma_wait3A_1248 = tpu.memref_slice %arg5[%dma_wait3A_1247] : memref<8x!tpu.dma_semaphore, #tpu.memory_space<semaphore_mem>> -> memref<1x!tpu.dma_semaphore, #tpu.memory_space<semaphore_mem>>
    %dma_wait3A_1249 = tpu.memref_squeeze %dma_wait3A_1248 : memref<1x!tpu.dma_semaphore, #tpu.memory_space<semaphore_mem>> -> memref<!tpu.dma_semaphore, #tpu.memory_space<semaphore_mem>>
    %dma_wait3A_1250 = arith.constant 0 : i32
    %dma_wait3A_1251 = tpu.memref_slice %arg3[%add3A_1245, %dma_wait3A_1250] : memref<77000x512xf32, #tpu.memory_space<hbm>> -> memref<56x512xf32, #tpu.memory_space<hbm>>
    %dma_wait3A_1252 = arith.constant 0 : i32
    %dma_wait3A_1253 = arith.constant 0 : i32
    %dma_wait3A_1254 = tpu.memref_slice %arg4[%arg1, %dma_wait3A_1246, %dma_wait3A_1252, %dma_wait3A_1253] : memref<16x4x56x512xf32, #tpu.memory_space<vmem_shared>> -> memref<1x1x56x512xf32, #tpu.memory_space<vmem_shared>>
    %dma_wait3A_1255 = tpu.memref_squeeze %dma_wait3A_1254 : memref<1x1x56x512xf32, #tpu.memory_space<vmem_shared>> -> memref<56x512xf32, #tpu.memory_space<vmem_shared>>
    tpu.wait_dma2 semaphore(%dma_wait3A_1249 : memref<!tpu.dma_semaphore, #tpu.memory_space<semaphore_mem>>) src(%dma_wait3A_1255 : memref<56x512xf32, #tpu.memory_space<vmem_shared>>) dst(%dma_wait3A_1251 : memref<56x512xf32, #tpu.memory_space<hbm>>)
    %add3A_1256 = arith.constant 1568 : i32
    %add3A_1257 = arith.addi %multiple_of3A, %add3A_1256 : i32
    %dma_start3A_1258 = arith.constant 0 : i32
    %dma_start3A_1259 = arith.constant 0 : i32
    %dma_start3A_1260 = tpu.memref_slice %arg5[%dma_start3A_1259] : memref<8x!tpu.dma_semaphore, #tpu.memory_space<semaphore_mem>> -> memref<1x!tpu.dma_semaphore, #tpu.memory_space<semaphore_mem>>
    %dma_start3A_1261 = tpu.memref_squeeze %dma_start3A_1260 : memref<1x!tpu.dma_semaphore, #tpu.memory_space<semaphore_mem>> -> memref<!tpu.dma_semaphore, #tpu.memory_space<semaphore_mem>>
    %dma_start3A_1262 = arith.constant 0 : i32
    %dma_start3A_1263 = arith.constant 0 : i32
    %dma_start3A_1264 = tpu.memref_slice %arg4[%arg1, %dma_start3A_1258, %dma_start3A_1262, %dma_start3A_1263] : memref<16x4x56x512xf32, #tpu.memory_space<vmem_shared>> -> memref<1x1x56x512xf32, #tpu.memory_space<vmem_shared>>
    %dma_start3A_1265 = tpu.memref_squeeze %dma_start3A_1264 : memref<1x1x56x512xf32, #tpu.memory_space<vmem_shared>> -> memref<56x512xf32, #tpu.memory_space<vmem_shared>>
    %dma_start3A_1266 = arith.constant 0 : i32
    %dma_start3A_1267 = tpu.memref_slice %arg2[%add3A_1257, %dma_start3A_1266] : memref<77000x512xf32, #tpu.memory_space<hbm>> -> memref<56x512xf32, #tpu.memory_space<hbm>>
    tpu.enqueue_dma source(%dma_start3A_1267 : memref<56x512xf32, #tpu.memory_space<hbm>>) target(%dma_start3A_1265 : memref<56x512xf32, #tpu.memory_space<vmem_shared>>) target_semaphore(%dma_start3A_1261 : memref<!tpu.dma_semaphore, #tpu.memory_space<semaphore_mem>>)
    %add3A_1268 = arith.constant 1400 : i32
    %add3A_1269 = arith.addi %multiple_of3A, %add3A_1268 : i32
    %dma_wait3A_1270 = arith.constant 1 : i32
    %dma_wait3A_1271 = arith.constant 1 : i32
    %dma_wait3A_1272 = tpu.memref_slice %arg5[%dma_wait3A_1271] : memref<8x!tpu.dma_semaphore, #tpu.memory_space<semaphore_mem>> -> memref<1x!tpu.dma_semaphore, #tpu.memory_space<semaphore_mem>>
    %dma_wait3A_1273 = tpu.memref_squeeze %dma_wait3A_1272 : memref<1x!tpu.dma_semaphore, #tpu.memory_space<semaphore_mem>> -> memref<!tpu.dma_semaphore, #tpu.memory_space<semaphore_mem>>
    %dma_wait3A_1274 = arith.constant 0 : i32
    %dma_wait3A_1275 = arith.constant 0 : i32
    %dma_wait3A_1276 = tpu.memref_slice %arg4[%arg1, %dma_wait3A_1270, %dma_wait3A_1274, %dma_wait3A_1275] : memref<16x4x56x512xf32, #tpu.memory_space<vmem_shared>> -> memref<1x1x56x512xf32, #tpu.memory_space<vmem_shared>>
    %dma_wait3A_1277 = tpu.memref_squeeze %dma_wait3A_1276 : memref<1x1x56x512xf32, #tpu.memory_space<vmem_shared>> -> memref<56x512xf32, #tpu.memory_space<vmem_shared>>
    %dma_wait3A_1278 = arith.constant 0 : i32
    %dma_wait3A_1279 = tpu.memref_slice %arg2[%add3A_1269, %dma_wait3A_1278] : memref<77000x512xf32, #tpu.memory_space<hbm>> -> memref<56x512xf32, #tpu.memory_space<hbm>>
    tpu.wait_dma2 semaphore(%dma_wait3A_1273 : memref<!tpu.dma_semaphore, #tpu.memory_space<semaphore_mem>>) src(%dma_wait3A_1279 : memref<56x512xf32, #tpu.memory_space<hbm>>) dst(%dma_wait3A_1277 : memref<56x512xf32, #tpu.memory_space<vmem_shared>>)
    %add3A_1280 = arith.constant 1400 : i32
    %add3A_1281 = arith.addi %multiple_of3A, %add3A_1280 : i32
    %dma_start3A_1282 = arith.constant 1 : i32
    %dma_start3A_1283 = arith.constant 5 : i32
    %dma_start3A_1284 = tpu.memref_slice %arg5[%dma_start3A_1283] : memref<8x!tpu.dma_semaphore, #tpu.memory_space<semaphore_mem>> -> memref<1x!tpu.dma_semaphore, #tpu.memory_space<semaphore_mem>>
    %dma_start3A_1285 = tpu.memref_squeeze %dma_start3A_1284 : memref<1x!tpu.dma_semaphore, #tpu.memory_space<semaphore_mem>> -> memref<!tpu.dma_semaphore, #tpu.memory_space<semaphore_mem>>
    %dma_start3A_1286 = arith.constant 0 : i32
    %dma_start3A_1287 = tpu.memref_slice %arg3[%add3A_1281, %dma_start3A_1286] : memref<77000x512xf32, #tpu.memory_space<hbm>> -> memref<56x512xf32, #tpu.memory_space<hbm>>
    %dma_start3A_1288 = arith.constant 0 : i32
    %dma_start3A_1289 = arith.constant 0 : i32
    %dma_start3A_1290 = tpu.memref_slice %arg4[%arg1, %dma_start3A_1282, %dma_start3A_1288, %dma_start3A_1289] : memref<16x4x56x512xf32, #tpu.memory_space<vmem_shared>> -> memref<1x1x56x512xf32, #tpu.memory_space<vmem_shared>>
    %dma_start3A_1291 = tpu.memref_squeeze %dma_start3A_1290 : memref<1x1x56x512xf32, #tpu.memory_space<vmem_shared>> -> memref<56x512xf32, #tpu.memory_space<vmem_shared>>
    tpu.enqueue_dma source(%dma_start3A_1291 : memref<56x512xf32, #tpu.memory_space<vmem_shared>>) target(%dma_start3A_1287 : memref<56x512xf32, #tpu.memory_space<hbm>>) target_semaphore(%dma_start3A_1285 : memref<!tpu.dma_semaphore, #tpu.memory_space<semaphore_mem>>)
    %add3A_1292 = arith.constant 1400 : i32
    %add3A_1293 = arith.addi %multiple_of3A, %add3A_1292 : i32
    %dma_wait3A_1294 = arith.constant 1 : i32
    %dma_wait3A_1295 = arith.constant 5 : i32
    %dma_wait3A_1296 = tpu.memref_slice %arg5[%dma_wait3A_1295] : memref<8x!tpu.dma_semaphore, #tpu.memory_space<semaphore_mem>> -> memref<1x!tpu.dma_semaphore, #tpu.memory_space<semaphore_mem>>
    %dma_wait3A_1297 = tpu.memref_squeeze %dma_wait3A_1296 : memref<1x!tpu.dma_semaphore, #tpu.memory_space<semaphore_mem>> -> memref<!tpu.dma_semaphore, #tpu.memory_space<semaphore_mem>>
    %dma_wait3A_1298 = arith.constant 0 : i32
    %dma_wait3A_1299 = tpu.memref_slice %arg3[%add3A_1293, %dma_wait3A_1298] : memref<77000x512xf32, #tpu.memory_space<hbm>> -> memref<56x512xf32, #tpu.memory_space<hbm>>
    %dma_wait3A_1300 = arith.constant 0 : i32
    %dma_wait3A_1301 = arith.constant 0 : i32
    %dma_wait3A_1302 = tpu.memref_slice %arg4[%arg1, %dma_wait3A_1294, %dma_wait3A_1300, %dma_wait3A_1301] : memref<16x4x56x512xf32, #tpu.memory_space<vmem_shared>> -> memref<1x1x56x512xf32, #tpu.memory_space<vmem_shared>>
    %dma_wait3A_1303 = tpu.memref_squeeze %dma_wait3A_1302 : memref<1x1x56x512xf32, #tpu.memory_space<vmem_shared>> -> memref<56x512xf32, #tpu.memory_space<vmem_shared>>
    tpu.wait_dma2 semaphore(%dma_wait3A_1297 : memref<!tpu.dma_semaphore, #tpu.memory_space<semaphore_mem>>) src(%dma_wait3A_1303 : memref<56x512xf32, #tpu.memory_space<vmem_shared>>) dst(%dma_wait3A_1299 : memref<56x512xf32, #tpu.memory_space<hbm>>)
    %add3A_1304 = arith.constant 1624 : i32
    %add3A_1305 = arith.addi %multiple_of3A, %add3A_1304 : i32
    %dma_start3A_1306 = arith.constant 1 : i32
    %dma_start3A_1307 = arith.constant 1 : i32
    %dma_start3A_1308 = tpu.memref_slice %arg5[%dma_start3A_1307] : memref<8x!tpu.dma_semaphore, #tpu.memory_space<semaphore_mem>> -> memref<1x!tpu.dma_semaphore, #tpu.memory_space<semaphore_mem>>
    %dma_start3A_1309 = tpu.memref_squeeze %dma_start3A_1308 : memref<1x!tpu.dma_semaphore, #tpu.memory_space<semaphore_mem>> -> memref<!tpu.dma_semaphore, #tpu.memory_space<semaphore_mem>>
    %dma_start3A_1310 = arith.constant 0 : i32
    %dma_start3A_1311 = arith.constant 0 : i32
    %dma_start3A_1312 = tpu.memref_slice %arg4[%arg1, %dma_start3A_1306, %dma_start3A_1310, %dma_start3A_1311] : memref<16x4x56x512xf32, #tpu.memory_space<vmem_shared>> -> memref<1x1x56x512xf32, #tpu.memory_space<vmem_shared>>
    %dma_start3A_1313 = tpu.memref_squeeze %dma_start3A_1312 : memref<1x1x56x512xf32, #tpu.memory_space<vmem_shared>> -> memref<56x512xf32, #tpu.memory_space<vmem_shared>>
    %dma_start3A_1314 = arith.constant 0 : i32
    %dma_start3A_1315 = tpu.memref_slice %arg2[%add3A_1305, %dma_start3A_1314] : memref<77000x512xf32, #tpu.memory_space<hbm>> -> memref<56x512xf32, #tpu.memory_space<hbm>>
    tpu.enqueue_dma source(%dma_start3A_1315 : memref<56x512xf32, #tpu.memory_space<hbm>>) target(%dma_start3A_1313 : memref<56x512xf32, #tpu.memory_space<vmem_shared>>) target_semaphore(%dma_start3A_1309 : memref<!tpu.dma_semaphore, #tpu.memory_space<semaphore_mem>>)
    %add3A_1316 = arith.constant 1456 : i32
    %add3A_1317 = arith.addi %multiple_of3A, %add3A_1316 : i32
    %dma_wait3A_1318 = arith.constant 2 : i32
    %dma_wait3A_1319 = arith.constant 2 : i32
    %dma_wait3A_1320 = tpu.memref_slice %arg5[%dma_wait3A_1319] : memref<8x!tpu.dma_semaphore, #tpu.memory_space<semaphore_mem>> -> memref<1x!tpu.dma_semaphore, #tpu.memory_space<semaphore_mem>>
    %dma_wait3A_1321 = tpu.memref_squeeze %dma_wait3A_1320 : memref<1x!tpu.dma_semaphore, #tpu.memory_space<semaphore_mem>> -> memref<!tpu.dma_semaphore, #tpu.memory_space<semaphore_mem>>
    %dma_wait3A_1322 = arith.constant 0 : i32
    %dma_wait3A_1323 = arith.constant 0 : i32
    %dma_wait3A_1324 = tpu.memref_slice %arg4[%arg1, %dma_wait3A_1318, %dma_wait3A_1322, %dma_wait3A_1323] : memref<16x4x56x512xf32, #tpu.memory_space<vmem_shared>> -> memref<1x1x56x512xf32, #tpu.memory_space<vmem_shared>>
    %dma_wait3A_1325 = tpu.memref_squeeze %dma_wait3A_1324 : memref<1x1x56x512xf32, #tpu.memory_space<vmem_shared>> -> memref<56x512xf32, #tpu.memory_space<vmem_shared>>
    %dma_wait3A_1326 = arith.constant 0 : i32
    %dma_wait3A_1327 = tpu.memref_slice %arg2[%add3A_1317, %dma_wait3A_1326] : memref<77000x512xf32, #tpu.memory_space<hbm>> -> memref<56x512xf32, #tpu.memory_space<hbm>>
    tpu.wait_dma2 semaphore(%dma_wait3A_1321 : memref<!tpu.dma_semaphore, #tpu.memory_space<semaphore_mem>>) src(%dma_wait3A_1327 : memref<56x512xf32, #tpu.memory_space<hbm>>) dst(%dma_wait3A_1325 : memref<56x512xf32, #tpu.memory_space<vmem_shared>>)
    %add3A_1328 = arith.constant 1456 : i32
    %add3A_1329 = arith.addi %multiple_of3A, %add3A_1328 : i32
    %dma_start3A_1330 = arith.constant 2 : i32
    %dma_start3A_1331 = arith.constant 6 : i32
    %dma_start3A_1332 = tpu.memref_slice %arg5[%dma_start3A_1331] : memref<8x!tpu.dma_semaphore, #tpu.memory_space<semaphore_mem>> -> memref<1x!tpu.dma_semaphore, #tpu.memory_space<semaphore_mem>>
    %dma_start3A_1333 = tpu.memref_squeeze %dma_start3A_1332 : memref<1x!tpu.dma_semaphore, #tpu.memory_space<semaphore_mem>> -> memref<!tpu.dma_semaphore, #tpu.memory_space<semaphore_mem>>
    %dma_start3A_1334 = arith.constant 0 : i32
    %dma_start3A_1335 = tpu.memref_slice %arg3[%add3A_1329, %dma_start3A_1334] : memref<77000x512xf32, #tpu.memory_space<hbm>> -> memref<56x512xf32, #tpu.memory_space<hbm>>
    %dma_start3A_1336 = arith.constant 0 : i32
    %dma_start3A_1337 = arith.constant 0 : i32
    %dma_start3A_1338 = tpu.memref_slice %arg4[%arg1, %dma_start3A_1330, %dma_start3A_1336, %dma_start3A_1337] : memref<16x4x56x512xf32, #tpu.memory_space<vmem_shared>> -> memref<1x1x56x512xf32, #tpu.memory_space<vmem_shared>>
    %dma_start3A_1339 = tpu.memref_squeeze %dma_start3A_1338 : memref<1x1x56x512xf32, #tpu.memory_space<vmem_shared>> -> memref<56x512xf32, #tpu.memory_space<vmem_shared>>
    tpu.enqueue_dma source(%dma_start3A_1339 : memref<56x512xf32, #tpu.memory_space<vmem_shared>>) target(%dma_start3A_1335 : memref<56x512xf32, #tpu.memory_space<hbm>>) target_semaphore(%dma_start3A_1333 : memref<!tpu.dma_semaphore, #tpu.memory_space<semaphore_mem>>)
    %add3A_1340 = arith.constant 1456 : i32
    %add3A_1341 = arith.addi %multiple_of3A, %add3A_1340 : i32
    %dma_wait3A_1342 = arith.constant 2 : i32
    %dma_wait3A_1343 = arith.constant 6 : i32
    %dma_wait3A_1344 = tpu.memref_slice %arg5[%dma_wait3A_1343] : memref<8x!tpu.dma_semaphore, #tpu.memory_space<semaphore_mem>> -> memref<1x!tpu.dma_semaphore, #tpu.memory_space<semaphore_mem>>
    %dma_wait3A_1345 = tpu.memref_squeeze %dma_wait3A_1344 : memref<1x!tpu.dma_semaphore, #tpu.memory_space<semaphore_mem>> -> memref<!tpu.dma_semaphore, #tpu.memory_space<semaphore_mem>>
    %dma_wait3A_1346 = arith.constant 0 : i32
    %dma_wait3A_1347 = tpu.memref_slice %arg3[%add3A_1341, %dma_wait3A_1346] : memref<77000x512xf32, #tpu.memory_space<hbm>> -> memref<56x512xf32, #tpu.memory_space<hbm>>
    %dma_wait3A_1348 = arith.constant 0 : i32
    %dma_wait3A_1349 = arith.constant 0 : i32
    %dma_wait3A_1350 = tpu.memref_slice %arg4[%arg1, %dma_wait3A_1342, %dma_wait3A_1348, %dma_wait3A_1349] : memref<16x4x56x512xf32, #tpu.memory_space<vmem_shared>> -> memref<1x1x56x512xf32, #tpu.memory_space<vmem_shared>>
    %dma_wait3A_1351 = tpu.memref_squeeze %dma_wait3A_1350 : memref<1x1x56x512xf32, #tpu.memory_space<vmem_shared>> -> memref<56x512xf32, #tpu.memory_space<vmem_shared>>
    tpu.wait_dma2 semaphore(%dma_wait3A_1345 : memref<!tpu.dma_semaphore, #tpu.memory_space<semaphore_mem>>) src(%dma_wait3A_1351 : memref<56x512xf32, #tpu.memory_space<vmem_shared>>) dst(%dma_wait3A_1347 : memref<56x512xf32, #tpu.memory_space<hbm>>)
    %add3A_1352 = arith.constant 1680 : i32
    %add3A_1353 = arith.addi %multiple_of3A, %add3A_1352 : i32
    %dma_start3A_1354 = arith.constant 2 : i32
    %dma_start3A_1355 = arith.constant 2 : i32
    %dma_start3A_1356 = tpu.memref_slice %arg5[%dma_start3A_1355] : memref<8x!tpu.dma_semaphore, #tpu.memory_space<semaphore_mem>> -> memref<1x!tpu.dma_semaphore, #tpu.memory_space<semaphore_mem>>
    %dma_start3A_1357 = tpu.memref_squeeze %dma_start3A_1356 : memref<1x!tpu.dma_semaphore, #tpu.memory_space<semaphore_mem>> -> memref<!tpu.dma_semaphore, #tpu.memory_space<semaphore_mem>>
    %dma_start3A_1358 = arith.constant 0 : i32
    %dma_start3A_1359 = arith.constant 0 : i32
    %dma_start3A_1360 = tpu.memref_slice %arg4[%arg1, %dma_start3A_1354, %dma_start3A_1358, %dma_start3A_1359] : memref<16x4x56x512xf32, #tpu.memory_space<vmem_shared>> -> memref<1x1x56x512xf32, #tpu.memory_space<vmem_shared>>
    %dma_start3A_1361 = tpu.memref_squeeze %dma_start3A_1360 : memref<1x1x56x512xf32, #tpu.memory_space<vmem_shared>> -> memref<56x512xf32, #tpu.memory_space<vmem_shared>>
    %dma_start3A_1362 = arith.constant 0 : i32
    %dma_start3A_1363 = tpu.memref_slice %arg2[%add3A_1353, %dma_start3A_1362] : memref<77000x512xf32, #tpu.memory_space<hbm>> -> memref<56x512xf32, #tpu.memory_space<hbm>>
    tpu.enqueue_dma source(%dma_start3A_1363 : memref<56x512xf32, #tpu.memory_space<hbm>>) target(%dma_start3A_1361 : memref<56x512xf32, #tpu.memory_space<vmem_shared>>) target_semaphore(%dma_start3A_1357 : memref<!tpu.dma_semaphore, #tpu.memory_space<semaphore_mem>>)
    %add3A_1364 = arith.constant 1512 : i32
    %add3A_1365 = arith.addi %multiple_of3A, %add3A_1364 : i32
    %dma_wait3A_1366 = arith.constant 3 : i32
    %dma_wait3A_1367 = arith.constant 3 : i32
    %dma_wait3A_1368 = tpu.memref_slice %arg5[%dma_wait3A_1367] : memref<8x!tpu.dma_semaphore, #tpu.memory_space<semaphore_mem>> -> memref<1x!tpu.dma_semaphore, #tpu.memory_space<semaphore_mem>>
    %dma_wait3A_1369 = tpu.memref_squeeze %dma_wait3A_1368 : memref<1x!tpu.dma_semaphore, #tpu.memory_space<semaphore_mem>> -> memref<!tpu.dma_semaphore, #tpu.memory_space<semaphore_mem>>
    %dma_wait3A_1370 = arith.constant 0 : i32
    %dma_wait3A_1371 = arith.constant 0 : i32
    %dma_wait3A_1372 = tpu.memref_slice %arg4[%arg1, %dma_wait3A_1366, %dma_wait3A_1370, %dma_wait3A_1371] : memref<16x4x56x512xf32, #tpu.memory_space<vmem_shared>> -> memref<1x1x56x512xf32, #tpu.memory_space<vmem_shared>>
    %dma_wait3A_1373 = tpu.memref_squeeze %dma_wait3A_1372 : memref<1x1x56x512xf32, #tpu.memory_space<vmem_shared>> -> memref<56x512xf32, #tpu.memory_space<vmem_shared>>
    %dma_wait3A_1374 = arith.constant 0 : i32
    %dma_wait3A_1375 = tpu.memref_slice %arg2[%add3A_1365, %dma_wait3A_1374] : memref<77000x512xf32, #tpu.memory_space<hbm>> -> memref<56x512xf32, #tpu.memory_space<hbm>>
    tpu.wait_dma2 semaphore(%dma_wait3A_1369 : memref<!tpu.dma_semaphore, #tpu.memory_space<semaphore_mem>>) src(%dma_wait3A_1375 : memref<56x512xf32, #tpu.memory_space<hbm>>) dst(%dma_wait3A_1373 : memref<56x512xf32, #tpu.memory_space<vmem_shared>>)
    %add3A_1376 = arith.constant 1512 : i32
    %add3A_1377 = arith.addi %multiple_of3A, %add3A_1376 : i32
    %dma_start3A_1378 = arith.constant 3 : i32
    %dma_start3A_1379 = arith.constant 7 : i32
    %dma_start3A_1380 = tpu.memref_slice %arg5[%dma_start3A_1379] : memref<8x!tpu.dma_semaphore, #tpu.memory_space<semaphore_mem>> -> memref<1x!tpu.dma_semaphore, #tpu.memory_space<semaphore_mem>>
    %dma_start3A_1381 = tpu.memref_squeeze %dma_start3A_1380 : memref<1x!tpu.dma_semaphore, #tpu.memory_space<semaphore_mem>> -> memref<!tpu.dma_semaphore, #tpu.memory_space<semaphore_mem>>
    %dma_start3A_1382 = arith.constant 0 : i32
    %dma_start3A_1383 = tpu.memref_slice %arg3[%add3A_1377, %dma_start3A_1382] : memref<77000x512xf32, #tpu.memory_space<hbm>> -> memref<56x512xf32, #tpu.memory_space<hbm>>
    %dma_start3A_1384 = arith.constant 0 : i32
    %dma_start3A_1385 = arith.constant 0 : i32
    %dma_start3A_1386 = tpu.memref_slice %arg4[%arg1, %dma_start3A_1378, %dma_start3A_1384, %dma_start3A_1385] : memref<16x4x56x512xf32, #tpu.memory_space<vmem_shared>> -> memref<1x1x56x512xf32, #tpu.memory_space<vmem_shared>>
    %dma_start3A_1387 = tpu.memref_squeeze %dma_start3A_1386 : memref<1x1x56x512xf32, #tpu.memory_space<vmem_shared>> -> memref<56x512xf32, #tpu.memory_space<vmem_shared>>
    tpu.enqueue_dma source(%dma_start3A_1387 : memref<56x512xf32, #tpu.memory_space<vmem_shared>>) target(%dma_start3A_1383 : memref<56x512xf32, #tpu.memory_space<hbm>>) target_semaphore(%dma_start3A_1381 : memref<!tpu.dma_semaphore, #tpu.memory_space<semaphore_mem>>)
    %add3A_1388 = arith.constant 1512 : i32
    %add3A_1389 = arith.addi %multiple_of3A, %add3A_1388 : i32
    %dma_wait3A_1390 = arith.constant 3 : i32
    %dma_wait3A_1391 = arith.constant 7 : i32
    %dma_wait3A_1392 = tpu.memref_slice %arg5[%dma_wait3A_1391] : memref<8x!tpu.dma_semaphore, #tpu.memory_space<semaphore_mem>> -> memref<1x!tpu.dma_semaphore, #tpu.memory_space<semaphore_mem>>
    %dma_wait3A_1393 = tpu.memref_squeeze %dma_wait3A_1392 : memref<1x!tpu.dma_semaphore, #tpu.memory_space<semaphore_mem>> -> memref<!tpu.dma_semaphore, #tpu.memory_space<semaphore_mem>>
    %dma_wait3A_1394 = arith.constant 0 : i32
    %dma_wait3A_1395 = tpu.memref_slice %arg3[%add3A_1389, %dma_wait3A_1394] : memref<77000x512xf32, #tpu.memory_space<hbm>> -> memref<56x512xf32, #tpu.memory_space<hbm>>
    %dma_wait3A_1396 = arith.constant 0 : i32
    %dma_wait3A_1397 = arith.constant 0 : i32
    %dma_wait3A_1398 = tpu.memref_slice %arg4[%arg1, %dma_wait3A_1390, %dma_wait3A_1396, %dma_wait3A_1397] : memref<16x4x56x512xf32, #tpu.memory_space<vmem_shared>> -> memref<1x1x56x512xf32, #tpu.memory_space<vmem_shared>>
    %dma_wait3A_1399 = tpu.memref_squeeze %dma_wait3A_1398 : memref<1x1x56x512xf32, #tpu.memory_space<vmem_shared>> -> memref<56x512xf32, #tpu.memory_space<vmem_shared>>
    tpu.wait_dma2 semaphore(%dma_wait3A_1393 : memref<!tpu.dma_semaphore, #tpu.memory_space<semaphore_mem>>) src(%dma_wait3A_1399 : memref<56x512xf32, #tpu.memory_space<vmem_shared>>) dst(%dma_wait3A_1395 : memref<56x512xf32, #tpu.memory_space<hbm>>)
    %add3A_1400 = arith.constant 1736 : i32
    %add3A_1401 = arith.addi %multiple_of3A, %add3A_1400 : i32
    %dma_start3A_1402 = arith.constant 3 : i32
    %dma_start3A_1403 = arith.constant 3 : i32
    %dma_start3A_1404 = tpu.memref_slice %arg5[%dma_start3A_1403] : memref<8x!tpu.dma_semaphore, #tpu.memory_space<semaphore_mem>> -> memref<1x!tpu.dma_semaphore, #tpu.memory_space<semaphore_mem>>
    %dma_start3A_1405 = tpu.memref_squeeze %dma_start3A_1404 : memref<1x!tpu.dma_semaphore, #tpu.memory_space<semaphore_mem>> -> memref<!tpu.dma_semaphore, #tpu.memory_space<semaphore_mem>>
    %dma_start3A_1406 = arith.constant 0 : i32
    %dma_start3A_1407 = arith.constant 0 : i32
    %dma_start3A_1408 = tpu.memref_slice %arg4[%arg1, %dma_start3A_1402, %dma_start3A_1406, %dma_start3A_1407] : memref<16x4x56x512xf32, #tpu.memory_space<vmem_shared>> -> memref<1x1x56x512xf32, #tpu.memory_space<vmem_shared>>
    %dma_start3A_1409 = tpu.memref_squeeze %dma_start3A_1408 : memref<1x1x56x512xf32, #tpu.memory_space<vmem_shared>> -> memref<56x512xf32, #tpu.memory_space<vmem_shared>>
    %dma_start3A_1410 = arith.constant 0 : i32
    %dma_start3A_1411 = tpu.memref_slice %arg2[%add3A_1401, %dma_start3A_1410] : memref<77000x512xf32, #tpu.memory_space<hbm>> -> memref<56x512xf32, #tpu.memory_space<hbm>>
    tpu.enqueue_dma source(%dma_start3A_1411 : memref<56x512xf32, #tpu.memory_space<hbm>>) target(%dma_start3A_1409 : memref<56x512xf32, #tpu.memory_space<vmem_shared>>) target_semaphore(%dma_start3A_1405 : memref<!tpu.dma_semaphore, #tpu.memory_space<semaphore_mem>>)
    %add3A_1412 = arith.constant 1568 : i32
    %add3A_1413 = arith.addi %multiple_of3A, %add3A_1412 : i32
    %dma_wait3A_1414 = arith.constant 0 : i32
    %dma_wait3A_1415 = arith.constant 0 : i32
    %dma_wait3A_1416 = tpu.memref_slice %arg5[%dma_wait3A_1415] : memref<8x!tpu.dma_semaphore, #tpu.memory_space<semaphore_mem>> -> memref<1x!tpu.dma_semaphore, #tpu.memory_space<semaphore_mem>>
    %dma_wait3A_1417 = tpu.memref_squeeze %dma_wait3A_1416 : memref<1x!tpu.dma_semaphore, #tpu.memory_space<semaphore_mem>> -> memref<!tpu.dma_semaphore, #tpu.memory_space<semaphore_mem>>
    %dma_wait3A_1418 = arith.constant 0 : i32
    %dma_wait3A_1419 = arith.constant 0 : i32
    %dma_wait3A_1420 = tpu.memref_slice %arg4[%arg1, %dma_wait3A_1414, %dma_wait3A_1418, %dma_wait3A_1419] : memref<16x4x56x512xf32, #tpu.memory_space<vmem_shared>> -> memref<1x1x56x512xf32, #tpu.memory_space<vmem_shared>>
    %dma_wait3A_1421 = tpu.memref_squeeze %dma_wait3A_1420 : memref<1x1x56x512xf32, #tpu.memory_space<vmem_shared>> -> memref<56x512xf32, #tpu.memory_space<vmem_shared>>
    %dma_wait3A_1422 = arith.constant 0 : i32
    %dma_wait3A_1423 = tpu.memref_slice %arg2[%add3A_1413, %dma_wait3A_1422] : memref<77000x512xf32, #tpu.memory_space<hbm>> -> memref<56x512xf32, #tpu.memory_space<hbm>>
    tpu.wait_dma2 semaphore(%dma_wait3A_1417 : memref<!tpu.dma_semaphore, #tpu.memory_space<semaphore_mem>>) src(%dma_wait3A_1423 : memref<56x512xf32, #tpu.memory_space<hbm>>) dst(%dma_wait3A_1421 : memref<56x512xf32, #tpu.memory_space<vmem_shared>>)
    %add3A_1424 = arith.constant 1568 : i32
    %add3A_1425 = arith.addi %multiple_of3A, %add3A_1424 : i32
    %dma_start3A_1426 = arith.constant 0 : i32
    %dma_start3A_1427 = arith.constant 4 : i32
    %dma_start3A_1428 = tpu.memref_slice %arg5[%dma_start3A_1427] : memref<8x!tpu.dma_semaphore, #tpu.memory_space<semaphore_mem>> -> memref<1x!tpu.dma_semaphore, #tpu.memory_space<semaphore_mem>>
    %dma_start3A_1429 = tpu.memref_squeeze %dma_start3A_1428 : memref<1x!tpu.dma_semaphore, #tpu.memory_space<semaphore_mem>> -> memref<!tpu.dma_semaphore, #tpu.memory_space<semaphore_mem>>
    %dma_start3A_1430 = arith.constant 0 : i32
    %dma_start3A_1431 = tpu.memref_slice %arg3[%add3A_1425, %dma_start3A_1430] : memref<77000x512xf32, #tpu.memory_space<hbm>> -> memref<56x512xf32, #tpu.memory_space<hbm>>
    %dma_start3A_1432 = arith.constant 0 : i32
    %dma_start3A_1433 = arith.constant 0 : i32
    %dma_start3A_1434 = tpu.memref_slice %arg4[%arg1, %dma_start3A_1426, %dma_start3A_1432, %dma_start3A_1433] : memref<16x4x56x512xf32, #tpu.memory_space<vmem_shared>> -> memref<1x1x56x512xf32, #tpu.memory_space<vmem_shared>>
    %dma_start3A_1435 = tpu.memref_squeeze %dma_start3A_1434 : memref<1x1x56x512xf32, #tpu.memory_space<vmem_shared>> -> memref<56x512xf32, #tpu.memory_space<vmem_shared>>
    tpu.enqueue_dma source(%dma_start3A_1435 : memref<56x512xf32, #tpu.memory_space<vmem_shared>>) target(%dma_start3A_1431 : memref<56x512xf32, #tpu.memory_space<hbm>>) target_semaphore(%dma_start3A_1429 : memref<!tpu.dma_semaphore, #tpu.memory_space<semaphore_mem>>)
    %add3A_1436 = arith.constant 1568 : i32
    %add3A_1437 = arith.addi %multiple_of3A, %add3A_1436 : i32
    %dma_wait3A_1438 = arith.constant 0 : i32
    %dma_wait3A_1439 = arith.constant 4 : i32
    %dma_wait3A_1440 = tpu.memref_slice %arg5[%dma_wait3A_1439] : memref<8x!tpu.dma_semaphore, #tpu.memory_space<semaphore_mem>> -> memref<1x!tpu.dma_semaphore, #tpu.memory_space<semaphore_mem>>
    %dma_wait3A_1441 = tpu.memref_squeeze %dma_wait3A_1440 : memref<1x!tpu.dma_semaphore, #tpu.memory_space<semaphore_mem>> -> memref<!tpu.dma_semaphore, #tpu.memory_space<semaphore_mem>>
    %dma_wait3A_1442 = arith.constant 0 : i32
    %dma_wait3A_1443 = tpu.memref_slice %arg3[%add3A_1437, %dma_wait3A_1442] : memref<77000x512xf32, #tpu.memory_space<hbm>> -> memref<56x512xf32, #tpu.memory_space<hbm>>
    %dma_wait3A_1444 = arith.constant 0 : i32
    %dma_wait3A_1445 = arith.constant 0 : i32
    %dma_wait3A_1446 = tpu.memref_slice %arg4[%arg1, %dma_wait3A_1438, %dma_wait3A_1444, %dma_wait3A_1445] : memref<16x4x56x512xf32, #tpu.memory_space<vmem_shared>> -> memref<1x1x56x512xf32, #tpu.memory_space<vmem_shared>>
    %dma_wait3A_1447 = tpu.memref_squeeze %dma_wait3A_1446 : memref<1x1x56x512xf32, #tpu.memory_space<vmem_shared>> -> memref<56x512xf32, #tpu.memory_space<vmem_shared>>
    tpu.wait_dma2 semaphore(%dma_wait3A_1441 : memref<!tpu.dma_semaphore, #tpu.memory_space<semaphore_mem>>) src(%dma_wait3A_1447 : memref<56x512xf32, #tpu.memory_space<vmem_shared>>) dst(%dma_wait3A_1443 : memref<56x512xf32, #tpu.memory_space<hbm>>)
    %add3A_1448 = arith.constant 1792 : i32
    %add3A_1449 = arith.addi %multiple_of3A, %add3A_1448 : i32
    %dma_start3A_1450 = arith.constant 0 : i32
    %dma_start3A_1451 = arith.constant 0 : i32
    %dma_start3A_1452 = tpu.memref_slice %arg5[%dma_start3A_1451] : memref<8x!tpu.dma_semaphore, #tpu.memory_space<semaphore_mem>> -> memref<1x!tpu.dma_semaphore, #tpu.memory_space<semaphore_mem>>
    %dma_start3A_1453 = tpu.memref_squeeze %dma_start3A_1452 : memref<1x!tpu.dma_semaphore, #tpu.memory_space<semaphore_mem>> -> memref<!tpu.dma_semaphore, #tpu.memory_space<semaphore_mem>>
    %dma_start3A_1454 = arith.constant 0 : i32
    %dma_start3A_1455 = arith.constant 0 : i32
    %dma_start3A_1456 = tpu.memref_slice %arg4[%arg1, %dma_start3A_1450, %dma_start3A_1454, %dma_start3A_1455] : memref<16x4x56x512xf32, #tpu.memory_space<vmem_shared>> -> memref<1x1x56x512xf32, #tpu.memory_space<vmem_shared>>
    %dma_start3A_1457 = tpu.memref_squeeze %dma_start3A_1456 : memref<1x1x56x512xf32, #tpu.memory_space<vmem_shared>> -> memref<56x512xf32, #tpu.memory_space<vmem_shared>>
    %dma_start3A_1458 = arith.constant 0 : i32
    %dma_start3A_1459 = tpu.memref_slice %arg2[%add3A_1449, %dma_start3A_1458] : memref<77000x512xf32, #tpu.memory_space<hbm>> -> memref<56x512xf32, #tpu.memory_space<hbm>>
    tpu.enqueue_dma source(%dma_start3A_1459 : memref<56x512xf32, #tpu.memory_space<hbm>>) target(%dma_start3A_1457 : memref<56x512xf32, #tpu.memory_space<vmem_shared>>) target_semaphore(%dma_start3A_1453 : memref<!tpu.dma_semaphore, #tpu.memory_space<semaphore_mem>>)
    %add3A_1460 = arith.constant 1624 : i32
    %add3A_1461 = arith.addi %multiple_of3A, %add3A_1460 : i32
    %dma_wait3A_1462 = arith.constant 1 : i32
    %dma_wait3A_1463 = arith.constant 1 : i32
    %dma_wait3A_1464 = tpu.memref_slice %arg5[%dma_wait3A_1463] : memref<8x!tpu.dma_semaphore, #tpu.memory_space<semaphore_mem>> -> memref<1x!tpu.dma_semaphore, #tpu.memory_space<semaphore_mem>>
    %dma_wait3A_1465 = tpu.memref_squeeze %dma_wait3A_1464 : memref<1x!tpu.dma_semaphore, #tpu.memory_space<semaphore_mem>> -> memref<!tpu.dma_semaphore, #tpu.memory_space<semaphore_mem>>
    %dma_wait3A_1466 = arith.constant 0 : i32
    %dma_wait3A_1467 = arith.constant 0 : i32
    %dma_wait3A_1468 = tpu.memref_slice %arg4[%arg1, %dma_wait3A_1462, %dma_wait3A_1466, %dma_wait3A_1467] : memref<16x4x56x512xf32, #tpu.memory_space<vmem_shared>> -> memref<1x1x56x512xf32, #tpu.memory_space<vmem_shared>>
    %dma_wait3A_1469 = tpu.memref_squeeze %dma_wait3A_1468 : memref<1x1x56x512xf32, #tpu.memory_space<vmem_shared>> -> memref<56x512xf32, #tpu.memory_space<vmem_shared>>
    %dma_wait3A_1470 = arith.constant 0 : i32
    %dma_wait3A_1471 = tpu.memref_slice %arg2[%add3A_1461, %dma_wait3A_1470] : memref<77000x512xf32, #tpu.memory_space<hbm>> -> memref<56x512xf32, #tpu.memory_space<hbm>>
    tpu.wait_dma2 semaphore(%dma_wait3A_1465 : memref<!tpu.dma_semaphore, #tpu.memory_space<semaphore_mem>>) src(%dma_wait3A_1471 : memref<56x512xf32, #tpu.memory_space<hbm>>) dst(%dma_wait3A_1469 : memref<56x512xf32, #tpu.memory_space<vmem_shared>>)
    %add3A_1472 = arith.constant 1624 : i32
    %add3A_1473 = arith.addi %multiple_of3A, %add3A_1472 : i32
    %dma_start3A_1474 = arith.constant 1 : i32
    %dma_start3A_1475 = arith.constant 5 : i32
    %dma_start3A_1476 = tpu.memref_slice %arg5[%dma_start3A_1475] : memref<8x!tpu.dma_semaphore, #tpu.memory_space<semaphore_mem>> -> memref<1x!tpu.dma_semaphore, #tpu.memory_space<semaphore_mem>>
    %dma_start3A_1477 = tpu.memref_squeeze %dma_start3A_1476 : memref<1x!tpu.dma_semaphore, #tpu.memory_space<semaphore_mem>> -> memref<!tpu.dma_semaphore, #tpu.memory_space<semaphore_mem>>
    %dma_start3A_1478 = arith.constant 0 : i32
    %dma_start3A_1479 = tpu.memref_slice %arg3[%add3A_1473, %dma_start3A_1478] : memref<77000x512xf32, #tpu.memory_space<hbm>> -> memref<56x512xf32, #tpu.memory_space<hbm>>
    %dma_start3A_1480 = arith.constant 0 : i32
    %dma_start3A_1481 = arith.constant 0 : i32
    %dma_start3A_1482 = tpu.memref_slice %arg4[%arg1, %dma_start3A_1474, %dma_start3A_1480, %dma_start3A_1481] : memref<16x4x56x512xf32, #tpu.memory_space<vmem_shared>> -> memref<1x1x56x512xf32, #tpu.memory_space<vmem_shared>>
    %dma_start3A_1483 = tpu.memref_squeeze %dma_start3A_1482 : memref<1x1x56x512xf32, #tpu.memory_space<vmem_shared>> -> memref<56x512xf32, #tpu.memory_space<vmem_shared>>
    tpu.enqueue_dma source(%dma_start3A_1483 : memref<56x512xf32, #tpu.memory_space<vmem_shared>>) target(%dma_start3A_1479 : memref<56x512xf32, #tpu.memory_space<hbm>>) target_semaphore(%dma_start3A_1477 : memref<!tpu.dma_semaphore, #tpu.memory_space<semaphore_mem>>)
    %add3A_1484 = arith.constant 1624 : i32
    %add3A_1485 = arith.addi %multiple_of3A, %add3A_1484 : i32
    %dma_wait3A_1486 = arith.constant 1 : i32
    %dma_wait3A_1487 = arith.constant 5 : i32
    %dma_wait3A_1488 = tpu.memref_slice %arg5[%dma_wait3A_1487] : memref<8x!tpu.dma_semaphore, #tpu.memory_space<semaphore_mem>> -> memref<1x!tpu.dma_semaphore, #tpu.memory_space<semaphore_mem>>
    %dma_wait3A_1489 = tpu.memref_squeeze %dma_wait3A_1488 : memref<1x!tpu.dma_semaphore, #tpu.memory_space<semaphore_mem>> -> memref<!tpu.dma_semaphore, #tpu.memory_space<semaphore_mem>>
    %dma_wait3A_1490 = arith.constant 0 : i32
    %dma_wait3A_1491 = tpu.memref_slice %arg3[%add3A_1485, %dma_wait3A_1490] : memref<77000x512xf32, #tpu.memory_space<hbm>> -> memref<56x512xf32, #tpu.memory_space<hbm>>
    %dma_wait3A_1492 = arith.constant 0 : i32
    %dma_wait3A_1493 = arith.constant 0 : i32
    %dma_wait3A_1494 = tpu.memref_slice %arg4[%arg1, %dma_wait3A_1486, %dma_wait3A_1492, %dma_wait3A_1493] : memref<16x4x56x512xf32, #tpu.memory_space<vmem_shared>> -> memref<1x1x56x512xf32, #tpu.memory_space<vmem_shared>>
    %dma_wait3A_1495 = tpu.memref_squeeze %dma_wait3A_1494 : memref<1x1x56x512xf32, #tpu.memory_space<vmem_shared>> -> memref<56x512xf32, #tpu.memory_space<vmem_shared>>
    tpu.wait_dma2 semaphore(%dma_wait3A_1489 : memref<!tpu.dma_semaphore, #tpu.memory_space<semaphore_mem>>) src(%dma_wait3A_1495 : memref<56x512xf32, #tpu.memory_space<vmem_shared>>) dst(%dma_wait3A_1491 : memref<56x512xf32, #tpu.memory_space<hbm>>)
    %add3A_1496 = arith.constant 1848 : i32
    %add3A_1497 = arith.addi %multiple_of3A, %add3A_1496 : i32
    %dma_start3A_1498 = arith.constant 1 : i32
    %dma_start3A_1499 = arith.constant 1 : i32
    %dma_start3A_1500 = tpu.memref_slice %arg5[%dma_start3A_1499] : memref<8x!tpu.dma_semaphore, #tpu.memory_space<semaphore_mem>> -> memref<1x!tpu.dma_semaphore, #tpu.memory_space<semaphore_mem>>
    %dma_start3A_1501 = tpu.memref_squeeze %dma_start3A_1500 : memref<1x!tpu.dma_semaphore, #tpu.memory_space<semaphore_mem>> -> memref<!tpu.dma_semaphore, #tpu.memory_space<semaphore_mem>>
    %dma_start3A_1502 = arith.constant 0 : i32
    %dma_start3A_1503 = arith.constant 0 : i32
    %dma_start3A_1504 = tpu.memref_slice %arg4[%arg1, %dma_start3A_1498, %dma_start3A_1502, %dma_start3A_1503] : memref<16x4x56x512xf32, #tpu.memory_space<vmem_shared>> -> memref<1x1x56x512xf32, #tpu.memory_space<vmem_shared>>
    %dma_start3A_1505 = tpu.memref_squeeze %dma_start3A_1504 : memref<1x1x56x512xf32, #tpu.memory_space<vmem_shared>> -> memref<56x512xf32, #tpu.memory_space<vmem_shared>>
    %dma_start3A_1506 = arith.constant 0 : i32
    %dma_start3A_1507 = tpu.memref_slice %arg2[%add3A_1497, %dma_start3A_1506] : memref<77000x512xf32, #tpu.memory_space<hbm>> -> memref<56x512xf32, #tpu.memory_space<hbm>>
    tpu.enqueue_dma source(%dma_start3A_1507 : memref<56x512xf32, #tpu.memory_space<hbm>>) target(%dma_start3A_1505 : memref<56x512xf32, #tpu.memory_space<vmem_shared>>) target_semaphore(%dma_start3A_1501 : memref<!tpu.dma_semaphore, #tpu.memory_space<semaphore_mem>>)
    %add3A_1508 = arith.constant 1680 : i32
    %add3A_1509 = arith.addi %multiple_of3A, %add3A_1508 : i32
    %dma_wait3A_1510 = arith.constant 2 : i32
    %dma_wait3A_1511 = arith.constant 2 : i32
    %dma_wait3A_1512 = tpu.memref_slice %arg5[%dma_wait3A_1511] : memref<8x!tpu.dma_semaphore, #tpu.memory_space<semaphore_mem>> -> memref<1x!tpu.dma_semaphore, #tpu.memory_space<semaphore_mem>>
    %dma_wait3A_1513 = tpu.memref_squeeze %dma_wait3A_1512 : memref<1x!tpu.dma_semaphore, #tpu.memory_space<semaphore_mem>> -> memref<!tpu.dma_semaphore, #tpu.memory_space<semaphore_mem>>
    %dma_wait3A_1514 = arith.constant 0 : i32
    %dma_wait3A_1515 = arith.constant 0 : i32
    %dma_wait3A_1516 = tpu.memref_slice %arg4[%arg1, %dma_wait3A_1510, %dma_wait3A_1514, %dma_wait3A_1515] : memref<16x4x56x512xf32, #tpu.memory_space<vmem_shared>> -> memref<1x1x56x512xf32, #tpu.memory_space<vmem_shared>>
    %dma_wait3A_1517 = tpu.memref_squeeze %dma_wait3A_1516 : memref<1x1x56x512xf32, #tpu.memory_space<vmem_shared>> -> memref<56x512xf32, #tpu.memory_space<vmem_shared>>
    %dma_wait3A_1518 = arith.constant 0 : i32
    %dma_wait3A_1519 = tpu.memref_slice %arg2[%add3A_1509, %dma_wait3A_1518] : memref<77000x512xf32, #tpu.memory_space<hbm>> -> memref<56x512xf32, #tpu.memory_space<hbm>>
    tpu.wait_dma2 semaphore(%dma_wait3A_1513 : memref<!tpu.dma_semaphore, #tpu.memory_space<semaphore_mem>>) src(%dma_wait3A_1519 : memref<56x512xf32, #tpu.memory_space<hbm>>) dst(%dma_wait3A_1517 : memref<56x512xf32, #tpu.memory_space<vmem_shared>>)
    %add3A_1520 = arith.constant 1680 : i32
    %add3A_1521 = arith.addi %multiple_of3A, %add3A_1520 : i32
    %dma_start3A_1522 = arith.constant 2 : i32
    %dma_start3A_1523 = arith.constant 6 : i32
    %dma_start3A_1524 = tpu.memref_slice %arg5[%dma_start3A_1523] : memref<8x!tpu.dma_semaphore, #tpu.memory_space<semaphore_mem>> -> memref<1x!tpu.dma_semaphore, #tpu.memory_space<semaphore_mem>>
    %dma_start3A_1525 = tpu.memref_squeeze %dma_start3A_1524 : memref<1x!tpu.dma_semaphore, #tpu.memory_space<semaphore_mem>> -> memref<!tpu.dma_semaphore, #tpu.memory_space<semaphore_mem>>
    %dma_start3A_1526 = arith.constant 0 : i32
    %dma_start3A_1527 = tpu.memref_slice %arg3[%add3A_1521, %dma_start3A_1526] : memref<77000x512xf32, #tpu.memory_space<hbm>> -> memref<56x512xf32, #tpu.memory_space<hbm>>
    %dma_start3A_1528 = arith.constant 0 : i32
    %dma_start3A_1529 = arith.constant 0 : i32
    %dma_start3A_1530 = tpu.memref_slice %arg4[%arg1, %dma_start3A_1522, %dma_start3A_1528, %dma_start3A_1529] : memref<16x4x56x512xf32, #tpu.memory_space<vmem_shared>> -> memref<1x1x56x512xf32, #tpu.memory_space<vmem_shared>>
    %dma_start3A_1531 = tpu.memref_squeeze %dma_start3A_1530 : memref<1x1x56x512xf32, #tpu.memory_space<vmem_shared>> -> memref<56x512xf32, #tpu.memory_space<vmem_shared>>
    tpu.enqueue_dma source(%dma_start3A_1531 : memref<56x512xf32, #tpu.memory_space<vmem_shared>>) target(%dma_start3A_1527 : memref<56x512xf32, #tpu.memory_space<hbm>>) target_semaphore(%dma_start3A_1525 : memref<!tpu.dma_semaphore, #tpu.memory_space<semaphore_mem>>)
    %add3A_1532 = arith.constant 1680 : i32
    %add3A_1533 = arith.addi %multiple_of3A, %add3A_1532 : i32
    %dma_wait3A_1534 = arith.constant 2 : i32
    %dma_wait3A_1535 = arith.constant 6 : i32
    %dma_wait3A_1536 = tpu.memref_slice %arg5[%dma_wait3A_1535] : memref<8x!tpu.dma_semaphore, #tpu.memory_space<semaphore_mem>> -> memref<1x!tpu.dma_semaphore, #tpu.memory_space<semaphore_mem>>
    %dma_wait3A_1537 = tpu.memref_squeeze %dma_wait3A_1536 : memref<1x!tpu.dma_semaphore, #tpu.memory_space<semaphore_mem>> -> memref<!tpu.dma_semaphore, #tpu.memory_space<semaphore_mem>>
    %dma_wait3A_1538 = arith.constant 0 : i32
    %dma_wait3A_1539 = tpu.memref_slice %arg3[%add3A_1533, %dma_wait3A_1538] : memref<77000x512xf32, #tpu.memory_space<hbm>> -> memref<56x512xf32, #tpu.memory_space<hbm>>
    %dma_wait3A_1540 = arith.constant 0 : i32
    %dma_wait3A_1541 = arith.constant 0 : i32
    %dma_wait3A_1542 = tpu.memref_slice %arg4[%arg1, %dma_wait3A_1534, %dma_wait3A_1540, %dma_wait3A_1541] : memref<16x4x56x512xf32, #tpu.memory_space<vmem_shared>> -> memref<1x1x56x512xf32, #tpu.memory_space<vmem_shared>>
    %dma_wait3A_1543 = tpu.memref_squeeze %dma_wait3A_1542 : memref<1x1x56x512xf32, #tpu.memory_space<vmem_shared>> -> memref<56x512xf32, #tpu.memory_space<vmem_shared>>
    tpu.wait_dma2 semaphore(%dma_wait3A_1537 : memref<!tpu.dma_semaphore, #tpu.memory_space<semaphore_mem>>) src(%dma_wait3A_1543 : memref<56x512xf32, #tpu.memory_space<vmem_shared>>) dst(%dma_wait3A_1539 : memref<56x512xf32, #tpu.memory_space<hbm>>)
    %add3A_1544 = arith.constant 1904 : i32
    %add3A_1545 = arith.addi %multiple_of3A, %add3A_1544 : i32
    %dma_start3A_1546 = arith.constant 2 : i32
    %dma_start3A_1547 = arith.constant 2 : i32
    %dma_start3A_1548 = tpu.memref_slice %arg5[%dma_start3A_1547] : memref<8x!tpu.dma_semaphore, #tpu.memory_space<semaphore_mem>> -> memref<1x!tpu.dma_semaphore, #tpu.memory_space<semaphore_mem>>
    %dma_start3A_1549 = tpu.memref_squeeze %dma_start3A_1548 : memref<1x!tpu.dma_semaphore, #tpu.memory_space<semaphore_mem>> -> memref<!tpu.dma_semaphore, #tpu.memory_space<semaphore_mem>>
    %dma_start3A_1550 = arith.constant 0 : i32
    %dma_start3A_1551 = arith.constant 0 : i32
    %dma_start3A_1552 = tpu.memref_slice %arg4[%arg1, %dma_start3A_1546, %dma_start3A_1550, %dma_start3A_1551] : memref<16x4x56x512xf32, #tpu.memory_space<vmem_shared>> -> memref<1x1x56x512xf32, #tpu.memory_space<vmem_shared>>
    %dma_start3A_1553 = tpu.memref_squeeze %dma_start3A_1552 : memref<1x1x56x512xf32, #tpu.memory_space<vmem_shared>> -> memref<56x512xf32, #tpu.memory_space<vmem_shared>>
    %dma_start3A_1554 = arith.constant 0 : i32
    %dma_start3A_1555 = tpu.memref_slice %arg2[%add3A_1545, %dma_start3A_1554] : memref<77000x512xf32, #tpu.memory_space<hbm>> -> memref<56x512xf32, #tpu.memory_space<hbm>>
    tpu.enqueue_dma source(%dma_start3A_1555 : memref<56x512xf32, #tpu.memory_space<hbm>>) target(%dma_start3A_1553 : memref<56x512xf32, #tpu.memory_space<vmem_shared>>) target_semaphore(%dma_start3A_1549 : memref<!tpu.dma_semaphore, #tpu.memory_space<semaphore_mem>>)
    %add3A_1556 = arith.constant 1736 : i32
    %add3A_1557 = arith.addi %multiple_of3A, %add3A_1556 : i32
    %dma_wait3A_1558 = arith.constant 3 : i32
    %dma_wait3A_1559 = arith.constant 3 : i32
    %dma_wait3A_1560 = tpu.memref_slice %arg5[%dma_wait3A_1559] : memref<8x!tpu.dma_semaphore, #tpu.memory_space<semaphore_mem>> -> memref<1x!tpu.dma_semaphore, #tpu.memory_space<semaphore_mem>>
    %dma_wait3A_1561 = tpu.memref_squeeze %dma_wait3A_1560 : memref<1x!tpu.dma_semaphore, #tpu.memory_space<semaphore_mem>> -> memref<!tpu.dma_semaphore, #tpu.memory_space<semaphore_mem>>
    %dma_wait3A_1562 = arith.constant 0 : i32
    %dma_wait3A_1563 = arith.constant 0 : i32
    %dma_wait3A_1564 = tpu.memref_slice %arg4[%arg1, %dma_wait3A_1558, %dma_wait3A_1562, %dma_wait3A_1563] : memref<16x4x56x512xf32, #tpu.memory_space<vmem_shared>> -> memref<1x1x56x512xf32, #tpu.memory_space<vmem_shared>>
    %dma_wait3A_1565 = tpu.memref_squeeze %dma_wait3A_1564 : memref<1x1x56x512xf32, #tpu.memory_space<vmem_shared>> -> memref<56x512xf32, #tpu.memory_space<vmem_shared>>
    %dma_wait3A_1566 = arith.constant 0 : i32
    %dma_wait3A_1567 = tpu.memref_slice %arg2[%add3A_1557, %dma_wait3A_1566] : memref<77000x512xf32, #tpu.memory_space<hbm>> -> memref<56x512xf32, #tpu.memory_space<hbm>>
    tpu.wait_dma2 semaphore(%dma_wait3A_1561 : memref<!tpu.dma_semaphore, #tpu.memory_space<semaphore_mem>>) src(%dma_wait3A_1567 : memref<56x512xf32, #tpu.memory_space<hbm>>) dst(%dma_wait3A_1565 : memref<56x512xf32, #tpu.memory_space<vmem_shared>>)
    %add3A_1568 = arith.constant 1736 : i32
    %add3A_1569 = arith.addi %multiple_of3A, %add3A_1568 : i32
    %dma_start3A_1570 = arith.constant 3 : i32
    %dma_start3A_1571 = arith.constant 7 : i32
    %dma_start3A_1572 = tpu.memref_slice %arg5[%dma_start3A_1571] : memref<8x!tpu.dma_semaphore, #tpu.memory_space<semaphore_mem>> -> memref<1x!tpu.dma_semaphore, #tpu.memory_space<semaphore_mem>>
    %dma_start3A_1573 = tpu.memref_squeeze %dma_start3A_1572 : memref<1x!tpu.dma_semaphore, #tpu.memory_space<semaphore_mem>> -> memref<!tpu.dma_semaphore, #tpu.memory_space<semaphore_mem>>
    %dma_start3A_1574 = arith.constant 0 : i32
    %dma_start3A_1575 = tpu.memref_slice %arg3[%add3A_1569, %dma_start3A_1574] : memref<77000x512xf32, #tpu.memory_space<hbm>> -> memref<56x512xf32, #tpu.memory_space<hbm>>
    %dma_start3A_1576 = arith.constant 0 : i32
    %dma_start3A_1577 = arith.constant 0 : i32
    %dma_start3A_1578 = tpu.memref_slice %arg4[%arg1, %dma_start3A_1570, %dma_start3A_1576, %dma_start3A_1577] : memref<16x4x56x512xf32, #tpu.memory_space<vmem_shared>> -> memref<1x1x56x512xf32, #tpu.memory_space<vmem_shared>>
    %dma_start3A_1579 = tpu.memref_squeeze %dma_start3A_1578 : memref<1x1x56x512xf32, #tpu.memory_space<vmem_shared>> -> memref<56x512xf32, #tpu.memory_space<vmem_shared>>
    tpu.enqueue_dma source(%dma_start3A_1579 : memref<56x512xf32, #tpu.memory_space<vmem_shared>>) target(%dma_start3A_1575 : memref<56x512xf32, #tpu.memory_space<hbm>>) target_semaphore(%dma_start3A_1573 : memref<!tpu.dma_semaphore, #tpu.memory_space<semaphore_mem>>)
    %add3A_1580 = arith.constant 1736 : i32
    %add3A_1581 = arith.addi %multiple_of3A, %add3A_1580 : i32
    %dma_wait3A_1582 = arith.constant 3 : i32
    %dma_wait3A_1583 = arith.constant 7 : i32
    %dma_wait3A_1584 = tpu.memref_slice %arg5[%dma_wait3A_1583] : memref<8x!tpu.dma_semaphore, #tpu.memory_space<semaphore_mem>> -> memref<1x!tpu.dma_semaphore, #tpu.memory_space<semaphore_mem>>
    %dma_wait3A_1585 = tpu.memref_squeeze %dma_wait3A_1584 : memref<1x!tpu.dma_semaphore, #tpu.memory_space<semaphore_mem>> -> memref<!tpu.dma_semaphore, #tpu.memory_space<semaphore_mem>>
    %dma_wait3A_1586 = arith.constant 0 : i32
    %dma_wait3A_1587 = tpu.memref_slice %arg3[%add3A_1581, %dma_wait3A_1586] : memref<77000x512xf32, #tpu.memory_space<hbm>> -> memref<56x512xf32, #tpu.memory_space<hbm>>
    %dma_wait3A_1588 = arith.constant 0 : i32
    %dma_wait3A_1589 = arith.constant 0 : i32
    %dma_wait3A_1590 = tpu.memref_slice %arg4[%arg1, %dma_wait3A_1582, %dma_wait3A_1588, %dma_wait3A_1589] : memref<16x4x56x512xf32, #tpu.memory_space<vmem_shared>> -> memref<1x1x56x512xf32, #tpu.memory_space<vmem_shared>>
    %dma_wait3A_1591 = tpu.memref_squeeze %dma_wait3A_1590 : memref<1x1x56x512xf32, #tpu.memory_space<vmem_shared>> -> memref<56x512xf32, #tpu.memory_space<vmem_shared>>
    tpu.wait_dma2 semaphore(%dma_wait3A_1585 : memref<!tpu.dma_semaphore, #tpu.memory_space<semaphore_mem>>) src(%dma_wait3A_1591 : memref<56x512xf32, #tpu.memory_space<vmem_shared>>) dst(%dma_wait3A_1587 : memref<56x512xf32, #tpu.memory_space<hbm>>)
    %add3A_1592 = arith.constant 1960 : i32
    %add3A_1593 = arith.addi %multiple_of3A, %add3A_1592 : i32
    %dma_start3A_1594 = arith.constant 3 : i32
    %dma_start3A_1595 = arith.constant 3 : i32
    %dma_start3A_1596 = tpu.memref_slice %arg5[%dma_start3A_1595] : memref<8x!tpu.dma_semaphore, #tpu.memory_space<semaphore_mem>> -> memref<1x!tpu.dma_semaphore, #tpu.memory_space<semaphore_mem>>
    %dma_start3A_1597 = tpu.memref_squeeze %dma_start3A_1596 : memref<1x!tpu.dma_semaphore, #tpu.memory_space<semaphore_mem>> -> memref<!tpu.dma_semaphore, #tpu.memory_space<semaphore_mem>>
    %dma_start3A_1598 = arith.constant 0 : i32
    %dma_start3A_1599 = arith.constant 0 : i32
    %dma_start3A_1600 = tpu.memref_slice %arg4[%arg1, %dma_start3A_1594, %dma_start3A_1598, %dma_start3A_1599] : memref<16x4x56x512xf32, #tpu.memory_space<vmem_shared>> -> memref<1x1x56x512xf32, #tpu.memory_space<vmem_shared>>
    %dma_start3A_1601 = tpu.memref_squeeze %dma_start3A_1600 : memref<1x1x56x512xf32, #tpu.memory_space<vmem_shared>> -> memref<56x512xf32, #tpu.memory_space<vmem_shared>>
    %dma_start3A_1602 = arith.constant 0 : i32
    %dma_start3A_1603 = tpu.memref_slice %arg2[%add3A_1593, %dma_start3A_1602] : memref<77000x512xf32, #tpu.memory_space<hbm>> -> memref<56x512xf32, #tpu.memory_space<hbm>>
    tpu.enqueue_dma source(%dma_start3A_1603 : memref<56x512xf32, #tpu.memory_space<hbm>>) target(%dma_start3A_1601 : memref<56x512xf32, #tpu.memory_space<vmem_shared>>) target_semaphore(%dma_start3A_1597 : memref<!tpu.dma_semaphore, #tpu.memory_space<semaphore_mem>>)
    %add3A_1604 = arith.constant 1792 : i32
    %add3A_1605 = arith.addi %multiple_of3A, %add3A_1604 : i32
    %dma_wait3A_1606 = arith.constant 0 : i32
    %dma_wait3A_1607 = arith.constant 0 : i32
    %dma_wait3A_1608 = tpu.memref_slice %arg5[%dma_wait3A_1607] : memref<8x!tpu.dma_semaphore, #tpu.memory_space<semaphore_mem>> -> memref<1x!tpu.dma_semaphore, #tpu.memory_space<semaphore_mem>>
    %dma_wait3A_1609 = tpu.memref_squeeze %dma_wait3A_1608 : memref<1x!tpu.dma_semaphore, #tpu.memory_space<semaphore_mem>> -> memref<!tpu.dma_semaphore, #tpu.memory_space<semaphore_mem>>
    %dma_wait3A_1610 = arith.constant 0 : i32
    %dma_wait3A_1611 = arith.constant 0 : i32
    %dma_wait3A_1612 = tpu.memref_slice %arg4[%arg1, %dma_wait3A_1606, %dma_wait3A_1610, %dma_wait3A_1611] : memref<16x4x56x512xf32, #tpu.memory_space<vmem_shared>> -> memref<1x1x56x512xf32, #tpu.memory_space<vmem_shared>>
    %dma_wait3A_1613 = tpu.memref_squeeze %dma_wait3A_1612 : memref<1x1x56x512xf32, #tpu.memory_space<vmem_shared>> -> memref<56x512xf32, #tpu.memory_space<vmem_shared>>
    %dma_wait3A_1614 = arith.constant 0 : i32
    %dma_wait3A_1615 = tpu.memref_slice %arg2[%add3A_1605, %dma_wait3A_1614] : memref<77000x512xf32, #tpu.memory_space<hbm>> -> memref<56x512xf32, #tpu.memory_space<hbm>>
    tpu.wait_dma2 semaphore(%dma_wait3A_1609 : memref<!tpu.dma_semaphore, #tpu.memory_space<semaphore_mem>>) src(%dma_wait3A_1615 : memref<56x512xf32, #tpu.memory_space<hbm>>) dst(%dma_wait3A_1613 : memref<56x512xf32, #tpu.memory_space<vmem_shared>>)
    %add3A_1616 = arith.constant 1792 : i32
    %add3A_1617 = arith.addi %multiple_of3A, %add3A_1616 : i32
    %dma_start3A_1618 = arith.constant 0 : i32
    %dma_start3A_1619 = arith.constant 4 : i32
    %dma_start3A_1620 = tpu.memref_slice %arg5[%dma_start3A_1619] : memref<8x!tpu.dma_semaphore, #tpu.memory_space<semaphore_mem>> -> memref<1x!tpu.dma_semaphore, #tpu.memory_space<semaphore_mem>>
    %dma_start3A_1621 = tpu.memref_squeeze %dma_start3A_1620 : memref<1x!tpu.dma_semaphore, #tpu.memory_space<semaphore_mem>> -> memref<!tpu.dma_semaphore, #tpu.memory_space<semaphore_mem>>
    %dma_start3A_1622 = arith.constant 0 : i32
    %dma_start3A_1623 = tpu.memref_slice %arg3[%add3A_1617, %dma_start3A_1622] : memref<77000x512xf32, #tpu.memory_space<hbm>> -> memref<56x512xf32, #tpu.memory_space<hbm>>
    %dma_start3A_1624 = arith.constant 0 : i32
    %dma_start3A_1625 = arith.constant 0 : i32
    %dma_start3A_1626 = tpu.memref_slice %arg4[%arg1, %dma_start3A_1618, %dma_start3A_1624, %dma_start3A_1625] : memref<16x4x56x512xf32, #tpu.memory_space<vmem_shared>> -> memref<1x1x56x512xf32, #tpu.memory_space<vmem_shared>>
    %dma_start3A_1627 = tpu.memref_squeeze %dma_start3A_1626 : memref<1x1x56x512xf32, #tpu.memory_space<vmem_shared>> -> memref<56x512xf32, #tpu.memory_space<vmem_shared>>
    tpu.enqueue_dma source(%dma_start3A_1627 : memref<56x512xf32, #tpu.memory_space<vmem_shared>>) target(%dma_start3A_1623 : memref<56x512xf32, #tpu.memory_space<hbm>>) target_semaphore(%dma_start3A_1621 : memref<!tpu.dma_semaphore, #tpu.memory_space<semaphore_mem>>)
    %add3A_1628 = arith.constant 1792 : i32
    %add3A_1629 = arith.addi %multiple_of3A, %add3A_1628 : i32
    %dma_wait3A_1630 = arith.constant 0 : i32
    %dma_wait3A_1631 = arith.constant 4 : i32
    %dma_wait3A_1632 = tpu.memref_slice %arg5[%dma_wait3A_1631] : memref<8x!tpu.dma_semaphore, #tpu.memory_space<semaphore_mem>> -> memref<1x!tpu.dma_semaphore, #tpu.memory_space<semaphore_mem>>
    %dma_wait3A_1633 = tpu.memref_squeeze %dma_wait3A_1632 : memref<1x!tpu.dma_semaphore, #tpu.memory_space<semaphore_mem>> -> memref<!tpu.dma_semaphore, #tpu.memory_space<semaphore_mem>>
    %dma_wait3A_1634 = arith.constant 0 : i32
    %dma_wait3A_1635 = tpu.memref_slice %arg3[%add3A_1629, %dma_wait3A_1634] : memref<77000x512xf32, #tpu.memory_space<hbm>> -> memref<56x512xf32, #tpu.memory_space<hbm>>
    %dma_wait3A_1636 = arith.constant 0 : i32
    %dma_wait3A_1637 = arith.constant 0 : i32
    %dma_wait3A_1638 = tpu.memref_slice %arg4[%arg1, %dma_wait3A_1630, %dma_wait3A_1636, %dma_wait3A_1637] : memref<16x4x56x512xf32, #tpu.memory_space<vmem_shared>> -> memref<1x1x56x512xf32, #tpu.memory_space<vmem_shared>>
    %dma_wait3A_1639 = tpu.memref_squeeze %dma_wait3A_1638 : memref<1x1x56x512xf32, #tpu.memory_space<vmem_shared>> -> memref<56x512xf32, #tpu.memory_space<vmem_shared>>
    tpu.wait_dma2 semaphore(%dma_wait3A_1633 : memref<!tpu.dma_semaphore, #tpu.memory_space<semaphore_mem>>) src(%dma_wait3A_1639 : memref<56x512xf32, #tpu.memory_space<vmem_shared>>) dst(%dma_wait3A_1635 : memref<56x512xf32, #tpu.memory_space<hbm>>)
    %add3A_1640 = arith.constant 2016 : i32
    %add3A_1641 = arith.addi %multiple_of3A, %add3A_1640 : i32
    %dma_start3A_1642 = arith.constant 0 : i32
    %dma_start3A_1643 = arith.constant 0 : i32
    %dma_start3A_1644 = tpu.memref_slice %arg5[%dma_start3A_1643] : memref<8x!tpu.dma_semaphore, #tpu.memory_space<semaphore_mem>> -> memref<1x!tpu.dma_semaphore, #tpu.memory_space<semaphore_mem>>
    %dma_start3A_1645 = tpu.memref_squeeze %dma_start3A_1644 : memref<1x!tpu.dma_semaphore, #tpu.memory_space<semaphore_mem>> -> memref<!tpu.dma_semaphore, #tpu.memory_space<semaphore_mem>>
    %dma_start3A_1646 = arith.constant 0 : i32
    %dma_start3A_1647 = arith.constant 0 : i32
    %dma_start3A_1648 = tpu.memref_slice %arg4[%arg1, %dma_start3A_1642, %dma_start3A_1646, %dma_start3A_1647] : memref<16x4x56x512xf32, #tpu.memory_space<vmem_shared>> -> memref<1x1x56x512xf32, #tpu.memory_space<vmem_shared>>
    %dma_start3A_1649 = tpu.memref_squeeze %dma_start3A_1648 : memref<1x1x56x512xf32, #tpu.memory_space<vmem_shared>> -> memref<56x512xf32, #tpu.memory_space<vmem_shared>>
    %dma_start3A_1650 = arith.constant 0 : i32
    %dma_start3A_1651 = tpu.memref_slice %arg2[%add3A_1641, %dma_start3A_1650] : memref<77000x512xf32, #tpu.memory_space<hbm>> -> memref<56x512xf32, #tpu.memory_space<hbm>>
    tpu.enqueue_dma source(%dma_start3A_1651 : memref<56x512xf32, #tpu.memory_space<hbm>>) target(%dma_start3A_1649 : memref<56x512xf32, #tpu.memory_space<vmem_shared>>) target_semaphore(%dma_start3A_1645 : memref<!tpu.dma_semaphore, #tpu.memory_space<semaphore_mem>>)
    %add3A_1652 = arith.constant 1848 : i32
    %add3A_1653 = arith.addi %multiple_of3A, %add3A_1652 : i32
    %dma_wait3A_1654 = arith.constant 1 : i32
    %dma_wait3A_1655 = arith.constant 1 : i32
    %dma_wait3A_1656 = tpu.memref_slice %arg5[%dma_wait3A_1655] : memref<8x!tpu.dma_semaphore, #tpu.memory_space<semaphore_mem>> -> memref<1x!tpu.dma_semaphore, #tpu.memory_space<semaphore_mem>>
    %dma_wait3A_1657 = tpu.memref_squeeze %dma_wait3A_1656 : memref<1x!tpu.dma_semaphore, #tpu.memory_space<semaphore_mem>> -> memref<!tpu.dma_semaphore, #tpu.memory_space<semaphore_mem>>
    %dma_wait3A_1658 = arith.constant 0 : i32
    %dma_wait3A_1659 = arith.constant 0 : i32
    %dma_wait3A_1660 = tpu.memref_slice %arg4[%arg1, %dma_wait3A_1654, %dma_wait3A_1658, %dma_wait3A_1659] : memref<16x4x56x512xf32, #tpu.memory_space<vmem_shared>> -> memref<1x1x56x512xf32, #tpu.memory_space<vmem_shared>>
    %dma_wait3A_1661 = tpu.memref_squeeze %dma_wait3A_1660 : memref<1x1x56x512xf32, #tpu.memory_space<vmem_shared>> -> memref<56x512xf32, #tpu.memory_space<vmem_shared>>
    %dma_wait3A_1662 = arith.constant 0 : i32
    %dma_wait3A_1663 = tpu.memref_slice %arg2[%add3A_1653, %dma_wait3A_1662] : memref<77000x512xf32, #tpu.memory_space<hbm>> -> memref<56x512xf32, #tpu.memory_space<hbm>>
    tpu.wait_dma2 semaphore(%dma_wait3A_1657 : memref<!tpu.dma_semaphore, #tpu.memory_space<semaphore_mem>>) src(%dma_wait3A_1663 : memref<56x512xf32, #tpu.memory_space<hbm>>) dst(%dma_wait3A_1661 : memref<56x512xf32, #tpu.memory_space<vmem_shared>>)
    %add3A_1664 = arith.constant 1848 : i32
    %add3A_1665 = arith.addi %multiple_of3A, %add3A_1664 : i32
    %dma_start3A_1666 = arith.constant 1 : i32
    %dma_start3A_1667 = arith.constant 5 : i32
    %dma_start3A_1668 = tpu.memref_slice %arg5[%dma_start3A_1667] : memref<8x!tpu.dma_semaphore, #tpu.memory_space<semaphore_mem>> -> memref<1x!tpu.dma_semaphore, #tpu.memory_space<semaphore_mem>>
    %dma_start3A_1669 = tpu.memref_squeeze %dma_start3A_1668 : memref<1x!tpu.dma_semaphore, #tpu.memory_space<semaphore_mem>> -> memref<!tpu.dma_semaphore, #tpu.memory_space<semaphore_mem>>
    %dma_start3A_1670 = arith.constant 0 : i32
    %dma_start3A_1671 = tpu.memref_slice %arg3[%add3A_1665, %dma_start3A_1670] : memref<77000x512xf32, #tpu.memory_space<hbm>> -> memref<56x512xf32, #tpu.memory_space<hbm>>
    %dma_start3A_1672 = arith.constant 0 : i32
    %dma_start3A_1673 = arith.constant 0 : i32
    %dma_start3A_1674 = tpu.memref_slice %arg4[%arg1, %dma_start3A_1666, %dma_start3A_1672, %dma_start3A_1673] : memref<16x4x56x512xf32, #tpu.memory_space<vmem_shared>> -> memref<1x1x56x512xf32, #tpu.memory_space<vmem_shared>>
    %dma_start3A_1675 = tpu.memref_squeeze %dma_start3A_1674 : memref<1x1x56x512xf32, #tpu.memory_space<vmem_shared>> -> memref<56x512xf32, #tpu.memory_space<vmem_shared>>
    tpu.enqueue_dma source(%dma_start3A_1675 : memref<56x512xf32, #tpu.memory_space<vmem_shared>>) target(%dma_start3A_1671 : memref<56x512xf32, #tpu.memory_space<hbm>>) target_semaphore(%dma_start3A_1669 : memref<!tpu.dma_semaphore, #tpu.memory_space<semaphore_mem>>)
    %add3A_1676 = arith.constant 1848 : i32
    %add3A_1677 = arith.addi %multiple_of3A, %add3A_1676 : i32
    %dma_wait3A_1678 = arith.constant 1 : i32
    %dma_wait3A_1679 = arith.constant 5 : i32
    %dma_wait3A_1680 = tpu.memref_slice %arg5[%dma_wait3A_1679] : memref<8x!tpu.dma_semaphore, #tpu.memory_space<semaphore_mem>> -> memref<1x!tpu.dma_semaphore, #tpu.memory_space<semaphore_mem>>
    %dma_wait3A_1681 = tpu.memref_squeeze %dma_wait3A_1680 : memref<1x!tpu.dma_semaphore, #tpu.memory_space<semaphore_mem>> -> memref<!tpu.dma_semaphore, #tpu.memory_space<semaphore_mem>>
    %dma_wait3A_1682 = arith.constant 0 : i32
    %dma_wait3A_1683 = tpu.memref_slice %arg3[%add3A_1677, %dma_wait3A_1682] : memref<77000x512xf32, #tpu.memory_space<hbm>> -> memref<56x512xf32, #tpu.memory_space<hbm>>
    %dma_wait3A_1684 = arith.constant 0 : i32
    %dma_wait3A_1685 = arith.constant 0 : i32
    %dma_wait3A_1686 = tpu.memref_slice %arg4[%arg1, %dma_wait3A_1678, %dma_wait3A_1684, %dma_wait3A_1685] : memref<16x4x56x512xf32, #tpu.memory_space<vmem_shared>> -> memref<1x1x56x512xf32, #tpu.memory_space<vmem_shared>>
    %dma_wait3A_1687 = tpu.memref_squeeze %dma_wait3A_1686 : memref<1x1x56x512xf32, #tpu.memory_space<vmem_shared>> -> memref<56x512xf32, #tpu.memory_space<vmem_shared>>
    tpu.wait_dma2 semaphore(%dma_wait3A_1681 : memref<!tpu.dma_semaphore, #tpu.memory_space<semaphore_mem>>) src(%dma_wait3A_1687 : memref<56x512xf32, #tpu.memory_space<vmem_shared>>) dst(%dma_wait3A_1683 : memref<56x512xf32, #tpu.memory_space<hbm>>)
    %add3A_1688 = arith.constant 2072 : i32
    %add3A_1689 = arith.addi %multiple_of3A, %add3A_1688 : i32
    %dma_start3A_1690 = arith.constant 1 : i32
    %dma_start3A_1691 = arith.constant 1 : i32
    %dma_start3A_1692 = tpu.memref_slice %arg5[%dma_start3A_1691] : memref<8x!tpu.dma_semaphore, #tpu.memory_space<semaphore_mem>> -> memref<1x!tpu.dma_semaphore, #tpu.memory_space<semaphore_mem>>
    %dma_start3A_1693 = tpu.memref_squeeze %dma_start3A_1692 : memref<1x!tpu.dma_semaphore, #tpu.memory_space<semaphore_mem>> -> memref<!tpu.dma_semaphore, #tpu.memory_space<semaphore_mem>>
    %dma_start3A_1694 = arith.constant 0 : i32
    %dma_start3A_1695 = arith.constant 0 : i32
    %dma_start3A_1696 = tpu.memref_slice %arg4[%arg1, %dma_start3A_1690, %dma_start3A_1694, %dma_start3A_1695] : memref<16x4x56x512xf32, #tpu.memory_space<vmem_shared>> -> memref<1x1x56x512xf32, #tpu.memory_space<vmem_shared>>
    %dma_start3A_1697 = tpu.memref_squeeze %dma_start3A_1696 : memref<1x1x56x512xf32, #tpu.memory_space<vmem_shared>> -> memref<56x512xf32, #tpu.memory_space<vmem_shared>>
    %dma_start3A_1698 = arith.constant 0 : i32
    %dma_start3A_1699 = tpu.memref_slice %arg2[%add3A_1689, %dma_start3A_1698] : memref<77000x512xf32, #tpu.memory_space<hbm>> -> memref<56x512xf32, #tpu.memory_space<hbm>>
    tpu.enqueue_dma source(%dma_start3A_1699 : memref<56x512xf32, #tpu.memory_space<hbm>>) target(%dma_start3A_1697 : memref<56x512xf32, #tpu.memory_space<vmem_shared>>) target_semaphore(%dma_start3A_1693 : memref<!tpu.dma_semaphore, #tpu.memory_space<semaphore_mem>>)
    %add3A_1700 = arith.constant 1904 : i32
    %add3A_1701 = arith.addi %multiple_of3A, %add3A_1700 : i32
    %dma_wait3A_1702 = arith.constant 2 : i32
    %dma_wait3A_1703 = arith.constant 2 : i32
    %dma_wait3A_1704 = tpu.memref_slice %arg5[%dma_wait3A_1703] : memref<8x!tpu.dma_semaphore, #tpu.memory_space<semaphore_mem>> -> memref<1x!tpu.dma_semaphore, #tpu.memory_space<semaphore_mem>>
    %dma_wait3A_1705 = tpu.memref_squeeze %dma_wait3A_1704 : memref<1x!tpu.dma_semaphore, #tpu.memory_space<semaphore_mem>> -> memref<!tpu.dma_semaphore, #tpu.memory_space<semaphore_mem>>
    %dma_wait3A_1706 = arith.constant 0 : i32
    %dma_wait3A_1707 = arith.constant 0 : i32
    %dma_wait3A_1708 = tpu.memref_slice %arg4[%arg1, %dma_wait3A_1702, %dma_wait3A_1706, %dma_wait3A_1707] : memref<16x4x56x512xf32, #tpu.memory_space<vmem_shared>> -> memref<1x1x56x512xf32, #tpu.memory_space<vmem_shared>>
    %dma_wait3A_1709 = tpu.memref_squeeze %dma_wait3A_1708 : memref<1x1x56x512xf32, #tpu.memory_space<vmem_shared>> -> memref<56x512xf32, #tpu.memory_space<vmem_shared>>
    %dma_wait3A_1710 = arith.constant 0 : i32
    %dma_wait3A_1711 = tpu.memref_slice %arg2[%add3A_1701, %dma_wait3A_1710] : memref<77000x512xf32, #tpu.memory_space<hbm>> -> memref<56x512xf32, #tpu.memory_space<hbm>>
    tpu.wait_dma2 semaphore(%dma_wait3A_1705 : memref<!tpu.dma_semaphore, #tpu.memory_space<semaphore_mem>>) src(%dma_wait3A_1711 : memref<56x512xf32, #tpu.memory_space<hbm>>) dst(%dma_wait3A_1709 : memref<56x512xf32, #tpu.memory_space<vmem_shared>>)
    %add3A_1712 = arith.constant 1904 : i32
    %add3A_1713 = arith.addi %multiple_of3A, %add3A_1712 : i32
    %dma_start3A_1714 = arith.constant 2 : i32
    %dma_start3A_1715 = arith.constant 6 : i32
    %dma_start3A_1716 = tpu.memref_slice %arg5[%dma_start3A_1715] : memref<8x!tpu.dma_semaphore, #tpu.memory_space<semaphore_mem>> -> memref<1x!tpu.dma_semaphore, #tpu.memory_space<semaphore_mem>>
    %dma_start3A_1717 = tpu.memref_squeeze %dma_start3A_1716 : memref<1x!tpu.dma_semaphore, #tpu.memory_space<semaphore_mem>> -> memref<!tpu.dma_semaphore, #tpu.memory_space<semaphore_mem>>
    %dma_start3A_1718 = arith.constant 0 : i32
    %dma_start3A_1719 = tpu.memref_slice %arg3[%add3A_1713, %dma_start3A_1718] : memref<77000x512xf32, #tpu.memory_space<hbm>> -> memref<56x512xf32, #tpu.memory_space<hbm>>
    %dma_start3A_1720 = arith.constant 0 : i32
    %dma_start3A_1721 = arith.constant 0 : i32
    %dma_start3A_1722 = tpu.memref_slice %arg4[%arg1, %dma_start3A_1714, %dma_start3A_1720, %dma_start3A_1721] : memref<16x4x56x512xf32, #tpu.memory_space<vmem_shared>> -> memref<1x1x56x512xf32, #tpu.memory_space<vmem_shared>>
    %dma_start3A_1723 = tpu.memref_squeeze %dma_start3A_1722 : memref<1x1x56x512xf32, #tpu.memory_space<vmem_shared>> -> memref<56x512xf32, #tpu.memory_space<vmem_shared>>
    tpu.enqueue_dma source(%dma_start3A_1723 : memref<56x512xf32, #tpu.memory_space<vmem_shared>>) target(%dma_start3A_1719 : memref<56x512xf32, #tpu.memory_space<hbm>>) target_semaphore(%dma_start3A_1717 : memref<!tpu.dma_semaphore, #tpu.memory_space<semaphore_mem>>)
    %add3A_1724 = arith.constant 1904 : i32
    %add3A_1725 = arith.addi %multiple_of3A, %add3A_1724 : i32
    %dma_wait3A_1726 = arith.constant 2 : i32
    %dma_wait3A_1727 = arith.constant 6 : i32
    %dma_wait3A_1728 = tpu.memref_slice %arg5[%dma_wait3A_1727] : memref<8x!tpu.dma_semaphore, #tpu.memory_space<semaphore_mem>> -> memref<1x!tpu.dma_semaphore, #tpu.memory_space<semaphore_mem>>
    %dma_wait3A_1729 = tpu.memref_squeeze %dma_wait3A_1728 : memref<1x!tpu.dma_semaphore, #tpu.memory_space<semaphore_mem>> -> memref<!tpu.dma_semaphore, #tpu.memory_space<semaphore_mem>>
    %dma_wait3A_1730 = arith.constant 0 : i32
    %dma_wait3A_1731 = tpu.memref_slice %arg3[%add3A_1725, %dma_wait3A_1730] : memref<77000x512xf32, #tpu.memory_space<hbm>> -> memref<56x512xf32, #tpu.memory_space<hbm>>
    %dma_wait3A_1732 = arith.constant 0 : i32
    %dma_wait3A_1733 = arith.constant 0 : i32
    %dma_wait3A_1734 = tpu.memref_slice %arg4[%arg1, %dma_wait3A_1726, %dma_wait3A_1732, %dma_wait3A_1733] : memref<16x4x56x512xf32, #tpu.memory_space<vmem_shared>> -> memref<1x1x56x512xf32, #tpu.memory_space<vmem_shared>>
    %dma_wait3A_1735 = tpu.memref_squeeze %dma_wait3A_1734 : memref<1x1x56x512xf32, #tpu.memory_space<vmem_shared>> -> memref<56x512xf32, #tpu.memory_space<vmem_shared>>
    tpu.wait_dma2 semaphore(%dma_wait3A_1729 : memref<!tpu.dma_semaphore, #tpu.memory_space<semaphore_mem>>) src(%dma_wait3A_1735 : memref<56x512xf32, #tpu.memory_space<vmem_shared>>) dst(%dma_wait3A_1731 : memref<56x512xf32, #tpu.memory_space<hbm>>)
    %add3A_1736 = arith.constant 2128 : i32
    %add3A_1737 = arith.addi %multiple_of3A, %add3A_1736 : i32
    %dma_start3A_1738 = arith.constant 2 : i32
    %dma_start3A_1739 = arith.constant 2 : i32
    %dma_start3A_1740 = tpu.memref_slice %arg5[%dma_start3A_1739] : memref<8x!tpu.dma_semaphore, #tpu.memory_space<semaphore_mem>> -> memref<1x!tpu.dma_semaphore, #tpu.memory_space<semaphore_mem>>
    %dma_start3A_1741 = tpu.memref_squeeze %dma_start3A_1740 : memref<1x!tpu.dma_semaphore, #tpu.memory_space<semaphore_mem>> -> memref<!tpu.dma_semaphore, #tpu.memory_space<semaphore_mem>>
    %dma_start3A_1742 = arith.constant 0 : i32
    %dma_start3A_1743 = arith.constant 0 : i32
    %dma_start3A_1744 = tpu.memref_slice %arg4[%arg1, %dma_start3A_1738, %dma_start3A_1742, %dma_start3A_1743] : memref<16x4x56x512xf32, #tpu.memory_space<vmem_shared>> -> memref<1x1x56x512xf32, #tpu.memory_space<vmem_shared>>
    %dma_start3A_1745 = tpu.memref_squeeze %dma_start3A_1744 : memref<1x1x56x512xf32, #tpu.memory_space<vmem_shared>> -> memref<56x512xf32, #tpu.memory_space<vmem_shared>>
    %dma_start3A_1746 = arith.constant 0 : i32
    %dma_start3A_1747 = tpu.memref_slice %arg2[%add3A_1737, %dma_start3A_1746] : memref<77000x512xf32, #tpu.memory_space<hbm>> -> memref<56x512xf32, #tpu.memory_space<hbm>>
    tpu.enqueue_dma source(%dma_start3A_1747 : memref<56x512xf32, #tpu.memory_space<hbm>>) target(%dma_start3A_1745 : memref<56x512xf32, #tpu.memory_space<vmem_shared>>) target_semaphore(%dma_start3A_1741 : memref<!tpu.dma_semaphore, #tpu.memory_space<semaphore_mem>>)
    %add3A_1748 = arith.constant 1960 : i32
    %add3A_1749 = arith.addi %multiple_of3A, %add3A_1748 : i32
    %dma_wait3A_1750 = arith.constant 3 : i32
    %dma_wait3A_1751 = arith.constant 3 : i32
    %dma_wait3A_1752 = tpu.memref_slice %arg5[%dma_wait3A_1751] : memref<8x!tpu.dma_semaphore, #tpu.memory_space<semaphore_mem>> -> memref<1x!tpu.dma_semaphore, #tpu.memory_space<semaphore_mem>>
    %dma_wait3A_1753 = tpu.memref_squeeze %dma_wait3A_1752 : memref<1x!tpu.dma_semaphore, #tpu.memory_space<semaphore_mem>> -> memref<!tpu.dma_semaphore, #tpu.memory_space<semaphore_mem>>
    %dma_wait3A_1754 = arith.constant 0 : i32
    %dma_wait3A_1755 = arith.constant 0 : i32
    %dma_wait3A_1756 = tpu.memref_slice %arg4[%arg1, %dma_wait3A_1750, %dma_wait3A_1754, %dma_wait3A_1755] : memref<16x4x56x512xf32, #tpu.memory_space<vmem_shared>> -> memref<1x1x56x512xf32, #tpu.memory_space<vmem_shared>>
    %dma_wait3A_1757 = tpu.memref_squeeze %dma_wait3A_1756 : memref<1x1x56x512xf32, #tpu.memory_space<vmem_shared>> -> memref<56x512xf32, #tpu.memory_space<vmem_shared>>
    %dma_wait3A_1758 = arith.constant 0 : i32
    %dma_wait3A_1759 = tpu.memref_slice %arg2[%add3A_1749, %dma_wait3A_1758] : memref<77000x512xf32, #tpu.memory_space<hbm>> -> memref<56x512xf32, #tpu.memory_space<hbm>>
    tpu.wait_dma2 semaphore(%dma_wait3A_1753 : memref<!tpu.dma_semaphore, #tpu.memory_space<semaphore_mem>>) src(%dma_wait3A_1759 : memref<56x512xf32, #tpu.memory_space<hbm>>) dst(%dma_wait3A_1757 : memref<56x512xf32, #tpu.memory_space<vmem_shared>>)
    %add3A_1760 = arith.constant 1960 : i32
    %add3A_1761 = arith.addi %multiple_of3A, %add3A_1760 : i32
    %dma_start3A_1762 = arith.constant 3 : i32
    %dma_start3A_1763 = arith.constant 7 : i32
    %dma_start3A_1764 = tpu.memref_slice %arg5[%dma_start3A_1763] : memref<8x!tpu.dma_semaphore, #tpu.memory_space<semaphore_mem>> -> memref<1x!tpu.dma_semaphore, #tpu.memory_space<semaphore_mem>>
    %dma_start3A_1765 = tpu.memref_squeeze %dma_start3A_1764 : memref<1x!tpu.dma_semaphore, #tpu.memory_space<semaphore_mem>> -> memref<!tpu.dma_semaphore, #tpu.memory_space<semaphore_mem>>
    %dma_start3A_1766 = arith.constant 0 : i32
    %dma_start3A_1767 = tpu.memref_slice %arg3[%add3A_1761, %dma_start3A_1766] : memref<77000x512xf32, #tpu.memory_space<hbm>> -> memref<56x512xf32, #tpu.memory_space<hbm>>
    %dma_start3A_1768 = arith.constant 0 : i32
    %dma_start3A_1769 = arith.constant 0 : i32
    %dma_start3A_1770 = tpu.memref_slice %arg4[%arg1, %dma_start3A_1762, %dma_start3A_1768, %dma_start3A_1769] : memref<16x4x56x512xf32, #tpu.memory_space<vmem_shared>> -> memref<1x1x56x512xf32, #tpu.memory_space<vmem_shared>>
    %dma_start3A_1771 = tpu.memref_squeeze %dma_start3A_1770 : memref<1x1x56x512xf32, #tpu.memory_space<vmem_shared>> -> memref<56x512xf32, #tpu.memory_space<vmem_shared>>
    tpu.enqueue_dma source(%dma_start3A_1771 : memref<56x512xf32, #tpu.memory_space<vmem_shared>>) target(%dma_start3A_1767 : memref<56x512xf32, #tpu.memory_space<hbm>>) target_semaphore(%dma_start3A_1765 : memref<!tpu.dma_semaphore, #tpu.memory_space<semaphore_mem>>)
    %add3A_1772 = arith.constant 1960 : i32
    %add3A_1773 = arith.addi %multiple_of3A, %add3A_1772 : i32
    %dma_wait3A_1774 = arith.constant 3 : i32
    %dma_wait3A_1775 = arith.constant 7 : i32
    %dma_wait3A_1776 = tpu.memref_slice %arg5[%dma_wait3A_1775] : memref<8x!tpu.dma_semaphore, #tpu.memory_space<semaphore_mem>> -> memref<1x!tpu.dma_semaphore, #tpu.memory_space<semaphore_mem>>
    %dma_wait3A_1777 = tpu.memref_squeeze %dma_wait3A_1776 : memref<1x!tpu.dma_semaphore, #tpu.memory_space<semaphore_mem>> -> memref<!tpu.dma_semaphore, #tpu.memory_space<semaphore_mem>>
    %dma_wait3A_1778 = arith.constant 0 : i32
    %dma_wait3A_1779 = tpu.memref_slice %arg3[%add3A_1773, %dma_wait3A_1778] : memref<77000x512xf32, #tpu.memory_space<hbm>> -> memref<56x512xf32, #tpu.memory_space<hbm>>
    %dma_wait3A_1780 = arith.constant 0 : i32
    %dma_wait3A_1781 = arith.constant 0 : i32
    %dma_wait3A_1782 = tpu.memref_slice %arg4[%arg1, %dma_wait3A_1774, %dma_wait3A_1780, %dma_wait3A_1781] : memref<16x4x56x512xf32, #tpu.memory_space<vmem_shared>> -> memref<1x1x56x512xf32, #tpu.memory_space<vmem_shared>>
    %dma_wait3A_1783 = tpu.memref_squeeze %dma_wait3A_1782 : memref<1x1x56x512xf32, #tpu.memory_space<vmem_shared>> -> memref<56x512xf32, #tpu.memory_space<vmem_shared>>
    tpu.wait_dma2 semaphore(%dma_wait3A_1777 : memref<!tpu.dma_semaphore, #tpu.memory_space<semaphore_mem>>) src(%dma_wait3A_1783 : memref<56x512xf32, #tpu.memory_space<vmem_shared>>) dst(%dma_wait3A_1779 : memref<56x512xf32, #tpu.memory_space<hbm>>)
    %add3A_1784 = arith.constant 2184 : i32
    %add3A_1785 = arith.addi %multiple_of3A, %add3A_1784 : i32
    %dma_start3A_1786 = arith.constant 3 : i32
    %dma_start3A_1787 = arith.constant 3 : i32
    %dma_start3A_1788 = tpu.memref_slice %arg5[%dma_start3A_1787] : memref<8x!tpu.dma_semaphore, #tpu.memory_space<semaphore_mem>> -> memref<1x!tpu.dma_semaphore, #tpu.memory_space<semaphore_mem>>
    %dma_start3A_1789 = tpu.memref_squeeze %dma_start3A_1788 : memref<1x!tpu.dma_semaphore, #tpu.memory_space<semaphore_mem>> -> memref<!tpu.dma_semaphore, #tpu.memory_space<semaphore_mem>>
    %dma_start3A_1790 = arith.constant 0 : i32
    %dma_start3A_1791 = arith.constant 0 : i32
    %dma_start3A_1792 = tpu.memref_slice %arg4[%arg1, %dma_start3A_1786, %dma_start3A_1790, %dma_start3A_1791] : memref<16x4x56x512xf32, #tpu.memory_space<vmem_shared>> -> memref<1x1x56x512xf32, #tpu.memory_space<vmem_shared>>
    %dma_start3A_1793 = tpu.memref_squeeze %dma_start3A_1792 : memref<1x1x56x512xf32, #tpu.memory_space<vmem_shared>> -> memref<56x512xf32, #tpu.memory_space<vmem_shared>>
    %dma_start3A_1794 = arith.constant 0 : i32
    %dma_start3A_1795 = tpu.memref_slice %arg2[%add3A_1785, %dma_start3A_1794] : memref<77000x512xf32, #tpu.memory_space<hbm>> -> memref<56x512xf32, #tpu.memory_space<hbm>>
    tpu.enqueue_dma source(%dma_start3A_1795 : memref<56x512xf32, #tpu.memory_space<hbm>>) target(%dma_start3A_1793 : memref<56x512xf32, #tpu.memory_space<vmem_shared>>) target_semaphore(%dma_start3A_1789 : memref<!tpu.dma_semaphore, #tpu.memory_space<semaphore_mem>>)
    %add3A_1796 = arith.constant 2016 : i32
    %add3A_1797 = arith.addi %multiple_of3A, %add3A_1796 : i32
    %dma_wait3A_1798 = arith.constant 0 : i32
    %dma_wait3A_1799 = arith.constant 0 : i32
    %dma_wait3A_1800 = tpu.memref_slice %arg5[%dma_wait3A_1799] : memref<8x!tpu.dma_semaphore, #tpu.memory_space<semaphore_mem>> -> memref<1x!tpu.dma_semaphore, #tpu.memory_space<semaphore_mem>>
    %dma_wait3A_1801 = tpu.memref_squeeze %dma_wait3A_1800 : memref<1x!tpu.dma_semaphore, #tpu.memory_space<semaphore_mem>> -> memref<!tpu.dma_semaphore, #tpu.memory_space<semaphore_mem>>
    %dma_wait3A_1802 = arith.constant 0 : i32
    %dma_wait3A_1803 = arith.constant 0 : i32
    %dma_wait3A_1804 = tpu.memref_slice %arg4[%arg1, %dma_wait3A_1798, %dma_wait3A_1802, %dma_wait3A_1803] : memref<16x4x56x512xf32, #tpu.memory_space<vmem_shared>> -> memref<1x1x56x512xf32, #tpu.memory_space<vmem_shared>>
    %dma_wait3A_1805 = tpu.memref_squeeze %dma_wait3A_1804 : memref<1x1x56x512xf32, #tpu.memory_space<vmem_shared>> -> memref<56x512xf32, #tpu.memory_space<vmem_shared>>
    %dma_wait3A_1806 = arith.constant 0 : i32
    %dma_wait3A_1807 = tpu.memref_slice %arg2[%add3A_1797, %dma_wait3A_1806] : memref<77000x512xf32, #tpu.memory_space<hbm>> -> memref<56x512xf32, #tpu.memory_space<hbm>>
    tpu.wait_dma2 semaphore(%dma_wait3A_1801 : memref<!tpu.dma_semaphore, #tpu.memory_space<semaphore_mem>>) src(%dma_wait3A_1807 : memref<56x512xf32, #tpu.memory_space<hbm>>) dst(%dma_wait3A_1805 : memref<56x512xf32, #tpu.memory_space<vmem_shared>>)
    %add3A_1808 = arith.constant 2016 : i32
    %add3A_1809 = arith.addi %multiple_of3A, %add3A_1808 : i32
    %dma_start3A_1810 = arith.constant 0 : i32
    %dma_start3A_1811 = arith.constant 4 : i32
    %dma_start3A_1812 = tpu.memref_slice %arg5[%dma_start3A_1811] : memref<8x!tpu.dma_semaphore, #tpu.memory_space<semaphore_mem>> -> memref<1x!tpu.dma_semaphore, #tpu.memory_space<semaphore_mem>>
    %dma_start3A_1813 = tpu.memref_squeeze %dma_start3A_1812 : memref<1x!tpu.dma_semaphore, #tpu.memory_space<semaphore_mem>> -> memref<!tpu.dma_semaphore, #tpu.memory_space<semaphore_mem>>
    %dma_start3A_1814 = arith.constant 0 : i32
    %dma_start3A_1815 = tpu.memref_slice %arg3[%add3A_1809, %dma_start3A_1814] : memref<77000x512xf32, #tpu.memory_space<hbm>> -> memref<56x512xf32, #tpu.memory_space<hbm>>
    %dma_start3A_1816 = arith.constant 0 : i32
    %dma_start3A_1817 = arith.constant 0 : i32
    %dma_start3A_1818 = tpu.memref_slice %arg4[%arg1, %dma_start3A_1810, %dma_start3A_1816, %dma_start3A_1817] : memref<16x4x56x512xf32, #tpu.memory_space<vmem_shared>> -> memref<1x1x56x512xf32, #tpu.memory_space<vmem_shared>>
    %dma_start3A_1819 = tpu.memref_squeeze %dma_start3A_1818 : memref<1x1x56x512xf32, #tpu.memory_space<vmem_shared>> -> memref<56x512xf32, #tpu.memory_space<vmem_shared>>
    tpu.enqueue_dma source(%dma_start3A_1819 : memref<56x512xf32, #tpu.memory_space<vmem_shared>>) target(%dma_start3A_1815 : memref<56x512xf32, #tpu.memory_space<hbm>>) target_semaphore(%dma_start3A_1813 : memref<!tpu.dma_semaphore, #tpu.memory_space<semaphore_mem>>)
    %add3A_1820 = arith.constant 2016 : i32
    %add3A_1821 = arith.addi %multiple_of3A, %add3A_1820 : i32
    %dma_wait3A_1822 = arith.constant 0 : i32
    %dma_wait3A_1823 = arith.constant 4 : i32
    %dma_wait3A_1824 = tpu.memref_slice %arg5[%dma_wait3A_1823] : memref<8x!tpu.dma_semaphore, #tpu.memory_space<semaphore_mem>> -> memref<1x!tpu.dma_semaphore, #tpu.memory_space<semaphore_mem>>
    %dma_wait3A_1825 = tpu.memref_squeeze %dma_wait3A_1824 : memref<1x!tpu.dma_semaphore, #tpu.memory_space<semaphore_mem>> -> memref<!tpu.dma_semaphore, #tpu.memory_space<semaphore_mem>>
    %dma_wait3A_1826 = arith.constant 0 : i32
    %dma_wait3A_1827 = tpu.memref_slice %arg3[%add3A_1821, %dma_wait3A_1826] : memref<77000x512xf32, #tpu.memory_space<hbm>> -> memref<56x512xf32, #tpu.memory_space<hbm>>
    %dma_wait3A_1828 = arith.constant 0 : i32
    %dma_wait3A_1829 = arith.constant 0 : i32
    %dma_wait3A_1830 = tpu.memref_slice %arg4[%arg1, %dma_wait3A_1822, %dma_wait3A_1828, %dma_wait3A_1829] : memref<16x4x56x512xf32, #tpu.memory_space<vmem_shared>> -> memref<1x1x56x512xf32, #tpu.memory_space<vmem_shared>>
    %dma_wait3A_1831 = tpu.memref_squeeze %dma_wait3A_1830 : memref<1x1x56x512xf32, #tpu.memory_space<vmem_shared>> -> memref<56x512xf32, #tpu.memory_space<vmem_shared>>
    tpu.wait_dma2 semaphore(%dma_wait3A_1825 : memref<!tpu.dma_semaphore, #tpu.memory_space<semaphore_mem>>) src(%dma_wait3A_1831 : memref<56x512xf32, #tpu.memory_space<vmem_shared>>) dst(%dma_wait3A_1827 : memref<56x512xf32, #tpu.memory_space<hbm>>)
    %add3A_1832 = arith.constant 2240 : i32
    %add3A_1833 = arith.addi %multiple_of3A, %add3A_1832 : i32
    %dma_start3A_1834 = arith.constant 0 : i32
    %dma_start3A_1835 = arith.constant 0 : i32
    %dma_start3A_1836 = tpu.memref_slice %arg5[%dma_start3A_1835] : memref<8x!tpu.dma_semaphore, #tpu.memory_space<semaphore_mem>> -> memref<1x!tpu.dma_semaphore, #tpu.memory_space<semaphore_mem>>
    %dma_start3A_1837 = tpu.memref_squeeze %dma_start3A_1836 : memref<1x!tpu.dma_semaphore, #tpu.memory_space<semaphore_mem>> -> memref<!tpu.dma_semaphore, #tpu.memory_space<semaphore_mem>>
    %dma_start3A_1838 = arith.constant 0 : i32
    %dma_start3A_1839 = arith.constant 0 : i32
    %dma_start3A_1840 = tpu.memref_slice %arg4[%arg1, %dma_start3A_1834, %dma_start3A_1838, %dma_start3A_1839] : memref<16x4x56x512xf32, #tpu.memory_space<vmem_shared>> -> memref<1x1x56x512xf32, #tpu.memory_space<vmem_shared>>
    %dma_start3A_1841 = tpu.memref_squeeze %dma_start3A_1840 : memref<1x1x56x512xf32, #tpu.memory_space<vmem_shared>> -> memref<56x512xf32, #tpu.memory_space<vmem_shared>>
    %dma_start3A_1842 = arith.constant 0 : i32
    %dma_start3A_1843 = tpu.memref_slice %arg2[%add3A_1833, %dma_start3A_1842] : memref<77000x512xf32, #tpu.memory_space<hbm>> -> memref<56x512xf32, #tpu.memory_space<hbm>>
    tpu.enqueue_dma source(%dma_start3A_1843 : memref<56x512xf32, #tpu.memory_space<hbm>>) target(%dma_start3A_1841 : memref<56x512xf32, #tpu.memory_space<vmem_shared>>) target_semaphore(%dma_start3A_1837 : memref<!tpu.dma_semaphore, #tpu.memory_space<semaphore_mem>>)
    %add3A_1844 = arith.constant 2072 : i32
    %add3A_1845 = arith.addi %multiple_of3A, %add3A_1844 : i32
    %dma_wait3A_1846 = arith.constant 1 : i32
    %dma_wait3A_1847 = arith.constant 1 : i32
    %dma_wait3A_1848 = tpu.memref_slice %arg5[%dma_wait3A_1847] : memref<8x!tpu.dma_semaphore, #tpu.memory_space<semaphore_mem>> -> memref<1x!tpu.dma_semaphore, #tpu.memory_space<semaphore_mem>>
    %dma_wait3A_1849 = tpu.memref_squeeze %dma_wait3A_1848 : memref<1x!tpu.dma_semaphore, #tpu.memory_space<semaphore_mem>> -> memref<!tpu.dma_semaphore, #tpu.memory_space<semaphore_mem>>
    %dma_wait3A_1850 = arith.constant 0 : i32
    %dma_wait3A_1851 = arith.constant 0 : i32
    %dma_wait3A_1852 = tpu.memref_slice %arg4[%arg1, %dma_wait3A_1846, %dma_wait3A_1850, %dma_wait3A_1851] : memref<16x4x56x512xf32, #tpu.memory_space<vmem_shared>> -> memref<1x1x56x512xf32, #tpu.memory_space<vmem_shared>>
    %dma_wait3A_1853 = tpu.memref_squeeze %dma_wait3A_1852 : memref<1x1x56x512xf32, #tpu.memory_space<vmem_shared>> -> memref<56x512xf32, #tpu.memory_space<vmem_shared>>
    %dma_wait3A_1854 = arith.constant 0 : i32
    %dma_wait3A_1855 = tpu.memref_slice %arg2[%add3A_1845, %dma_wait3A_1854] : memref<77000x512xf32, #tpu.memory_space<hbm>> -> memref<56x512xf32, #tpu.memory_space<hbm>>
    tpu.wait_dma2 semaphore(%dma_wait3A_1849 : memref<!tpu.dma_semaphore, #tpu.memory_space<semaphore_mem>>) src(%dma_wait3A_1855 : memref<56x512xf32, #tpu.memory_space<hbm>>) dst(%dma_wait3A_1853 : memref<56x512xf32, #tpu.memory_space<vmem_shared>>)
    %add3A_1856 = arith.constant 2072 : i32
    %add3A_1857 = arith.addi %multiple_of3A, %add3A_1856 : i32
    %dma_start3A_1858 = arith.constant 1 : i32
    %dma_start3A_1859 = arith.constant 5 : i32
    %dma_start3A_1860 = tpu.memref_slice %arg5[%dma_start3A_1859] : memref<8x!tpu.dma_semaphore, #tpu.memory_space<semaphore_mem>> -> memref<1x!tpu.dma_semaphore, #tpu.memory_space<semaphore_mem>>
    %dma_start3A_1861 = tpu.memref_squeeze %dma_start3A_1860 : memref<1x!tpu.dma_semaphore, #tpu.memory_space<semaphore_mem>> -> memref<!tpu.dma_semaphore, #tpu.memory_space<semaphore_mem>>
    %dma_start3A_1862 = arith.constant 0 : i32
    %dma_start3A_1863 = tpu.memref_slice %arg3[%add3A_1857, %dma_start3A_1862] : memref<77000x512xf32, #tpu.memory_space<hbm>> -> memref<56x512xf32, #tpu.memory_space<hbm>>
    %dma_start3A_1864 = arith.constant 0 : i32
    %dma_start3A_1865 = arith.constant 0 : i32
    %dma_start3A_1866 = tpu.memref_slice %arg4[%arg1, %dma_start3A_1858, %dma_start3A_1864, %dma_start3A_1865] : memref<16x4x56x512xf32, #tpu.memory_space<vmem_shared>> -> memref<1x1x56x512xf32, #tpu.memory_space<vmem_shared>>
    %dma_start3A_1867 = tpu.memref_squeeze %dma_start3A_1866 : memref<1x1x56x512xf32, #tpu.memory_space<vmem_shared>> -> memref<56x512xf32, #tpu.memory_space<vmem_shared>>
    tpu.enqueue_dma source(%dma_start3A_1867 : memref<56x512xf32, #tpu.memory_space<vmem_shared>>) target(%dma_start3A_1863 : memref<56x512xf32, #tpu.memory_space<hbm>>) target_semaphore(%dma_start3A_1861 : memref<!tpu.dma_semaphore, #tpu.memory_space<semaphore_mem>>)
    %add3A_1868 = arith.constant 2072 : i32
    %add3A_1869 = arith.addi %multiple_of3A, %add3A_1868 : i32
    %dma_wait3A_1870 = arith.constant 1 : i32
    %dma_wait3A_1871 = arith.constant 5 : i32
    %dma_wait3A_1872 = tpu.memref_slice %arg5[%dma_wait3A_1871] : memref<8x!tpu.dma_semaphore, #tpu.memory_space<semaphore_mem>> -> memref<1x!tpu.dma_semaphore, #tpu.memory_space<semaphore_mem>>
    %dma_wait3A_1873 = tpu.memref_squeeze %dma_wait3A_1872 : memref<1x!tpu.dma_semaphore, #tpu.memory_space<semaphore_mem>> -> memref<!tpu.dma_semaphore, #tpu.memory_space<semaphore_mem>>
    %dma_wait3A_1874 = arith.constant 0 : i32
    %dma_wait3A_1875 = tpu.memref_slice %arg3[%add3A_1869, %dma_wait3A_1874] : memref<77000x512xf32, #tpu.memory_space<hbm>> -> memref<56x512xf32, #tpu.memory_space<hbm>>
    %dma_wait3A_1876 = arith.constant 0 : i32
    %dma_wait3A_1877 = arith.constant 0 : i32
    %dma_wait3A_1878 = tpu.memref_slice %arg4[%arg1, %dma_wait3A_1870, %dma_wait3A_1876, %dma_wait3A_1877] : memref<16x4x56x512xf32, #tpu.memory_space<vmem_shared>> -> memref<1x1x56x512xf32, #tpu.memory_space<vmem_shared>>
    %dma_wait3A_1879 = tpu.memref_squeeze %dma_wait3A_1878 : memref<1x1x56x512xf32, #tpu.memory_space<vmem_shared>> -> memref<56x512xf32, #tpu.memory_space<vmem_shared>>
    tpu.wait_dma2 semaphore(%dma_wait3A_1873 : memref<!tpu.dma_semaphore, #tpu.memory_space<semaphore_mem>>) src(%dma_wait3A_1879 : memref<56x512xf32, #tpu.memory_space<vmem_shared>>) dst(%dma_wait3A_1875 : memref<56x512xf32, #tpu.memory_space<hbm>>)
    %add3A_1880 = arith.constant 2296 : i32
    %add3A_1881 = arith.addi %multiple_of3A, %add3A_1880 : i32
    %dma_start3A_1882 = arith.constant 1 : i32
    %dma_start3A_1883 = arith.constant 1 : i32
    %dma_start3A_1884 = tpu.memref_slice %arg5[%dma_start3A_1883] : memref<8x!tpu.dma_semaphore, #tpu.memory_space<semaphore_mem>> -> memref<1x!tpu.dma_semaphore, #tpu.memory_space<semaphore_mem>>
    %dma_start3A_1885 = tpu.memref_squeeze %dma_start3A_1884 : memref<1x!tpu.dma_semaphore, #tpu.memory_space<semaphore_mem>> -> memref<!tpu.dma_semaphore, #tpu.memory_space<semaphore_mem>>
    %dma_start3A_1886 = arith.constant 0 : i32
    %dma_start3A_1887 = arith.constant 0 : i32
    %dma_start3A_1888 = tpu.memref_slice %arg4[%arg1, %dma_start3A_1882, %dma_start3A_1886, %dma_start3A_1887] : memref<16x4x56x512xf32, #tpu.memory_space<vmem_shared>> -> memref<1x1x56x512xf32, #tpu.memory_space<vmem_shared>>
    %dma_start3A_1889 = tpu.memref_squeeze %dma_start3A_1888 : memref<1x1x56x512xf32, #tpu.memory_space<vmem_shared>> -> memref<56x512xf32, #tpu.memory_space<vmem_shared>>
    %dma_start3A_1890 = arith.constant 0 : i32
    %dma_start3A_1891 = tpu.memref_slice %arg2[%add3A_1881, %dma_start3A_1890] : memref<77000x512xf32, #tpu.memory_space<hbm>> -> memref<56x512xf32, #tpu.memory_space<hbm>>
    tpu.enqueue_dma source(%dma_start3A_1891 : memref<56x512xf32, #tpu.memory_space<hbm>>) target(%dma_start3A_1889 : memref<56x512xf32, #tpu.memory_space<vmem_shared>>) target_semaphore(%dma_start3A_1885 : memref<!tpu.dma_semaphore, #tpu.memory_space<semaphore_mem>>)
    %add3A_1892 = arith.constant 2128 : i32
    %add3A_1893 = arith.addi %multiple_of3A, %add3A_1892 : i32
    %dma_wait3A_1894 = arith.constant 2 : i32
    %dma_wait3A_1895 = arith.constant 2 : i32
    %dma_wait3A_1896 = tpu.memref_slice %arg5[%dma_wait3A_1895] : memref<8x!tpu.dma_semaphore, #tpu.memory_space<semaphore_mem>> -> memref<1x!tpu.dma_semaphore, #tpu.memory_space<semaphore_mem>>
    %dma_wait3A_1897 = tpu.memref_squeeze %dma_wait3A_1896 : memref<1x!tpu.dma_semaphore, #tpu.memory_space<semaphore_mem>> -> memref<!tpu.dma_semaphore, #tpu.memory_space<semaphore_mem>>
    %dma_wait3A_1898 = arith.constant 0 : i32
    %dma_wait3A_1899 = arith.constant 0 : i32
    %dma_wait3A_1900 = tpu.memref_slice %arg4[%arg1, %dma_wait3A_1894, %dma_wait3A_1898, %dma_wait3A_1899] : memref<16x4x56x512xf32, #tpu.memory_space<vmem_shared>> -> memref<1x1x56x512xf32, #tpu.memory_space<vmem_shared>>
    %dma_wait3A_1901 = tpu.memref_squeeze %dma_wait3A_1900 : memref<1x1x56x512xf32, #tpu.memory_space<vmem_shared>> -> memref<56x512xf32, #tpu.memory_space<vmem_shared>>
    %dma_wait3A_1902 = arith.constant 0 : i32
    %dma_wait3A_1903 = tpu.memref_slice %arg2[%add3A_1893, %dma_wait3A_1902] : memref<77000x512xf32, #tpu.memory_space<hbm>> -> memref<56x512xf32, #tpu.memory_space<hbm>>
    tpu.wait_dma2 semaphore(%dma_wait3A_1897 : memref<!tpu.dma_semaphore, #tpu.memory_space<semaphore_mem>>) src(%dma_wait3A_1903 : memref<56x512xf32, #tpu.memory_space<hbm>>) dst(%dma_wait3A_1901 : memref<56x512xf32, #tpu.memory_space<vmem_shared>>)
    %add3A_1904 = arith.constant 2128 : i32
    %add3A_1905 = arith.addi %multiple_of3A, %add3A_1904 : i32
    %dma_start3A_1906 = arith.constant 2 : i32
    %dma_start3A_1907 = arith.constant 6 : i32
    %dma_start3A_1908 = tpu.memref_slice %arg5[%dma_start3A_1907] : memref<8x!tpu.dma_semaphore, #tpu.memory_space<semaphore_mem>> -> memref<1x!tpu.dma_semaphore, #tpu.memory_space<semaphore_mem>>
    %dma_start3A_1909 = tpu.memref_squeeze %dma_start3A_1908 : memref<1x!tpu.dma_semaphore, #tpu.memory_space<semaphore_mem>> -> memref<!tpu.dma_semaphore, #tpu.memory_space<semaphore_mem>>
    %dma_start3A_1910 = arith.constant 0 : i32
    %dma_start3A_1911 = tpu.memref_slice %arg3[%add3A_1905, %dma_start3A_1910] : memref<77000x512xf32, #tpu.memory_space<hbm>> -> memref<56x512xf32, #tpu.memory_space<hbm>>
    %dma_start3A_1912 = arith.constant 0 : i32
    %dma_start3A_1913 = arith.constant 0 : i32
    %dma_start3A_1914 = tpu.memref_slice %arg4[%arg1, %dma_start3A_1906, %dma_start3A_1912, %dma_start3A_1913] : memref<16x4x56x512xf32, #tpu.memory_space<vmem_shared>> -> memref<1x1x56x512xf32, #tpu.memory_space<vmem_shared>>
    %dma_start3A_1915 = tpu.memref_squeeze %dma_start3A_1914 : memref<1x1x56x512xf32, #tpu.memory_space<vmem_shared>> -> memref<56x512xf32, #tpu.memory_space<vmem_shared>>
    tpu.enqueue_dma source(%dma_start3A_1915 : memref<56x512xf32, #tpu.memory_space<vmem_shared>>) target(%dma_start3A_1911 : memref<56x512xf32, #tpu.memory_space<hbm>>) target_semaphore(%dma_start3A_1909 : memref<!tpu.dma_semaphore, #tpu.memory_space<semaphore_mem>>)
    %add3A_1916 = arith.constant 2128 : i32
    %add3A_1917 = arith.addi %multiple_of3A, %add3A_1916 : i32
    %dma_wait3A_1918 = arith.constant 2 : i32
    %dma_wait3A_1919 = arith.constant 6 : i32
    %dma_wait3A_1920 = tpu.memref_slice %arg5[%dma_wait3A_1919] : memref<8x!tpu.dma_semaphore, #tpu.memory_space<semaphore_mem>> -> memref<1x!tpu.dma_semaphore, #tpu.memory_space<semaphore_mem>>
    %dma_wait3A_1921 = tpu.memref_squeeze %dma_wait3A_1920 : memref<1x!tpu.dma_semaphore, #tpu.memory_space<semaphore_mem>> -> memref<!tpu.dma_semaphore, #tpu.memory_space<semaphore_mem>>
    %dma_wait3A_1922 = arith.constant 0 : i32
    %dma_wait3A_1923 = tpu.memref_slice %arg3[%add3A_1917, %dma_wait3A_1922] : memref<77000x512xf32, #tpu.memory_space<hbm>> -> memref<56x512xf32, #tpu.memory_space<hbm>>
    %dma_wait3A_1924 = arith.constant 0 : i32
    %dma_wait3A_1925 = arith.constant 0 : i32
    %dma_wait3A_1926 = tpu.memref_slice %arg4[%arg1, %dma_wait3A_1918, %dma_wait3A_1924, %dma_wait3A_1925] : memref<16x4x56x512xf32, #tpu.memory_space<vmem_shared>> -> memref<1x1x56x512xf32, #tpu.memory_space<vmem_shared>>
    %dma_wait3A_1927 = tpu.memref_squeeze %dma_wait3A_1926 : memref<1x1x56x512xf32, #tpu.memory_space<vmem_shared>> -> memref<56x512xf32, #tpu.memory_space<vmem_shared>>
    tpu.wait_dma2 semaphore(%dma_wait3A_1921 : memref<!tpu.dma_semaphore, #tpu.memory_space<semaphore_mem>>) src(%dma_wait3A_1927 : memref<56x512xf32, #tpu.memory_space<vmem_shared>>) dst(%dma_wait3A_1923 : memref<56x512xf32, #tpu.memory_space<hbm>>)
    %add3A_1928 = arith.constant 2352 : i32
    %add3A_1929 = arith.addi %multiple_of3A, %add3A_1928 : i32
    %dma_start3A_1930 = arith.constant 2 : i32
    %dma_start3A_1931 = arith.constant 2 : i32
    %dma_start3A_1932 = tpu.memref_slice %arg5[%dma_start3A_1931] : memref<8x!tpu.dma_semaphore, #tpu.memory_space<semaphore_mem>> -> memref<1x!tpu.dma_semaphore, #tpu.memory_space<semaphore_mem>>
    %dma_start3A_1933 = tpu.memref_squeeze %dma_start3A_1932 : memref<1x!tpu.dma_semaphore, #tpu.memory_space<semaphore_mem>> -> memref<!tpu.dma_semaphore, #tpu.memory_space<semaphore_mem>>
    %dma_start3A_1934 = arith.constant 0 : i32
    %dma_start3A_1935 = arith.constant 0 : i32
    %dma_start3A_1936 = tpu.memref_slice %arg4[%arg1, %dma_start3A_1930, %dma_start3A_1934, %dma_start3A_1935] : memref<16x4x56x512xf32, #tpu.memory_space<vmem_shared>> -> memref<1x1x56x512xf32, #tpu.memory_space<vmem_shared>>
    %dma_start3A_1937 = tpu.memref_squeeze %dma_start3A_1936 : memref<1x1x56x512xf32, #tpu.memory_space<vmem_shared>> -> memref<56x512xf32, #tpu.memory_space<vmem_shared>>
    %dma_start3A_1938 = arith.constant 0 : i32
    %dma_start3A_1939 = tpu.memref_slice %arg2[%add3A_1929, %dma_start3A_1938] : memref<77000x512xf32, #tpu.memory_space<hbm>> -> memref<56x512xf32, #tpu.memory_space<hbm>>
    tpu.enqueue_dma source(%dma_start3A_1939 : memref<56x512xf32, #tpu.memory_space<hbm>>) target(%dma_start3A_1937 : memref<56x512xf32, #tpu.memory_space<vmem_shared>>) target_semaphore(%dma_start3A_1933 : memref<!tpu.dma_semaphore, #tpu.memory_space<semaphore_mem>>)
    %add3A_1940 = arith.constant 2184 : i32
    %add3A_1941 = arith.addi %multiple_of3A, %add3A_1940 : i32
    %dma_wait3A_1942 = arith.constant 3 : i32
    %dma_wait3A_1943 = arith.constant 3 : i32
    %dma_wait3A_1944 = tpu.memref_slice %arg5[%dma_wait3A_1943] : memref<8x!tpu.dma_semaphore, #tpu.memory_space<semaphore_mem>> -> memref<1x!tpu.dma_semaphore, #tpu.memory_space<semaphore_mem>>
    %dma_wait3A_1945 = tpu.memref_squeeze %dma_wait3A_1944 : memref<1x!tpu.dma_semaphore, #tpu.memory_space<semaphore_mem>> -> memref<!tpu.dma_semaphore, #tpu.memory_space<semaphore_mem>>
    %dma_wait3A_1946 = arith.constant 0 : i32
    %dma_wait3A_1947 = arith.constant 0 : i32
    %dma_wait3A_1948 = tpu.memref_slice %arg4[%arg1, %dma_wait3A_1942, %dma_wait3A_1946, %dma_wait3A_1947] : memref<16x4x56x512xf32, #tpu.memory_space<vmem_shared>> -> memref<1x1x56x512xf32, #tpu.memory_space<vmem_shared>>
    %dma_wait3A_1949 = tpu.memref_squeeze %dma_wait3A_1948 : memref<1x1x56x512xf32, #tpu.memory_space<vmem_shared>> -> memref<56x512xf32, #tpu.memory_space<vmem_shared>>
    %dma_wait3A_1950 = arith.constant 0 : i32
    %dma_wait3A_1951 = tpu.memref_slice %arg2[%add3A_1941, %dma_wait3A_1950] : memref<77000x512xf32, #tpu.memory_space<hbm>> -> memref<56x512xf32, #tpu.memory_space<hbm>>
    tpu.wait_dma2 semaphore(%dma_wait3A_1945 : memref<!tpu.dma_semaphore, #tpu.memory_space<semaphore_mem>>) src(%dma_wait3A_1951 : memref<56x512xf32, #tpu.memory_space<hbm>>) dst(%dma_wait3A_1949 : memref<56x512xf32, #tpu.memory_space<vmem_shared>>)
    %add3A_1952 = arith.constant 2184 : i32
    %add3A_1953 = arith.addi %multiple_of3A, %add3A_1952 : i32
    %dma_start3A_1954 = arith.constant 3 : i32
    %dma_start3A_1955 = arith.constant 7 : i32
    %dma_start3A_1956 = tpu.memref_slice %arg5[%dma_start3A_1955] : memref<8x!tpu.dma_semaphore, #tpu.memory_space<semaphore_mem>> -> memref<1x!tpu.dma_semaphore, #tpu.memory_space<semaphore_mem>>
    %dma_start3A_1957 = tpu.memref_squeeze %dma_start3A_1956 : memref<1x!tpu.dma_semaphore, #tpu.memory_space<semaphore_mem>> -> memref<!tpu.dma_semaphore, #tpu.memory_space<semaphore_mem>>
    %dma_start3A_1958 = arith.constant 0 : i32
    %dma_start3A_1959 = tpu.memref_slice %arg3[%add3A_1953, %dma_start3A_1958] : memref<77000x512xf32, #tpu.memory_space<hbm>> -> memref<56x512xf32, #tpu.memory_space<hbm>>
    %dma_start3A_1960 = arith.constant 0 : i32
    %dma_start3A_1961 = arith.constant 0 : i32
    %dma_start3A_1962 = tpu.memref_slice %arg4[%arg1, %dma_start3A_1954, %dma_start3A_1960, %dma_start3A_1961] : memref<16x4x56x512xf32, #tpu.memory_space<vmem_shared>> -> memref<1x1x56x512xf32, #tpu.memory_space<vmem_shared>>
    %dma_start3A_1963 = tpu.memref_squeeze %dma_start3A_1962 : memref<1x1x56x512xf32, #tpu.memory_space<vmem_shared>> -> memref<56x512xf32, #tpu.memory_space<vmem_shared>>
    tpu.enqueue_dma source(%dma_start3A_1963 : memref<56x512xf32, #tpu.memory_space<vmem_shared>>) target(%dma_start3A_1959 : memref<56x512xf32, #tpu.memory_space<hbm>>) target_semaphore(%dma_start3A_1957 : memref<!tpu.dma_semaphore, #tpu.memory_space<semaphore_mem>>)
    %add3A_1964 = arith.constant 2240 : i32
    %add3A_1965 = arith.addi %multiple_of3A, %add3A_1964 : i32
    %dma_wait3A_1966 = arith.constant 0 : i32
    %dma_wait3A_1967 = arith.constant 0 : i32
    %dma_wait3A_1968 = tpu.memref_slice %arg5[%dma_wait3A_1967] : memref<8x!tpu.dma_semaphore, #tpu.memory_space<semaphore_mem>> -> memref<1x!tpu.dma_semaphore, #tpu.memory_space<semaphore_mem>>
    %dma_wait3A_1969 = tpu.memref_squeeze %dma_wait3A_1968 : memref<1x!tpu.dma_semaphore, #tpu.memory_space<semaphore_mem>> -> memref<!tpu.dma_semaphore, #tpu.memory_space<semaphore_mem>>
    %dma_wait3A_1970 = arith.constant 0 : i32
    %dma_wait3A_1971 = arith.constant 0 : i32
    %dma_wait3A_1972 = tpu.memref_slice %arg4[%arg1, %dma_wait3A_1966, %dma_wait3A_1970, %dma_wait3A_1971] : memref<16x4x56x512xf32, #tpu.memory_space<vmem_shared>> -> memref<1x1x56x512xf32, #tpu.memory_space<vmem_shared>>
    %dma_wait3A_1973 = tpu.memref_squeeze %dma_wait3A_1972 : memref<1x1x56x512xf32, #tpu.memory_space<vmem_shared>> -> memref<56x512xf32, #tpu.memory_space<vmem_shared>>
    %dma_wait3A_1974 = arith.constant 0 : i32
    %dma_wait3A_1975 = tpu.memref_slice %arg2[%add3A_1965, %dma_wait3A_1974] : memref<77000x512xf32, #tpu.memory_space<hbm>> -> memref<56x512xf32, #tpu.memory_space<hbm>>
    tpu.wait_dma2 semaphore(%dma_wait3A_1969 : memref<!tpu.dma_semaphore, #tpu.memory_space<semaphore_mem>>) src(%dma_wait3A_1975 : memref<56x512xf32, #tpu.memory_space<hbm>>) dst(%dma_wait3A_1973 : memref<56x512xf32, #tpu.memory_space<vmem_shared>>)
    %add3A_1976 = arith.constant 2240 : i32
    %add3A_1977 = arith.addi %multiple_of3A, %add3A_1976 : i32
    %dma_start3A_1978 = arith.constant 0 : i32
    %dma_start3A_1979 = arith.constant 4 : i32
    %dma_start3A_1980 = tpu.memref_slice %arg5[%dma_start3A_1979] : memref<8x!tpu.dma_semaphore, #tpu.memory_space<semaphore_mem>> -> memref<1x!tpu.dma_semaphore, #tpu.memory_space<semaphore_mem>>
    %dma_start3A_1981 = tpu.memref_squeeze %dma_start3A_1980 : memref<1x!tpu.dma_semaphore, #tpu.memory_space<semaphore_mem>> -> memref<!tpu.dma_semaphore, #tpu.memory_space<semaphore_mem>>
    %dma_start3A_1982 = arith.constant 0 : i32
    %dma_start3A_1983 = tpu.memref_slice %arg3[%add3A_1977, %dma_start3A_1982] : memref<77000x512xf32, #tpu.memory_space<hbm>> -> memref<56x512xf32, #tpu.memory_space<hbm>>
    %dma_start3A_1984 = arith.constant 0 : i32
    %dma_start3A_1985 = arith.constant 0 : i32
    %dma_start3A_1986 = tpu.memref_slice %arg4[%arg1, %dma_start3A_1978, %dma_start3A_1984, %dma_start3A_1985] : memref<16x4x56x512xf32, #tpu.memory_space<vmem_shared>> -> memref<1x1x56x512xf32, #tpu.memory_space<vmem_shared>>
    %dma_start3A_1987 = tpu.memref_squeeze %dma_start3A_1986 : memref<1x1x56x512xf32, #tpu.memory_space<vmem_shared>> -> memref<56x512xf32, #tpu.memory_space<vmem_shared>>
    tpu.enqueue_dma source(%dma_start3A_1987 : memref<56x512xf32, #tpu.memory_space<vmem_shared>>) target(%dma_start3A_1983 : memref<56x512xf32, #tpu.memory_space<hbm>>) target_semaphore(%dma_start3A_1981 : memref<!tpu.dma_semaphore, #tpu.memory_space<semaphore_mem>>)
    %add3A_1988 = arith.constant 2296 : i32
    %add3A_1989 = arith.addi %multiple_of3A, %add3A_1988 : i32
    %dma_wait3A_1990 = arith.constant 1 : i32
    %dma_wait3A_1991 = arith.constant 1 : i32
    %dma_wait3A_1992 = tpu.memref_slice %arg5[%dma_wait3A_1991] : memref<8x!tpu.dma_semaphore, #tpu.memory_space<semaphore_mem>> -> memref<1x!tpu.dma_semaphore, #tpu.memory_space<semaphore_mem>>
    %dma_wait3A_1993 = tpu.memref_squeeze %dma_wait3A_1992 : memref<1x!tpu.dma_semaphore, #tpu.memory_space<semaphore_mem>> -> memref<!tpu.dma_semaphore, #tpu.memory_space<semaphore_mem>>
    %dma_wait3A_1994 = arith.constant 0 : i32
    %dma_wait3A_1995 = arith.constant 0 : i32
    %dma_wait3A_1996 = tpu.memref_slice %arg4[%arg1, %dma_wait3A_1990, %dma_wait3A_1994, %dma_wait3A_1995] : memref<16x4x56x512xf32, #tpu.memory_space<vmem_shared>> -> memref<1x1x56x512xf32, #tpu.memory_space<vmem_shared>>
    %dma_wait3A_1997 = tpu.memref_squeeze %dma_wait3A_1996 : memref<1x1x56x512xf32, #tpu.memory_space<vmem_shared>> -> memref<56x512xf32, #tpu.memory_space<vmem_shared>>
    %dma_wait3A_1998 = arith.constant 0 : i32
    %dma_wait3A_1999 = tpu.memref_slice %arg2[%add3A_1989, %dma_wait3A_1998] : memref<77000x512xf32, #tpu.memory_space<hbm>> -> memref<56x512xf32, #tpu.memory_space<hbm>>
    tpu.wait_dma2 semaphore(%dma_wait3A_1993 : memref<!tpu.dma_semaphore, #tpu.memory_space<semaphore_mem>>) src(%dma_wait3A_1999 : memref<56x512xf32, #tpu.memory_space<hbm>>) dst(%dma_wait3A_1997 : memref<56x512xf32, #tpu.memory_space<vmem_shared>>)
    %add3A_2000 = arith.constant 2296 : i32
    %add3A_2001 = arith.addi %multiple_of3A, %add3A_2000 : i32
    %dma_start3A_2002 = arith.constant 1 : i32
    %dma_start3A_2003 = arith.constant 5 : i32
    %dma_start3A_2004 = tpu.memref_slice %arg5[%dma_start3A_2003] : memref<8x!tpu.dma_semaphore, #tpu.memory_space<semaphore_mem>> -> memref<1x!tpu.dma_semaphore, #tpu.memory_space<semaphore_mem>>
    %dma_start3A_2005 = tpu.memref_squeeze %dma_start3A_2004 : memref<1x!tpu.dma_semaphore, #tpu.memory_space<semaphore_mem>> -> memref<!tpu.dma_semaphore, #tpu.memory_space<semaphore_mem>>
    %dma_start3A_2006 = arith.constant 0 : i32
    %dma_start3A_2007 = tpu.memref_slice %arg3[%add3A_2001, %dma_start3A_2006] : memref<77000x512xf32, #tpu.memory_space<hbm>> -> memref<56x512xf32, #tpu.memory_space<hbm>>
    %dma_start3A_2008 = arith.constant 0 : i32
    %dma_start3A_2009 = arith.constant 0 : i32
    %dma_start3A_2010 = tpu.memref_slice %arg4[%arg1, %dma_start3A_2002, %dma_start3A_2008, %dma_start3A_2009] : memref<16x4x56x512xf32, #tpu.memory_space<vmem_shared>> -> memref<1x1x56x512xf32, #tpu.memory_space<vmem_shared>>
    %dma_start3A_2011 = tpu.memref_squeeze %dma_start3A_2010 : memref<1x1x56x512xf32, #tpu.memory_space<vmem_shared>> -> memref<56x512xf32, #tpu.memory_space<vmem_shared>>
    tpu.enqueue_dma source(%dma_start3A_2011 : memref<56x512xf32, #tpu.memory_space<vmem_shared>>) target(%dma_start3A_2007 : memref<56x512xf32, #tpu.memory_space<hbm>>) target_semaphore(%dma_start3A_2005 : memref<!tpu.dma_semaphore, #tpu.memory_space<semaphore_mem>>)
    %add3A_2012 = arith.constant 2352 : i32
    %add3A_2013 = arith.addi %multiple_of3A, %add3A_2012 : i32
    %dma_wait3A_2014 = arith.constant 2 : i32
    %dma_wait3A_2015 = arith.constant 2 : i32
    %dma_wait3A_2016 = tpu.memref_slice %arg5[%dma_wait3A_2015] : memref<8x!tpu.dma_semaphore, #tpu.memory_space<semaphore_mem>> -> memref<1x!tpu.dma_semaphore, #tpu.memory_space<semaphore_mem>>
    %dma_wait3A_2017 = tpu.memref_squeeze %dma_wait3A_2016 : memref<1x!tpu.dma_semaphore, #tpu.memory_space<semaphore_mem>> -> memref<!tpu.dma_semaphore, #tpu.memory_space<semaphore_mem>>
    %dma_wait3A_2018 = arith.constant 0 : i32
    %dma_wait3A_2019 = arith.constant 0 : i32
    %dma_wait3A_2020 = tpu.memref_slice %arg4[%arg1, %dma_wait3A_2014, %dma_wait3A_2018, %dma_wait3A_2019] : memref<16x4x56x512xf32, #tpu.memory_space<vmem_shared>> -> memref<1x1x56x512xf32, #tpu.memory_space<vmem_shared>>
    %dma_wait3A_2021 = tpu.memref_squeeze %dma_wait3A_2020 : memref<1x1x56x512xf32, #tpu.memory_space<vmem_shared>> -> memref<56x512xf32, #tpu.memory_space<vmem_shared>>
    %dma_wait3A_2022 = arith.constant 0 : i32
    %dma_wait3A_2023 = tpu.memref_slice %arg2[%add3A_2013, %dma_wait3A_2022] : memref<77000x512xf32, #tpu.memory_space<hbm>> -> memref<56x512xf32, #tpu.memory_space<hbm>>
    tpu.wait_dma2 semaphore(%dma_wait3A_2017 : memref<!tpu.dma_semaphore, #tpu.memory_space<semaphore_mem>>) src(%dma_wait3A_2023 : memref<56x512xf32, #tpu.memory_space<hbm>>) dst(%dma_wait3A_2021 : memref<56x512xf32, #tpu.memory_space<vmem_shared>>)
    %add3A_2024 = arith.constant 2352 : i32
    %add3A_2025 = arith.addi %multiple_of3A, %add3A_2024 : i32
    %dma_start3A_2026 = arith.constant 2 : i32
    %dma_start3A_2027 = arith.constant 6 : i32
    %dma_start3A_2028 = tpu.memref_slice %arg5[%dma_start3A_2027] : memref<8x!tpu.dma_semaphore, #tpu.memory_space<semaphore_mem>> -> memref<1x!tpu.dma_semaphore, #tpu.memory_space<semaphore_mem>>
    %dma_start3A_2029 = tpu.memref_squeeze %dma_start3A_2028 : memref<1x!tpu.dma_semaphore, #tpu.memory_space<semaphore_mem>> -> memref<!tpu.dma_semaphore, #tpu.memory_space<semaphore_mem>>
    %dma_start3A_2030 = arith.constant 0 : i32
    %dma_start3A_2031 = tpu.memref_slice %arg3[%add3A_2025, %dma_start3A_2030] : memref<77000x512xf32, #tpu.memory_space<hbm>> -> memref<56x512xf32, #tpu.memory_space<hbm>>
    %dma_start3A_2032 = arith.constant 0 : i32
    %dma_start3A_2033 = arith.constant 0 : i32
    %dma_start3A_2034 = tpu.memref_slice %arg4[%arg1, %dma_start3A_2026, %dma_start3A_2032, %dma_start3A_2033] : memref<16x4x56x512xf32, #tpu.memory_space<vmem_shared>> -> memref<1x1x56x512xf32, #tpu.memory_space<vmem_shared>>
    %dma_start3A_2035 = tpu.memref_squeeze %dma_start3A_2034 : memref<1x1x56x512xf32, #tpu.memory_space<vmem_shared>> -> memref<56x512xf32, #tpu.memory_space<vmem_shared>>
    tpu.enqueue_dma source(%dma_start3A_2035 : memref<56x512xf32, #tpu.memory_space<vmem_shared>>) target(%dma_start3A_2031 : memref<56x512xf32, #tpu.memory_space<hbm>>) target_semaphore(%dma_start3A_2029 : memref<!tpu.dma_semaphore, #tpu.memory_space<semaphore_mem>>)
    %add3A_2036 = arith.constant 2184 : i32
    %add3A_2037 = arith.addi %multiple_of3A, %add3A_2036 : i32
    %dma_wait3A_2038 = arith.constant 3 : i32
    %dma_wait3A_2039 = arith.constant 7 : i32
    %dma_wait3A_2040 = tpu.memref_slice %arg5[%dma_wait3A_2039] : memref<8x!tpu.dma_semaphore, #tpu.memory_space<semaphore_mem>> -> memref<1x!tpu.dma_semaphore, #tpu.memory_space<semaphore_mem>>
    %dma_wait3A_2041 = tpu.memref_squeeze %dma_wait3A_2040 : memref<1x!tpu.dma_semaphore, #tpu.memory_space<semaphore_mem>> -> memref<!tpu.dma_semaphore, #tpu.memory_space<semaphore_mem>>
    %dma_wait3A_2042 = arith.constant 0 : i32
    %dma_wait3A_2043 = tpu.memref_slice %arg3[%add3A_2037, %dma_wait3A_2042] : memref<77000x512xf32, #tpu.memory_space<hbm>> -> memref<56x512xf32, #tpu.memory_space<hbm>>
    %dma_wait3A_2044 = arith.constant 0 : i32
    %dma_wait3A_2045 = arith.constant 0 : i32
    %dma_wait3A_2046 = tpu.memref_slice %arg4[%arg1, %dma_wait3A_2038, %dma_wait3A_2044, %dma_wait3A_2045] : memref<16x4x56x512xf32, #tpu.memory_space<vmem_shared>> -> memref<1x1x56x512xf32, #tpu.memory_space<vmem_shared>>
    %dma_wait3A_2047 = tpu.memref_squeeze %dma_wait3A_2046 : memref<1x1x56x512xf32, #tpu.memory_space<vmem_shared>> -> memref<56x512xf32, #tpu.memory_space<vmem_shared>>
    tpu.wait_dma2 semaphore(%dma_wait3A_2041 : memref<!tpu.dma_semaphore, #tpu.memory_space<semaphore_mem>>) src(%dma_wait3A_2047 : memref<56x512xf32, #tpu.memory_space<vmem_shared>>) dst(%dma_wait3A_2043 : memref<56x512xf32, #tpu.memory_space<hbm>>)
    %add3A_2048 = arith.constant 2240 : i32
    %add3A_2049 = arith.addi %multiple_of3A, %add3A_2048 : i32
    %dma_wait3A_2050 = arith.constant 0 : i32
    %dma_wait3A_2051 = arith.constant 4 : i32
    %dma_wait3A_2052 = tpu.memref_slice %arg5[%dma_wait3A_2051] : memref<8x!tpu.dma_semaphore, #tpu.memory_space<semaphore_mem>> -> memref<1x!tpu.dma_semaphore, #tpu.memory_space<semaphore_mem>>
    %dma_wait3A_2053 = tpu.memref_squeeze %dma_wait3A_2052 : memref<1x!tpu.dma_semaphore, #tpu.memory_space<semaphore_mem>> -> memref<!tpu.dma_semaphore, #tpu.memory_space<semaphore_mem>>
    %dma_wait3A_2054 = arith.constant 0 : i32
    %dma_wait3A_2055 = tpu.memref_slice %arg3[%add3A_2049, %dma_wait3A_2054] : memref<77000x512xf32, #tpu.memory_space<hbm>> -> memref<56x512xf32, #tpu.memory_space<hbm>>
    %dma_wait3A_2056 = arith.constant 0 : i32
    %dma_wait3A_2057 = arith.constant 0 : i32
    %dma_wait3A_2058 = tpu.memref_slice %arg4[%arg1, %dma_wait3A_2050, %dma_wait3A_2056, %dma_wait3A_2057] : memref<16x4x56x512xf32, #tpu.memory_space<vmem_shared>> -> memref<1x1x56x512xf32, #tpu.memory_space<vmem_shared>>
    %dma_wait3A_2059 = tpu.memref_squeeze %dma_wait3A_2058 : memref<1x1x56x512xf32, #tpu.memory_space<vmem_shared>> -> memref<56x512xf32, #tpu.memory_space<vmem_shared>>
    tpu.wait_dma2 semaphore(%dma_wait3A_2053 : memref<!tpu.dma_semaphore, #tpu.memory_space<semaphore_mem>>) src(%dma_wait3A_2059 : memref<56x512xf32, #tpu.memory_space<vmem_shared>>) dst(%dma_wait3A_2055 : memref<56x512xf32, #tpu.memory_space<hbm>>)
    %add3A_2060 = arith.constant 2296 : i32
    %add3A_2061 = arith.addi %multiple_of3A, %add3A_2060 : i32
    %dma_wait3A_2062 = arith.constant 1 : i32
    %dma_wait3A_2063 = arith.constant 5 : i32
    %dma_wait3A_2064 = tpu.memref_slice %arg5[%dma_wait3A_2063] : memref<8x!tpu.dma_semaphore, #tpu.memory_space<semaphore_mem>> -> memref<1x!tpu.dma_semaphore, #tpu.memory_space<semaphore_mem>>
    %dma_wait3A_2065 = tpu.memref_squeeze %dma_wait3A_2064 : memref<1x!tpu.dma_semaphore, #tpu.memory_space<semaphore_mem>> -> memref<!tpu.dma_semaphore, #tpu.memory_space<semaphore_mem>>
    %dma_wait3A_2066 = arith.constant 0 : i32
    %dma_wait3A_2067 = tpu.memref_slice %arg3[%add3A_2061, %dma_wait3A_2066] : memref<77000x512xf32, #tpu.memory_space<hbm>> -> memref<56x512xf32, #tpu.memory_space<hbm>>
    %dma_wait3A_2068 = arith.constant 0 : i32
    %dma_wait3A_2069 = arith.constant 0 : i32
    %dma_wait3A_2070 = tpu.memref_slice %arg4[%arg1, %dma_wait3A_2062, %dma_wait3A_2068, %dma_wait3A_2069] : memref<16x4x56x512xf32, #tpu.memory_space<vmem_shared>> -> memref<1x1x56x512xf32, #tpu.memory_space<vmem_shared>>
    %dma_wait3A_2071 = tpu.memref_squeeze %dma_wait3A_2070 : memref<1x1x56x512xf32, #tpu.memory_space<vmem_shared>> -> memref<56x512xf32, #tpu.memory_space<vmem_shared>>
    tpu.wait_dma2 semaphore(%dma_wait3A_2065 : memref<!tpu.dma_semaphore, #tpu.memory_space<semaphore_mem>>) src(%dma_wait3A_2071 : memref<56x512xf32, #tpu.memory_space<vmem_shared>>) dst(%dma_wait3A_2067 : memref<56x512xf32, #tpu.memory_space<hbm>>)
    %add3A_2072 = arith.constant 2352 : i32
    %add3A_2073 = arith.addi %multiple_of3A, %add3A_2072 : i32
    %dma_wait3A_2074 = arith.constant 2 : i32
    %dma_wait3A_2075 = arith.constant 6 : i32
    %dma_wait3A_2076 = tpu.memref_slice %arg5[%dma_wait3A_2075] : memref<8x!tpu.dma_semaphore, #tpu.memory_space<semaphore_mem>> -> memref<1x!tpu.dma_semaphore, #tpu.memory_space<semaphore_mem>>
    %dma_wait3A_2077 = tpu.memref_squeeze %dma_wait3A_2076 : memref<1x!tpu.dma_semaphore, #tpu.memory_space<semaphore_mem>> -> memref<!tpu.dma_semaphore, #tpu.memory_space<semaphore_mem>>
    %dma_wait3A_2078 = arith.constant 0 : i32
    %dma_wait3A_2079 = tpu.memref_slice %arg3[%add3A_2073, %dma_wait3A_2078] : memref<77000x512xf32, #tpu.memory_space<hbm>> -> memref<56x512xf32, #tpu.memory_space<hbm>>
    %dma_wait3A_2080 = arith.constant 0 : i32
    %dma_wait3A_2081 = arith.constant 0 : i32
    %dma_wait3A_2082 = tpu.memref_slice %arg4[%arg1, %dma_wait3A_2074, %dma_wait3A_2080, %dma_wait3A_2081] : memref<16x4x56x512xf32, #tpu.memory_space<vmem_shared>> -> memref<1x1x56x512xf32, #tpu.memory_space<vmem_shared>>
    %dma_wait3A_2083 = tpu.memref_squeeze %dma_wait3A_2082 : memref<1x1x56x512xf32, #tpu.memory_space<vmem_shared>> -> memref<56x512xf32, #tpu.memory_space<vmem_shared>>
    tpu.wait_dma2 semaphore(%dma_wait3A_2077 : memref<!tpu.dma_semaphore, #tpu.memory_space<semaphore_mem>>) src(%dma_wait3A_2083 : memref<56x512xf32, #tpu.memory_space<vmem_shared>>) dst(%dma_wait3A_2079 : memref<56x512xf32, #tpu.memory_space<hbm>>)
    return
  }
}

</mosaic_0001>

<sc_bundles>
// kernel: _sc_copy.3.cloned.1.call-start
scs
__scs_entry_jumppad:
0x0: {  	(pc) =	sbr.rel $0x88, $3  }
0x1: {  	(tag) =	ssettag $0x0;
	lr =	simm.s32 $0x1  }
0x2: {  	[smem:$0x3FA0] =	sst lr;
	_ =	strace $0xD0000000  }
0x3: {  	_ = 	snop  }
0x4: {  	_ = 	snop  }
0x5: {  	_ = 	snop  }
0x6: {  	_ = 	snop  }
0x7: {  	_ = 	snop  }
__scs_overlays_trampoline_lowered:
0x8: {  	[smem:$0x3FAF] =	sst s0  }
0x9: {  	[smem:$0x3FB0] =	sst s1  }
0xa: {  	[smem:$0x3FB1] =	sst s2  }
0xb: {  	[smem:$0x3FB2] =	sst s3  }
0xc: {  	[smem:$0x3FB3] =	sst s4  }
0xd: {  	[smem:$0x3FB4] =	sst s5  }
0xe: {  	[smem:$0x3FB5] =	sst s6  }
0xf: {  	[smem:$0x3FB6] =	sst s7  }
0x10: {  	[smem:$0x3FB7] =	sst s8  }
0x11: {  	[smem:$0x3FB8] =	sst s9;
	s0 =	simm.s32 @!p0 $0x0  }
0x12: {  	s1 =	sld [smem:$0x3F9E];
	s0 =	simm.s32 @p0 $0x1  }
0x13: {  	[smem:$0x3FB9] =	sst s0;
	s0 =	simm.s32 @!p1 $0x0  }
0x14: {  	s2 =	sld [smem:$0x3F9D];
	s0 =	simm.s32 @p1 $0x1  }
0x15: {  	[smem:$0x3FBA] =	sst s0;
	s0 =	simm.s32 @!p2 $0x0  }
0x16: {  	s3 =	sld [smem:$0x3FDB];
	s0 =	simm.s32 @p2 $0x1  }
0x17: {  	s4 =	simm.s32 $0x1BF5;
	[smem:$0x3FBC] =	sst s0  }
0x18: {  	s0 =	sld [smem:$0x3F9F];
	_ =	swait.ge [sflag:s4], $0x0  }
0x19: {  	s7 =	sld [smem:$0x3FA0]  }
0x1a: {  	s8 =	sadd.s32 $0xFFFFE003, lr  }
0x1b: {  	s9 =	sadd.s32 $0xFFFFFEF7, lr;
	s5 =	simm.s32 $0xFFFFFFFF;
	p2 =	slt.u32 s8, $0xFFFFF086  }
0x1c: {  	p1 =	slt.u32 s9, $0xF7A;
	s5 =	simm.s32 @!p2 $0x0  }
0x1d: {  	s5 =	simm.s32 @p1 $0x1;
	p0 =	seq.s32 s7, s2  }
0x1e: {  	s7 =	smul.u32 @!p0 $0xF7A, s2;
	p2 =	seq.s32 @!p0 s5, $0x0  }
0x1f: {  	s9 =	smul.u32 $0xF7A, s1;
	s8 =	simm.s32 @!p0 $0x1BF5;
	p2 =	por !p2, p0  }
0x20: {  	[sflag:s8] =	ssyncset.s32 @!p0 $0xFFFFF086;
	s6 =	sadd.s32 @!p0 s3, s7;
	s7 =	simm.s32 @!p0 $0x108  }
0x21: {  	s3 =	sadd.s32 s3, s9;
	s6 =	sadd.s32 @!p0 $0x88, s6;
	s7 =	simm.s32 @p2 $0x1082  }
0x22: {  	[simem:s7], [sflag:s8] =	dma.local @!p0 [hbm:s6], $0xF7A  }
0x23: {  	s9 =	sor.u32 $0xD0000000, s2;
	s6 =	simm.s32 $0x108;
	_ =	swait.ge @!p0 [sflag:s8], $0x0  }
0x24: {  	s3 =	sadd.s32 $0x88, s3;
	s6 =	simm.s32 @!p1 $0x1082;
	[sflag:s4] =	ssyncset.s32 $0xFFFFF086  }
0x25: {  	[simem:s6], [sflag:s4] =	dma.local [hbm:s3], $0xF7A  }
0x26: {  	[smem:$0x3FA0] =	sst s1;
	(tag) =	ssettag s2;
	_ =	strace s9  }
0x27: {  	s1 =	sld [smem:$0x3FB0]  }
0x28: {  	s2 =	sld [smem:$0x3FB1]  }
0x29: {  	s4 =	sld [smem:$0x3FB3]  }
0x2a: {  	p0 =	seq.s32 s5, $0x0;
	s5 =	sld [smem:$0x3FB4]  }
0x2b: {  	s6 =	sld [smem:$0x3FB5]  }
0x2c: {  	s7 =	sld [smem:$0x3FB6]  }
0x2d: {  	s3 =	simm.s32 $0x108;
	s8 =	sld [smem:$0x3FB7]  }
0x2e: {  	s3 =	simm.s32 @!p0 $0x1082;
	s9 =	sld [smem:$0x3FB8]  }
0x2f: {  	lr =	sadd.s32 s0, s3;
	s0 =	sld [smem:$0x3FAF]  }
0x30: {  	s3 =	sld [smem:$0x3FB2]  }
0x31: {  	[smem:$0x3FBB] =	sst s10  }
0x32: {  	s10 =	sld [smem:$0x3FB9];
	_ =	sdelay $0x3  }
0x33: {  	p0 =	seq.s32 s10, $0x1;
	s10 =	sld [smem:$0x3FBB];
	_ =	sdelay $0x3  }
0x34: {  	[smem:$0x3FBB] =	sst s10  }
0x35: {  	s10 =	sld [smem:$0x3FBA];
	_ =	sdelay $0x3  }
0x36: {  	p1 =	seq.s32 s10, $0x1;
	s10 =	sld [smem:$0x3FBB];
	_ =	sdelay $0x3  }
0x37: {  	[smem:$0x3FBB] =	sst s10  }
0x38: {  	s10 =	sld [smem:$0x3FBC]  }
0x39: {  	_ = 	snop;
	(pc) =	sbr.ind lr, $3  }
0x3a: {  	_ = 	snop  }
0x3b: {  	_ = 	snop  }
0x3c: {  	p2 =	seq.s32 s10, $0x1;
	s10 =	sld [smem:$0x3FBB]  }
0x3d: {  	_ =	shalt  }
0x3e: {  	_ =	shalt  }
0x3f: {  	_ =	shalt  }
0x40: {  	_ =	shalt  }
0x41: {  	_ =	shalt  }
0x42: {  	_ =	shalt  }
0x43: {  	_ =	shalt  }
0x44: {  	_ =	shalt  }
0x45: {  	_ =	shalt  }
0x46: {  	_ =	shalt  }
0x47: {  	_ =	shalt  }
0x48: {  	_ =	shalt  }
0x49: {  	_ =	shalt  }
0x4a: {  	_ =	shalt  }
0x4b: {  	_ =	shalt  }
0x4c: {  	_ =	shalt  }
0x4d: {  	_ =	shalt  }
0x4e: {  	_ =	shalt  }
0x4f: {  	_ =	shalt  }
0x50: {  	_ =	shalt  }
0x51: {  	_ =	shalt  }
0x52: {  	_ =	shalt  }
0x53: {  	_ =	shalt  }
0x54: {  	_ =	shalt  }
0x55: {  	_ =	shalt  }
0x56: {  	_ =	shalt  }
0x57: {  	_ =	shalt  }
0x58: {  	_ =	shalt  }
0x59: {  	_ =	shalt  }
0x5a: {  	_ =	shalt  }
0x5b: {  	_ =	shalt  }
0x5c: {  	_ =	shalt  }
0x5d: {  	_ =	shalt  }
0x5e: {  	_ =	shalt  }
0x5f: {  	_ =	shalt  }
0x60: {  	_ =	shalt  }
0x61: {  	_ =	shalt  }
0x62: {  	_ =	shalt  }
0x63: {  	_ =	shalt  }
0x64: {  	_ =	shalt  }
0x65: {  	_ =	shalt  }
0x66: {  	_ =	shalt  }
0x67: {  	_ =	shalt  }
0x68: {  	_ =	shalt  }
0x69: {  	_ =	shalt  }
0x6a: {  	_ =	shalt  }
0x6b: {  	_ =	shalt  }
0x6c: {  	_ =	shalt  }
0x6d: {  	_ =	shalt  }
0x6e: {  	_ =	shalt  }
0x6f: {  	_ =	shalt  }
0x70: {  	_ =	shalt  }
0x71: {  	_ =	shalt  }
0x72: {  	_ =	shalt  }
0x73: {  	_ =	shalt  }
0x74: {  	_ =	shalt  }
0x75: {  	_ =	shalt  }
0x76: {  	_ =	shalt  }
0x77: {  	_ =	shalt  }
0x78: {  	_ =	shalt  }
0x79: {  	_ =	shalt  }
0x7a: {  	_ =	shalt  }
0x7b: {  	_ =	shalt  }
0x7c: {  	_ =	shalt  }
0x7d: {  	_ =	shalt  }
0x7e: {  	_ =	shalt  }
0x7f: {  	_ =	shalt  }
0x80: {  	_ =	shalt  }
0x81: {  	_ =	shalt  }
0x82: {  	_ =	shalt  }
0x83: {  	_ =	shalt  }
0x84: {  	_ =	shalt  }
0x85: {  	_ =	shalt  }
0x86: {  	_ =	shalt  }
0x87: {  	_ =	shalt  }
.Lfunc_end0:
.L_simem_size_0:
called_computation_lowered:
.L_overlay_start_0:
0x88: {  	s2 =	sld [smem:$0x3FD9]  }
0x89: {  	s3 =	sld [smem:$0x3FFE];
	_ =	sdelay $0x1  }
0x8a: {  	s1 =	srdreg.scid  }
0x8b: {  	s0 =	sand.u32 $0x1, s1  }
0x8c: {  	s18 =	sshll.u32 s0, $0xA;
	s2 =	sadd.s32 s3, s2  }
0x8d: {  	s2 =	sadd.s32 s2, s18  }
0x8e: {  	[smem:$0x3FC7] =	sst s2  }
0x8f: {  	_ = 	snop  }
0x90: {  	s2 =	sld [smem:$0x3FC9]  }
0x91: {  	s19 =	sld [smem:$0x3FD0];
	(tm) =	ssettm $0x1  }
0x92: {  	s4 =	sld [smem:$0x3FFB];
	_ =	sdelay $0x3  }
0x93: {  	_ =	strace s4  }
0x94: {  	s4 =	sld [smem:$0x3FFC];
	_ =	sdelay $0x3  }
0x95: {  	_ =	strace s4  }
0x96: {  	s4 =	sld [smem:$0x3FFD];
	_ =	sdelay $0x3  }
0x97: {  	_ =	strace s4  }
0x98: {  	_ =	strace $0x8FFFFFFF  }
0x99: {  	s20 =	sld [smem:$0x3FDB];
	_ =	sdelay $0x1  }
0x9a: {  	s5 =	simm.s32 $_scs_section_size  }
0x9b: {  	s6 =	simm.s32 $_size__tile_overlayer_lowered;
	s7 =	simm.s32 $_tile_overlayer_lowered  }
0x9c: {  	s23 =	simm.s32 $0x1BFF;
	s22 =	sshll.u32 s7, $0x1;
	s4 =	sadd.s32 s5, s20  }
0x9d: {  	s8 =	simm.s32 $0x0;
	s21 =	sshll.u32 s6, $0x1;
	s6 =	sadd.s32 s22, s4  }
0x9e: {  	[timem:s8], [sflag:s23] =	dma.local [hbm:s6], s21  }
0x9f: {  	_ =	swait.ge [sflag:s23], s21  }
0xa0: {  	s5 =	ssub.s32 $0x0, s21;
	[sflag:s23] =	ssyncset.done $0x0  }
0xa1: {  	[sflag:s23] =	ssyncadd.s32 s5;
	_ =	sdelay $0x1  }
0xa2: {  	s24 =	simm.s32 $0x1B8B  }
0xa3: {  	_ =	swait.ge [sflag:s24], $0x1  }
0xa4: {  	[sflag:s24] =	ssyncset.done $0x0  }
0xa5: {  	s25 =	simm.s32 $0x1B8E;
	[sflag:s24] =	ssyncadd.s32 $0xFFFFFFFF  }
0xa6: {  	s26 =	simm.s32 $execute0_lowered;
	[smem:$0x3FD2] =	sst s25  }
0xa7: {  	s5 =	sshll.u32 s26, $0x1;
	_ =	strace $0x80000046;
	[dreg:$0x1] =	wrdreg $0xFFFFFFFF  }
0xa8: {  	s28 =	simm.s32 $_size_execute0_lowered;
	s4 =	sadd.s32 s4, s5;
	[dreg:$0x0] =	wrdreg $0x0  }
0xa9: {  	s5 =	sshll.u32 s28, $0x1;
	[dreg:$0x2] =	wrdreg s4  }
0xaa: {  	[dreg:$0x3] =	wrdreg s5  }
0xab: {  	[dreg:$0x4] =	wrdreg $0xC0  }
0xac: {  	_ =	task [dreg:s8], $0x5FFFF  }
0xad: {  	[dreg:$0x1] =	wrdreg $0xFFFFFFFF  }
0xae: {  	[dreg:$0x0] =	wrdreg $0x60  }
0xaf: {  	[dreg:$0x2] =	wrdreg s2  }
0xb0: {  	[dreg:$0x3] =	wrdreg s19  }
0xb1: {  	[dreg:$0x4] =	wrdreg $0x0  }
0xb2: {  	[dreg:$0x5] =	wrdreg $0x9  }
0xb3: {  	_ =	task.clear_ibuf [dreg:s8], $0x6FFFF;
	_ =	strace $0x90000046  }
0xb4: {  	s29 =	simm.s32 $0x9;
	_ =	strace $0x80000048  }
0xb5: {  	_ =	swait.ge [sflag:s29], $0x1  }
0xb6: {  	[sflag:s29] =	ssyncadd.s32 $0xFFFFFFFF  }
0xb7: {  	_ =	strace $0x90000048  }
0xb8: {  	_ =	sfence  }
0xb9: {  	s30 =	sld [smem:$0x0];
	_ =	sdelay $0x2  }
0xba: {  	s31 =	sshll.u32 s1, $0xD;
	s1 =	sshrl.u32 s1, $0x2  }
0xbb: {  	s3 =	sand.u32 $0x4000, s31;
	s1 =	sadd.s32 s1, s30  }
0xbc: {  	s0 =	sor.u32 s3, s0;
	s1 =	sshll.u32 s1, $0x11  }
0xbd: {  	s0 =	sor.u32 s1, s0  }
0xbe: {  	s0 =	sadd.s32 $0x8F2B, s0  }
0xbf: {  	[sflag:s0] =	ssyncadd.remote.s32 $0x1  }
0xc0: {  	_ =	sfence.sel $0xFFFF  }
0xc1: {  	[dreg:$0x0] =	wrdreg $0xFFFFFFFF;
	(pc) =	sbr.abs _section_cstart, $3  }
0xc2: {  	[dreg:$0x1] =	wrdreg $0xFFFFFFFF  }
0xc3: {  	_ =	task.clear_ibuf [dreg:s8], $0x2FFFF;
	_ =	strace $0x9FFFFFFF  }
0xc4: {  	(tm) =	ssettm $0x7FFFFFFF  }
0xc5: {  	_ =	shalt  }
tec
execute0_lowered:
.L_overlay_start_1:
0x0: {  	(tag) =	ssettag $0x1  }
0x1: {  	s0 =	srdreg.scid;
	s30 =	stileid.u32  }
0x2: {  	s5 =	sand.u32 $0x1, s0;
	s21 =	sshll.u32 s30, $0x1  }
0x3: {  	s2 =	rddreg [dreg:$0x0];
	s0 =	sor.u32 s5, s21  }
0x4: {  	s1 =	rddreg [dreg:$0x1];
	s0 =	smul.u32 $0x25990, s0  }
0x5: {  	s4 =	rddreg [dreg:$0x2];
	s3 =	simm.s32 $0x0  }
0x6: {  	[smem:$0x7FF] =	sst s3;
	s3 =	sand.u32 $0x7FFE00, s0  }
0x7: {  	s31 =	rddreg [dreg:$0x3];
	_ =	strace $0x80000047;
	s0 =	sadd.s32 s2, s3  }
0x8: {  	s6 =	sadd.s32 $0xE00, s3;
	s25 =	sadd.s32 s1, s3;
	[dreg:$0x4] =	wrdreg s0  }
0x9: {  	s7 =	sadd.s32 $0x1C00, s3;
	s22 =	sadd.s32 s2, s6;
	[dreg:$0x8] =	wrdreg s25  }
0xa: {  	s8 =	sadd.s32 $0x2A00, s3;
	s23 =	sadd.s32 s2, s7;
	[dreg:$0x5] =	wrdreg s22  }
0xb: {  	s9 =	sadd.s32 $0x3800, s3;
	s24 =	sadd.s32 s2, s8;
	[dreg:$0x6] =	wrdreg s23  }
0xc: {  	s26 =	sadd.s32 s2, s9;
	[dreg:$0x7] =	wrdreg s24  }
0xd: {  	s29 =	sadd.s32 $0x4600, s3;
	s28 =	sadd.s32 s1, s6;
	[dreg:$0x9] =	wrdreg s26  }
0xe: {  	s10 =	sadd.s32 s2, s29;
	[dreg:$0xa] =	wrdreg s28  }
0xf: {  	s12 =	sadd.s32 $0x5400, s3;
	s11 =	sadd.s32 s1, s7;
	[dreg:$0xb] =	wrdreg s10  }
0x10: {  	s13 =	sadd.s32 s2, s12;
	[dreg:$0xc] =	wrdreg s11  }
0x11: {  	s15 =	sadd.s32 $0x6200, s3;
	s14 =	sadd.s32 s1, s8;
	[dreg:$0xd] =	wrdreg s13  }
0x12: {  	s16 =	sadd.s32 s2, s15;
	[dreg:$0xe] =	wrdreg s14  }
0x13: {  	s18 =	sadd.s32 $0x7000, s3;
	s17 =	sadd.s32 s1, s9;
	[dreg:$0xf] =	wrdreg s16  }
0x14: {  	s19 =	sadd.s32 s2, s18;
	[dreg:$0x10] =	wrdreg s17  }
0x15: {  	s20 =	sadd.s32 s1, s29;
	[dreg:$0x11] =	wrdreg s19  }
0x16: {  	s9 =	sadd.s32 s1, s18;
	[dreg:$0x12] =	wrdreg s20  }
0x17: {  	s21 =	sadd.s32 $0x7E00, s3;
	[dreg:$0x18] =	wrdreg s9  }
0x18: {  	s22 =	sadd.s32 s2, s21;
	s0 =	rddreg [dreg:$0x4]  }
0x19: {  	s23 =	sadd.s32 s1, s12;
	[dreg:$0x13] =	wrdreg s22  }
0x1a: {  	s26 =	sadd.s32 s1, s15;
	[dreg:$0x14] =	wrdreg s23  }
0x1b: {  	s24 =	sadd.s32 $0x8C00, s3;
	s12 =	sadd.s32 s1, s21;
	[dreg:$0x16] =	wrdreg s26  }
0x1c: {  	s28 =	sadd.s32 $0x9A00, s3;
	s25 =	sadd.s32 s2, s24;
	[dreg:$0x1a] =	wrdreg s12  }
0x1d: {  	s10 =	sadd.s32 $0xA800, s3;
	s29 =	sadd.s32 s2, s28;
	[dreg:$0x15] =	wrdreg s25  }
0x1e: {  	s13 =	sadd.s32 $0xB600, s3;
	s11 =	sadd.s32 s2, s10;
	[dreg:$0x17] =	wrdreg s29  }
0x1f: {  	s14 =	sadd.s32 s2, s13;
	[dreg:$0x19] =	wrdreg s11  }
0x20: {  	s16 =	sadd.s32 $0xC400, s3;
	s15 =	sadd.s32 s1, s24;
	[dreg:$0x1b] =	wrdreg s14  }
0x21: {  	s17 =	sadd.s32 s2, s16;
	[dreg:$0x1c] =	wrdreg s15  }
0x22: {  	s19 =	sadd.s32 $0xD200, s3;
	s18 =	sadd.s32 s1, s28;
	[dreg:$0x1d] =	wrdreg s17  }
0x23: {  	s20 =	sadd.s32 s2, s19;
	[dreg:$0x1e] =	wrdreg s18  }
0x24: {  	s21 =	sadd.s32 s1, s10;
	[dreg:$0x1f] =	wrdreg s20  }
0x25: {  	s24 =	sadd.s32 s1, s13;
	[smem:$0x7CC] =	sst s21  }
0x26: {  	s22 =	sadd.s32 $0xE000, s3;
	s28 =	sadd.s32 s1, s16;
	[smem:$0x7CE] =	sst s24  }
0x27: {  	s23 =	sadd.s32 s2, s22;
	[smem:$0x7D0] =	sst s28  }
0x28: {  	s12 =	sadd.s32 $0x10A00, s3;
	s11 =	sadd.s32 s1, s19;
	[smem:$0x7CD] =	sst s23  }
0x29: {  	s13 =	sadd.s32 s2, s12;
	[smem:$0x7D2] =	sst s11  }
0x2a: {  	s25 =	sadd.s32 $0xEE00, s3;
	s14 =	sadd.s32 s1, s22;
	[smem:$0x7D3] =	sst s13  }
0x2b: {  	s29 =	sadd.s32 $0xFC00, s3;
	s26 =	sadd.s32 s2, s25;
	[smem:$0x7D4] =	sst s14  }
0x2c: {  	s15 =	sadd.s32 $0x11800, s3;
	s10 =	sadd.s32 s2, s29;
	[smem:$0x7CF] =	sst s26  }
0x2d: {  	s16 =	sadd.s32 s2, s15;
	[smem:$0x7D1] =	sst s10  }
0x2e: {  	s18 =	sadd.s32 $0x12600, s3;
	s17 =	sadd.s32 s1, s25;
	[smem:$0x7D5] =	sst s16  }
0x2f: {  	s19 =	sadd.s32 s2, s18;
	[smem:$0x7D6] =	sst s17  }
0x30: {  	s21 =	sadd.s32 $0x13400, s3;
	s20 =	sadd.s32 s1, s29;
	[smem:$0x7D7] =	sst s19  }
0x31: {  	s22 =	sadd.s32 s2, s21;
	[smem:$0x7D8] =	sst s20  }
0x32: {  	s24 =	sadd.s32 $0x14200, s3;
	s23 =	sadd.s32 s1, s12;
	[smem:$0x7D9] =	sst s22  }
0x33: {  	s28 =	sadd.s32 $0x15000, s3;
	s25 =	sadd.s32 s2, s24;
	[smem:$0x7DA] =	sst s23  }
0x34: {  	s29 =	sadd.s32 s2, s28;
	[smem:$0x7DB] =	sst s25  }
0x35: {  	s6 =	sadd.s32 s1, s18;
	[smem:$0x7DD] =	sst s29  }
0x36: {  	s12 =	sadd.s32 s1, s21;
	[smem:$0x7DE] =	sst s6  }
0x37: {  	s18 =	sadd.s32 s1, s28;
	[smem:$0x7E0] =	sst s12  }
0x38: {  	s13 =	sadd.s32 $0x16C00, s3;
	s26 =	sadd.s32 s1, s15;
	[smem:$0x7E4] =	sst s18  }
0x39: {  	s14 =	sadd.s32 s2, s13;
	[smem:$0x7DC] =	sst s26  }
0x3a: {  	s15 =	sadd.s32 s1, s24;
	[smem:$0x7E1] =	sst s14  }
0x3b: {  	s10 =	sadd.s32 $0x15E00, s3;
	s24 =	sadd.s32 s1, s13;
	[smem:$0x7E2] =	sst s15  }
0x3c: {  	s16 =	sadd.s32 $0x17A00, s3;
	s11 =	sadd.s32 s2, s10;
	[smem:$0x7E8] =	sst s24  }
0x3d: {  	s19 =	sadd.s32 $0x18800, s3;
	s17 =	sadd.s32 s2, s16;
	[smem:$0x7DF] =	sst s11  }
0x3e: {  	p0 =	por $0x0, $0x0;
	s20 =	sadd.s32 s2, s19;
	[smem:$0x7E3] =	sst s17  }
0x3f: {  	s22 =	sadd.s32 $0x19600, s3;
	s21 =	sadd.s32 s1, s10;
	[smem:$0x7E5] =	sst s20  }
0x40: {  	s25 =	sadd.s32 $0x1A400, s3;
	s23 =	sadd.s32 s2, s22;
	[smem:$0x7E6] =	sst s21  }
0x41: {  	s5 =	ssub.s32 $0x2, s5;
	s26 =	sadd.s32 s2, s25;
	[smem:$0x7E7] =	sst s23  }
0x42: {  	s29 =	sadd.s32 $0x1B200, s3;
	s28 =	sadd.s32 s1, s16;
	[smem:$0x7E9] =	sst s26  }
0x43: {  	s12 =	sadd.s32 $0x1C000, s3;
	s10 =	sadd.s32 s2, s29;
	[smem:$0x7EA] =	sst s28  }
0x44: {  	s18 =	sadd.s32 $0x1DC00, s3;
	s13 =	sadd.s32 s2, s12;
	[smem:$0x7EB] =	sst s10  }
0x45: {  	s14 =	sadd.s32 s1, s22;
	s15 =	sadd.s32 $0x1CE00, s3;
	[smem:$0x7ED] =	sst s13  }
0x46: {  	s22 =	smul.u32 $0x70000, s30;
	s24 =	sadd.s32 s1, s12;
	[smem:$0x7EE] =	sst s14  }
0x47: {  	s11 =	sadd.s32 s1, s19;
	s10 =	sshrl.u32 s5, $0x1;
	[smem:$0x7F4] =	sst s24  }
0x48: {  	s16 =	sadd.s32 s2, s15;
	s17 =	sadd.s32 s1, s25;
	[smem:$0x7EC] =	sst s11  }
0x49: {  	s19 =	sadd.s32 s2, s18;
	s20 =	sadd.s32 s1, s29;
	[smem:$0x7EF] =	sst s16  }
0x4a: {  	s21 =	sadd.s32 $0x1EA00, s3;
	s25 =	sadd.s32 $0x1F800, s3;
	[smem:$0x7F0] =	sst s17  }
0x4b: {  	s28 =	sadd.s32 s1, s15;
	s29 =	sadd.s32 $0x20600, s3;
	[smem:$0x7F1] =	sst s19  }
0x4c: {  	s14 =	sadd.s32 s1, s18;
	s15 =	sadd.s32 $0x21400, s3;
	[smem:$0x7F2] =	sst s20  }
0x4d: {  	s18 =	sadd.s32 $0x22200, s3;
	s24 =	sadd.s32 $0x23000, s3;
	[smem:$0x7F6] =	sst s28  }
0x4e: {  	s5 =	ssub.s32 s5, s10;
	s23 =	sadd.s32 s2, s21;
	[smem:$0x7F8] =	sst s14  }
0x4f: {  	s10 =	sshrl.u32 s22, $0x2;
	s26 =	sadd.s32 s2, s25;
	[smem:$0x7F3] =	sst s23  }
0x50: {  	s13 =	sadd.s32 s2, s29;
	s16 =	sadd.s32 s2, s15;
	[smem:$0x7F5] =	sst s26  }
0x51: {  	s17 =	sadd.s32 s1, s21;
	s20 =	sadd.s32 s2, s18;
	[smem:$0x7F7] =	sst s13  }
0x52: {  	s21 =	sadd.s32 s1, s25;
	s28 =	sadd.s32 $0x23E00, s3;
	[smem:$0x7F9] =	sst s16  }
0x53: {  	s3 =	sadd.s32 $0x24C00, s3;
	s8 =	sadd.s32 s1, s24;
	[smem:$0x7FA] =	sst s17  }
0x54: {  	s22 =	sadd.s32 s10, s4;
	s23 =	sshll.u32 s30, $0x6;
	[smem:$0x7FB] =	sst s20  }
0x55: {  	[smem:$0x7FC] =	sst s21;
	s26 =	sadd.s32 s2, s24;
	s20 =	sadd.s32 s1, s29  }
0x56: {  	s19 =	sadd.s32 s2, s28;
	s17 =	sadd.s32 s1, s15;
	s14 =	sadd.s32 s2, s3  }
0x57: {  	s10 =	sadd.s32 s1, s18;
	s6 =	sadd.s32 s1, s28;
	s4 =	sadd.s32 s1, s3  }
0x58: {  	s29 =	smax.u32 s5, $0x1;
	s16 =	simm.s32 $0x1;
	s5 =	simm.s32 $0x5  }
0x59: {  	s15 =	simm.s32 $0x2;
	s3 =	simm.s32 $0x6;
	p1 =	sne.s32 s29, $0x1  }
.Ltmp0:
0x5a: {  	s2 =	simm.s32 $0x7;
	s21 =	simm.s32 $0x4;
	(pc) =	sbr.rel @!p1 .LBB2_5-.Ltmp0, $4  }
0x5b: {  	s13 =	sor.u32 $0x1C01, s23;
	s25 =	sadd.s32 $0x7000, s22;
	s11 =	sadd.s32 $0xE000, s22  }
0x5c: {  	s12 =	sadd.s32 $0x15000, s22;
	[smem:$0x7FD] =	sst s26;
	s1 =	sadd.s32 $0xFFFFFFFF, s29  }
0x5d: {  	s22 =	sshrl.u32 s22, $0x3;
	s9 =	sshrl.u32 s25, $0x3;
	s7 =	sshrl.u32 s11, $0x3  }
0x5e: {  	s18 =	sshrl.u32 s12, $0x3;
	s12 =	simm.s32 $0x3;
	s11 =	simm.s32 $0x8  }
0x5f: {  	[spmem:s22], [sflag:s13] =	dma.local [hbm:s0], $0xE00  }
0x60: {  	s24 =	sor.u32 $0x1C02, s23;
	s0 =	rddreg [dreg:$0x5]  }
0x61: {  	[spmem:s9], [sflag:s24] =	dma.local [hbm:s0], $0xE00  }
0x62: {  	s25 =	sor.u32 $0x1C03, s23;
	s0 =	rddreg [dreg:$0x6]  }
0x63: {  	[spmem:s7], [sflag:s25] =	dma.local [hbm:s0], $0xE00  }
0x64: {  	s26 =	sor.u32 $0x1C04, s23;
	s0 =	rddreg [dreg:$0x7]  }
0x65: {  	[spmem:s18], [sflag:s26] =	dma.local [hbm:s0], $0xE00  }
0x66: {  	_ =	swait.ge [sflag:s16], $0xE00  }
0x67: {  	[sflag:s16] =	ssyncset.done $0x0  }
0x68: {  	s28 =	sor.u32 $0x1C05, s23;
	s0 =	rddreg [dreg:$0x8];
	[sflag:s16] =	ssyncadd.s32 $0xFFFFF200  }
0x69: {  	[hbm:s0], [sflag:s28] =	dma.local [spmem:s22], $0xE00  }
0x6a: {  	_ =	swait.ge [sflag:s5], $0xE00  }
0x6b: {  	[sflag:s5] =	ssyncset.done $0x0  }
0x6c: {  	s0 =	rddreg [dreg:$0x9];
	[sflag:s5] =	ssyncadd.s32 $0xFFFFF200  }
0x6d: {  	[spmem:s22], [sflag:s13] =	dma.local [hbm:s0], $0xE00  }
0x6e: {  	_ =	swait.ge [sflag:s15], $0xE00  }
0x6f: {  	[sflag:s15] =	ssyncset.done $0x0  }
0x70: {  	s29 =	sor.u32 $0x1C06, s23;
	s0 =	rddreg [dreg:$0xa];
	[sflag:s15] =	ssyncadd.s32 $0xFFFFF200  }
0x71: {  	[hbm:s0], [sflag:s29] =	dma.local [spmem:s9], $0xE00  }
0x72: {  	_ =	swait.ge [sflag:s3], $0xE00  }
0x73: {  	[sflag:s3] =	ssyncset.done $0x0  }
0x74: {  	s0 =	rddreg [dreg:$0xb];
	[sflag:s3] =	ssyncadd.s32 $0xFFFFF200  }
0x75: {  	[spmem:s9], [sflag:s24] =	dma.local [hbm:s0], $0xE00  }
0x76: {  	_ =	swait.ge [sflag:s12], $0xE00  }
0x77: {  	[sflag:s12] =	ssyncset.done $0x0  }
0x78: {  	s30 =	sor.u32 $0x1C07, s23;
	s0 =	rddreg [dreg:$0xc];
	[sflag:s12] =	ssyncadd.s32 $0xFFFFF200  }
0x79: {  	[hbm:s0], [sflag:s30] =	dma.local [spmem:s7], $0xE00  }
0x7a: {  	_ =	swait.ge [sflag:s2], $0xE00  }
0x7b: {  	[sflag:s2] =	ssyncset.done $0x0  }
0x7c: {  	s0 =	rddreg [dreg:$0xd];
	[sflag:s2] =	ssyncadd.s32 $0xFFFFF200  }
0x7d: {  	[spmem:s7], [sflag:s25] =	dma.local [hbm:s0], $0xE00  }
0x7e: {  	_ =	swait.ge [sflag:s21], $0xE00  }
0x7f: {  	[sflag:s21] =	ssyncset.done $0x0  }
0x80: {  	s31 =	sor.u32 $0x1C08, s23;
	s0 =	rddreg [dreg:$0xe];
	[sflag:s21] =	ssyncadd.s32 $0xFFFFF200  }
0x81: {  	[hbm:s0], [sflag:s31] =	dma.local [spmem:s18], $0xE00  }
0x82: {  	_ =	swait.ge [sflag:s11], $0xE00  }
0x83: {  	[sflag:s11] =	ssyncset.done $0x0  }
0x84: {  	s0 =	rddreg [dreg:$0xf];
	[sflag:s11] =	ssyncadd.s32 $0xFFFFF200  }
0x85: {  	[spmem:s18], [sflag:s26] =	dma.local [hbm:s0], $0xE00  }
0x86: {  	_ =	swait.ge [sflag:s16], $0xE00  }
0x87: {  	[sflag:s16] =	ssyncset.done $0x0  }
0x88: {  	s0 =	rddreg [dreg:$0x10];
	[sflag:s16] =	ssyncadd.s32 $0xFFFFF200  }
0x89: {  	[hbm:s0], [sflag:s28] =	dma.local [spmem:s22], $0xE00  }
0x8a: {  	_ =	swait.ge [sflag:s5], $0xE00  }
0x8b: {  	[sflag:s5] =	ssyncset.done $0x0  }
0x8c: {  	s0 =	rddreg [dreg:$0x11];
	[sflag:s5] =	ssyncadd.s32 $0xFFFFF200  }
0x8d: {  	[spmem:s22], [sflag:s13] =	dma.local [hbm:s0], $0xE00  }
0x8e: {  	_ =	swait.ge [sflag:s15], $0xE00  }
0x8f: {  	[sflag:s15] =	ssyncset.done $0x0  }
0x90: {  	s0 =	rddreg [dreg:$0x12];
	[sflag:s15] =	ssyncadd.s32 $0xFFFFF200  }
0x91: {  	[hbm:s0], [sflag:s29] =	dma.local [spmem:s9], $0xE00  }
0x92: {  	_ =	swait.ge [sflag:s3], $0xE00  }
0x93: {  	[sflag:s3] =	ssyncset.done $0x0  }
0x94: {  	s0 =	rddreg [dreg:$0x13];
	[sflag:s3] =	ssyncadd.s32 $0xFFFFF200  }
0x95: {  	[spmem:s9], [sflag:s24] =	dma.local [hbm:s0], $0xE00  }
0x96: {  	_ =	swait.ge [sflag:s12], $0xE00  }
0x97: {  	[sflag:s12] =	ssyncset.done $0x0  }
0x98: {  	s0 =	rddreg [dreg:$0x14];
	[sflag:s12] =	ssyncadd.s32 $0xFFFFF200  }
0x99: {  	[hbm:s0], [sflag:s30] =	dma.local [spmem:s7], $0xE00  }
0x9a: {  	_ =	swait.ge [sflag:s2], $0xE00  }
0x9b: {  	[sflag:s2] =	ssyncset.done $0x0  }
0x9c: {  	s0 =	rddreg [dreg:$0x15];
	[sflag:s2] =	ssyncadd.s32 $0xFFFFF200  }
0x9d: {  	[spmem:s7], [sflag:s25] =	dma.local [hbm:s0], $0xE00  }
0x9e: {  	_ =	swait.ge [sflag:s21], $0xE00  }
0x9f: {  	[sflag:s21] =	ssyncset.done $0x0  }
0xa0: {  	s0 =	rddreg [dreg:$0x16];
	[sflag:s21] =	ssyncadd.s32 $0xFFFFF200  }
0xa1: {  	[hbm:s0], [sflag:s31] =	dma.local [spmem:s18], $0xE00  }
0xa2: {  	_ =	swait.ge [sflag:s11], $0xE00  }
0xa3: {  	[sflag:s11] =	ssyncset.done $0x0  }
0xa4: {  	s0 =	rddreg [dreg:$0x17];
	[sflag:s11] =	ssyncadd.s32 $0xFFFFF200  }
0xa5: {  	[spmem:s18], [sflag:s26] =	dma.local [hbm:s0], $0xE00  }
0xa6: {  	_ =	swait.ge [sflag:s16], $0xE00  }
0xa7: {  	[sflag:s16] =	ssyncset.done $0x0  }
0xa8: {  	s0 =	rddreg [dreg:$0x18];
	[sflag:s16] =	ssyncadd.s32 $0xFFFFF200  }
0xa9: {  	[hbm:s0], [sflag:s28] =	dma.local [spmem:s22], $0xE00  }
0xaa: {  	_ =	swait.ge [sflag:s5], $0xE00  }
0xab: {  	[sflag:s5] =	ssyncset.done $0x0  }
0xac: {  	s0 =	rddreg [dreg:$0x19];
	[sflag:s5] =	ssyncadd.s32 $0xFFFFF200  }
0xad: {  	[spmem:s22], [sflag:s13] =	dma.local [hbm:s0], $0xE00  }
0xae: {  	_ =	swait.ge [sflag:s15], $0xE00  }
0xaf: {  	[sflag:s15] =	ssyncset.done $0x0  }
0xb0: {  	s0 =	rddreg [dreg:$0x1a];
	[sflag:s15] =	ssyncadd.s32 $0xFFFFF200  }
0xb1: {  	[hbm:s0], [sflag:s29] =	dma.local [spmem:s9], $0xE00  }
0xb2: {  	_ =	swait.ge [sflag:s3], $0xE00  }
0xb3: {  	[sflag:s3] =	ssyncset.done $0x0  }
0xb4: {  	s0 =	rddreg [dreg:$0x1b];
	[sflag:s3] =	ssyncadd.s32 $0xFFFFF200  }
0xb5: {  	[spmem:s9], [sflag:s24] =	dma.local [hbm:s0], $0xE00  }
0xb6: {  	_ =	swait.ge [sflag:s12], $0xE00  }
0xb7: {  	[sflag:s12] =	ssyncset.done $0x0  }
0xb8: {  	s0 =	rddreg [dreg:$0x1c];
	[sflag:s12] =	ssyncadd.s32 $0xFFFFF200  }
0xb9: {  	[hbm:s0], [sflag:s30] =	dma.local [spmem:s7], $0xE00  }
0xba: {  	_ =	swait.ge [sflag:s2], $0xE00  }
0xbb: {  	[sflag:s2] =	ssyncset.done $0x0  }
0xbc: {  	s0 =	rddreg [dreg:$0x1d];
	[sflag:s2] =	ssyncadd.s32 $0xFFFFF200  }
0xbd: {  	[spmem:s7], [sflag:s25] =	dma.local [hbm:s0], $0xE00  }
0xbe: {  	_ =	swait.ge [sflag:s21], $0xE00  }
0xbf: {  	[sflag:s21] =	ssyncset.done $0x0  }
0xc0: {  	s0 =	rddreg [dreg:$0x1e];
	[sflag:s21] =	ssyncadd.s32 $0xFFFFF200  }
0xc1: {  	[hbm:s0], [sflag:s31] =	dma.local [spmem:s18], $0xE00  }
0xc2: {  	_ =	swait.ge [sflag:s11], $0xE00  }
0xc3: {  	[sflag:s11] =	ssyncset.done $0x0  }
0xc4: {  	s0 =	rddreg [dreg:$0x1f];
	[sflag:s11] =	ssyncadd.s32 $0xFFFFF200  }
0xc5: {  	[spmem:s18], [sflag:s26] =	dma.local [hbm:s0], $0xE00  }
0xc6: {  	_ =	swait.ge [sflag:s16], $0xE00  }
0xc7: {  	s0 =	sld [smem:$0x7CC]  }
0xc8: {  	[sflag:s16] =	ssyncset.done $0x0  }
0xc9: {  	[sflag:s16] =	ssyncadd.s32 $0xFFFFF200  }
0xca: {  	[hbm:s0], [sflag:s28] =	dma.local [spmem:s22], $0xE00  }
0xcb: {  	_ =	swait.ge [sflag:s5], $0xE00  }
0xcc: {  	s0 =	sld [smem:$0x7CD]  }
0xcd: {  	[sflag:s5] =	ssyncset.done $0x0  }
0xce: {  	[sflag:s5] =	ssyncadd.s32 $0xFFFFF200  }
0xcf: {  	[spmem:s22], [sflag:s13] =	dma.local [hbm:s0], $0xE00  }
0xd0: {  	_ =	swait.ge [sflag:s15], $0xE00  }
0xd1: {  	s0 =	sld [smem:$0x7CE]  }
0xd2: {  	[sflag:s15] =	ssyncset.done $0x0  }
0xd3: {  	[sflag:s15] =	ssyncadd.s32 $0xFFFFF200  }
0xd4: {  	[hbm:s0], [sflag:s29] =	dma.local [spmem:s9], $0xE00  }
0xd5: {  	_ =	swait.ge [sflag:s3], $0xE00  }
0xd6: {  	s0 =	sld [smem:$0x7CF]  }
0xd7: {  	[sflag:s3] =	ssyncset.done $0x0  }
0xd8: {  	[sflag:s3] =	ssyncadd.s32 $0xFFFFF200  }
0xd9: {  	[spmem:s9], [sflag:s24] =	dma.local [hbm:s0], $0xE00  }
0xda: {  	_ =	swait.ge [sflag:s12], $0xE00  }
0xdb: {  	s0 =	sld [smem:$0x7D0]  }
0xdc: {  	[sflag:s12] =	ssyncset.done $0x0  }
0xdd: {  	[sflag:s12] =	ssyncadd.s32 $0xFFFFF200  }
0xde: {  	[hbm:s0], [sflag:s30] =	dma.local [spmem:s7], $0xE00  }
0xdf: {  	_ =	swait.ge [sflag:s2], $0xE00  }
0xe0: {  	s0 =	sld [smem:$0x7D1]  }
0xe1: {  	[sflag:s2] =	ssyncset.done $0x0  }
0xe2: {  	[sflag:s2] =	ssyncadd.s32 $0xFFFFF200  }
0xe3: {  	[spmem:s7], [sflag:s25] =	dma.local [hbm:s0], $0xE00  }
0xe4: {  	_ =	swait.ge [sflag:s21], $0xE00  }
0xe5: {  	s0 =	sld [smem:$0x7D2]  }
0xe6: {  	[sflag:s21] =	ssyncset.done $0x0  }
0xe7: {  	[sflag:s21] =	ssyncadd.s32 $0xFFFFF200  }
0xe8: {  	[hbm:s0], [sflag:s31] =	dma.local [spmem:s18], $0xE00  }
0xe9: {  	_ =	swait.ge [sflag:s11], $0xE00  }
0xea: {  	s0 =	sld [smem:$0x7D3]  }
0xeb: {  	[sflag:s11] =	ssyncset.done $0x0  }
0xec: {  	[sflag:s11] =	ssyncadd.s32 $0xFFFFF200  }
0xed: {  	[spmem:s18], [sflag:s26] =	dma.local [hbm:s0], $0xE00  }
0xee: {  	_ =	swait.ge [sflag:s16], $0xE00  }
0xef: {  	s0 =	sld [smem:$0x7D4]  }
0xf0: {  	[sflag:s16] =	ssyncset.done $0x0  }
0xf1: {  	[sflag:s16] =	ssyncadd.s32 $0xFFFFF200  }
0xf2: {  	[hbm:s0], [sflag:s28] =	dma.local [spmem:s22], $0xE00  }
0xf3: {  	_ =	swait.ge [sflag:s5], $0xE00  }
0xf4: {  	s0 =	sld [smem:$0x7D5]  }
0xf5: {  	[sflag:s5] =	ssyncset.done $0x0  }
0xf6: {  	[sflag:s5] =	ssyncadd.s32 $0xFFFFF200  }
0xf7: {  	[spmem:s22], [sflag:s13] =	dma.local [hbm:s0], $0xE00  }
0xf8: {  	_ =	swait.ge [sflag:s15], $0xE00  }
0xf9: {  	s0 =	sld [smem:$0x7D6]  }
0xfa: {  	[sflag:s15] =	ssyncset.done $0x0  }
0xfb: {  	[sflag:s15] =	ssyncadd.s32 $0xFFFFF200  }
0xfc: {  	[hbm:s0], [sflag:s29] =	dma.local [spmem:s9], $0xE00  }
0xfd: {  	_ =	swait.ge [sflag:s3], $0xE00  }
0xfe: {  	s0 =	sld [smem:$0x7D7]  }
0xff: {  	[sflag:s3] =	ssyncset.done $0x0  }
0x100: {  	[sflag:s3] =	ssyncadd.s32 $0xFFFFF200  }
0x101: {  	[spmem:s9], [sflag:s24] =	dma.local [hbm:s0], $0xE00  }
0x102: {  	_ =	swait.ge [sflag:s12], $0xE00  }
0x103: {  	s0 =	sld [smem:$0x7D8]  }
0x104: {  	[sflag:s12] =	ssyncset.done $0x0  }
0x105: {  	[sflag:s12] =	ssyncadd.s32 $0xFFFFF200  }
0x106: {  	[hbm:s0], [sflag:s30] =	dma.local [spmem:s7], $0xE00  }
0x107: {  	_ =	swait.ge [sflag:s2], $0xE00  }
0x108: {  	s0 =	sld [smem:$0x7D9]  }
0x109: {  	[sflag:s2] =	ssyncset.done $0x0  }
0x10a: {  	[sflag:s2] =	ssyncadd.s32 $0xFFFFF200  }
0x10b: {  	[spmem:s7], [sflag:s25] =	dma.local [hbm:s0], $0xE00  }
0x10c: {  	_ =	swait.ge [sflag:s21], $0xE00  }
0x10d: {  	s0 =	sld [smem:$0x7DA]  }
0x10e: {  	[sflag:s21] =	ssyncset.done $0x0  }
0x10f: {  	[sflag:s21] =	ssyncadd.s32 $0xFFFFF200  }
0x110: {  	[hbm:s0], [sflag:s31] =	dma.local [spmem:s18], $0xE00  }
0x111: {  	_ =	swait.ge [sflag:s11], $0xE00  }
0x112: {  	s0 =	sld [smem:$0x7DB]  }
0x113: {  	[sflag:s11] =	ssyncset.done $0x0  }
0x114: {  	[sflag:s11] =	ssyncadd.s32 $0xFFFFF200  }
0x115: {  	[spmem:s18], [sflag:s26] =	dma.local [hbm:s0], $0xE00  }
0x116: {  	_ =	swait.ge [sflag:s16], $0xE00  }
0x117: {  	s0 =	sld [smem:$0x7DC]  }
0x118: {  	[sflag:s16] =	ssyncset.done $0x0  }
0x119: {  	[sflag:s16] =	ssyncadd.s32 $0xFFFFF200  }
0x11a: {  	[hbm:s0], [sflag:s28] =	dma.local [spmem:s22], $0xE00  }
0x11b: {  	_ =	swait.ge [sflag:s5], $0xE00  }
0x11c: {  	s0 =	sld [smem:$0x7DD]  }
0x11d: {  	[sflag:s5] =	ssyncset.done $0x0  }
0x11e: {  	[sflag:s5] =	ssyncadd.s32 $0xFFFFF200  }
0x11f: {  	[spmem:s22], [sflag:s13] =	dma.local [hbm:s0], $0xE00  }
0x120: {  	_ =	swait.ge [sflag:s15], $0xE00  }
0x121: {  	s0 =	sld [smem:$0x7DE]  }
0x122: {  	[sflag:s15] =	ssyncset.done $0x0  }
0x123: {  	[sflag:s15] =	ssyncadd.s32 $0xFFFFF200  }
0x124: {  	[hbm:s0], [sflag:s29] =	dma.local [spmem:s9], $0xE00  }
0x125: {  	_ =	swait.ge [sflag:s3], $0xE00  }
0x126: {  	s0 =	sld [smem:$0x7DF]  }
0x127: {  	[sflag:s3] =	ssyncset.done $0x0  }
0x128: {  	[sflag:s3] =	ssyncadd.s32 $0xFFFFF200  }
0x129: {  	[spmem:s9], [sflag:s24] =	dma.local [hbm:s0], $0xE00  }
0x12a: {  	_ =	swait.ge [sflag:s12], $0xE00  }
0x12b: {  	s0 =	sld [smem:$0x7E0]  }
0x12c: {  	[sflag:s12] =	ssyncset.done $0x0  }
0x12d: {  	[sflag:s12] =	ssyncadd.s32 $0xFFFFF200  }
0x12e: {  	[hbm:s0], [sflag:s30] =	dma.local [spmem:s7], $0xE00  }
0x12f: {  	_ =	swait.ge [sflag:s2], $0xE00  }
0x130: {  	s0 =	sld [smem:$0x7E1]  }
0x131: {  	[sflag:s2] =	ssyncset.done $0x0  }
0x132: {  	[sflag:s2] =	ssyncadd.s32 $0xFFFFF200  }
0x133: {  	[spmem:s7], [sflag:s25] =	dma.local [hbm:s0], $0xE00  }
0x134: {  	_ =	swait.ge [sflag:s21], $0xE00  }
0x135: {  	s0 =	sld [smem:$0x7E2]  }
0x136: {  	[sflag:s21] =	ssyncset.done $0x0  }
0x137: {  	[sflag:s21] =	ssyncadd.s32 $0xFFFFF200  }
0x138: {  	[hbm:s0], [sflag:s31] =	dma.local [spmem:s18], $0xE00  }
0x139: {  	_ =	swait.ge [sflag:s11], $0xE00  }
0x13a: {  	s0 =	sld [smem:$0x7E3]  }
0x13b: {  	[sflag:s11] =	ssyncset.done $0x0  }
0x13c: {  	[sflag:s11] =	ssyncadd.s32 $0xFFFFF200  }
0x13d: {  	[spmem:s18], [sflag:s26] =	dma.local [hbm:s0], $0xE00  }
0x13e: {  	_ =	swait.ge [sflag:s16], $0xE00  }
0x13f: {  	s0 =	sld [smem:$0x7E4]  }
0x140: {  	[sflag:s16] =	ssyncset.done $0x0  }
0x141: {  	[sflag:s16] =	ssyncadd.s32 $0xFFFFF200  }
0x142: {  	[hbm:s0], [sflag:s28] =	dma.local [spmem:s22], $0xE00  }
0x143: {  	_ =	swait.ge [sflag:s5], $0xE00  }
0x144: {  	s0 =	sld [smem:$0x7E5]  }
0x145: {  	[sflag:s5] =	ssyncset.done $0x0  }
0x146: {  	[sflag:s5] =	ssyncadd.s32 $0xFFFFF200  }
0x147: {  	[spmem:s22], [sflag:s13] =	dma.local [hbm:s0], $0xE00  }
0x148: {  	_ =	swait.ge [sflag:s15], $0xE00  }
0x149: {  	s0 =	sld [smem:$0x7E6]  }
0x14a: {  	[sflag:s15] =	ssyncset.done $0x0  }
0x14b: {  	[sflag:s15] =	ssyncadd.s32 $0xFFFFF200  }
0x14c: {  	[hbm:s0], [sflag:s29] =	dma.local [spmem:s9], $0xE00  }
0x14d: {  	_ =	swait.ge [sflag:s3], $0xE00  }
0x14e: {  	s0 =	sld [smem:$0x7E7]  }
0x14f: {  	[sflag:s3] =	ssyncset.done $0x0  }
0x150: {  	[sflag:s3] =	ssyncadd.s32 $0xFFFFF200  }
0x151: {  	[spmem:s9], [sflag:s24] =	dma.local [hbm:s0], $0xE00  }
0x152: {  	_ =	swait.ge [sflag:s12], $0xE00  }
0x153: {  	s0 =	sld [smem:$0x7E8]  }
0x154: {  	[sflag:s12] =	ssyncset.done $0x0  }
0x155: {  	[sflag:s12] =	ssyncadd.s32 $0xFFFFF200  }
0x156: {  	[hbm:s0], [sflag:s30] =	dma.local [spmem:s7], $0xE00  }
0x157: {  	_ =	swait.ge [sflag:s2], $0xE00  }
0x158: {  	s0 =	sld [smem:$0x7E9]  }
0x159: {  	[sflag:s2] =	ssyncset.done $0x0  }
0x15a: {  	[sflag:s2] =	ssyncadd.s32 $0xFFFFF200  }
0x15b: {  	[spmem:s7], [sflag:s25] =	dma.local [hbm:s0], $0xE00  }
0x15c: {  	_ =	swait.ge [sflag:s21], $0xE00  }
0x15d: {  	s0 =	sld [smem:$0x7EA]  }
0x15e: {  	[sflag:s21] =	ssyncset.done $0x0  }
0x15f: {  	[sflag:s21] =	ssyncadd.s32 $0xFFFFF200  }
0x160: {  	[hbm:s0], [sflag:s31] =	dma.local [spmem:s18], $0xE00  }
0x161: {  	_ =	swait.ge [sflag:s11], $0xE00  }
0x162: {  	s0 =	sld [smem:$0x7EB]  }
0x163: {  	[sflag:s11] =	ssyncset.done $0x0  }
0x164: {  	[sflag:s11] =	ssyncadd.s32 $0xFFFFF200  }
0x165: {  	[spmem:s18], [sflag:s26] =	dma.local [hbm:s0], $0xE00  }
0x166: {  	_ =	swait.ge [sflag:s16], $0xE00  }
0x167: {  	s0 =	sld [smem:$0x7EC]  }
0x168: {  	[sflag:s16] =	ssyncset.done $0x0  }
0x169: {  	[sflag:s16] =	ssyncadd.s32 $0xFFFFF200  }
0x16a: {  	[hbm:s0], [sflag:s28] =	dma.local [spmem:s22], $0xE00  }
0x16b: {  	_ =	swait.ge [sflag:s5], $0xE00  }
0x16c: {  	s0 =	sld [smem:$0x7ED]  }
0x16d: {  	[sflag:s5] =	ssyncset.done $0x0  }
0x16e: {  	[sflag:s5] =	ssyncadd.s32 $0xFFFFF200  }
0x16f: {  	[spmem:s22], [sflag:s13] =	dma.local [hbm:s0], $0xE00  }
0x170: {  	_ =	swait.ge [sflag:s15], $0xE00  }
0x171: {  	s0 =	sld [smem:$0x7EE]  }
0x172: {  	[sflag:s15] =	ssyncset.done $0x0  }
0x173: {  	[sflag:s15] =	ssyncadd.s32 $0xFFFFF200  }
0x174: {  	[hbm:s0], [sflag:s29] =	dma.local [spmem:s9], $0xE00  }
0x175: {  	_ =	swait.ge [sflag:s3], $0xE00  }
0x176: {  	s0 =	sld [smem:$0x7EF]  }
0x177: {  	[sflag:s3] =	ssyncset.done $0x0  }
0x178: {  	[sflag:s3] =	ssyncadd.s32 $0xFFFFF200  }
0x179: {  	[spmem:s9], [sflag:s24] =	dma.local [hbm:s0], $0xE00  }
0x17a: {  	_ =	swait.ge [sflag:s12], $0xE00  }
0x17b: {  	s0 =	sld [smem:$0x7F0]  }
0x17c: {  	[sflag:s12] =	ssyncset.done $0x0  }
0x17d: {  	[sflag:s12] =	ssyncadd.s32 $0xFFFFF200  }
0x17e: {  	[hbm:s0], [sflag:s30] =	dma.local [spmem:s7], $0xE00  }
0x17f: {  	_ =	swait.ge [sflag:s2], $0xE00  }
0x180: {  	s0 =	sld [smem:$0x7F1]  }
0x181: {  	[sflag:s2] =	ssyncset.done $0x0  }
0x182: {  	[sflag:s2] =	ssyncadd.s32 $0xFFFFF200  }
0x183: {  	[spmem:s7], [sflag:s25] =	dma.local [hbm:s0], $0xE00  }
0x184: {  	_ =	swait.ge [sflag:s21], $0xE00  }
0x185: {  	s0 =	sld [smem:$0x7F2]  }
0x186: {  	[sflag:s21] =	ssyncset.done $0x0  }
0x187: {  	[sflag:s21] =	ssyncadd.s32 $0xFFFFF200  }
0x188: {  	[hbm:s0], [sflag:s31] =	dma.local [spmem:s18], $0xE00  }
0x189: {  	_ =	swait.ge [sflag:s11], $0xE00  }
0x18a: {  	s0 =	sld [smem:$0x7F3]  }
0x18b: {  	[sflag:s11] =	ssyncset.done $0x0  }
0x18c: {  	[sflag:s11] =	ssyncadd.s32 $0xFFFFF200  }
0x18d: {  	[spmem:s18], [sflag:s26] =	dma.local [hbm:s0], $0xE00  }
0x18e: {  	_ =	swait.ge [sflag:s16], $0xE00  }
0x18f: {  	s0 =	sld [smem:$0x7F4]  }
0x190: {  	[sflag:s16] =	ssyncset.done $0x0  }
0x191: {  	[sflag:s16] =	ssyncadd.s32 $0xFFFFF200  }
0x192: {  	[hbm:s0], [sflag:s28] =	dma.local [spmem:s22], $0xE00  }
0x193: {  	_ =	swait.ge [sflag:s5], $0xE00  }
0x194: {  	s0 =	sld [smem:$0x7F5]  }
0x195: {  	[sflag:s5] =	ssyncset.done $0x0  }
0x196: {  	[sflag:s5] =	ssyncadd.s32 $0xFFFFF200  }
0x197: {  	[spmem:s22], [sflag:s13] =	dma.local [hbm:s0], $0xE00  }
0x198: {  	_ =	swait.ge [sflag:s15], $0xE00  }
0x199: {  	s0 =	sld [smem:$0x7F6]  }
0x19a: {  	[sflag:s15] =	ssyncset.done $0x0  }
0x19b: {  	[sflag:s15] =	ssyncadd.s32 $0xFFFFF200  }
0x19c: {  	[hbm:s0], [sflag:s29] =	dma.local [spmem:s9], $0xE00  }
0x19d: {  	_ =	swait.ge [sflag:s3], $0xE00  }
0x19e: {  	s0 =	sld [smem:$0x7F7]  }
0x19f: {  	[sflag:s3] =	ssyncset.done $0x0  }
0x1a0: {  	[sflag:s3] =	ssyncadd.s32 $0xFFFFF200  }
0x1a1: {  	[spmem:s9], [sflag:s24] =	dma.local [hbm:s0], $0xE00  }
0x1a2: {  	_ =	swait.ge [sflag:s12], $0xE00  }
0x1a3: {  	s0 =	sld [smem:$0x7F8]  }
0x1a4: {  	[sflag:s12] =	ssyncset.done $0x0  }
0x1a5: {  	[sflag:s12] =	ssyncadd.s32 $0xFFFFF200  }
0x1a6: {  	[hbm:s0], [sflag:s30] =	dma.local [spmem:s7], $0xE00  }
0x1a7: {  	_ =	swait.ge [sflag:s2], $0xE00  }
0x1a8: {  	s0 =	sld [smem:$0x7F9]  }
0x1a9: {  	[sflag:s2] =	ssyncset.done $0x0  }
0x1aa: {  	[sflag:s2] =	ssyncadd.s32 $0xFFFFF200  }
0x1ab: {  	[spmem:s7], [sflag:s25] =	dma.local [hbm:s0], $0xE00  }
0x1ac: {  	_ =	swait.ge [sflag:s21], $0xE00  }
0x1ad: {  	s0 =	sld [smem:$0x7FA]  }
0x1ae: {  	[sflag:s21] =	ssyncset.done $0x0  }
0x1af: {  	[sflag:s21] =	ssyncadd.s32 $0xFFFFF200  }
0x1b0: {  	[hbm:s0], [sflag:s31] =	dma.local [spmem:s18], $0xE00  }
0x1b1: {  	_ =	swait.ge [sflag:s11], $0xE00  }
0x1b2: {  	s0 =	sld [smem:$0x7FB]  }
0x1b3: {  	[sflag:s11] =	ssyncset.done $0x0  }
0x1b4: {  	[sflag:s11] =	ssyncadd.s32 $0xFFFFF200  }
0x1b5: {  	[spmem:s18], [sflag:s26] =	dma.local [hbm:s0], $0xE00  }
0x1b6: {  	_ =	swait.ge [sflag:s16], $0xE00  }
0x1b7: {  	s0 =	sld [smem:$0x7FC]  }
0x1b8: {  	[sflag:s16] =	ssyncset.done $0x0  }
0x1b9: {  	[sflag:s16] =	ssyncadd.s32 $0xFFFFF200  }
0x1ba: {  	[hbm:s0], [sflag:s28] =	dma.local [spmem:s22], $0xE00  }
0x1bb: {  	_ =	swait.ge [sflag:s5], $0xE00  }
0x1bc: {  	s0 =	sld [smem:$0x7FD]  }
0x1bd: {  	[sflag:s5] =	ssyncset.done $0x0  }
0x1be: {  	[sflag:s5] =	ssyncadd.s32 $0xFFFFF200  }
0x1bf: {  	[spmem:s22], [sflag:s13] =	dma.local [hbm:s0], $0xE00  }
0x1c0: {  	_ =	swait.ge [sflag:s15], $0xE00  }
0x1c1: {  	[sflag:s15] =	ssyncset.done $0x0  }
0x1c2: {  	[sflag:s15] =	ssyncadd.s32 $0xFFFFF200  }
0x1c3: {  	[hbm:s20], [sflag:s29] =	dma.local [spmem:s9], $0xE00  }
0x1c4: {  	_ =	swait.ge [sflag:s3], $0xE00  }
0x1c5: {  	[sflag:s3] =	ssyncset.done $0x0  }
0x1c6: {  	[sflag:s3] =	ssyncadd.s32 $0xFFFFF200  }
0x1c7: {  	[spmem:s9], [sflag:s24] =	dma.local [hbm:s19], $0xE00  }
0x1c8: {  	_ =	swait.ge [sflag:s12], $0xE00  }
0x1c9: {  	[sflag:s12] =	ssyncset.done $0x0  }
0x1ca: {  	[sflag:s12] =	ssyncadd.s32 $0xFFFFF200  }
0x1cb: {  	[hbm:s17], [sflag:s30] =	dma.local [spmem:s7], $0xE00  }
0x1cc: {  	_ =	swait.ge [sflag:s2], $0xE00  }
0x1cd: {  	[sflag:s2] =	ssyncset.done $0x0  }
0x1ce: {  	[sflag:s2] =	ssyncadd.s32 $0xFFFFF200  }
0x1cf: {  	[spmem:s7], [sflag:s25] =	dma.local [hbm:s14], $0xE00  }
0x1d0: {  	_ =	swait.ge [sflag:s21], $0xE00  }
0x1d1: {  	[sflag:s21] =	ssyncset.done $0x0  }
0x1d2: {  	[sflag:s21] =	ssyncadd.s32 $0xFFFFF200  }
0x1d3: {  	[hbm:s10], [sflag:s31] =	dma.local [spmem:s18], $0xE00  }
0x1d4: {  	_ =	swait.ge [sflag:s16], $0xE00  }
0x1d5: {  	[sflag:s16] =	ssyncset.done $0x0  }
0x1d6: {  	[sflag:s16] =	ssyncadd.s32 $0xFFFFF200  }
0x1d7: {  	[hbm:s8], [sflag:s28] =	dma.local [spmem:s22], $0xE00  }
0x1d8: {  	_ =	swait.ge [sflag:s15], $0xE00  }
0x1d9: {  	[sflag:s15] =	ssyncset.done $0x0  }
0x1da: {  	[sflag:s15] =	ssyncadd.s32 $0xFFFFF200  }
0x1db: {  	[hbm:s6], [sflag:s29] =	dma.local [spmem:s9], $0xE00  }
0x1dc: {  	_ =	swait.ge [sflag:s12], $0xE00  }
0x1dd: {  	[sflag:s12] =	ssyncset.done $0x0  }
0x1de: {  	[sflag:s12] =	ssyncadd.s32 $0xFFFFF200  }
0x1df: {  	[hbm:s4], [sflag:s30] =	dma.local [spmem:s7], $0xE00  }
0x1e0: {  	_ =	swait.ge [sflag:s11], $0xE00  }
0x1e1: {  	[sflag:s11] =	ssyncset.done $0x0  }
0x1e2: {  	[sflag:s11] =	ssyncadd.s32 $0xFFFFF200  }
0x1e3: {  	_ =	swait.ge [sflag:s5], $0xE00  }
0x1e4: {  	[sflag:s5] =	ssyncset.done $0x0  }
0x1e5: {  	p1 =	sne.s32 s1, $0x1;
	[sflag:s5] =	ssyncadd.s32 $0xFFFFF200  }
.Ltmp1:
0x1e6: {  	_ =	swait.ge [sflag:s3], $0xE00;
	(pc) =	sbr.rel @!p1 .LBB2_2-.Ltmp1, $4  }
0x1e7: {  	[sflag:s3] =	ssyncset.done $0x0  }
0x1e8: {  	[sflag:s3] =	ssyncadd.s32 $0xFFFFF200  }
0x1e9: {  	s1 =	sadd.s32 $0xFFFFFFFF, s1;
	_ =	swait.ge [sflag:s2], $0xE00  }
0x1ea: {  	p0 =	por $0x1, $0x1;
	s0 =	rddreg [dreg:$0x4];
	[sflag:s2] =	ssyncset.done $0x0  }
.LBB2_3:
0x1eb: {  	[sflag:s2] =	ssyncadd.s32 $0xFFFFF200  }
0x1ec: {  	[spmem:s22], [sflag:s13] =	dma.local [hbm:s0], $0xE00  }
0x1ed: {  	s0 =	rddreg [dreg:$0x5]  }
0x1ee: {  	[spmem:s9], [sflag:s24] =	dma.local [hbm:s0], $0xE00  }
0x1ef: {  	s0 =	rddreg [dreg:$0x6]  }
0x1f0: {  	[spmem:s7], [sflag:s25] =	dma.local [hbm:s0], $0xE00  }
0x1f1: {  	s0 =	rddreg [dreg:$0x7]  }
0x1f2: {  	[spmem:s18], [sflag:s26] =	dma.local [hbm:s0], $0xE00  }
0x1f3: {  	_ =	swait.ge [sflag:s16], $0xE00  }
0x1f4: {  	[sflag:s16] =	ssyncset.done $0x0  }
0x1f5: {  	s0 =	rddreg [dreg:$0x8];
	[sflag:s16] =	ssyncadd.s32 $0xFFFFF200  }
0x1f6: {  	[hbm:s0], [sflag:s28] =	dma.local [spmem:s22], $0xE00  }
0x1f7: {  	_ =	swait.ge [sflag:s5], $0xE00  }
0x1f8: {  	[sflag:s5] =	ssyncset.done $0x0  }
0x1f9: {  	s0 =	rddreg [dreg:$0x9];
	[sflag:s5] =	ssyncadd.s32 $0xFFFFF200  }
0x1fa: {  	[spmem:s22], [sflag:s13] =	dma.local [hbm:s0], $0xE00  }
0x1fb: {  	_ =	swait.ge [sflag:s15], $0xE00  }
0x1fc: {  	[sflag:s15] =	ssyncset.done $0x0  }
0x1fd: {  	s0 =	rddreg [dreg:$0xa];
	[sflag:s15] =	ssyncadd.s32 $0xFFFFF200  }
0x1fe: {  	[hbm:s0], [sflag:s29] =	dma.local [spmem:s9], $0xE00  }
0x1ff: {  	_ =	swait.ge [sflag:s3], $0xE00  }
0x200: {  	[sflag:s3] =	ssyncset.done $0x0  }
0x201: {  	s0 =	rddreg [dreg:$0xb];
	[sflag:s3] =	ssyncadd.s32 $0xFFFFF200  }
0x202: {  	[spmem:s9], [sflag:s24] =	dma.local [hbm:s0], $0xE00  }
0x203: {  	_ =	swait.ge [sflag:s12], $0xE00  }
0x204: {  	[sflag:s12] =	ssyncset.done $0x0  }
0x205: {  	s0 =	rddreg [dreg:$0xc];
	[sflag:s12] =	ssyncadd.s32 $0xFFFFF200  }
0x206: {  	[hbm:s0], [sflag:s30] =	dma.local [spmem:s7], $0xE00  }
0x207: {  	_ =	swait.ge [sflag:s2], $0xE00  }
0x208: {  	[sflag:s2] =	ssyncset.done $0x0  }
0x209: {  	s0 =	rddreg [dreg:$0xd];
	[sflag:s2] =	ssyncadd.s32 $0xFFFFF200  }
0x20a: {  	[spmem:s7], [sflag:s25] =	dma.local [hbm:s0], $0xE00  }
0x20b: {  	_ =	swait.ge [sflag:s21], $0xE00  }
0x20c: {  	[sflag:s21] =	ssyncset.done $0x0  }
0x20d: {  	s0 =	rddreg [dreg:$0xe];
	[sflag:s21] =	ssyncadd.s32 $0xFFFFF200  }
0x20e: {  	[hbm:s0], [sflag:s31] =	dma.local [spmem:s18], $0xE00  }
0x20f: {  	_ =	swait.ge [sflag:s11], $0xE00  }
0x210: {  	[sflag:s11] =	ssyncset.done $0x0  }
0x211: {  	s0 =	rddreg [dreg:$0xf];
	[sflag:s11] =	ssyncadd.s32 $0xFFFFF200  }
0x212: {  	[spmem:s18], [sflag:s26] =	dma.local [hbm:s0], $0xE00  }
0x213: {  	_ =	swait.ge [sflag:s16], $0xE00  }
0x214: {  	[sflag:s16] =	ssyncset.done $0x0  }
0x215: {  	s0 =	rddreg [dreg:$0x10];
	[sflag:s16] =	ssyncadd.s32 $0xFFFFF200  }
0x216: {  	[hbm:s0], [sflag:s28] =	dma.local [spmem:s22], $0xE00  }
0x217: {  	_ =	swait.ge [sflag:s5], $0xE00  }
0x218: {  	[sflag:s5] =	ssyncset.done $0x0  }
0x219: {  	s0 =	rddreg [dreg:$0x11];
	[sflag:s5] =	ssyncadd.s32 $0xFFFFF200  }
0x21a: {  	[spmem:s22], [sflag:s13] =	dma.local [hbm:s0], $0xE00  }
0x21b: {  	_ =	swait.ge [sflag:s15], $0xE00  }
0x21c: {  	[sflag:s15] =	ssyncset.done $0x0  }
0x21d: {  	s0 =	rddreg [dreg:$0x12];
	[sflag:s15] =	ssyncadd.s32 $0xFFFFF200  }
0x21e: {  	[hbm:s0], [sflag:s29] =	dma.local [spmem:s9], $0xE00  }
0x21f: {  	_ =	swait.ge [sflag:s3], $0xE00  }
0x220: {  	[sflag:s3] =	ssyncset.done $0x0  }
0x221: {  	s0 =	rddreg [dreg:$0x13];
	[sflag:s3] =	ssyncadd.s32 $0xFFFFF200  }
0x222: {  	[spmem:s9], [sflag:s24] =	dma.local [hbm:s0], $0xE00  }
0x223: {  	_ =	swait.ge [sflag:s12], $0xE00  }
0x224: {  	[sflag:s12] =	ssyncset.done $0x0  }
0x225: {  	s0 =	rddreg [dreg:$0x14];
	[sflag:s12] =	ssyncadd.s32 $0xFFFFF200  }
0x226: {  	[hbm:s0], [sflag:s30] =	dma.local [spmem:s7], $0xE00  }
0x227: {  	_ =	swait.ge [sflag:s2], $0xE00  }
0x228: {  	[sflag:s2] =	ssyncset.done $0x0  }
0x229: {  	s0 =	rddreg [dreg:$0x15];
	[sflag:s2] =	ssyncadd.s32 $0xFFFFF200  }
0x22a: {  	[spmem:s7], [sflag:s25] =	dma.local [hbm:s0], $0xE00  }
0x22b: {  	_ =	swait.ge [sflag:s21], $0xE00  }
0x22c: {  	[sflag:s21] =	ssyncset.done $0x0  }
0x22d: {  	s0 =	rddreg [dreg:$0x16];
	[sflag:s21] =	ssyncadd.s32 $0xFFFFF200  }
0x22e: {  	[hbm:s0], [sflag:s31] =	dma.local [spmem:s18], $0xE00  }
0x22f: {  	_ =	swait.ge [sflag:s11], $0xE00  }
0x230: {  	[sflag:s11] =	ssyncset.done $0x0  }
0x231: {  	s0 =	rddreg [dreg:$0x17];
	[sflag:s11] =	ssyncadd.s32 $0xFFFFF200  }
0x232: {  	[spmem:s18], [sflag:s26] =	dma.local [hbm:s0], $0xE00  }
0x233: {  	_ =	swait.ge [sflag:s16], $0xE00  }
0x234: {  	[sflag:s16] =	ssyncset.done $0x0  }
0x235: {  	s0 =	rddreg [dreg:$0x18];
	[sflag:s16] =	ssyncadd.s32 $0xFFFFF200  }
0x236: {  	[hbm:s0], [sflag:s28] =	dma.local [spmem:s22], $0xE00  }
0x237: {  	_ =	swait.ge [sflag:s5], $0xE00  }
0x238: {  	[sflag:s5] =	ssyncset.done $0x0  }
0x239: {  	s0 =	rddreg [dreg:$0x19];
	[sflag:s5] =	ssyncadd.s32 $0xFFFFF200  }
0x23a: {  	[spmem:s22], [sflag:s13] =	dma.local [hbm:s0], $0xE00  }
0x23b: {  	_ =	swait.ge [sflag:s15], $0xE00  }
0x23c: {  	[sflag:s15] =	ssyncset.done $0x0  }
0x23d: {  	s0 =	rddreg [dreg:$0x1a];
	[sflag:s15] =	ssyncadd.s32 $0xFFFFF200  }
0x23e: {  	[hbm:s0], [sflag:s29] =	dma.local [spmem:s9], $0xE00  }
0x23f: {  	_ =	swait.ge [sflag:s3], $0xE00  }
0x240: {  	[sflag:s3] =	ssyncset.done $0x0  }
0x241: {  	s0 =	rddreg [dreg:$0x1b];
	[sflag:s3] =	ssyncadd.s32 $0xFFFFF200  }
0x242: {  	[spmem:s9], [sflag:s24] =	dma.local [hbm:s0], $0xE00  }
0x243: {  	_ =	swait.ge [sflag:s12], $0xE00  }
0x244: {  	[sflag:s12] =	ssyncset.done $0x0  }
0x245: {  	s0 =	rddreg [dreg:$0x1c];
	[sflag:s12] =	ssyncadd.s32 $0xFFFFF200  }
0x246: {  	[hbm:s0], [sflag:s30] =	dma.local [spmem:s7], $0xE00  }
0x247: {  	_ =	swait.ge [sflag:s2], $0xE00  }
0x248: {  	[sflag:s2] =	ssyncset.done $0x0  }
0x249: {  	s0 =	rddreg [dreg:$0x1d];
	[sflag:s2] =	ssyncadd.s32 $0xFFFFF200  }
0x24a: {  	[spmem:s7], [sflag:s25] =	dma.local [hbm:s0], $0xE00  }
0x24b: {  	_ =	swait.ge [sflag:s21], $0xE00  }
0x24c: {  	[sflag:s21] =	ssyncset.done $0x0  }
0x24d: {  	s0 =	rddreg [dreg:$0x1e];
	[sflag:s21] =	ssyncadd.s32 $0xFFFFF200  }
0x24e: {  	[hbm:s0], [sflag:s31] =	dma.local [spmem:s18], $0xE00  }
0x24f: {  	_ =	swait.ge [sflag:s11], $0xE00  }
0x250: {  	[sflag:s11] =	ssyncset.done $0x0  }
0x251: {  	s0 =	rddreg [dreg:$0x1f];
	[sflag:s11] =	ssyncadd.s32 $0xFFFFF200  }
0x252: {  	[spmem:s18], [sflag:s26] =	dma.local [hbm:s0], $0xE00  }
0x253: {  	_ =	swait.ge [sflag:s16], $0xE00  }
0x254: {  	s0 =	sld [smem:$0x7CC]  }
0x255: {  	[sflag:s16] =	ssyncset.done $0x0  }
0x256: {  	[sflag:s16] =	ssyncadd.s32 $0xFFFFF200  }
0x257: {  	[hbm:s0], [sflag:s28] =	dma.local [spmem:s22], $0xE00  }
0x258: {  	_ =	swait.ge [sflag:s5], $0xE00  }
0x259: {  	s0 =	sld [smem:$0x7CD]  }
0x25a: {  	[sflag:s5] =	ssyncset.done $0x0  }
0x25b: {  	[sflag:s5] =	ssyncadd.s32 $0xFFFFF200  }
0x25c: {  	[spmem:s22], [sflag:s13] =	dma.local [hbm:s0], $0xE00  }
0x25d: {  	_ =	swait.ge [sflag:s15], $0xE00  }
0x25e: {  	s0 =	sld [smem:$0x7CE]  }
0x25f: {  	[sflag:s15] =	ssyncset.done $0x0  }
0x260: {  	[sflag:s15] =	ssyncadd.s32 $0xFFFFF200  }
0x261: {  	[hbm:s0], [sflag:s29] =	dma.local [spmem:s9], $0xE00  }
0x262: {  	_ =	swait.ge [sflag:s3], $0xE00  }
0x263: {  	s0 =	sld [smem:$0x7CF]  }
0x264: {  	[sflag:s3] =	ssyncset.done $0x0  }
0x265: {  	[sflag:s3] =	ssyncadd.s32 $0xFFFFF200  }
0x266: {  	[spmem:s9], [sflag:s24] =	dma.local [hbm:s0], $0xE00  }
0x267: {  	_ =	swait.ge [sflag:s12], $0xE00  }
0x268: {  	s0 =	sld [smem:$0x7D0]  }
0x269: {  	[sflag:s12] =	ssyncset.done $0x0  }
0x26a: {  	[sflag:s12] =	ssyncadd.s32 $0xFFFFF200  }
0x26b: {  	[hbm:s0], [sflag:s30] =	dma.local [spmem:s7], $0xE00  }
0x26c: {  	_ =	swait.ge [sflag:s2], $0xE00  }
0x26d: {  	s0 =	sld [smem:$0x7D1]  }
0x26e: {  	[sflag:s2] =	ssyncset.done $0x0  }
0x26f: {  	[sflag:s2] =	ssyncadd.s32 $0xFFFFF200  }
0x270: {  	[spmem:s7], [sflag:s25] =	dma.local [hbm:s0], $0xE00  }
0x271: {  	_ =	swait.ge [sflag:s21], $0xE00  }
0x272: {  	s0 =	sld [smem:$0x7D2]  }
0x273: {  	[sflag:s21] =	ssyncset.done $0x0  }
0x274: {  	[sflag:s21] =	ssyncadd.s32 $0xFFFFF200  }
0x275: {  	[hbm:s0], [sflag:s31] =	dma.local [spmem:s18], $0xE00  }
0x276: {  	_ =	swait.ge [sflag:s11], $0xE00  }
0x277: {  	s0 =	sld [smem:$0x7D3]  }
0x278: {  	[sflag:s11] =	ssyncset.done $0x0  }
0x279: {  	[sflag:s11] =	ssyncadd.s32 $0xFFFFF200  }
0x27a: {  	[spmem:s18], [sflag:s26] =	dma.local [hbm:s0], $0xE00  }
0x27b: {  	_ =	swait.ge [sflag:s16], $0xE00  }
0x27c: {  	s0 =	sld [smem:$0x7D4]  }
0x27d: {  	[sflag:s16] =	ssyncset.done $0x0  }
0x27e: {  	[sflag:s16] =	ssyncadd.s32 $0xFFFFF200  }
0x27f: {  	[hbm:s0], [sflag:s28] =	dma.local [spmem:s22], $0xE00  }
0x280: {  	_ =	swait.ge [sflag:s5], $0xE00  }
0x281: {  	s0 =	sld [smem:$0x7D5]  }
0x282: {  	[sflag:s5] =	ssyncset.done $0x0  }
0x283: {  	[sflag:s5] =	ssyncadd.s32 $0xFFFFF200  }
0x284: {  	[spmem:s22], [sflag:s13] =	dma.local [hbm:s0], $0xE00  }
0x285: {  	_ =	swait.ge [sflag:s15], $0xE00  }
0x286: {  	s0 =	sld [smem:$0x7D6]  }
0x287: {  	[sflag:s15] =	ssyncset.done $0x0  }
0x288: {  	[sflag:s15] =	ssyncadd.s32 $0xFFFFF200  }
0x289: {  	[hbm:s0], [sflag:s29] =	dma.local [spmem:s9], $0xE00  }
0x28a: {  	_ =	swait.ge [sflag:s3], $0xE00  }
0x28b: {  	s0 =	sld [smem:$0x7D7]  }
0x28c: {  	[sflag:s3] =	ssyncset.done $0x0  }
0x28d: {  	[sflag:s3] =	ssyncadd.s32 $0xFFFFF200  }
0x28e: {  	[spmem:s9], [sflag:s24] =	dma.local [hbm:s0], $0xE00  }
0x28f: {  	_ =	swait.ge [sflag:s12], $0xE00  }
0x290: {  	s0 =	sld [smem:$0x7D8]  }
0x291: {  	[sflag:s12] =	ssyncset.done $0x0  }
0x292: {  	[sflag:s12] =	ssyncadd.s32 $0xFFFFF200  }
0x293: {  	[hbm:s0], [sflag:s30] =	dma.local [spmem:s7], $0xE00  }
0x294: {  	_ =	swait.ge [sflag:s2], $0xE00  }
0x295: {  	s0 =	sld [smem:$0x7D9]  }
0x296: {  	[sflag:s2] =	ssyncset.done $0x0  }
0x297: {  	[sflag:s2] =	ssyncadd.s32 $0xFFFFF200  }
0x298: {  	[spmem:s7], [sflag:s25] =	dma.local [hbm:s0], $0xE00  }
0x299: {  	_ =	swait.ge [sflag:s21], $0xE00  }
0x29a: {  	s0 =	sld [smem:$0x7DA]  }
0x29b: {  	[sflag:s21] =	ssyncset.done $0x0  }
0x29c: {  	[sflag:s21] =	ssyncadd.s32 $0xFFFFF200  }
0x29d: {  	[hbm:s0], [sflag:s31] =	dma.local [spmem:s18], $0xE00  }
0x29e: {  	_ =	swait.ge [sflag:s11], $0xE00  }
0x29f: {  	s0 =	sld [smem:$0x7DB]  }
0x2a0: {  	[sflag:s11] =	ssyncset.done $0x0  }
0x2a1: {  	[sflag:s11] =	ssyncadd.s32 $0xFFFFF200  }
0x2a2: {  	[spmem:s18], [sflag:s26] =	dma.local [hbm:s0], $0xE00  }
0x2a3: {  	_ =	swait.ge [sflag:s16], $0xE00  }
0x2a4: {  	s0 =	sld [smem:$0x7DC]  }
0x2a5: {  	[sflag:s16] =	ssyncset.done $0x0  }
0x2a6: {  	[sflag:s16] =	ssyncadd.s32 $0xFFFFF200  }
0x2a7: {  	[hbm:s0], [sflag:s28] =	dma.local [spmem:s22], $0xE00  }
0x2a8: {  	_ =	swait.ge [sflag:s5], $0xE00  }
0x2a9: {  	s0 =	sld [smem:$0x7DD]  }
0x2aa: {  	[sflag:s5] =	ssyncset.done $0x0  }
0x2ab: {  	[sflag:s5] =	ssyncadd.s32 $0xFFFFF200  }
0x2ac: {  	[spmem:s22], [sflag:s13] =	dma.local [hbm:s0], $0xE00  }
0x2ad: {  	_ =	swait.ge [sflag:s15], $0xE00  }
0x2ae: {  	s0 =	sld [smem:$0x7DE]  }
0x2af: {  	[sflag:s15] =	ssyncset.done $0x0  }
0x2b0: {  	[sflag:s15] =	ssyncadd.s32 $0xFFFFF200  }
0x2b1: {  	[hbm:s0], [sflag:s29] =	dma.local [spmem:s9], $0xE00  }
0x2b2: {  	_ =	swait.ge [sflag:s3], $0xE00  }
0x2b3: {  	s0 =	sld [smem:$0x7DF]  }
0x2b4: {  	[sflag:s3] =	ssyncset.done $0x0  }
0x2b5: {  	[sflag:s3] =	ssyncadd.s32 $0xFFFFF200  }
0x2b6: {  	[spmem:s9], [sflag:s24] =	dma.local [hbm:s0], $0xE00  }
0x2b7: {  	_ =	swait.ge [sflag:s12], $0xE00  }
0x2b8: {  	s0 =	sld [smem:$0x7E0]  }
0x2b9: {  	[sflag:s12] =	ssyncset.done $0x0  }
0x2ba: {  	[sflag:s12] =	ssyncadd.s32 $0xFFFFF200  }
0x2bb: {  	[hbm:s0], [sflag:s30] =	dma.local [spmem:s7], $0xE00  }
0x2bc: {  	_ =	swait.ge [sflag:s2], $0xE00  }
0x2bd: {  	s0 =	sld [smem:$0x7E1]  }
0x2be: {  	[sflag:s2] =	ssyncset.done $0x0  }
0x2bf: {  	[sflag:s2] =	ssyncadd.s32 $0xFFFFF200  }
0x2c0: {  	[spmem:s7], [sflag:s25] =	dma.local [hbm:s0], $0xE00  }
0x2c1: {  	_ =	swait.ge [sflag:s21], $0xE00  }
0x2c2: {  	s0 =	sld [smem:$0x7E2]  }
0x2c3: {  	[sflag:s21] =	ssyncset.done $0x0  }
0x2c4: {  	[sflag:s21] =	ssyncadd.s32 $0xFFFFF200  }
0x2c5: {  	[hbm:s0], [sflag:s31] =	dma.local [spmem:s18], $0xE00  }
0x2c6: {  	_ =	swait.ge [sflag:s11], $0xE00  }
0x2c7: {  	s0 =	sld [smem:$0x7E3]  }
0x2c8: {  	[sflag:s11] =	ssyncset.done $0x0  }
0x2c9: {  	[sflag:s11] =	ssyncadd.s32 $0xFFFFF200  }
0x2ca: {  	[spmem:s18], [sflag:s26] =	dma.local [hbm:s0], $0xE00  }
0x2cb: {  	_ =	swait.ge [sflag:s16], $0xE00  }
0x2cc: {  	s0 =	sld [smem:$0x7E4]  }
0x2cd: {  	[sflag:s16] =	ssyncset.done $0x0  }
0x2ce: {  	[sflag:s16] =	ssyncadd.s32 $0xFFFFF200  }
0x2cf: {  	[hbm:s0], [sflag:s28] =	dma.local [spmem:s22], $0xE00  }
0x2d0: {  	_ =	swait.ge [sflag:s5], $0xE00  }
0x2d1: {  	s0 =	sld [smem:$0x7E5]  }
0x2d2: {  	[sflag:s5] =	ssyncset.done $0x0  }
0x2d3: {  	[sflag:s5] =	ssyncadd.s32 $0xFFFFF200  }
0x2d4: {  	[spmem:s22], [sflag:s13] =	dma.local [hbm:s0], $0xE00  }
0x2d5: {  	_ =	swait.ge [sflag:s15], $0xE00  }
0x2d6: {  	s0 =	sld [smem:$0x7E6]  }
0x2d7: {  	[sflag:s15] =	ssyncset.done $0x0  }
0x2d8: {  	[sflag:s15] =	ssyncadd.s32 $0xFFFFF200  }
0x2d9: {  	[hbm:s0], [sflag:s29] =	dma.local [spmem:s9], $0xE00  }
0x2da: {  	_ =	swait.ge [sflag:s3], $0xE00  }
0x2db: {  	s0 =	sld [smem:$0x7E7]  }
0x2dc: {  	[sflag:s3] =	ssyncset.done $0x0  }
0x2dd: {  	[sflag:s3] =	ssyncadd.s32 $0xFFFFF200  }
0x2de: {  	[spmem:s9], [sflag:s24] =	dma.local [hbm:s0], $0xE00  }
0x2df: {  	_ =	swait.ge [sflag:s12], $0xE00  }
0x2e0: {  	s0 =	sld [smem:$0x7E8]  }
0x2e1: {  	[sflag:s12] =	ssyncset.done $0x0  }
0x2e2: {  	[sflag:s12] =	ssyncadd.s32 $0xFFFFF200  }
0x2e3: {  	[hbm:s0], [sflag:s30] =	dma.local [spmem:s7], $0xE00  }
0x2e4: {  	_ =	swait.ge [sflag:s2], $0xE00  }
0x2e5: {  	s0 =	sld [smem:$0x7E9]  }
0x2e6: {  	[sflag:s2] =	ssyncset.done $0x0  }
0x2e7: {  	[sflag:s2] =	ssyncadd.s32 $0xFFFFF200  }
0x2e8: {  	[spmem:s7], [sflag:s25] =	dma.local [hbm:s0], $0xE00  }
0x2e9: {  	_ =	swait.ge [sflag:s21], $0xE00  }
0x2ea: {  	s0 =	sld [smem:$0x7EA]  }
0x2eb: {  	[sflag:s21] =	ssyncset.done $0x0  }
0x2ec: {  	[sflag:s21] =	ssyncadd.s32 $0xFFFFF200  }
0x2ed: {  	[hbm:s0], [sflag:s31] =	dma.local [spmem:s18], $0xE00  }
0x2ee: {  	_ =	swait.ge [sflag:s11], $0xE00  }
0x2ef: {  	s0 =	sld [smem:$0x7EB]  }
0x2f0: {  	[sflag:s11] =	ssyncset.done $0x0  }
0x2f1: {  	[sflag:s11] =	ssyncadd.s32 $0xFFFFF200  }
0x2f2: {  	[spmem:s18], [sflag:s26] =	dma.local [hbm:s0], $0xE00  }
0x2f3: {  	_ =	swait.ge [sflag:s16], $0xE00  }
0x2f4: {  	s0 =	sld [smem:$0x7EC]  }
0x2f5: {  	[sflag:s16] =	ssyncset.done $0x0  }
0x2f6: {  	[sflag:s16] =	ssyncadd.s32 $0xFFFFF200  }
0x2f7: {  	[hbm:s0], [sflag:s28] =	dma.local [spmem:s22], $0xE00  }
0x2f8: {  	_ =	swait.ge [sflag:s5], $0xE00  }
0x2f9: {  	s0 =	sld [smem:$0x7ED]  }
0x2fa: {  	[sflag:s5] =	ssyncset.done $0x0  }
0x2fb: {  	[sflag:s5] =	ssyncadd.s32 $0xFFFFF200  }
0x2fc: {  	[spmem:s22], [sflag:s13] =	dma.local [hbm:s0], $0xE00  }
0x2fd: {  	_ =	swait.ge [sflag:s15], $0xE00  }
0x2fe: {  	s0 =	sld [smem:$0x7EE]  }
0x2ff: {  	[sflag:s15] =	ssyncset.done $0x0  }
0x300: {  	[sflag:s15] =	ssyncadd.s32 $0xFFFFF200  }
0x301: {  	[hbm:s0], [sflag:s29] =	dma.local [spmem:s9], $0xE00  }
0x302: {  	_ =	swait.ge [sflag:s3], $0xE00  }
0x303: {  	s0 =	sld [smem:$0x7EF]  }
0x304: {  	[sflag:s3] =	ssyncset.done $0x0  }
0x305: {  	[sflag:s3] =	ssyncadd.s32 $0xFFFFF200  }
0x306: {  	[spmem:s9], [sflag:s24] =	dma.local [hbm:s0], $0xE00  }
0x307: {  	_ =	swait.ge [sflag:s12], $0xE00  }
0x308: {  	s0 =	sld [smem:$0x7F0]  }
0x309: {  	[sflag:s12] =	ssyncset.done $0x0  }
0x30a: {  	[sflag:s12] =	ssyncadd.s32 $0xFFFFF200  }
0x30b: {  	[hbm:s0], [sflag:s30] =	dma.local [spmem:s7], $0xE00  }
0x30c: {  	_ =	swait.ge [sflag:s2], $0xE00  }
0x30d: {  	s0 =	sld [smem:$0x7F1]  }
0x30e: {  	[sflag:s2] =	ssyncset.done $0x0  }
0x30f: {  	[sflag:s2] =	ssyncadd.s32 $0xFFFFF200  }
0x310: {  	[spmem:s7], [sflag:s25] =	dma.local [hbm:s0], $0xE00  }
0x311: {  	_ =	swait.ge [sflag:s21], $0xE00  }
0x312: {  	s0 =	sld [smem:$0x7F2]  }
0x313: {  	[sflag:s21] =	ssyncset.done $0x0  }
0x314: {  	[sflag:s21] =	ssyncadd.s32 $0xFFFFF200  }
0x315: {  	[hbm:s0], [sflag:s31] =	dma.local [spmem:s18], $0xE00  }
0x316: {  	_ =	swait.ge [sflag:s11], $0xE00  }
0x317: {  	s0 =	sld [smem:$0x7F3]  }
0x318: {  	[sflag:s11] =	ssyncset.done $0x0  }
0x319: {  	[sflag:s11] =	ssyncadd.s32 $0xFFFFF200  }
0x31a: {  	[spmem:s18], [sflag:s26] =	dma.local [hbm:s0], $0xE00  }
0x31b: {  	_ =	swait.ge [sflag:s16], $0xE00  }
0x31c: {  	s0 =	sld [smem:$0x7F4]  }
0x31d: {  	[sflag:s16] =	ssyncset.done $0x0  }
0x31e: {  	[sflag:s16] =	ssyncadd.s32 $0xFFFFF200  }
0x31f: {  	[hbm:s0], [sflag:s28] =	dma.local [spmem:s22], $0xE00  }
0x320: {  	_ =	swait.ge [sflag:s5], $0xE00  }
0x321: {  	s0 =	sld [smem:$0x7F5]  }
0x322: {  	[sflag:s5] =	ssyncset.done $0x0  }
0x323: {  	[sflag:s5] =	ssyncadd.s32 $0xFFFFF200  }
0x324: {  	[spmem:s22], [sflag:s13] =	dma.local [hbm:s0], $0xE00  }
0x325: {  	_ =	swait.ge [sflag:s15], $0xE00  }
0x326: {  	s0 =	sld [smem:$0x7F6]  }
0x327: {  	[sflag:s15] =	ssyncset.done $0x0  }
0x328: {  	[sflag:s15] =	ssyncadd.s32 $0xFFFFF200  }
0x329: {  	[hbm:s0], [sflag:s29] =	dma.local [spmem:s9], $0xE00  }
0x32a: {  	_ =	swait.ge [sflag:s3], $0xE00  }
0x32b: {  	s0 =	sld [smem:$0x7F7]  }
0x32c: {  	[sflag:s3] =	ssyncset.done $0x0  }
0x32d: {  	[sflag:s3] =	ssyncadd.s32 $0xFFFFF200  }
0x32e: {  	[spmem:s9], [sflag:s24] =	dma.local [hbm:s0], $0xE00  }
0x32f: {  	_ =	swait.ge [sflag:s12], $0xE00  }
0x330: {  	s0 =	sld [smem:$0x7F8]  }
0x331: {  	[sflag:s12] =	ssyncset.done $0x0  }
0x332: {  	[sflag:s12] =	ssyncadd.s32 $0xFFFFF200  }
0x333: {  	[hbm:s0], [sflag:s30] =	dma.local [spmem:s7], $0xE00  }
0x334: {  	_ =	swait.ge [sflag:s2], $0xE00  }
0x335: {  	s0 =	sld [smem:$0x7F9]  }
0x336: {  	[sflag:s2] =	ssyncset.done $0x0  }
0x337: {  	[sflag:s2] =	ssyncadd.s32 $0xFFFFF200  }
0x338: {  	[spmem:s7], [sflag:s25] =	dma.local [hbm:s0], $0xE00  }
0x339: {  	_ =	swait.ge [sflag:s21], $0xE00  }
0x33a: {  	s0 =	sld [smem:$0x7FA]  }
0x33b: {  	[sflag:s21] =	ssyncset.done $0x0  }
0x33c: {  	[sflag:s21] =	ssyncadd.s32 $0xFFFFF200  }
0x33d: {  	[hbm:s0], [sflag:s31] =	dma.local [spmem:s18], $0xE00  }
0x33e: {  	_ =	swait.ge [sflag:s11], $0xE00  }
0x33f: {  	s0 =	sld [smem:$0x7FB]  }
0x340: {  	[sflag:s11] =	ssyncset.done $0x0  }
0x341: {  	[sflag:s11] =	ssyncadd.s32 $0xFFFFF200  }
0x342: {  	[spmem:s18], [sflag:s26] =	dma.local [hbm:s0], $0xE00  }
0x343: {  	_ =	swait.ge [sflag:s16], $0xE00  }
0x344: {  	s0 =	sld [smem:$0x7FC]  }
0x345: {  	[sflag:s16] =	ssyncset.done $0x0  }
0x346: {  	[sflag:s16] =	ssyncadd.s32 $0xFFFFF200  }
0x347: {  	[hbm:s0], [sflag:s28] =	dma.local [spmem:s22], $0xE00  }
0x348: {  	_ =	swait.ge [sflag:s5], $0xE00  }
0x349: {  	s0 =	sld [smem:$0x7FD]  }
0x34a: {  	[sflag:s5] =	ssyncset.done $0x0  }
0x34b: {  	[sflag:s5] =	ssyncadd.s32 $0xFFFFF200  }
0x34c: {  	[spmem:s22], [sflag:s13] =	dma.local [hbm:s0], $0xE00  }
0x34d: {  	_ =	swait.ge [sflag:s15], $0xE00  }
0x34e: {  	[sflag:s15] =	ssyncset.done $0x0  }
0x34f: {  	[sflag:s15] =	ssyncadd.s32 $0xFFFFF200  }
0x350: {  	[hbm:s20], [sflag:s29] =	dma.local [spmem:s9], $0xE00  }
0x351: {  	_ =	swait.ge [sflag:s3], $0xE00  }
0x352: {  	[sflag:s3] =	ssyncset.done $0x0  }
0x353: {  	[sflag:s3] =	ssyncadd.s32 $0xFFFFF200  }
0x354: {  	[spmem:s9], [sflag:s24] =	dma.local [hbm:s19], $0xE00  }
0x355: {  	_ =	swait.ge [sflag:s12], $0xE00  }
0x356: {  	[sflag:s12] =	ssyncset.done $0x0  }
0x357: {  	[sflag:s12] =	ssyncadd.s32 $0xFFFFF200  }
0x358: {  	[hbm:s17], [sflag:s30] =	dma.local [spmem:s7], $0xE00  }
0x359: {  	_ =	swait.ge [sflag:s2], $0xE00  }
0x35a: {  	[sflag:s2] =	ssyncset.done $0x0  }
0x35b: {  	[sflag:s2] =	ssyncadd.s32 $0xFFFFF200  }
0x35c: {  	[spmem:s7], [sflag:s25] =	dma.local [hbm:s14], $0xE00  }
0x35d: {  	_ =	swait.ge [sflag:s21], $0xE00  }
0x35e: {  	[sflag:s21] =	ssyncset.done $0x0  }
0x35f: {  	[sflag:s21] =	ssyncadd.s32 $0xFFFFF200  }
0x360: {  	[hbm:s10], [sflag:s31] =	dma.local [spmem:s18], $0xE00  }
0x361: {  	_ =	swait.ge [sflag:s16], $0xE00  }
0x362: {  	[sflag:s16] =	ssyncset.done $0x0  }
0x363: {  	[sflag:s16] =	ssyncadd.s32 $0xFFFFF200  }
0x364: {  	[hbm:s8], [sflag:s28] =	dma.local [spmem:s22], $0xE00  }
0x365: {  	_ =	swait.ge [sflag:s15], $0xE00  }
0x366: {  	[sflag:s15] =	ssyncset.done $0x0  }
0x367: {  	[sflag:s15] =	ssyncadd.s32 $0xFFFFF200  }
0x368: {  	[hbm:s6], [sflag:s29] =	dma.local [spmem:s9], $0xE00  }
0x369: {  	_ =	swait.ge [sflag:s12], $0xE00  }
0x36a: {  	[sflag:s12] =	ssyncset.done $0x0  }
0x36b: {  	[sflag:s12] =	ssyncadd.s32 $0xFFFFF200  }
0x36c: {  	[hbm:s4], [sflag:s30] =	dma.local [spmem:s7], $0xE00  }
0x36d: {  	_ =	swait.ge [sflag:s11], $0xE00  }
0x36e: {  	[sflag:s11] =	ssyncset.done $0x0  }
0x36f: {  	[sflag:s11] =	ssyncadd.s32 $0xFFFFF200  }
0x370: {  	_ =	swait.ge [sflag:s5], $0xE00  }
0x371: {  	[sflag:s5] =	ssyncset.done $0x0  }
0x372: {  	p1 =	sne.s32 s1, $0x1;
	[sflag:s5] =	ssyncadd.s32 $0xFFFFF200  }
.Ltmp2:
0x373: {  	_ =	swait.ge [sflag:s3], $0xE00;
	(pc) =	sbr.rel @p1 .LBB2_3-.Ltmp2, $4  }
0x374: {  	[sflag:s3] =	ssyncset.done $0x0  }
0x375: {  	[sflag:s3] =	ssyncadd.s32 $0xFFFFF200  }
0x376: {  	_ =	swait.ge [sflag:s2], $0xE00  }
0x377: {  	s1 =	sadd.s32 $0xFFFFFFFF, s1;
	s0 =	rddreg [dreg:$0x4];
	[sflag:s2] =	ssyncset.done $0x0  }
0x378: {  	s30 =	stileid.u32;
	s31 =	rddreg [dreg:$0x3]  }
.LBB2_5:
0x379: {  	[sflag:s2] =	ssyncadd.s32 @p0 $0xFFFFF200  }
0x37a: {  	[spmem:s22], [sflag:s13] =	dma.local [hbm:s0], $0xE00  }
0x37b: {  	s25 =	sor.u32 $0x1C02, s23;
	s0 =	rddreg [dreg:$0x5]  }
0x37c: {  	[spmem:s9], [sflag:s25] =	dma.local [hbm:s0], $0xE00  }
0x37d: {  	s1 =	sor.u32 $0x1C03, s23;
	s0 =	rddreg [dreg:$0x6]  }
0x37e: {  	[spmem:s7], [sflag:s1] =	dma.local [hbm:s0], $0xE00  }
0x37f: {  	s29 =	sor.u32 $0x1C04, s23;
	s0 =	rddreg [dreg:$0x7]  }
0x380: {  	[spmem:s18], [sflag:s29] =	dma.local [hbm:s0], $0xE00  }
0x381: {  	_ =	swait.ge [sflag:s16], $0xE00  }
0x382: {  	[sflag:s16] =	ssyncset.done $0x0  }
0x383: {  	s24 =	sor.u32 $0x1C05, s23;
	s28 =	rddreg [dreg:$0x8];
	[sflag:s16] =	ssyncadd.s32 $0xFFFFF200  }
0x384: {  	[hbm:s28], [sflag:s24] =	dma.local [spmem:s22], $0xE00  }
0x385: {  	_ =	swait.ge [sflag:s5], $0xE00  }
0x386: {  	[sflag:s5] =	ssyncset.done $0x0  }
0x387: {  	s26 =	rddreg [dreg:$0x9];
	[sflag:s5] =	ssyncadd.s32 $0xFFFFF200  }
0x388: {  	[spmem:s22], [sflag:s13] =	dma.local [hbm:s26], $0xE00  }
0x389: {  	_ =	swait.ge [sflag:s15], $0xE00  }
0x38a: {  	[sflag:s15] =	ssyncset.done $0x0  }
0x38b: {  	s26 =	sor.u32 $0x1C06, s23;
	s28 =	rddreg [dreg:$0xa];
	[sflag:s15] =	ssyncadd.s32 $0xFFFFF200  }
0x38c: {  	[hbm:s28], [sflag:s26] =	dma.local [spmem:s9], $0xE00  }
0x38d: {  	_ =	swait.ge [sflag:s3], $0xE00  }
0x38e: {  	[sflag:s3] =	ssyncset.done $0x0  }
0x38f: {  	s28 =	rddreg [dreg:$0xb];
	[sflag:s3] =	ssyncadd.s32 $0xFFFFF200  }
0x390: {  	[spmem:s9], [sflag:s25] =	dma.local [hbm:s28], $0xE00  }
0x391: {  	_ =	swait.ge [sflag:s12], $0xE00  }
0x392: {  	[sflag:s12] =	ssyncset.done $0x0  }
0x393: {  	s28 =	sor.u32 $0x1C07, s23;
	s0 =	rddreg [dreg:$0xc];
	[sflag:s12] =	ssyncadd.s32 $0xFFFFF200  }
0x394: {  	[hbm:s0], [sflag:s28] =	dma.local [spmem:s7], $0xE00  }
0x395: {  	_ =	swait.ge [sflag:s2], $0xE00  }
0x396: {  	[sflag:s2] =	ssyncset.done $0x0  }
0x397: {  	s0 =	rddreg [dreg:$0xd];
	[sflag:s2] =	ssyncadd.s32 $0xFFFFF200  }
0x398: {  	[spmem:s7], [sflag:s1] =	dma.local [hbm:s0], $0xE00  }
0x399: {  	_ =	swait.ge [sflag:s21], $0xE00  }
0x39a: {  	[sflag:s21] =	ssyncset.done $0x0  }
0x39b: {  	s23 =	sor.u32 $0x1C08, s23;
	s0 =	rddreg [dreg:$0xe];
	[sflag:s21] =	ssyncadd.s32 $0xFFFFF200  }
0x39c: {  	[hbm:s0], [sflag:s23] =	dma.local [spmem:s18], $0xE00  }
0x39d: {  	_ =	swait.ge [sflag:s11], $0xE00  }
0x39e: {  	[sflag:s11] =	ssyncset.done $0x0  }
0x39f: {  	s0 =	rddreg [dreg:$0xf];
	[sflag:s11] =	ssyncadd.s32 $0xFFFFF200  }
0x3a0: {  	[spmem:s18], [sflag:s29] =	dma.local [hbm:s0], $0xE00  }
0x3a1: {  	_ =	swait.ge [sflag:s16], $0xE00  }
0x3a2: {  	[sflag:s16] =	ssyncset.done $0x0  }
0x3a3: {  	s0 =	rddreg [dreg:$0x10];
	[sflag:s16] =	ssyncadd.s32 $0xFFFFF200  }
0x3a4: {  	[hbm:s0], [sflag:s24] =	dma.local [spmem:s22], $0xE00  }
0x3a5: {  	_ =	swait.ge [sflag:s5], $0xE00  }
0x3a6: {  	[sflag:s5] =	ssyncset.done $0x0  }
0x3a7: {  	s0 =	rddreg [dreg:$0x11];
	[sflag:s5] =	ssyncadd.s32 $0xFFFFF200  }
0x3a8: {  	[spmem:s22], [sflag:s13] =	dma.local [hbm:s0], $0xE00  }
0x3a9: {  	_ =	swait.ge [sflag:s15], $0xE00  }
0x3aa: {  	[sflag:s15] =	ssyncset.done $0x0  }
0x3ab: {  	s0 =	rddreg [dreg:$0x12];
	[sflag:s15] =	ssyncadd.s32 $0xFFFFF200  }
0x3ac: {  	[hbm:s0], [sflag:s26] =	dma.local [spmem:s9], $0xE00  }
0x3ad: {  	_ =	swait.ge [sflag:s3], $0xE00  }
0x3ae: {  	[sflag:s3] =	ssyncset.done $0x0  }
0x3af: {  	s0 =	rddreg [dreg:$0x13];
	[sflag:s3] =	ssyncadd.s32 $0xFFFFF200  }
0x3b0: {  	[spmem:s9], [sflag:s25] =	dma.local [hbm:s0], $0xE00  }
0x3b1: {  	_ =	swait.ge [sflag:s12], $0xE00  }
0x3b2: {  	[sflag:s12] =	ssyncset.done $0x0  }
0x3b3: {  	s0 =	rddreg [dreg:$0x14];
	[sflag:s12] =	ssyncadd.s32 $0xFFFFF200  }
0x3b4: {  	[hbm:s0], [sflag:s28] =	dma.local [spmem:s7], $0xE00  }
0x3b5: {  	_ =	swait.ge [sflag:s2], $0xE00  }
0x3b6: {  	[sflag:s2] =	ssyncset.done $0x0  }
0x3b7: {  	s0 =	rddreg [dreg:$0x15];
	[sflag:s2] =	ssyncadd.s32 $0xFFFFF200  }
0x3b8: {  	[spmem:s7], [sflag:s1] =	dma.local [hbm:s0], $0xE00  }
0x3b9: {  	_ =	swait.ge [sflag:s21], $0xE00  }
0x3ba: {  	[sflag:s21] =	ssyncset.done $0x0  }
0x3bb: {  	s0 =	rddreg [dreg:$0x16];
	[sflag:s21] =	ssyncadd.s32 $0xFFFFF200  }
0x3bc: {  	[hbm:s0], [sflag:s23] =	dma.local [spmem:s18], $0xE00  }
0x3bd: {  	_ =	swait.ge [sflag:s11], $0xE00  }
0x3be: {  	[sflag:s11] =	ssyncset.done $0x0  }
0x3bf: {  	s0 =	rddreg [dreg:$0x17];
	[sflag:s11] =	ssyncadd.s32 $0xFFFFF200  }
0x3c0: {  	[spmem:s18], [sflag:s29] =	dma.local [hbm:s0], $0xE00  }
0x3c1: {  	_ =	swait.ge [sflag:s16], $0xE00  }
0x3c2: {  	[sflag:s16] =	ssyncset.done $0x0  }
0x3c3: {  	s0 =	rddreg [dreg:$0x18];
	[sflag:s16] =	ssyncadd.s32 $0xFFFFF200  }
0x3c4: {  	[hbm:s0], [sflag:s24] =	dma.local [spmem:s22], $0xE00  }
0x3c5: {  	_ =	swait.ge [sflag:s5], $0xE00  }
0x3c6: {  	[sflag:s5] =	ssyncset.done $0x0  }
0x3c7: {  	s0 =	rddreg [dreg:$0x19];
	[sflag:s5] =	ssyncadd.s32 $0xFFFFF200  }
0x3c8: {  	[spmem:s22], [sflag:s13] =	dma.local [hbm:s0], $0xE00  }
0x3c9: {  	_ =	swait.ge [sflag:s15], $0xE00  }
0x3ca: {  	[sflag:s15] =	ssyncset.done $0x0  }
0x3cb: {  	s0 =	rddreg [dreg:$0x1a];
	[sflag:s15] =	ssyncadd.s32 $0xFFFFF200  }
0x3cc: {  	[hbm:s0], [sflag:s26] =	dma.local [spmem:s9], $0xE00  }
0x3cd: {  	_ =	swait.ge [sflag:s3], $0xE00  }
0x3ce: {  	[sflag:s3] =	ssyncset.done $0x0  }
0x3cf: {  	s0 =	rddreg [dreg:$0x1b];
	[sflag:s3] =	ssyncadd.s32 $0xFFFFF200  }
0x3d0: {  	[spmem:s9], [sflag:s25] =	dma.local [hbm:s0], $0xE00  }
0x3d1: {  	_ =	swait.ge [sflag:s12], $0xE00  }
0x3d2: {  	[sflag:s12] =	ssyncset.done $0x0  }
0x3d3: {  	s0 =	rddreg [dreg:$0x1c];
	[sflag:s12] =	ssyncadd.s32 $0xFFFFF200  }
0x3d4: {  	[hbm:s0], [sflag:s28] =	dma.local [spmem:s7], $0xE00  }
0x3d5: {  	_ =	swait.ge [sflag:s2], $0xE00  }
0x3d6: {  	[sflag:s2] =	ssyncset.done $0x0  }
0x3d7: {  	s0 =	rddreg [dreg:$0x1d];
	[sflag:s2] =	ssyncadd.s32 $0xFFFFF200  }
0x3d8: {  	[spmem:s7], [sflag:s1] =	dma.local [hbm:s0], $0xE00  }
0x3d9: {  	_ =	swait.ge [sflag:s21], $0xE00  }
0x3da: {  	[sflag:s21] =	ssyncset.done $0x0  }
0x3db: {  	s0 =	rddreg [dreg:$0x1e];
	[sflag:s21] =	ssyncadd.s32 $0xFFFFF200  }
0x3dc: {  	[hbm:s0], [sflag:s23] =	dma.local [spmem:s18], $0xE00  }
0x3dd: {  	_ =	swait.ge [sflag:s11], $0xE00  }
0x3de: {  	[sflag:s11] =	ssyncset.done $0x0  }
0x3df: {  	s0 =	rddreg [dreg:$0x1f];
	[sflag:s11] =	ssyncadd.s32 $0xFFFFF200  }
0x3e0: {  	[spmem:s18], [sflag:s29] =	dma.local [hbm:s0], $0xE00  }
0x3e1: {  	_ =	swait.ge [sflag:s16], $0xE00  }
0x3e2: {  	s0 =	sld [smem:$0x7CC]  }
0x3e3: {  	[sflag:s16] =	ssyncset.done $0x0  }
0x3e4: {  	[sflag:s16] =	ssyncadd.s32 $0xFFFFF200  }
0x3e5: {  	[hbm:s0], [sflag:s24] =	dma.local [spmem:s22], $0xE00  }
0x3e6: {  	_ =	swait.ge [sflag:s5], $0xE00  }
0x3e7: {  	s0 =	sld [smem:$0x7CD]  }
0x3e8: {  	[sflag:s5] =	ssyncset.done $0x0  }
0x3e9: {  	[sflag:s5] =	ssyncadd.s32 $0xFFFFF200  }
0x3ea: {  	[spmem:s22], [sflag:s13] =	dma.local [hbm:s0], $0xE00  }
0x3eb: {  	_ =	swait.ge [sflag:s15], $0xE00  }
0x3ec: {  	s0 =	sld [smem:$0x7CE]  }
0x3ed: {  	[sflag:s15] =	ssyncset.done $0x0  }
0x3ee: {  	[sflag:s15] =	ssyncadd.s32 $0xFFFFF200  }
0x3ef: {  	[hbm:s0], [sflag:s26] =	dma.local [spmem:s9], $0xE00  }
0x3f0: {  	_ =	swait.ge [sflag:s3], $0xE00  }
0x3f1: {  	s0 =	sld [smem:$0x7CF]  }
0x3f2: {  	[sflag:s3] =	ssyncset.done $0x0  }
0x3f3: {  	[sflag:s3] =	ssyncadd.s32 $0xFFFFF200  }
0x3f4: {  	[spmem:s9], [sflag:s25] =	dma.local [hbm:s0], $0xE00  }
0x3f5: {  	_ =	swait.ge [sflag:s12], $0xE00  }
0x3f6: {  	s0 =	sld [smem:$0x7D0]  }
0x3f7: {  	[sflag:s12] =	ssyncset.done $0x0  }
0x3f8: {  	[sflag:s12] =	ssyncadd.s32 $0xFFFFF200  }
0x3f9: {  	[hbm:s0], [sflag:s28] =	dma.local [spmem:s7], $0xE00  }
0x3fa: {  	_ =	swait.ge [sflag:s2], $0xE00  }
0x3fb: {  	s0 =	sld [smem:$0x7D1]  }
0x3fc: {  	[sflag:s2] =	ssyncset.done $0x0  }
0x3fd: {  	[sflag:s2] =	ssyncadd.s32 $0xFFFFF200  }
0x3fe: {  	[spmem:s7], [sflag:s1] =	dma.local [hbm:s0], $0xE00  }
0x3ff: {  	_ =	swait.ge [sflag:s21], $0xE00  }
0x400: {  	s0 =	sld [smem:$0x7D2]  }
0x401: {  	[sflag:s21] =	ssyncset.done $0x0  }
0x402: {  	[sflag:s21] =	ssyncadd.s32 $0xFFFFF200  }
0x403: {  	[hbm:s0], [sflag:s23] =	dma.local [spmem:s18], $0xE00  }
0x404: {  	_ =	swait.ge [sflag:s11], $0xE00  }
0x405: {  	s0 =	sld [smem:$0x7D3]  }
0x406: {  	[sflag:s11] =	ssyncset.done $0x0  }
0x407: {  	[sflag:s11] =	ssyncadd.s32 $0xFFFFF200  }
0x408: {  	[spmem:s18], [sflag:s29] =	dma.local [hbm:s0], $0xE00  }
0x409: {  	_ =	swait.ge [sflag:s16], $0xE00  }
0x40a: {  	s0 =	sld [smem:$0x7D4]  }
0x40b: {  	[sflag:s16] =	ssyncset.done $0x0  }
0x40c: {  	[sflag:s16] =	ssyncadd.s32 $0xFFFFF200  }
0x40d: {  	[hbm:s0], [sflag:s24] =	dma.local [spmem:s22], $0xE00  }
0x40e: {  	_ =	swait.ge [sflag:s5], $0xE00  }
0x40f: {  	s0 =	sld [smem:$0x7D5]  }
0x410: {  	[sflag:s5] =	ssyncset.done $0x0  }
0x411: {  	[sflag:s5] =	ssyncadd.s32 $0xFFFFF200  }
0x412: {  	[spmem:s22], [sflag:s13] =	dma.local [hbm:s0], $0xE00  }
0x413: {  	_ =	swait.ge [sflag:s15], $0xE00  }
0x414: {  	s0 =	sld [smem:$0x7D6]  }
0x415: {  	[sflag:s15] =	ssyncset.done $0x0  }
0x416: {  	[sflag:s15] =	ssyncadd.s32 $0xFFFFF200  }
0x417: {  	[hbm:s0], [sflag:s26] =	dma.local [spmem:s9], $0xE00  }
0x418: {  	_ =	swait.ge [sflag:s3], $0xE00  }
0x419: {  	s0 =	sld [smem:$0x7D7]  }
0x41a: {  	[sflag:s3] =	ssyncset.done $0x0  }
0x41b: {  	[sflag:s3] =	ssyncadd.s32 $0xFFFFF200  }
0x41c: {  	[spmem:s9], [sflag:s25] =	dma.local [hbm:s0], $0xE00  }
0x41d: {  	_ =	swait.ge [sflag:s12], $0xE00  }
0x41e: {  	s0 =	sld [smem:$0x7D8]  }
0x41f: {  	[sflag:s12] =	ssyncset.done $0x0  }
0x420: {  	[sflag:s12] =	ssyncadd.s32 $0xFFFFF200  }
0x421: {  	[hbm:s0], [sflag:s28] =	dma.local [spmem:s7], $0xE00  }
0x422: {  	_ =	swait.ge [sflag:s2], $0xE00  }
0x423: {  	s0 =	sld [smem:$0x7D9]  }
0x424: {  	[sflag:s2] =	ssyncset.done $0x0  }
0x425: {  	[sflag:s2] =	ssyncadd.s32 $0xFFFFF200  }
0x426: {  	[spmem:s7], [sflag:s1] =	dma.local [hbm:s0], $0xE00  }
0x427: {  	_ =	swait.ge [sflag:s21], $0xE00  }
0x428: {  	s0 =	sld [smem:$0x7DA]  }
0x429: {  	[sflag:s21] =	ssyncset.done $0x0  }
0x42a: {  	[sflag:s21] =	ssyncadd.s32 $0xFFFFF200  }
0x42b: {  	[hbm:s0], [sflag:s23] =	dma.local [spmem:s18], $0xE00  }
0x42c: {  	_ =	swait.ge [sflag:s11], $0xE00  }
0x42d: {  	s0 =	sld [smem:$0x7DB]  }
0x42e: {  	[sflag:s11] =	ssyncset.done $0x0  }
0x42f: {  	[sflag:s11] =	ssyncadd.s32 $0xFFFFF200  }
0x430: {  	[spmem:s18], [sflag:s29] =	dma.local [hbm:s0], $0xE00  }
0x431: {  	_ =	swait.ge [sflag:s16], $0xE00  }
0x432: {  	s0 =	sld [smem:$0x7DC]  }
0x433: {  	[sflag:s16] =	ssyncset.done $0x0  }
0x434: {  	[sflag:s16] =	ssyncadd.s32 $0xFFFFF200  }
0x435: {  	[hbm:s0], [sflag:s24] =	dma.local [spmem:s22], $0xE00  }
0x436: {  	_ =	swait.ge [sflag:s5], $0xE00  }
0x437: {  	s0 =	sld [smem:$0x7DD]  }
0x438: {  	[sflag:s5] =	ssyncset.done $0x0  }
0x439: {  	[sflag:s5] =	ssyncadd.s32 $0xFFFFF200  }
0x43a: {  	[spmem:s22], [sflag:s13] =	dma.local [hbm:s0], $0xE00  }
0x43b: {  	_ =	swait.ge [sflag:s15], $0xE00  }
0x43c: {  	s0 =	sld [smem:$0x7DE]  }
0x43d: {  	[sflag:s15] =	ssyncset.done $0x0  }
0x43e: {  	[sflag:s15] =	ssyncadd.s32 $0xFFFFF200  }
0x43f: {  	[hbm:s0], [sflag:s26] =	dma.local [spmem:s9], $0xE00  }
0x440: {  	_ =	swait.ge [sflag:s3], $0xE00  }
0x441: {  	s0 =	sld [smem:$0x7DF]  }
0x442: {  	[sflag:s3] =	ssyncset.done $0x0  }
0x443: {  	[sflag:s3] =	ssyncadd.s32 $0xFFFFF200  }
0x444: {  	[spmem:s9], [sflag:s25] =	dma.local [hbm:s0], $0xE00  }
0x445: {  	_ =	swait.ge [sflag:s12], $0xE00  }
0x446: {  	s0 =	sld [smem:$0x7E0]  }
0x447: {  	[sflag:s12] =	ssyncset.done $0x0  }
0x448: {  	[sflag:s12] =	ssyncadd.s32 $0xFFFFF200  }
0x449: {  	[hbm:s0], [sflag:s28] =	dma.local [spmem:s7], $0xE00  }
0x44a: {  	_ =	swait.ge [sflag:s2], $0xE00  }
0x44b: {  	s0 =	sld [smem:$0x7E1]  }
0x44c: {  	[sflag:s2] =	ssyncset.done $0x0  }
0x44d: {  	[sflag:s2] =	ssyncadd.s32 $0xFFFFF200  }
0x44e: {  	[spmem:s7], [sflag:s1] =	dma.local [hbm:s0], $0xE00  }
0x44f: {  	_ =	swait.ge [sflag:s21], $0xE00  }
0x450: {  	s0 =	sld [smem:$0x7E2]  }
0x451: {  	[sflag:s21] =	ssyncset.done $0x0  }
0x452: {  	[sflag:s21] =	ssyncadd.s32 $0xFFFFF200  }
0x453: {  	[hbm:s0], [sflag:s23] =	dma.local [spmem:s18], $0xE00  }
0x454: {  	_ =	swait.ge [sflag:s11], $0xE00  }
0x455: {  	s0 =	sld [smem:$0x7E3]  }
0x456: {  	[sflag:s11] =	ssyncset.done $0x0  }
0x457: {  	[sflag:s11] =	ssyncadd.s32 $0xFFFFF200  }
0x458: {  	[spmem:s18], [sflag:s29] =	dma.local [hbm:s0], $0xE00  }
0x459: {  	_ =	swait.ge [sflag:s16], $0xE00  }
0x45a: {  	s0 =	sld [smem:$0x7E4]  }
0x45b: {  	[sflag:s16] =	ssyncset.done $0x0  }
0x45c: {  	[sflag:s16] =	ssyncadd.s32 $0xFFFFF200  }
0x45d: {  	[hbm:s0], [sflag:s24] =	dma.local [spmem:s22], $0xE00  }
0x45e: {  	_ =	swait.ge [sflag:s5], $0xE00  }
0x45f: {  	s0 =	sld [smem:$0x7E5]  }
0x460: {  	[sflag:s5] =	ssyncset.done $0x0  }
0x461: {  	[sflag:s5] =	ssyncadd.s32 $0xFFFFF200  }
0x462: {  	[spmem:s22], [sflag:s13] =	dma.local [hbm:s0], $0xE00  }
0x463: {  	_ =	swait.ge [sflag:s15], $0xE00  }
0x464: {  	s0 =	sld [smem:$0x7E6]  }
0x465: {  	[sflag:s15] =	ssyncset.done $0x0  }
0x466: {  	[sflag:s15] =	ssyncadd.s32 $0xFFFFF200  }
0x467: {  	[hbm:s0], [sflag:s26] =	dma.local [spmem:s9], $0xE00  }
0x468: {  	_ =	swait.ge [sflag:s3], $0xE00  }
0x469: {  	s0 =	sld [smem:$0x7E7]  }
0x46a: {  	[sflag:s3] =	ssyncset.done $0x0  }
0x46b: {  	[sflag:s3] =	ssyncadd.s32 $0xFFFFF200  }
0x46c: {  	[spmem:s9], [sflag:s25] =	dma.local [hbm:s0], $0xE00  }
0x46d: {  	_ =	swait.ge [sflag:s12], $0xE00  }
0x46e: {  	s0 =	sld [smem:$0x7E8]  }
0x46f: {  	[sflag:s12] =	ssyncset.done $0x0  }
0x470: {  	[sflag:s12] =	ssyncadd.s32 $0xFFFFF200  }
0x471: {  	[hbm:s0], [sflag:s28] =	dma.local [spmem:s7], $0xE00  }
0x472: {  	_ =	swait.ge [sflag:s2], $0xE00  }
0x473: {  	s0 =	sld [smem:$0x7E9]  }
0x474: {  	[sflag:s2] =	ssyncset.done $0x0  }
0x475: {  	[sflag:s2] =	ssyncadd.s32 $0xFFFFF200  }
0x476: {  	[spmem:s7], [sflag:s1] =	dma.local [hbm:s0], $0xE00  }
0x477: {  	_ =	swait.ge [sflag:s21], $0xE00  }
0x478: {  	s0 =	sld [smem:$0x7EA]  }
0x479: {  	[sflag:s21] =	ssyncset.done $0x0  }
0x47a: {  	[sflag:s21] =	ssyncadd.s32 $0xFFFFF200  }
0x47b: {  	[hbm:s0], [sflag:s23] =	dma.local [spmem:s18], $0xE00  }
0x47c: {  	_ =	swait.ge [sflag:s11], $0xE00  }
0x47d: {  	s0 =	sld [smem:$0x7EB]  }
0x47e: {  	[sflag:s11] =	ssyncset.done $0x0  }
0x47f: {  	[sflag:s11] =	ssyncadd.s32 $0xFFFFF200  }
0x480: {  	[spmem:s18], [sflag:s29] =	dma.local [hbm:s0], $0xE00  }
0x481: {  	_ =	swait.ge [sflag:s16], $0xE00  }
0x482: {  	s0 =	sld [smem:$0x7EC]  }
0x483: {  	[sflag:s16] =	ssyncset.done $0x0  }
0x484: {  	[sflag:s16] =	ssyncadd.s32 $0xFFFFF200  }
0x485: {  	[hbm:s0], [sflag:s24] =	dma.local [spmem:s22], $0xE00  }
0x486: {  	_ =	swait.ge [sflag:s5], $0xE00  }
0x487: {  	s0 =	sld [smem:$0x7ED]  }
0x488: {  	[sflag:s5] =	ssyncset.done $0x0  }
0x489: {  	[sflag:s5] =	ssyncadd.s32 $0xFFFFF200  }
0x48a: {  	[spmem:s22], [sflag:s13] =	dma.local [hbm:s0], $0xE00  }
0x48b: {  	_ =	swait.ge [sflag:s15], $0xE00  }
0x48c: {  	s0 =	sld [smem:$0x7EE]  }
0x48d: {  	[sflag:s15] =	ssyncset.done $0x0  }
0x48e: {  	[sflag:s15] =	ssyncadd.s32 $0xFFFFF200  }
0x48f: {  	[hbm:s0], [sflag:s26] =	dma.local [spmem:s9], $0xE00  }
0x490: {  	_ =	swait.ge [sflag:s3], $0xE00  }
0x491: {  	s0 =	sld [smem:$0x7EF]  }
0x492: {  	[sflag:s3] =	ssyncset.done $0x0  }
0x493: {  	[sflag:s3] =	ssyncadd.s32 $0xFFFFF200  }
0x494: {  	[spmem:s9], [sflag:s25] =	dma.local [hbm:s0], $0xE00  }
0x495: {  	_ =	swait.ge [sflag:s12], $0xE00  }
0x496: {  	s0 =	sld [smem:$0x7F0]  }
0x497: {  	[sflag:s12] =	ssyncset.done $0x0  }
0x498: {  	[sflag:s12] =	ssyncadd.s32 $0xFFFFF200  }
0x499: {  	[hbm:s0], [sflag:s28] =	dma.local [spmem:s7], $0xE00  }
0x49a: {  	_ =	swait.ge [sflag:s2], $0xE00  }
0x49b: {  	s0 =	sld [smem:$0x7F1]  }
0x49c: {  	[sflag:s2] =	ssyncset.done $0x0  }
0x49d: {  	[sflag:s2] =	ssyncadd.s32 $0xFFFFF200  }
0x49e: {  	[spmem:s7], [sflag:s1] =	dma.local [hbm:s0], $0xE00  }
0x49f: {  	_ =	swait.ge [sflag:s21], $0xE00  }
0x4a0: {  	s0 =	sld [smem:$0x7F2]  }
0x4a1: {  	[sflag:s21] =	ssyncset.done $0x0  }
0x4a2: {  	[sflag:s21] =	ssyncadd.s32 $0xFFFFF200  }
0x4a3: {  	[hbm:s0], [sflag:s23] =	dma.local [spmem:s18], $0xE00  }
0x4a4: {  	_ =	swait.ge [sflag:s11], $0xE00  }
0x4a5: {  	s0 =	sld [smem:$0x7F3]  }
0x4a6: {  	[sflag:s11] =	ssyncset.done $0x0  }
0x4a7: {  	[sflag:s11] =	ssyncadd.s32 $0xFFFFF200  }
0x4a8: {  	[spmem:s18], [sflag:s29] =	dma.local [hbm:s0], $0xE00  }
0x4a9: {  	_ =	swait.ge [sflag:s16], $0xE00  }
0x4aa: {  	s0 =	sld [smem:$0x7F4]  }
0x4ab: {  	[sflag:s16] =	ssyncset.done $0x0  }
0x4ac: {  	[sflag:s16] =	ssyncadd.s32 $0xFFFFF200  }
0x4ad: {  	[hbm:s0], [sflag:s24] =	dma.local [spmem:s22], $0xE00  }
0x4ae: {  	_ =	swait.ge [sflag:s5], $0xE00  }
0x4af: {  	s0 =	sld [smem:$0x7F5]  }
0x4b0: {  	[sflag:s5] =	ssyncset.done $0x0  }
0x4b1: {  	[sflag:s5] =	ssyncadd.s32 $0xFFFFF200  }
0x4b2: {  	[spmem:s22], [sflag:s13] =	dma.local [hbm:s0], $0xE00  }
0x4b3: {  	_ =	swait.ge [sflag:s15], $0xE00  }
0x4b4: {  	s0 =	sld [smem:$0x7F6]  }
0x4b5: {  	[sflag:s15] =	ssyncset.done $0x0  }
0x4b6: {  	[sflag:s15] =	ssyncadd.s32 $0xFFFFF200  }
0x4b7: {  	[hbm:s0], [sflag:s26] =	dma.local [spmem:s9], $0xE00  }
0x4b8: {  	_ =	swait.ge [sflag:s3], $0xE00  }
0x4b9: {  	s0 =	sld [smem:$0x7F7]  }
0x4ba: {  	[sflag:s3] =	ssyncset.done $0x0  }
0x4bb: {  	[sflag:s3] =	ssyncadd.s32 $0xFFFFF200  }
0x4bc: {  	[spmem:s9], [sflag:s25] =	dma.local [hbm:s0], $0xE00  }
0x4bd: {  	_ =	swait.ge [sflag:s12], $0xE00  }
0x4be: {  	s0 =	sld [smem:$0x7F8]  }
0x4bf: {  	[sflag:s12] =	ssyncset.done $0x0  }
0x4c0: {  	[sflag:s12] =	ssyncadd.s32 $0xFFFFF200  }
0x4c1: {  	[hbm:s0], [sflag:s28] =	dma.local [spmem:s7], $0xE00  }
0x4c2: {  	_ =	swait.ge [sflag:s2], $0xE00  }
0x4c3: {  	s0 =	sld [smem:$0x7F9]  }
0x4c4: {  	[sflag:s2] =	ssyncset.done $0x0  }
0x4c5: {  	[sflag:s2] =	ssyncadd.s32 $0xFFFFF200  }
0x4c6: {  	[spmem:s7], [sflag:s1] =	dma.local [hbm:s0], $0xE00  }
0x4c7: {  	_ =	swait.ge [sflag:s21], $0xE00  }
0x4c8: {  	s0 =	sld [smem:$0x7FA]  }
0x4c9: {  	[sflag:s21] =	ssyncset.done $0x0  }
0x4ca: {  	[sflag:s21] =	ssyncadd.s32 $0xFFFFF200  }
0x4cb: {  	[hbm:s0], [sflag:s23] =	dma.local [spmem:s18], $0xE00  }
0x4cc: {  	_ =	swait.ge [sflag:s11], $0xE00  }
0x4cd: {  	s0 =	sld [smem:$0x7FB]  }
0x4ce: {  	[sflag:s11] =	ssyncset.done $0x0  }
0x4cf: {  	[sflag:s11] =	ssyncadd.s32 $0xFFFFF200  }
0x4d0: {  	[spmem:s18], [sflag:s29] =	dma.local [hbm:s0], $0xE00  }
0x4d1: {  	_ =	swait.ge [sflag:s16], $0xE00  }
0x4d2: {  	s29 =	sld [smem:$0x7FC]  }
0x4d3: {  	[sflag:s16] =	ssyncset.done $0x0  }
0x4d4: {  	[sflag:s16] =	ssyncadd.s32 $0xFFFFF200  }
0x4d5: {  	[hbm:s29], [sflag:s24] =	dma.local [spmem:s22], $0xE00  }
0x4d6: {  	_ =	swait.ge [sflag:s5], $0xE00  }
0x4d7: {  	s29 =	sld [smem:$0x7FD]  }
0x4d8: {  	[sflag:s5] =	ssyncset.done $0x0  }
0x4d9: {  	[sflag:s5] =	ssyncadd.s32 $0xFFFFF200  }
0x4da: {  	[spmem:s22], [sflag:s13] =	dma.local [hbm:s29], $0xE00  }
0x4db: {  	_ =	swait.ge [sflag:s15], $0xE00  }
0x4dc: {  	[sflag:s15] =	ssyncset.done $0x0  }
0x4dd: {  	[sflag:s15] =	ssyncadd.s32 $0xFFFFF200  }
0x4de: {  	[hbm:s20], [sflag:s26] =	dma.local [spmem:s9], $0xE00  }
0x4df: {  	_ =	swait.ge [sflag:s3], $0xE00  }
0x4e0: {  	[sflag:s3] =	ssyncset.done $0x0  }
0x4e1: {  	[sflag:s3] =	ssyncadd.s32 $0xFFFFF200  }
0x4e2: {  	[spmem:s9], [sflag:s25] =	dma.local [hbm:s19], $0xE00  }
0x4e3: {  	_ =	swait.ge [sflag:s12], $0xE00  }
0x4e4: {  	[sflag:s12] =	ssyncset.done $0x0  }
0x4e5: {  	[sflag:s12] =	ssyncadd.s32 $0xFFFFF200  }
0x4e6: {  	[hbm:s17], [sflag:s28] =	dma.local [spmem:s7], $0xE00  }
0x4e7: {  	_ =	swait.ge [sflag:s2], $0xE00  }
0x4e8: {  	[sflag:s2] =	ssyncset.done $0x0  }
0x4e9: {  	[sflag:s2] =	ssyncadd.s32 $0xFFFFF200  }
0x4ea: {  	[spmem:s7], [sflag:s1] =	dma.local [hbm:s14], $0xE00  }
0x4eb: {  	_ =	swait.ge [sflag:s21], $0xE00  }
0x4ec: {  	[sflag:s21] =	ssyncset.done $0x0  }
0x4ed: {  	[sflag:s21] =	ssyncadd.s32 $0xFFFFF200  }
0x4ee: {  	[hbm:s10], [sflag:s23] =	dma.local [spmem:s18], $0xE00  }
0x4ef: {  	_ =	swait.ge [sflag:s16], $0xE00  }
0x4f0: {  	[sflag:s16] =	ssyncset.done $0x0  }
0x4f1: {  	[sflag:s16] =	ssyncadd.s32 $0xFFFFF200  }
0x4f2: {  	[hbm:s8], [sflag:s24] =	dma.local [spmem:s22], $0xE00  }
0x4f3: {  	_ =	swait.ge [sflag:s15], $0xE00  }
0x4f4: {  	[sflag:s15] =	ssyncset.done $0x0  }
0x4f5: {  	[sflag:s15] =	ssyncadd.s32 $0xFFFFF200  }
0x4f6: {  	[hbm:s6], [sflag:s26] =	dma.local [spmem:s9], $0xE00  }
0x4f7: {  	_ =	swait.ge [sflag:s12], $0xE00  }
0x4f8: {  	[sflag:s12] =	ssyncset.done $0x0  }
0x4f9: {  	[sflag:s12] =	ssyncadd.s32 $0xFFFFF200  }
0x4fa: {  	[hbm:s4], [sflag:s28] =	dma.local [spmem:s7], $0xE00  }
0x4fb: {  	_ =	swait.ge [sflag:s11], $0xE00  }
0x4fc: {  	[sflag:s11] =	ssyncset.done $0x0  }
0x4fd: {  	[sflag:s11] =	ssyncadd.s32 $0xFFFFF200  }
0x4fe: {  	_ =	swait.ge [sflag:s5], $0xE00  }
0x4ff: {  	[sflag:s5] =	ssyncset.done $0x0  }
0x500: {  	[sflag:s5] =	ssyncadd.s32 $0xFFFFF200  }
0x501: {  	_ =	swait.ge [sflag:s3], $0xE00  }
0x502: {  	[sflag:s3] =	ssyncset.done $0x0  }
0x503: {  	[sflag:s3] =	ssyncadd.s32 $0xFFFFF200  }
0x504: {  	_ =	swait.ge [sflag:s2], $0xE00  }
0x505: {  	[sflag:s2] =	ssyncset.done $0x0  }
0x506: {  	[sflag:s2] =	ssyncadd.s32 $0xFFFFF200  }
0x507: {  	_ =	sfence.sel $0x180000  }
0x508: {  	[bflag:$0x0] =	sbarrier.arrive $0xFFFF  }
0x509: {  	p0 =	sne.s32 s30, $0x0;
	_ =	strace $0x90000047  }
0x50a: {  	s0 =	sadd.s32 @!p0 $0x100000, s31;
	[bflag:$0x2] =	sbarrier.arrive $0xFFFF  }
0x50b: {  	[sflag:s0] =	ssyncadd.tile.s32 @!p0 $0x1;
	_ =	shalt  }
.LBB2_2:
.Ltmp3:
0x50c: {  	(pc) =	sbr.rel .LBB2_5-.Ltmp3, $2  }
0x50d: {  	_ =	sdelay $0x2  }
0x50e: {  	s30 =	stileid.u32;
	s31 =	rddreg [dreg:$0x3]  }
.Lfunc_end2:
_tile_overlayer_lowered:
.L_overlay_start_2:
0x50f: {  	(tag) =	ssettag $0x2  }
0x510: {  	s0 =	rddreg [dreg:$0x0];
	s2 =	stileid.u32  }
0x511: {  	s1 =	rddreg [dreg:$0x1];
	p0 =	sne.s32 s2, $0x0  }
0x512: {  	s3 =	rddreg [dreg:$0x2];
	[bflag:$0x3] =	sbarrier.arrive $0xFFFF;
	s2 =	simm.s32 @!p0 $0x1C09  }
0x513: {  	[timem:s3], [sflag:s2] =	dma.local @!p0 [hbm:s0], s1  }
0x514: {  	s0 =	simm.s32 @!p0 $0x9  }
0x515: {  	_ =	swait.ge @!p0 [sflag:s0], s1  }
0x516: {  	s1 =	ssub.s32 @!p0 $0x0, s1;
	[sflag:s0] =	ssyncset.done @!p0 $0x0  }
0x517: {  	[sflag:s0] =	ssyncadd.s32 @!p0 s1  }
0x518: {  	[bflag:$0x3] =	sbarrier.arrive $0xFFFF  }
0x519: {  	_ =	shalt  }

</sc_bundles>
